<compile_context>
chip_gen: v7x
topology: tpu7x:2x2x1
jax: 0.10.2.dev20260603
libtpu: 0.0.44.dev20260713+nightly
codegen_flags: <defaults>
</compile_context>

<pallas_src>
import functools

import jax
import jax.numpy as jnp
from jax import lax
from jax.experimental import pallas as pl
from jax.experimental.pallas import tpu as pltpu
from jax.experimental.pallas import tpu_sc as plsc

VOCAB = 32
D = 8
B, T = 4096, 200
NC, NS, L = 2, 16, 16
NW = NC * NS
BIG = T - (T // NW) * NW
SLABS_BIG = T // NW + 1
SLABS_SMALL = T // NW

_mesh = plsc.VectorSubcoreMesh(core_axis_name="c", subcore_axis_name="s")


@functools.partial(
    pl.kernel,
    mesh=_mesh,
    out_type=jax.ShapeDtypeStruct((T, D, B), jnp.float32),
    scratch_types=[
        pltpu.VMEM((VOCAB * D,), jnp.float32),
        pltpu.VMEM((2, B), jnp.int32),
        pltpu.VMEM((2, D, B), jnp.float32),
        pltpu.SemaphoreType.DMA((2,)),
        pltpu.SemaphoreType.DMA((2,)),
    ],
    compiler_params=pltpu.CompilerParams(needs_layout_passes=False),
)
def _embed_lookup(ids_hbm, table_hbm, out_hbm, table_v, idx2, slab2, sem_in, sem_out):
    wid = lax.axis_index("s") * NC + lax.axis_index("c")
    t0 = jnp.where(wid < BIG, wid * SLABS_BIG,
                   BIG * SLABS_BIG + (wid - BIG) * SLABS_SMALL)
    nt = jnp.where(wid < BIG, SLABS_BIG, SLABS_SMALL)

    pltpu.sync_copy(table_hbm, table_v)

    def in_cp(k):
        return pltpu.make_async_copy(
            ids_hbm.at[pl.ds((t0 + k) * B, B)], idx2.at[k % 2], sem_in.at[k % 2])

    def out_cp(k):
        return pltpu.make_async_copy(
            slab2.at[k % 2], out_hbm.at[t0 + k], sem_out.at[k % 2])

    in_cp(0).start()

    def do_slab(k):
        in_cp(k).wait()
        if k + 1 < SLABS_BIG:
            @pl.when(k + 1 < nt)
            def _():
                in_cp(k + 1).start()
        buf = k % 2

        @plsc.parallel_loop(0, B, step=L, unroll=8)
        def group_body(i):
            o = pl.multiple_of(i, L)
            gb = idx2[buf, pl.ds(o, L)] * D
            for j in range(D):
                slab2[buf, j, pl.ds(o, L)] = plsc.load_gather(table_v, [gb + j])

        if k >= 1:
            out_cp(k - 1).wait()
        out_cp(k).start()

    for k in range(SLABS_BIG):
        if k < SLABS_SMALL:
            do_slab(k)
        else:
            pl.when(k < nt)(lambda: do_slab(k))

    @pl.when(nt == SLABS_SMALL)
    def _():
        out_cp(SLABS_SMALL - 1).wait()

    @pl.when(nt == SLABS_BIG)
    def _():
        out_cp(SLABS_BIG - 1).wait()


def kernel(input_ids, embed_tokens):
    ids_t = input_ids.T.reshape(-1).astype(jnp.int32)
    out = _embed_lookup(ids_t, embed_tokens.reshape(-1))
    return out.transpose(2, 0, 1)

# --- scband reference (transcript-rebuilt; emitter-appended) ---
"""Pipeline reference for scband-dummy-text-model-83408264888374 (READ-ONLY COPY).

The authoritative reference and input builder live on the scoring server;
editing this copy changes nothing except your own understanding.
"""

import jax, jax.numpy as jnp
import numpy as np

VOCAB = 32
EMBED_DIM = 8

def setup_inputs(seed: int = 0) -> dict:
    key = jax.random.key(seed)
    k_ids, k_tab = jax.random.split(key)
    input_ids = jax.random.randint(k_ids, (4096, 200), 0, VOCAB, dtype=jnp.int64 if jax.config.jax_enable_x64 else jnp.int32)
    embed_tokens = jax.random.normal(k_tab, (VOCAB, EMBED_DIM), dtype=jnp.float32)
    return {"input_ids": input_ids, "embed_tokens": embed_tokens}

def reference(input_ids, embed_tokens):
    # nn.Embedding forward: gather rows of the table by index
    return jnp.take(embed_tokens, input_ids, axis=0)

if __name__ == "__main__":
    import jax
    _d = setup_inputs()
    print(jax.jit(kernel)(*tuple(_d.values())))

</pallas_src>

<mosaic_0001>
#map = affine_map<(d0, d1) -> (0)>
#map1 = affine_map<(d0, d1) -> (0, 0, 0)>
module attributes {stable_mosaic.version = 14 : i64} {
  func.func @_embed_lookup(%arg0: i32, %arg1: i32, %arg2: memref<819200xi32, #tpu.memory_space<hbm>>, %arg3: memref<256xf32, #tpu.memory_space<hbm>>, %arg4: memref<200x8x4096xf32, #tpu.memory_space<hbm>>, %arg5: memref<256xf32, #tpu.memory_space<vmem>>, %arg6: memref<2x4096xi32, #tpu.memory_space<vmem>>, %arg7: memref<2x8x4096xf32, #tpu.memory_space<vmem>>, %arg8: memref<2x!tpu.dma_semaphore, #tpu.memory_space<semaphore_mem>>, %arg9: memref<2x!tpu.dma_semaphore, #tpu.memory_space<semaphore_mem>>) attributes {dimension_semantics = [#tpu.dimension_semantics<core_parallel>, #tpu.dimension_semantics<subcore_parallel>], iteration_bounds = array<i64: 2, 16>, scalar_prefetch = 0 : i64, scratch_operands = 5 : i64, tpu.core_type = #tpu.core_type<sc_vector_subcore>, window_params = [{transform_indices = #map}, {transform_indices = #map}, {transform_indices = #map1}]} {
    %mul3A = arith.constant 2 : i32
    %mul3A_0 = arith.muli %arg1, %mul3A : i32
    %add3A = arith.addi %mul3A_0, %arg0 : i32
    %lt3A = arith.constant 8 : i32
    %lt3A_1 = arith.cmpi slt, %add3A, %lt3A : i32
    %mul3A_2 = arith.constant 7 : i32
    %mul3A_3 = arith.muli %add3A, %mul3A_2 : i32
    %sub3A = arith.constant 8 : i32
    %sub3A_4 = arith.subi %add3A, %sub3A : i32
    %mul3A_5 = arith.constant 6 : i32
    %mul3A_6 = arith.muli %sub3A_4, %mul3A_5 : i32
    %add3A_7 = arith.constant 56 : i32
    %add3A_8 = arith.addi %add3A_7, %mul3A_6 : i32
    %select_n3A = arith.select %lt3A_1, %mul3A_3, %add3A_8 : i32
    %lt3A_9 = arith.constant 8 : i32
    %lt3A_10 = arith.cmpi slt, %add3A, %lt3A_9 : i32
    %jit3A = arith.constant 7 : i32
    %jit3A_11 = arith.constant 6 : i32
    %select_n3A_12 = arith.select %lt3A_10, %jit3A, %jit3A_11 : i32
    "tpu.region"() ({
      %run_scoped3A = tpu.sem_alloc : memref<!tpu.dma_semaphore, #tpu.memory_space<semaphore_mem>>
      tpu.enqueue_dma source(%arg3 : memref<256xf32, #tpu.memory_space<hbm>>) target(%arg5 : memref<256xf32, #tpu.memory_space<vmem>>) target_semaphore(%run_scoped3A : memref<!tpu.dma_semaphore, #tpu.memory_space<semaphore_mem>>)
      tpu.wait_dma2 semaphore(%run_scoped3A : memref<!tpu.dma_semaphore, #tpu.memory_space<semaphore_mem>>) src(%arg3 : memref<256xf32, #tpu.memory_space<hbm>>) dst(%arg5 : memref<256xf32, #tpu.memory_space<vmem>>)
      tpu.yield
    }) : () -> ()
    %add3A_13 = arith.constant 0 : i32
    %add3A_14 = arith.addi %select_n3A, %add3A_13 : i32
    %mul3A_15 = arith.constant 4096 : i32
    %mul3A_16 = arith.muli %add3A_14, %mul3A_15 : i32
    %dma_start3A = arith.constant 0 : i32
    %dma_start3A_17 = arith.constant 0 : i32
    %dma_start3A_18 = arith.constant 0 : i32
    %dma_start3A_19 = tpu.memref_slice %arg6[%dma_start3A, %dma_start3A_18] : memref<2x4096xi32, #tpu.memory_space<vmem>> -> memref<1x4096xi32, #tpu.memory_space<vmem>>
    %dma_start3A_20 = tpu.memref_squeeze %dma_start3A_19 : memref<1x4096xi32, #tpu.memory_space<vmem>> -> memref<4096xi32, #tpu.memory_space<vmem>>
    %dma_start3A_21 = tpu.memref_slice %arg2[%mul3A_16] : memref<819200xi32, #tpu.memory_space<hbm>> -> memref<4096xi32, #tpu.memory_space<hbm>>
    %dma_start3A_22 = tpu.memref_slice %arg8[%dma_start3A_17] : memref<2x!tpu.dma_semaphore, #tpu.memory_space<semaphore_mem>> -> memref<1x!tpu.dma_semaphore, #tpu.memory_space<semaphore_mem>>
    %dma_start3A_23 = tpu.memref_squeeze %dma_start3A_22 : memref<1x!tpu.dma_semaphore, #tpu.memory_space<semaphore_mem>> -> memref<!tpu.dma_semaphore, #tpu.memory_space<semaphore_mem>>
    %dma_start3A_24 = arith.constant 0 : i32
    %dma_start3A_25 = tpu.memref_slice %arg6[%dma_start3A, %dma_start3A_24] : memref<2x4096xi32, #tpu.memory_space<vmem>> -> memref<1x4096xi32, #tpu.memory_space<vmem>>
    %dma_start3A_26 = tpu.memref_squeeze %dma_start3A_25 : memref<1x4096xi32, #tpu.memory_space<vmem>> -> memref<4096xi32, #tpu.memory_space<vmem>>
    %dma_start3A_27 = tpu.memref_slice %arg2[%mul3A_16] : memref<819200xi32, #tpu.memory_space<hbm>> -> memref<4096xi32, #tpu.memory_space<hbm>>
    tpu.enqueue_dma source(%dma_start3A_27 : memref<4096xi32, #tpu.memory_space<hbm>>) target(%dma_start3A_26 : memref<4096xi32, #tpu.memory_space<vmem>>) target_semaphore(%dma_start3A_23 : memref<!tpu.dma_semaphore, #tpu.memory_space<semaphore_mem>>)
    %add3A_28 = arith.constant 0 : i32
    %add3A_29 = arith.addi %select_n3A, %add3A_28 : i32
    %mul3A_30 = arith.constant 4096 : i32
    %mul3A_31 = arith.muli %add3A_29, %mul3A_30 : i32
    %dma_wait3A = arith.constant 0 : i32
    %dma_wait3A_32 = arith.constant 0 : i32
    %dma_wait3A_33 = arith.constant 0 : i32
    %dma_wait3A_34 = tpu.memref_slice %arg6[%dma_wait3A, %dma_wait3A_33] : memref<2x4096xi32, #tpu.memory_space<vmem>> -> memref<1x4096xi32, #tpu.memory_space<vmem>>
    %dma_wait3A_35 = tpu.memref_squeeze %dma_wait3A_34 : memref<1x4096xi32, #tpu.memory_space<vmem>> -> memref<4096xi32, #tpu.memory_space<vmem>>
    %dma_wait3A_36 = tpu.memref_slice %arg2[%mul3A_31] : memref<819200xi32, #tpu.memory_space<hbm>> -> memref<4096xi32, #tpu.memory_space<hbm>>
    %dma_wait3A_37 = tpu.memref_slice %arg8[%dma_wait3A_32] : memref<2x!tpu.dma_semaphore, #tpu.memory_space<semaphore_mem>> -> memref<1x!tpu.dma_semaphore, #tpu.memory_space<semaphore_mem>>
    %dma_wait3A_38 = tpu.memref_squeeze %dma_wait3A_37 : memref<1x!tpu.dma_semaphore, #tpu.memory_space<semaphore_mem>> -> memref<!tpu.dma_semaphore, #tpu.memory_space<semaphore_mem>>
    %dma_wait3A_39 = arith.constant 0 : i32
    %dma_wait3A_40 = tpu.memref_slice %arg6[%dma_wait3A, %dma_wait3A_39] : memref<2x4096xi32, #tpu.memory_space<vmem>> -> memref<1x4096xi32, #tpu.memory_space<vmem>>
    %dma_wait3A_41 = tpu.memref_squeeze %dma_wait3A_40 : memref<1x4096xi32, #tpu.memory_space<vmem>> -> memref<4096xi32, #tpu.memory_space<vmem>>
    %dma_wait3A_42 = tpu.memref_slice %arg2[%mul3A_31] : memref<819200xi32, #tpu.memory_space<hbm>> -> memref<4096xi32, #tpu.memory_space<hbm>>
    tpu.wait_dma2 semaphore(%dma_wait3A_38 : memref<!tpu.dma_semaphore, #tpu.memory_space<semaphore_mem>>) src(%dma_wait3A_42 : memref<4096xi32, #tpu.memory_space<hbm>>) dst(%dma_wait3A_41 : memref<4096xi32, #tpu.memory_space<vmem>>)
    %gt3A = arith.constant 1 : i32
    %gt3A_43 = arith.cmpi sgt, %select_n3A_12, %gt3A : i32
    %convert_element_type3A = arith.extui %gt3A_43 : i1 to i32
    %cond3A = arith.constant 0 : i32
    %cond3A_44 = arith.cmpi ne, %convert_element_type3A, %cond3A : i32
    scf.if %cond3A_44 {
      %add3A_423 = arith.constant 1 : i32
      %add3A_424 = arith.addi %select_n3A, %add3A_423 : i32
      %mul3A_425 = arith.constant 4096 : i32
      %mul3A_426 = arith.muli %add3A_424, %mul3A_425 : i32
      %dma_start3A_427 = arith.constant 1 : i32
      %dma_start3A_428 = arith.constant 1 : i32
      %dma_start3A_429 = arith.constant 0 : i32
      %dma_start3A_430 = tpu.memref_slice %arg6[%dma_start3A_427, %dma_start3A_429] : memref<2x4096xi32, #tpu.memory_space<vmem>> -> memref<1x4096xi32, #tpu.memory_space<vmem>>
      %dma_start3A_431 = tpu.memref_squeeze %dma_start3A_430 : memref<1x4096xi32, #tpu.memory_space<vmem>> -> memref<4096xi32, #tpu.memory_space<vmem>>
      %dma_start3A_432 = tpu.memref_slice %arg2[%mul3A_426] : memref<819200xi32, #tpu.memory_space<hbm>> -> memref<4096xi32, #tpu.memory_space<hbm>>
      %dma_start3A_433 = tpu.memref_slice %arg8[%dma_start3A_428] : memref<2x!tpu.dma_semaphore, #tpu.memory_space<semaphore_mem>> -> memref<1x!tpu.dma_semaphore, #tpu.memory_space<semaphore_mem>>
      %dma_start3A_434 = tpu.memref_squeeze %dma_start3A_433 : memref<1x!tpu.dma_semaphore, #tpu.memory_space<semaphore_mem>> -> memref<!tpu.dma_semaphore, #tpu.memory_space<semaphore_mem>>
      %dma_start3A_435 = arith.constant 0 : i32
      %dma_start3A_436 = tpu.memref_slice %arg6[%dma_start3A_427, %dma_start3A_435] : memref<2x4096xi32, #tpu.memory_space<vmem>> -> memref<1x4096xi32, #tpu.memory_space<vmem>>
      %dma_start3A_437 = tpu.memref_squeeze %dma_start3A_436 : memref<1x4096xi32, #tpu.memory_space<vmem>> -> memref<4096xi32, #tpu.memory_space<vmem>>
      %dma_start3A_438 = tpu.memref_slice %arg2[%mul3A_426] : memref<819200xi32, #tpu.memory_space<hbm>> -> memref<4096xi32, #tpu.memory_space<hbm>>
      tpu.enqueue_dma source(%dma_start3A_438 : memref<4096xi32, #tpu.memory_space<hbm>>) target(%dma_start3A_437 : memref<4096xi32, #tpu.memory_space<vmem>>) target_semaphore(%dma_start3A_434 : memref<!tpu.dma_semaphore, #tpu.memory_space<semaphore_mem>>)
    } else {
    }
    %parallel_loop3A = arith.constant 0 : i32
    %parallel_loop3A_45 = arith.constant 4096 : i32
    %parallel_loop3A_46 = arith.constant 16 : i32
    scf.for %parallel_loop3A_423 = %parallel_loop3A to %parallel_loop3A_45 step %parallel_loop3A_46  : i32 {
      %parallel_loop3A_424 = tpu.assume_multiple %parallel_loop3A_423, 16 : i32
      %parallel_loop3A_425 = arith.constant 0 : i32
      %parallel_loop3A_426 = arith.index_cast %parallel_loop3A_425 : i32 to index
      %parallel_loop3A_427 = arith.index_cast %parallel_loop3A_424 : i32 to index
      %parallel_loop3A_428 = tpu.vector_load %arg6[%parallel_loop3A_426, %parallel_loop3A_427] {strides = array<i32>} : memref<2x4096xi32, #tpu.memory_space<vmem>>, vector<16xi32>,
      %parallel_loop3A_429 = arith.constant 8 : i32
      %parallel_loop3A_430 = vector.broadcast %parallel_loop3A_429 : i32 to vector<16xi32>
      %parallel_loop3A_431 = arith.muli %parallel_loop3A_428, %parallel_loop3A_430 : vector<16xi32>
      %parallel_loop3A_432 = arith.constant 0 : i32
      %parallel_loop3A_433 = vector.broadcast %parallel_loop3A_432 : i32 to vector<16xi32>
      %parallel_loop3A_434 = arith.addi %parallel_loop3A_431, %parallel_loop3A_433 : vector<16xi32>
      %parallel_loop3A_435 = tpu.vector_load_idx %arg5[%parallel_loop3A_434] : memref<256xf32, #tpu.memory_space<vmem>>[vector<16xi32>], vector<16xf32>,
      %parallel_loop3A_436 = arith.constant 0 : i32
      %parallel_loop3A_437 = arith.constant 0 : i32
      %parallel_loop3A_438 = arith.index_cast %parallel_loop3A_436 : i32 to index
      %parallel_loop3A_439 = arith.index_cast %parallel_loop3A_437 : i32 to index
      %parallel_loop3A_440 = arith.index_cast %parallel_loop3A_424 : i32 to index
      %parallel_loop3A_441 = tpu.vector_load %arg7[%parallel_loop3A_438, %parallel_loop3A_439, %parallel_loop3A_440] {strides = array<i32>} : memref<2x8x4096xf32, #tpu.memory_space<vmem>>, vector<16xf32>,
      tpu.vector_store %arg7[%parallel_loop3A_438, %parallel_loop3A_439, %parallel_loop3A_440], %parallel_loop3A_435 {strides = array<i32>} : memref<2x8x4096xf32, #tpu.memory_space<vmem>>, vector<16xf32>,
      %parallel_loop3A_442 = arith.constant 1 : i32
      %parallel_loop3A_443 = vector.broadcast %parallel_loop3A_442 : i32 to vector<16xi32>
      %parallel_loop3A_444 = arith.addi %parallel_loop3A_431, %parallel_loop3A_443 : vector<16xi32>
      %parallel_loop3A_445 = tpu.vector_load_idx %arg5[%parallel_loop3A_444] : memref<256xf32, #tpu.memory_space<vmem>>[vector<16xi32>], vector<16xf32>,
      %parallel_loop3A_446 = arith.constant 0 : i32
      %parallel_loop3A_447 = arith.constant 1 : i32
      %parallel_loop3A_448 = arith.index_cast %parallel_loop3A_446 : i32 to index
      %parallel_loop3A_449 = arith.index_cast %parallel_loop3A_447 : i32 to index
      %parallel_loop3A_450 = arith.index_cast %parallel_loop3A_424 : i32 to index
      %parallel_loop3A_451 = tpu.vector_load %arg7[%parallel_loop3A_448, %parallel_loop3A_449, %parallel_loop3A_450] {strides = array<i32>} : memref<2x8x4096xf32, #tpu.memory_space<vmem>>, vector<16xf32>,
      tpu.vector_store %arg7[%parallel_loop3A_448, %parallel_loop3A_449, %parallel_loop3A_450], %parallel_loop3A_445 {strides = array<i32>} : memref<2x8x4096xf32, #tpu.memory_space<vmem>>, vector<16xf32>,
      %parallel_loop3A_452 = arith.constant 2 : i32
      %parallel_loop3A_453 = vector.broadcast %parallel_loop3A_452 : i32 to vector<16xi32>
      %parallel_loop3A_454 = arith.addi %parallel_loop3A_431, %parallel_loop3A_453 : vector<16xi32>
      %parallel_loop3A_455 = tpu.vector_load_idx %arg5[%parallel_loop3A_454] : memref<256xf32, #tpu.memory_space<vmem>>[vector<16xi32>], vector<16xf32>,
      %parallel_loop3A_456 = arith.constant 0 : i32
      %parallel_loop3A_457 = arith.constant 2 : i32
      %parallel_loop3A_458 = arith.index_cast %parallel_loop3A_456 : i32 to index
      %parallel_loop3A_459 = arith.index_cast %parallel_loop3A_457 : i32 to index
      %parallel_loop3A_460 = arith.index_cast %parallel_loop3A_424 : i32 to index
      %parallel_loop3A_461 = tpu.vector_load %arg7[%parallel_loop3A_458, %parallel_loop3A_459, %parallel_loop3A_460] {strides = array<i32>} : memref<2x8x4096xf32, #tpu.memory_space<vmem>>, vector<16xf32>,
      tpu.vector_store %arg7[%parallel_loop3A_458, %parallel_loop3A_459, %parallel_loop3A_460], %parallel_loop3A_455 {strides = array<i32>} : memref<2x8x4096xf32, #tpu.memory_space<vmem>>, vector<16xf32>,
      %parallel_loop3A_462 = arith.constant 3 : i32
      %parallel_loop3A_463 = vector.broadcast %parallel_loop3A_462 : i32 to vector<16xi32>
      %parallel_loop3A_464 = arith.addi %parallel_loop3A_431, %parallel_loop3A_463 : vector<16xi32>
      %parallel_loop3A_465 = tpu.vector_load_idx %arg5[%parallel_loop3A_464] : memref<256xf32, #tpu.memory_space<vmem>>[vector<16xi32>], vector<16xf32>,
      %parallel_loop3A_466 = arith.constant 0 : i32
      %parallel_loop3A_467 = arith.constant 3 : i32
      %parallel_loop3A_468 = arith.index_cast %parallel_loop3A_466 : i32 to index
      %parallel_loop3A_469 = arith.index_cast %parallel_loop3A_467 : i32 to index
      %parallel_loop3A_470 = arith.index_cast %parallel_loop3A_424 : i32 to index
      %parallel_loop3A_471 = tpu.vector_load %arg7[%parallel_loop3A_468, %parallel_loop3A_469, %parallel_loop3A_470] {strides = array<i32>} : memref<2x8x4096xf32, #tpu.memory_space<vmem>>, vector<16xf32>,
      tpu.vector_store %arg7[%parallel_loop3A_468, %parallel_loop3A_469, %parallel_loop3A_470], %parallel_loop3A_465 {strides = array<i32>} : memref<2x8x4096xf32, #tpu.memory_space<vmem>>, vector<16xf32>,
      %parallel_loop3A_472 = arith.constant 4 : i32
      %parallel_loop3A_473 = vector.broadcast %parallel_loop3A_472 : i32 to vector<16xi32>
      %parallel_loop3A_474 = arith.addi %parallel_loop3A_431, %parallel_loop3A_473 : vector<16xi32>
      %parallel_loop3A_475 = tpu.vector_load_idx %arg5[%parallel_loop3A_474] : memref<256xf32, #tpu.memory_space<vmem>>[vector<16xi32>], vector<16xf32>,
      %parallel_loop3A_476 = arith.constant 0 : i32
      %parallel_loop3A_477 = arith.constant 4 : i32
      %parallel_loop3A_478 = arith.index_cast %parallel_loop3A_476 : i32 to index
      %parallel_loop3A_479 = arith.index_cast %parallel_loop3A_477 : i32 to index
      %parallel_loop3A_480 = arith.index_cast %parallel_loop3A_424 : i32 to index
      %parallel_loop3A_481 = tpu.vector_load %arg7[%parallel_loop3A_478, %parallel_loop3A_479, %parallel_loop3A_480] {strides = array<i32>} : memref<2x8x4096xf32, #tpu.memory_space<vmem>>, vector<16xf32>,
      tpu.vector_store %arg7[%parallel_loop3A_478, %parallel_loop3A_479, %parallel_loop3A_480], %parallel_loop3A_475 {strides = array<i32>} : memref<2x8x4096xf32, #tpu.memory_space<vmem>>, vector<16xf32>,
      %parallel_loop3A_482 = arith.constant 5 : i32
      %parallel_loop3A_483 = vector.broadcast %parallel_loop3A_482 : i32 to vector<16xi32>
      %parallel_loop3A_484 = arith.addi %parallel_loop3A_431, %parallel_loop3A_483 : vector<16xi32>
      %parallel_loop3A_485 = tpu.vector_load_idx %arg5[%parallel_loop3A_484] : memref<256xf32, #tpu.memory_space<vmem>>[vector<16xi32>], vector<16xf32>,
      %parallel_loop3A_486 = arith.constant 0 : i32
      %parallel_loop3A_487 = arith.constant 5 : i32
      %parallel_loop3A_488 = arith.index_cast %parallel_loop3A_486 : i32 to index
      %parallel_loop3A_489 = arith.index_cast %parallel_loop3A_487 : i32 to index
      %parallel_loop3A_490 = arith.index_cast %parallel_loop3A_424 : i32 to index
      %parallel_loop3A_491 = tpu.vector_load %arg7[%parallel_loop3A_488, %parallel_loop3A_489, %parallel_loop3A_490] {strides = array<i32>} : memref<2x8x4096xf32, #tpu.memory_space<vmem>>, vector<16xf32>,
      tpu.vector_store %arg7[%parallel_loop3A_488, %parallel_loop3A_489, %parallel_loop3A_490], %parallel_loop3A_485 {strides = array<i32>} : memref<2x8x4096xf32, #tpu.memory_space<vmem>>, vector<16xf32>,
      %parallel_loop3A_492 = arith.constant 6 : i32
      %parallel_loop3A_493 = vector.broadcast %parallel_loop3A_492 : i32 to vector<16xi32>
      %parallel_loop3A_494 = arith.addi %parallel_loop3A_431, %parallel_loop3A_493 : vector<16xi32>
      %parallel_loop3A_495 = tpu.vector_load_idx %arg5[%parallel_loop3A_494] : memref<256xf32, #tpu.memory_space<vmem>>[vector<16xi32>], vector<16xf32>,
      %parallel_loop3A_496 = arith.constant 0 : i32
      %parallel_loop3A_497 = arith.constant 6 : i32
      %parallel_loop3A_498 = arith.index_cast %parallel_loop3A_496 : i32 to index
      %parallel_loop3A_499 = arith.index_cast %parallel_loop3A_497 : i32 to index
      %parallel_loop3A_500 = arith.index_cast %parallel_loop3A_424 : i32 to index
      %parallel_loop3A_501 = tpu.vector_load %arg7[%parallel_loop3A_498, %parallel_loop3A_499, %parallel_loop3A_500] {strides = array<i32>} : memref<2x8x4096xf32, #tpu.memory_space<vmem>>, vector<16xf32>,
      tpu.vector_store %arg7[%parallel_loop3A_498, %parallel_loop3A_499, %parallel_loop3A_500], %parallel_loop3A_495 {strides = array<i32>} : memref<2x8x4096xf32, #tpu.memory_space<vmem>>, vector<16xf32>,
      %parallel_loop3A_502 = arith.constant 7 : i32
      %parallel_loop3A_503 = vector.broadcast %parallel_loop3A_502 : i32 to vector<16xi32>
      %parallel_loop3A_504 = arith.addi %parallel_loop3A_431, %parallel_loop3A_503 : vector<16xi32>
      %parallel_loop3A_505 = tpu.vector_load_idx %arg5[%parallel_loop3A_504] : memref<256xf32, #tpu.memory_space<vmem>>[vector<16xi32>], vector<16xf32>,
      %parallel_loop3A_506 = arith.constant 0 : i32
      %parallel_loop3A_507 = arith.constant 7 : i32
      %parallel_loop3A_508 = arith.index_cast %parallel_loop3A_506 : i32 to index
      %parallel_loop3A_509 = arith.index_cast %parallel_loop3A_507 : i32 to index
      %parallel_loop3A_510 = arith.index_cast %parallel_loop3A_424 : i32 to index
      %parallel_loop3A_511 = tpu.vector_load %arg7[%parallel_loop3A_508, %parallel_loop3A_509, %parallel_loop3A_510] {strides = array<i32>} : memref<2x8x4096xf32, #tpu.memory_space<vmem>>, vector<16xf32>,
      tpu.vector_store %arg7[%parallel_loop3A_508, %parallel_loop3A_509, %parallel_loop3A_510], %parallel_loop3A_505 {strides = array<i32>} : memref<2x8x4096xf32, #tpu.memory_space<vmem>>, vector<16xf32>,
    } {sc.loop_unroll_factor = 8 : i64, sc.parallel_access}
    %add3A_47 = arith.constant 0 : i32
    %add3A_48 = arith.addi %select_n3A, %add3A_47 : i32
    %dma_start3A_49 = arith.constant 0 : i32
    %dma_start3A_50 = arith.constant 0 : i32
    %dma_start3A_51 = arith.constant 0 : i32
    %dma_start3A_52 = arith.constant 0 : i32
    %dma_start3A_53 = tpu.memref_slice %arg7[%dma_start3A_49, %dma_start3A_51, %dma_start3A_52] : memref<2x8x4096xf32, #tpu.memory_space<vmem>> -> memref<1x8x4096xf32, #tpu.memory_space<vmem>>
    %dma_start3A_54 = tpu.memref_squeeze %dma_start3A_53 : memref<1x8x4096xf32, #tpu.memory_space<vmem>> -> memref<8x4096xf32, #tpu.memory_space<vmem>>
    %dma_start3A_55 = arith.constant 0 : i32
    %dma_start3A_56 = arith.constant 0 : i32
    %dma_start3A_57 = tpu.memref_slice %arg4[%add3A_48, %dma_start3A_55, %dma_start3A_56] : memref<200x8x4096xf32, #tpu.memory_space<hbm>> -> memref<1x8x4096xf32, #tpu.memory_space<hbm>>
    %dma_start3A_58 = tpu.memref_squeeze %dma_start3A_57 : memref<1x8x4096xf32, #tpu.memory_space<hbm>> -> memref<8x4096xf32, #tpu.memory_space<hbm>>
    %dma_start3A_59 = tpu.memref_slice %arg9[%dma_start3A_50] : memref<2x!tpu.dma_semaphore, #tpu.memory_space<semaphore_mem>> -> memref<1x!tpu.dma_semaphore, #tpu.memory_space<semaphore_mem>>
    %dma_start3A_60 = tpu.memref_squeeze %dma_start3A_59 : memref<1x!tpu.dma_semaphore, #tpu.memory_space<semaphore_mem>> -> memref<!tpu.dma_semaphore, #tpu.memory_space<semaphore_mem>>
    %dma_start3A_61 = arith.constant 0 : i32
    %dma_start3A_62 = arith.constant 0 : i32
    %dma_start3A_63 = tpu.memref_slice %arg4[%add3A_48, %dma_start3A_61, %dma_start3A_62] : memref<200x8x4096xf32, #tpu.memory_space<hbm>> -> memref<1x8x4096xf32, #tpu.memory_space<hbm>>
    %dma_start3A_64 = tpu.memref_squeeze %dma_start3A_63 : memref<1x8x4096xf32, #tpu.memory_space<hbm>> -> memref<8x4096xf32, #tpu.memory_space<hbm>>
    %dma_start3A_65 = arith.constant 0 : i32
    %dma_start3A_66 = arith.constant 0 : i32
    %dma_start3A_67 = tpu.memref_slice %arg7[%dma_start3A_49, %dma_start3A_65, %dma_start3A_66] : memref<2x8x4096xf32, #tpu.memory_space<vmem>> -> memref<1x8x4096xf32, #tpu.memory_space<vmem>>
    %dma_start3A_68 = tpu.memref_squeeze %dma_start3A_67 : memref<1x8x4096xf32, #tpu.memory_space<vmem>> -> memref<8x4096xf32, #tpu.memory_space<vmem>>
    tpu.enqueue_dma source(%dma_start3A_68 : memref<8x4096xf32, #tpu.memory_space<vmem>>) target(%dma_start3A_64 : memref<8x4096xf32, #tpu.memory_space<hbm>>) target_semaphore(%dma_start3A_60 : memref<!tpu.dma_semaphore, #tpu.memory_space<semaphore_mem>>)
    %add3A_69 = arith.constant 1 : i32
    %add3A_70 = arith.addi %select_n3A, %add3A_69 : i32
    %mul3A_71 = arith.constant 4096 : i32
    %mul3A_72 = arith.muli %add3A_70, %mul3A_71 : i32
    %dma_wait3A_73 = arith.constant 1 : i32
    %dma_wait3A_74 = arith.constant 1 : i32
    %dma_wait3A_75 = arith.constant 0 : i32
    %dma_wait3A_76 = tpu.memref_slice %arg6[%dma_wait3A_73, %dma_wait3A_75] : memref<2x4096xi32, #tpu.memory_space<vmem>> -> memref<1x4096xi32, #tpu.memory_space<vmem>>
    %dma_wait3A_77 = tpu.memref_squeeze %dma_wait3A_76 : memref<1x4096xi32, #tpu.memory_space<vmem>> -> memref<4096xi32, #tpu.memory_space<vmem>>
    %dma_wait3A_78 = tpu.memref_slice %arg2[%mul3A_72] : memref<819200xi32, #tpu.memory_space<hbm>> -> memref<4096xi32, #tpu.memory_space<hbm>>
    %dma_wait3A_79 = tpu.memref_slice %arg8[%dma_wait3A_74] : memref<2x!tpu.dma_semaphore, #tpu.memory_space<semaphore_mem>> -> memref<1x!tpu.dma_semaphore, #tpu.memory_space<semaphore_mem>>
    %dma_wait3A_80 = tpu.memref_squeeze %dma_wait3A_79 : memref<1x!tpu.dma_semaphore, #tpu.memory_space<semaphore_mem>> -> memref<!tpu.dma_semaphore, #tpu.memory_space<semaphore_mem>>
    %dma_wait3A_81 = arith.constant 0 : i32
    %dma_wait3A_82 = tpu.memref_slice %arg6[%dma_wait3A_73, %dma_wait3A_81] : memref<2x4096xi32, #tpu.memory_space<vmem>> -> memref<1x4096xi32, #tpu.memory_space<vmem>>
    %dma_wait3A_83 = tpu.memref_squeeze %dma_wait3A_82 : memref<1x4096xi32, #tpu.memory_space<vmem>> -> memref<4096xi32, #tpu.memory_space<vmem>>
    %dma_wait3A_84 = tpu.memref_slice %arg2[%mul3A_72] : memref<819200xi32, #tpu.memory_space<hbm>> -> memref<4096xi32, #tpu.memory_space<hbm>>
    tpu.wait_dma2 semaphore(%dma_wait3A_80 : memref<!tpu.dma_semaphore, #tpu.memory_space<semaphore_mem>>) src(%dma_wait3A_84 : memref<4096xi32, #tpu.memory_space<hbm>>) dst(%dma_wait3A_83 : memref<4096xi32, #tpu.memory_space<vmem>>)
    %gt3A_85 = arith.constant 2 : i32
    %gt3A_86 = arith.cmpi sgt, %select_n3A_12, %gt3A_85 : i32
    %convert_element_type3A_87 = arith.extui %gt3A_86 : i1 to i32
    %cond3A_88 = arith.constant 0 : i32
    %cond3A_89 = arith.cmpi ne, %convert_element_type3A_87, %cond3A_88 : i32
    scf.if %cond3A_89 {
      %add3A_423 = arith.constant 2 : i32
      %add3A_424 = arith.addi %select_n3A, %add3A_423 : i32
      %mul3A_425 = arith.constant 4096 : i32
      %mul3A_426 = arith.muli %add3A_424, %mul3A_425 : i32
      %dma_start3A_427 = arith.constant 0 : i32
      %dma_start3A_428 = arith.constant 0 : i32
      %dma_start3A_429 = arith.constant 0 : i32
      %dma_start3A_430 = tpu.memref_slice %arg6[%dma_start3A_427, %dma_start3A_429] : memref<2x4096xi32, #tpu.memory_space<vmem>> -> memref<1x4096xi32, #tpu.memory_space<vmem>>
      %dma_start3A_431 = tpu.memref_squeeze %dma_start3A_430 : memref<1x4096xi32, #tpu.memory_space<vmem>> -> memref<4096xi32, #tpu.memory_space<vmem>>
      %dma_start3A_432 = tpu.memref_slice %arg2[%mul3A_426] : memref<819200xi32, #tpu.memory_space<hbm>> -> memref<4096xi32, #tpu.memory_space<hbm>>
      %dma_start3A_433 = tpu.memref_slice %arg8[%dma_start3A_428] : memref<2x!tpu.dma_semaphore, #tpu.memory_space<semaphore_mem>> -> memref<1x!tpu.dma_semaphore, #tpu.memory_space<semaphore_mem>>
      %dma_start3A_434 = tpu.memref_squeeze %dma_start3A_433 : memref<1x!tpu.dma_semaphore, #tpu.memory_space<semaphore_mem>> -> memref<!tpu.dma_semaphore, #tpu.memory_space<semaphore_mem>>
      %dma_start3A_435 = arith.constant 0 : i32
      %dma_start3A_436 = tpu.memref_slice %arg6[%dma_start3A_427, %dma_start3A_435] : memref<2x4096xi32, #tpu.memory_space<vmem>> -> memref<1x4096xi32, #tpu.memory_space<vmem>>
      %dma_start3A_437 = tpu.memref_squeeze %dma_start3A_436 : memref<1x4096xi32, #tpu.memory_space<vmem>> -> memref<4096xi32, #tpu.memory_space<vmem>>
      %dma_start3A_438 = tpu.memref_slice %arg2[%mul3A_426] : memref<819200xi32, #tpu.memory_space<hbm>> -> memref<4096xi32, #tpu.memory_space<hbm>>
      tpu.enqueue_dma source(%dma_start3A_438 : memref<4096xi32, #tpu.memory_space<hbm>>) target(%dma_start3A_437 : memref<4096xi32, #tpu.memory_space<vmem>>) target_semaphore(%dma_start3A_434 : memref<!tpu.dma_semaphore, #tpu.memory_space<semaphore_mem>>)
    } else {
    }
    %parallel_loop3A_90 = arith.constant 0 : i32
    %parallel_loop3A_91 = arith.constant 4096 : i32
    %parallel_loop3A_92 = arith.constant 16 : i32
    scf.for %parallel_loop3A_423 = %parallel_loop3A_90 to %parallel_loop3A_91 step %parallel_loop3A_92  : i32 {
      %parallel_loop3A_424 = tpu.assume_multiple %parallel_loop3A_423, 16 : i32
      %parallel_loop3A_425 = arith.constant 1 : i32
      %parallel_loop3A_426 = arith.index_cast %parallel_loop3A_425 : i32 to index
      %parallel_loop3A_427 = arith.index_cast %parallel_loop3A_424 : i32 to index
      %parallel_loop3A_428 = tpu.vector_load %arg6[%parallel_loop3A_426, %parallel_loop3A_427] {strides = array<i32>} : memref<2x4096xi32, #tpu.memory_space<vmem>>, vector<16xi32>,
      %parallel_loop3A_429 = arith.constant 8 : i32
      %parallel_loop3A_430 = vector.broadcast %parallel_loop3A_429 : i32 to vector<16xi32>
      %parallel_loop3A_431 = arith.muli %parallel_loop3A_428, %parallel_loop3A_430 : vector<16xi32>
      %parallel_loop3A_432 = arith.constant 0 : i32
      %parallel_loop3A_433 = vector.broadcast %parallel_loop3A_432 : i32 to vector<16xi32>
      %parallel_loop3A_434 = arith.addi %parallel_loop3A_431, %parallel_loop3A_433 : vector<16xi32>
      %parallel_loop3A_435 = tpu.vector_load_idx %arg5[%parallel_loop3A_434] : memref<256xf32, #tpu.memory_space<vmem>>[vector<16xi32>], vector<16xf32>,
      %parallel_loop3A_436 = arith.constant 1 : i32
      %parallel_loop3A_437 = arith.constant 0 : i32
      %parallel_loop3A_438 = arith.index_cast %parallel_loop3A_436 : i32 to index
      %parallel_loop3A_439 = arith.index_cast %parallel_loop3A_437 : i32 to index
      %parallel_loop3A_440 = arith.index_cast %parallel_loop3A_424 : i32 to index
      %parallel_loop3A_441 = tpu.vector_load %arg7[%parallel_loop3A_438, %parallel_loop3A_439, %parallel_loop3A_440] {strides = array<i32>} : memref<2x8x4096xf32, #tpu.memory_space<vmem>>, vector<16xf32>,
      tpu.vector_store %arg7[%parallel_loop3A_438, %parallel_loop3A_439, %parallel_loop3A_440], %parallel_loop3A_435 {strides = array<i32>} : memref<2x8x4096xf32, #tpu.memory_space<vmem>>, vector<16xf32>,
      %parallel_loop3A_442 = arith.constant 1 : i32
      %parallel_loop3A_443 = vector.broadcast %parallel_loop3A_442 : i32 to vector<16xi32>
      %parallel_loop3A_444 = arith.addi %parallel_loop3A_431, %parallel_loop3A_443 : vector<16xi32>
      %parallel_loop3A_445 = tpu.vector_load_idx %arg5[%parallel_loop3A_444] : memref<256xf32, #tpu.memory_space<vmem>>[vector<16xi32>], vector<16xf32>,
      %parallel_loop3A_446 = arith.constant 1 : i32
      %parallel_loop3A_447 = arith.constant 1 : i32
      %parallel_loop3A_448 = arith.index_cast %parallel_loop3A_446 : i32 to index
      %parallel_loop3A_449 = arith.index_cast %parallel_loop3A_447 : i32 to index
      %parallel_loop3A_450 = arith.index_cast %parallel_loop3A_424 : i32 to index
      %parallel_loop3A_451 = tpu.vector_load %arg7[%parallel_loop3A_448, %parallel_loop3A_449, %parallel_loop3A_450] {strides = array<i32>} : memref<2x8x4096xf32, #tpu.memory_space<vmem>>, vector<16xf32>,
      tpu.vector_store %arg7[%parallel_loop3A_448, %parallel_loop3A_449, %parallel_loop3A_450], %parallel_loop3A_445 {strides = array<i32>} : memref<2x8x4096xf32, #tpu.memory_space<vmem>>, vector<16xf32>,
      %parallel_loop3A_452 = arith.constant 2 : i32
      %parallel_loop3A_453 = vector.broadcast %parallel_loop3A_452 : i32 to vector<16xi32>
      %parallel_loop3A_454 = arith.addi %parallel_loop3A_431, %parallel_loop3A_453 : vector<16xi32>
      %parallel_loop3A_455 = tpu.vector_load_idx %arg5[%parallel_loop3A_454] : memref<256xf32, #tpu.memory_space<vmem>>[vector<16xi32>], vector<16xf32>,
      %parallel_loop3A_456 = arith.constant 1 : i32
      %parallel_loop3A_457 = arith.constant 2 : i32
      %parallel_loop3A_458 = arith.index_cast %parallel_loop3A_456 : i32 to index
      %parallel_loop3A_459 = arith.index_cast %parallel_loop3A_457 : i32 to index
      %parallel_loop3A_460 = arith.index_cast %parallel_loop3A_424 : i32 to index
      %parallel_loop3A_461 = tpu.vector_load %arg7[%parallel_loop3A_458, %parallel_loop3A_459, %parallel_loop3A_460] {strides = array<i32>} : memref<2x8x4096xf32, #tpu.memory_space<vmem>>, vector<16xf32>,
      tpu.vector_store %arg7[%parallel_loop3A_458, %parallel_loop3A_459, %parallel_loop3A_460], %parallel_loop3A_455 {strides = array<i32>} : memref<2x8x4096xf32, #tpu.memory_space<vmem>>, vector<16xf32>,
      %parallel_loop3A_462 = arith.constant 3 : i32
      %parallel_loop3A_463 = vector.broadcast %parallel_loop3A_462 : i32 to vector<16xi32>
      %parallel_loop3A_464 = arith.addi %parallel_loop3A_431, %parallel_loop3A_463 : vector<16xi32>
      %parallel_loop3A_465 = tpu.vector_load_idx %arg5[%parallel_loop3A_464] : memref<256xf32, #tpu.memory_space<vmem>>[vector<16xi32>], vector<16xf32>,
      %parallel_loop3A_466 = arith.constant 1 : i32
      %parallel_loop3A_467 = arith.constant 3 : i32
      %parallel_loop3A_468 = arith.index_cast %parallel_loop3A_466 : i32 to index
      %parallel_loop3A_469 = arith.index_cast %parallel_loop3A_467 : i32 to index
      %parallel_loop3A_470 = arith.index_cast %parallel_loop3A_424 : i32 to index
      %parallel_loop3A_471 = tpu.vector_load %arg7[%parallel_loop3A_468, %parallel_loop3A_469, %parallel_loop3A_470] {strides = array<i32>} : memref<2x8x4096xf32, #tpu.memory_space<vmem>>, vector<16xf32>,
      tpu.vector_store %arg7[%parallel_loop3A_468, %parallel_loop3A_469, %parallel_loop3A_470], %parallel_loop3A_465 {strides = array<i32>} : memref<2x8x4096xf32, #tpu.memory_space<vmem>>, vector<16xf32>,
      %parallel_loop3A_472 = arith.constant 4 : i32
      %parallel_loop3A_473 = vector.broadcast %parallel_loop3A_472 : i32 to vector<16xi32>
      %parallel_loop3A_474 = arith.addi %parallel_loop3A_431, %parallel_loop3A_473 : vector<16xi32>
      %parallel_loop3A_475 = tpu.vector_load_idx %arg5[%parallel_loop3A_474] : memref<256xf32, #tpu.memory_space<vmem>>[vector<16xi32>], vector<16xf32>,
      %parallel_loop3A_476 = arith.constant 1 : i32
      %parallel_loop3A_477 = arith.constant 4 : i32
      %parallel_loop3A_478 = arith.index_cast %parallel_loop3A_476 : i32 to index
      %parallel_loop3A_479 = arith.index_cast %parallel_loop3A_477 : i32 to index
      %parallel_loop3A_480 = arith.index_cast %parallel_loop3A_424 : i32 to index
      %parallel_loop3A_481 = tpu.vector_load %arg7[%parallel_loop3A_478, %parallel_loop3A_479, %parallel_loop3A_480] {strides = array<i32>} : memref<2x8x4096xf32, #tpu.memory_space<vmem>>, vector<16xf32>,
      tpu.vector_store %arg7[%parallel_loop3A_478, %parallel_loop3A_479, %parallel_loop3A_480], %parallel_loop3A_475 {strides = array<i32>} : memref<2x8x4096xf32, #tpu.memory_space<vmem>>, vector<16xf32>,
      %parallel_loop3A_482 = arith.constant 5 : i32
      %parallel_loop3A_483 = vector.broadcast %parallel_loop3A_482 : i32 to vector<16xi32>
      %parallel_loop3A_484 = arith.addi %parallel_loop3A_431, %parallel_loop3A_483 : vector<16xi32>
      %parallel_loop3A_485 = tpu.vector_load_idx %arg5[%parallel_loop3A_484] : memref<256xf32, #tpu.memory_space<vmem>>[vector<16xi32>], vector<16xf32>,
      %parallel_loop3A_486 = arith.constant 1 : i32
      %parallel_loop3A_487 = arith.constant 5 : i32
      %parallel_loop3A_488 = arith.index_cast %parallel_loop3A_486 : i32 to index
      %parallel_loop3A_489 = arith.index_cast %parallel_loop3A_487 : i32 to index
      %parallel_loop3A_490 = arith.index_cast %parallel_loop3A_424 : i32 to index
      %parallel_loop3A_491 = tpu.vector_load %arg7[%parallel_loop3A_488, %parallel_loop3A_489, %parallel_loop3A_490] {strides = array<i32>} : memref<2x8x4096xf32, #tpu.memory_space<vmem>>, vector<16xf32>,
      tpu.vector_store %arg7[%parallel_loop3A_488, %parallel_loop3A_489, %parallel_loop3A_490], %parallel_loop3A_485 {strides = array<i32>} : memref<2x8x4096xf32, #tpu.memory_space<vmem>>, vector<16xf32>,
      %parallel_loop3A_492 = arith.constant 6 : i32
      %parallel_loop3A_493 = vector.broadcast %parallel_loop3A_492 : i32 to vector<16xi32>
      %parallel_loop3A_494 = arith.addi %parallel_loop3A_431, %parallel_loop3A_493 : vector<16xi32>
      %parallel_loop3A_495 = tpu.vector_load_idx %arg5[%parallel_loop3A_494] : memref<256xf32, #tpu.memory_space<vmem>>[vector<16xi32>], vector<16xf32>,
      %parallel_loop3A_496 = arith.constant 1 : i32
      %parallel_loop3A_497 = arith.constant 6 : i32
      %parallel_loop3A_498 = arith.index_cast %parallel_loop3A_496 : i32 to index
      %parallel_loop3A_499 = arith.index_cast %parallel_loop3A_497 : i32 to index
      %parallel_loop3A_500 = arith.index_cast %parallel_loop3A_424 : i32 to index
      %parallel_loop3A_501 = tpu.vector_load %arg7[%parallel_loop3A_498, %parallel_loop3A_499, %parallel_loop3A_500] {strides = array<i32>} : memref<2x8x4096xf32, #tpu.memory_space<vmem>>, vector<16xf32>,
      tpu.vector_store %arg7[%parallel_loop3A_498, %parallel_loop3A_499, %parallel_loop3A_500], %parallel_loop3A_495 {strides = array<i32>} : memref<2x8x4096xf32, #tpu.memory_space<vmem>>, vector<16xf32>,
      %parallel_loop3A_502 = arith.constant 7 : i32
      %parallel_loop3A_503 = vector.broadcast %parallel_loop3A_502 : i32 to vector<16xi32>
      %parallel_loop3A_504 = arith.addi %parallel_loop3A_431, %parallel_loop3A_503 : vector<16xi32>
      %parallel_loop3A_505 = tpu.vector_load_idx %arg5[%parallel_loop3A_504] : memref<256xf32, #tpu.memory_space<vmem>>[vector<16xi32>], vector<16xf32>,
      %parallel_loop3A_506 = arith.constant 1 : i32
      %parallel_loop3A_507 = arith.constant 7 : i32
      %parallel_loop3A_508 = arith.index_cast %parallel_loop3A_506 : i32 to index
      %parallel_loop3A_509 = arith.index_cast %parallel_loop3A_507 : i32 to index
      %parallel_loop3A_510 = arith.index_cast %parallel_loop3A_424 : i32 to index
      %parallel_loop3A_511 = tpu.vector_load %arg7[%parallel_loop3A_508, %parallel_loop3A_509, %parallel_loop3A_510] {strides = array<i32>} : memref<2x8x4096xf32, #tpu.memory_space<vmem>>, vector<16xf32>,
      tpu.vector_store %arg7[%parallel_loop3A_508, %parallel_loop3A_509, %parallel_loop3A_510], %parallel_loop3A_505 {strides = array<i32>} : memref<2x8x4096xf32, #tpu.memory_space<vmem>>, vector<16xf32>,
    } {sc.loop_unroll_factor = 8 : i64, sc.parallel_access}
    %add3A_93 = arith.constant 0 : i32
    %add3A_94 = arith.addi %select_n3A, %add3A_93 : i32
    %dma_wait3A_95 = arith.constant 0 : i32
    %dma_wait3A_96 = arith.constant 0 : i32
    %dma_wait3A_97 = arith.constant 0 : i32
    %dma_wait3A_98 = arith.constant 0 : i32
    %dma_wait3A_99 = tpu.memref_slice %arg7[%dma_wait3A_95, %dma_wait3A_97, %dma_wait3A_98] : memref<2x8x4096xf32, #tpu.memory_space<vmem>> -> memref<1x8x4096xf32, #tpu.memory_space<vmem>>
    %dma_wait3A_100 = tpu.memref_squeeze %dma_wait3A_99 : memref<1x8x4096xf32, #tpu.memory_space<vmem>> -> memref<8x4096xf32, #tpu.memory_space<vmem>>
    %dma_wait3A_101 = arith.constant 0 : i32
    %dma_wait3A_102 = arith.constant 0 : i32
    %dma_wait3A_103 = tpu.memref_slice %arg4[%add3A_94, %dma_wait3A_101, %dma_wait3A_102] : memref<200x8x4096xf32, #tpu.memory_space<hbm>> -> memref<1x8x4096xf32, #tpu.memory_space<hbm>>
    %dma_wait3A_104 = tpu.memref_squeeze %dma_wait3A_103 : memref<1x8x4096xf32, #tpu.memory_space<hbm>> -> memref<8x4096xf32, #tpu.memory_space<hbm>>
    %dma_wait3A_105 = tpu.memref_slice %arg9[%dma_wait3A_96] : memref<2x!tpu.dma_semaphore, #tpu.memory_space<semaphore_mem>> -> memref<1x!tpu.dma_semaphore, #tpu.memory_space<semaphore_mem>>
    %dma_wait3A_106 = tpu.memref_squeeze %dma_wait3A_105 : memref<1x!tpu.dma_semaphore, #tpu.memory_space<semaphore_mem>> -> memref<!tpu.dma_semaphore, #tpu.memory_space<semaphore_mem>>
    %dma_wait3A_107 = arith.constant 0 : i32
    %dma_wait3A_108 = arith.constant 0 : i32
    %dma_wait3A_109 = tpu.memref_slice %arg4[%add3A_94, %dma_wait3A_107, %dma_wait3A_108] : memref<200x8x4096xf32, #tpu.memory_space<hbm>> -> memref<1x8x4096xf32, #tpu.memory_space<hbm>>
    %dma_wait3A_110 = tpu.memref_squeeze %dma_wait3A_109 : memref<1x8x4096xf32, #tpu.memory_space<hbm>> -> memref<8x4096xf32, #tpu.memory_space<hbm>>
    %dma_wait3A_111 = arith.constant 0 : i32
    %dma_wait3A_112 = arith.constant 0 : i32
    %dma_wait3A_113 = tpu.memref_slice %arg7[%dma_wait3A_95, %dma_wait3A_111, %dma_wait3A_112] : memref<2x8x4096xf32, #tpu.memory_space<vmem>> -> memref<1x8x4096xf32, #tpu.memory_space<vmem>>
    %dma_wait3A_114 = tpu.memref_squeeze %dma_wait3A_113 : memref<1x8x4096xf32, #tpu.memory_space<vmem>> -> memref<8x4096xf32, #tpu.memory_space<vmem>>
    tpu.wait_dma2 semaphore(%dma_wait3A_106 : memref<!tpu.dma_semaphore, #tpu.memory_space<semaphore_mem>>) src(%dma_wait3A_114 : memref<8x4096xf32, #tpu.memory_space<vmem>>) dst(%dma_wait3A_110 : memref<8x4096xf32, #tpu.memory_space<hbm>>)
    %add3A_115 = arith.constant 1 : i32
    %add3A_116 = arith.addi %select_n3A, %add3A_115 : i32
    %dma_start3A_117 = arith.constant 1 : i32
    %dma_start3A_118 = arith.constant 1 : i32
    %dma_start3A_119 = arith.constant 0 : i32
    %dma_start3A_120 = arith.constant 0 : i32
    %dma_start3A_121 = tpu.memref_slice %arg7[%dma_start3A_117, %dma_start3A_119, %dma_start3A_120] : memref<2x8x4096xf32, #tpu.memory_space<vmem>> -> memref<1x8x4096xf32, #tpu.memory_space<vmem>>
    %dma_start3A_122 = tpu.memref_squeeze %dma_start3A_121 : memref<1x8x4096xf32, #tpu.memory_space<vmem>> -> memref<8x4096xf32, #tpu.memory_space<vmem>>
    %dma_start3A_123 = arith.constant 0 : i32
    %dma_start3A_124 = arith.constant 0 : i32
    %dma_start3A_125 = tpu.memref_slice %arg4[%add3A_116, %dma_start3A_123, %dma_start3A_124] : memref<200x8x4096xf32, #tpu.memory_space<hbm>> -> memref<1x8x4096xf32, #tpu.memory_space<hbm>>
    %dma_start3A_126 = tpu.memref_squeeze %dma_start3A_125 : memref<1x8x4096xf32, #tpu.memory_space<hbm>> -> memref<8x4096xf32, #tpu.memory_space<hbm>>
    %dma_start3A_127 = tpu.memref_slice %arg9[%dma_start3A_118] : memref<2x!tpu.dma_semaphore, #tpu.memory_space<semaphore_mem>> -> memref<1x!tpu.dma_semaphore, #tpu.memory_space<semaphore_mem>>
    %dma_start3A_128 = tpu.memref_squeeze %dma_start3A_127 : memref<1x!tpu.dma_semaphore, #tpu.memory_space<semaphore_mem>> -> memref<!tpu.dma_semaphore, #tpu.memory_space<semaphore_mem>>
    %dma_start3A_129 = arith.constant 0 : i32
    %dma_start3A_130 = arith.constant 0 : i32
    %dma_start3A_131 = tpu.memref_slice %arg4[%add3A_116, %dma_start3A_129, %dma_start3A_130] : memref<200x8x4096xf32, #tpu.memory_space<hbm>> -> memref<1x8x4096xf32, #tpu.memory_space<hbm>>
    %dma_start3A_132 = tpu.memref_squeeze %dma_start3A_131 : memref<1x8x4096xf32, #tpu.memory_space<hbm>> -> memref<8x4096xf32, #tpu.memory_space<hbm>>
    %dma_start3A_133 = arith.constant 0 : i32
    %dma_start3A_134 = arith.constant 0 : i32
    %dma_start3A_135 = tpu.memref_slice %arg7[%dma_start3A_117, %dma_start3A_133, %dma_start3A_134] : memref<2x8x4096xf32, #tpu.memory_space<vmem>> -> memref<1x8x4096xf32, #tpu.memory_space<vmem>>
    %dma_start3A_136 = tpu.memref_squeeze %dma_start3A_135 : memref<1x8x4096xf32, #tpu.memory_space<vmem>> -> memref<8x4096xf32, #tpu.memory_space<vmem>>
    tpu.enqueue_dma source(%dma_start3A_136 : memref<8x4096xf32, #tpu.memory_space<vmem>>) target(%dma_start3A_132 : memref<8x4096xf32, #tpu.memory_space<hbm>>) target_semaphore(%dma_start3A_128 : memref<!tpu.dma_semaphore, #tpu.memory_space<semaphore_mem>>)
    %add3A_137 = arith.constant 2 : i32
    %add3A_138 = arith.addi %select_n3A, %add3A_137 : i32
    %mul3A_139 = arith.constant 4096 : i32
    %mul3A_140 = arith.muli %add3A_138, %mul3A_139 : i32
    %dma_wait3A_141 = arith.constant 0 : i32
    %dma_wait3A_142 = arith.constant 0 : i32
    %dma_wait3A_143 = arith.constant 0 : i32
    %dma_wait3A_144 = tpu.memref_slice %arg6[%dma_wait3A_141, %dma_wait3A_143] : memref<2x4096xi32, #tpu.memory_space<vmem>> -> memref<1x4096xi32, #tpu.memory_space<vmem>>
    %dma_wait3A_145 = tpu.memref_squeeze %dma_wait3A_144 : memref<1x4096xi32, #tpu.memory_space<vmem>> -> memref<4096xi32, #tpu.memory_space<vmem>>
    %dma_wait3A_146 = tpu.memref_slice %arg2[%mul3A_140] : memref<819200xi32, #tpu.memory_space<hbm>> -> memref<4096xi32, #tpu.memory_space<hbm>>
    %dma_wait3A_147 = tpu.memref_slice %arg8[%dma_wait3A_142] : memref<2x!tpu.dma_semaphore, #tpu.memory_space<semaphore_mem>> -> memref<1x!tpu.dma_semaphore, #tpu.memory_space<semaphore_mem>>
    %dma_wait3A_148 = tpu.memref_squeeze %dma_wait3A_147 : memref<1x!tpu.dma_semaphore, #tpu.memory_space<semaphore_mem>> -> memref<!tpu.dma_semaphore, #tpu.memory_space<semaphore_mem>>
    %dma_wait3A_149 = arith.constant 0 : i32
    %dma_wait3A_150 = tpu.memref_slice %arg6[%dma_wait3A_141, %dma_wait3A_149] : memref<2x4096xi32, #tpu.memory_space<vmem>> -> memref<1x4096xi32, #tpu.memory_space<vmem>>
    %dma_wait3A_151 = tpu.memref_squeeze %dma_wait3A_150 : memref<1x4096xi32, #tpu.memory_space<vmem>> -> memref<4096xi32, #tpu.memory_space<vmem>>
    %dma_wait3A_152 = tpu.memref_slice %arg2[%mul3A_140] : memref<819200xi32, #tpu.memory_space<hbm>> -> memref<4096xi32, #tpu.memory_space<hbm>>
    tpu.wait_dma2 semaphore(%dma_wait3A_148 : memref<!tpu.dma_semaphore, #tpu.memory_space<semaphore_mem>>) src(%dma_wait3A_152 : memref<4096xi32, #tpu.memory_space<hbm>>) dst(%dma_wait3A_151 : memref<4096xi32, #tpu.memory_space<vmem>>)
    %gt3A_153 = arith.constant 3 : i32
    %gt3A_154 = arith.cmpi sgt, %select_n3A_12, %gt3A_153 : i32
    %convert_element_type3A_155 = arith.extui %gt3A_154 : i1 to i32
    %cond3A_156 = arith.constant 0 : i32
    %cond3A_157 = arith.cmpi ne, %convert_element_type3A_155, %cond3A_156 : i32
    scf.if %cond3A_157 {
      %add3A_423 = arith.constant 3 : i32
      %add3A_424 = arith.addi %select_n3A, %add3A_423 : i32
      %mul3A_425 = arith.constant 4096 : i32
      %mul3A_426 = arith.muli %add3A_424, %mul3A_425 : i32
      %dma_start3A_427 = arith.constant 1 : i32
      %dma_start3A_428 = arith.constant 1 : i32
      %dma_start3A_429 = arith.constant 0 : i32
      %dma_start3A_430 = tpu.memref_slice %arg6[%dma_start3A_427, %dma_start3A_429] : memref<2x4096xi32, #tpu.memory_space<vmem>> -> memref<1x4096xi32, #tpu.memory_space<vmem>>
      %dma_start3A_431 = tpu.memref_squeeze %dma_start3A_430 : memref<1x4096xi32, #tpu.memory_space<vmem>> -> memref<4096xi32, #tpu.memory_space<vmem>>
      %dma_start3A_432 = tpu.memref_slice %arg2[%mul3A_426] : memref<819200xi32, #tpu.memory_space<hbm>> -> memref<4096xi32, #tpu.memory_space<hbm>>
      %dma_start3A_433 = tpu.memref_slice %arg8[%dma_start3A_428] : memref<2x!tpu.dma_semaphore, #tpu.memory_space<semaphore_mem>> -> memref<1x!tpu.dma_semaphore, #tpu.memory_space<semaphore_mem>>
      %dma_start3A_434 = tpu.memref_squeeze %dma_start3A_433 : memref<1x!tpu.dma_semaphore, #tpu.memory_space<semaphore_mem>> -> memref<!tpu.dma_semaphore, #tpu.memory_space<semaphore_mem>>
      %dma_start3A_435 = arith.constant 0 : i32
      %dma_start3A_436 = tpu.memref_slice %arg6[%dma_start3A_427, %dma_start3A_435] : memref<2x4096xi32, #tpu.memory_space<vmem>> -> memref<1x4096xi32, #tpu.memory_space<vmem>>
      %dma_start3A_437 = tpu.memref_squeeze %dma_start3A_436 : memref<1x4096xi32, #tpu.memory_space<vmem>> -> memref<4096xi32, #tpu.memory_space<vmem>>
      %dma_start3A_438 = tpu.memref_slice %arg2[%mul3A_426] : memref<819200xi32, #tpu.memory_space<hbm>> -> memref<4096xi32, #tpu.memory_space<hbm>>
      tpu.enqueue_dma source(%dma_start3A_438 : memref<4096xi32, #tpu.memory_space<hbm>>) target(%dma_start3A_437 : memref<4096xi32, #tpu.memory_space<vmem>>) target_semaphore(%dma_start3A_434 : memref<!tpu.dma_semaphore, #tpu.memory_space<semaphore_mem>>)
    } else {
    }
    %parallel_loop3A_158 = arith.constant 0 : i32
    %parallel_loop3A_159 = arith.constant 4096 : i32
    %parallel_loop3A_160 = arith.constant 16 : i32
    scf.for %parallel_loop3A_423 = %parallel_loop3A_158 to %parallel_loop3A_159 step %parallel_loop3A_160  : i32 {
      %parallel_loop3A_424 = tpu.assume_multiple %parallel_loop3A_423, 16 : i32
      %parallel_loop3A_425 = arith.constant 0 : i32
      %parallel_loop3A_426 = arith.index_cast %parallel_loop3A_425 : i32 to index
      %parallel_loop3A_427 = arith.index_cast %parallel_loop3A_424 : i32 to index
      %parallel_loop3A_428 = tpu.vector_load %arg6[%parallel_loop3A_426, %parallel_loop3A_427] {strides = array<i32>} : memref<2x4096xi32, #tpu.memory_space<vmem>>, vector<16xi32>,
      %parallel_loop3A_429 = arith.constant 8 : i32
      %parallel_loop3A_430 = vector.broadcast %parallel_loop3A_429 : i32 to vector<16xi32>
      %parallel_loop3A_431 = arith.muli %parallel_loop3A_428, %parallel_loop3A_430 : vector<16xi32>
      %parallel_loop3A_432 = arith.constant 0 : i32
      %parallel_loop3A_433 = vector.broadcast %parallel_loop3A_432 : i32 to vector<16xi32>
      %parallel_loop3A_434 = arith.addi %parallel_loop3A_431, %parallel_loop3A_433 : vector<16xi32>
      %parallel_loop3A_435 = tpu.vector_load_idx %arg5[%parallel_loop3A_434] : memref<256xf32, #tpu.memory_space<vmem>>[vector<16xi32>], vector<16xf32>,
      %parallel_loop3A_436 = arith.constant 0 : i32
      %parallel_loop3A_437 = arith.constant 0 : i32
      %parallel_loop3A_438 = arith.index_cast %parallel_loop3A_436 : i32 to index
      %parallel_loop3A_439 = arith.index_cast %parallel_loop3A_437 : i32 to index
      %parallel_loop3A_440 = arith.index_cast %parallel_loop3A_424 : i32 to index
      %parallel_loop3A_441 = tpu.vector_load %arg7[%parallel_loop3A_438, %parallel_loop3A_439, %parallel_loop3A_440] {strides = array<i32>} : memref<2x8x4096xf32, #tpu.memory_space<vmem>>, vector<16xf32>,
      tpu.vector_store %arg7[%parallel_loop3A_438, %parallel_loop3A_439, %parallel_loop3A_440], %parallel_loop3A_435 {strides = array<i32>} : memref<2x8x4096xf32, #tpu.memory_space<vmem>>, vector<16xf32>,
      %parallel_loop3A_442 = arith.constant 1 : i32
      %parallel_loop3A_443 = vector.broadcast %parallel_loop3A_442 : i32 to vector<16xi32>
      %parallel_loop3A_444 = arith.addi %parallel_loop3A_431, %parallel_loop3A_443 : vector<16xi32>
      %parallel_loop3A_445 = tpu.vector_load_idx %arg5[%parallel_loop3A_444] : memref<256xf32, #tpu.memory_space<vmem>>[vector<16xi32>], vector<16xf32>,
      %parallel_loop3A_446 = arith.constant 0 : i32
      %parallel_loop3A_447 = arith.constant 1 : i32
      %parallel_loop3A_448 = arith.index_cast %parallel_loop3A_446 : i32 to index
      %parallel_loop3A_449 = arith.index_cast %parallel_loop3A_447 : i32 to index
      %parallel_loop3A_450 = arith.index_cast %parallel_loop3A_424 : i32 to index
      %parallel_loop3A_451 = tpu.vector_load %arg7[%parallel_loop3A_448, %parallel_loop3A_449, %parallel_loop3A_450] {strides = array<i32>} : memref<2x8x4096xf32, #tpu.memory_space<vmem>>, vector<16xf32>,
      tpu.vector_store %arg7[%parallel_loop3A_448, %parallel_loop3A_449, %parallel_loop3A_450], %parallel_loop3A_445 {strides = array<i32>} : memref<2x8x4096xf32, #tpu.memory_space<vmem>>, vector<16xf32>,
      %parallel_loop3A_452 = arith.constant 2 : i32
      %parallel_loop3A_453 = vector.broadcast %parallel_loop3A_452 : i32 to vector<16xi32>
      %parallel_loop3A_454 = arith.addi %parallel_loop3A_431, %parallel_loop3A_453 : vector<16xi32>
      %parallel_loop3A_455 = tpu.vector_load_idx %arg5[%parallel_loop3A_454] : memref<256xf32, #tpu.memory_space<vmem>>[vector<16xi32>], vector<16xf32>,
      %parallel_loop3A_456 = arith.constant 0 : i32
      %parallel_loop3A_457 = arith.constant 2 : i32
      %parallel_loop3A_458 = arith.index_cast %parallel_loop3A_456 : i32 to index
      %parallel_loop3A_459 = arith.index_cast %parallel_loop3A_457 : i32 to index
      %parallel_loop3A_460 = arith.index_cast %parallel_loop3A_424 : i32 to index
      %parallel_loop3A_461 = tpu.vector_load %arg7[%parallel_loop3A_458, %parallel_loop3A_459, %parallel_loop3A_460] {strides = array<i32>} : memref<2x8x4096xf32, #tpu.memory_space<vmem>>, vector<16xf32>,
      tpu.vector_store %arg7[%parallel_loop3A_458, %parallel_loop3A_459, %parallel_loop3A_460], %parallel_loop3A_455 {strides = array<i32>} : memref<2x8x4096xf32, #tpu.memory_space<vmem>>, vector<16xf32>,
      %parallel_loop3A_462 = arith.constant 3 : i32
      %parallel_loop3A_463 = vector.broadcast %parallel_loop3A_462 : i32 to vector<16xi32>
      %parallel_loop3A_464 = arith.addi %parallel_loop3A_431, %parallel_loop3A_463 : vector<16xi32>
      %parallel_loop3A_465 = tpu.vector_load_idx %arg5[%parallel_loop3A_464] : memref<256xf32, #tpu.memory_space<vmem>>[vector<16xi32>], vector<16xf32>,
      %parallel_loop3A_466 = arith.constant 0 : i32
      %parallel_loop3A_467 = arith.constant 3 : i32
      %parallel_loop3A_468 = arith.index_cast %parallel_loop3A_466 : i32 to index
      %parallel_loop3A_469 = arith.index_cast %parallel_loop3A_467 : i32 to index
      %parallel_loop3A_470 = arith.index_cast %parallel_loop3A_424 : i32 to index
      %parallel_loop3A_471 = tpu.vector_load %arg7[%parallel_loop3A_468, %parallel_loop3A_469, %parallel_loop3A_470] {strides = array<i32>} : memref<2x8x4096xf32, #tpu.memory_space<vmem>>, vector<16xf32>,
      tpu.vector_store %arg7[%parallel_loop3A_468, %parallel_loop3A_469, %parallel_loop3A_470], %parallel_loop3A_465 {strides = array<i32>} : memref<2x8x4096xf32, #tpu.memory_space<vmem>>, vector<16xf32>,
      %parallel_loop3A_472 = arith.constant 4 : i32
      %parallel_loop3A_473 = vector.broadcast %parallel_loop3A_472 : i32 to vector<16xi32>
      %parallel_loop3A_474 = arith.addi %parallel_loop3A_431, %parallel_loop3A_473 : vector<16xi32>
      %parallel_loop3A_475 = tpu.vector_load_idx %arg5[%parallel_loop3A_474] : memref<256xf32, #tpu.memory_space<vmem>>[vector<16xi32>], vector<16xf32>,
      %parallel_loop3A_476 = arith.constant 0 : i32
      %parallel_loop3A_477 = arith.constant 4 : i32
      %parallel_loop3A_478 = arith.index_cast %parallel_loop3A_476 : i32 to index
      %parallel_loop3A_479 = arith.index_cast %parallel_loop3A_477 : i32 to index
      %parallel_loop3A_480 = arith.index_cast %parallel_loop3A_424 : i32 to index
      %parallel_loop3A_481 = tpu.vector_load %arg7[%parallel_loop3A_478, %parallel_loop3A_479, %parallel_loop3A_480] {strides = array<i32>} : memref<2x8x4096xf32, #tpu.memory_space<vmem>>, vector<16xf32>,
      tpu.vector_store %arg7[%parallel_loop3A_478, %parallel_loop3A_479, %parallel_loop3A_480], %parallel_loop3A_475 {strides = array<i32>} : memref<2x8x4096xf32, #tpu.memory_space<vmem>>, vector<16xf32>,
      %parallel_loop3A_482 = arith.constant 5 : i32
      %parallel_loop3A_483 = vector.broadcast %parallel_loop3A_482 : i32 to vector<16xi32>
      %parallel_loop3A_484 = arith.addi %parallel_loop3A_431, %parallel_loop3A_483 : vector<16xi32>
      %parallel_loop3A_485 = tpu.vector_load_idx %arg5[%parallel_loop3A_484] : memref<256xf32, #tpu.memory_space<vmem>>[vector<16xi32>], vector<16xf32>,
      %parallel_loop3A_486 = arith.constant 0 : i32
      %parallel_loop3A_487 = arith.constant 5 : i32
      %parallel_loop3A_488 = arith.index_cast %parallel_loop3A_486 : i32 to index
      %parallel_loop3A_489 = arith.index_cast %parallel_loop3A_487 : i32 to index
      %parallel_loop3A_490 = arith.index_cast %parallel_loop3A_424 : i32 to index
      %parallel_loop3A_491 = tpu.vector_load %arg7[%parallel_loop3A_488, %parallel_loop3A_489, %parallel_loop3A_490] {strides = array<i32>} : memref<2x8x4096xf32, #tpu.memory_space<vmem>>, vector<16xf32>,
      tpu.vector_store %arg7[%parallel_loop3A_488, %parallel_loop3A_489, %parallel_loop3A_490], %parallel_loop3A_485 {strides = array<i32>} : memref<2x8x4096xf32, #tpu.memory_space<vmem>>, vector<16xf32>,
      %parallel_loop3A_492 = arith.constant 6 : i32
      %parallel_loop3A_493 = vector.broadcast %parallel_loop3A_492 : i32 to vector<16xi32>
      %parallel_loop3A_494 = arith.addi %parallel_loop3A_431, %parallel_loop3A_493 : vector<16xi32>
      %parallel_loop3A_495 = tpu.vector_load_idx %arg5[%parallel_loop3A_494] : memref<256xf32, #tpu.memory_space<vmem>>[vector<16xi32>], vector<16xf32>,
      %parallel_loop3A_496 = arith.constant 0 : i32
      %parallel_loop3A_497 = arith.constant 6 : i32
      %parallel_loop3A_498 = arith.index_cast %parallel_loop3A_496 : i32 to index
      %parallel_loop3A_499 = arith.index_cast %parallel_loop3A_497 : i32 to index
      %parallel_loop3A_500 = arith.index_cast %parallel_loop3A_424 : i32 to index
      %parallel_loop3A_501 = tpu.vector_load %arg7[%parallel_loop3A_498, %parallel_loop3A_499, %parallel_loop3A_500] {strides = array<i32>} : memref<2x8x4096xf32, #tpu.memory_space<vmem>>, vector<16xf32>,
      tpu.vector_store %arg7[%parallel_loop3A_498, %parallel_loop3A_499, %parallel_loop3A_500], %parallel_loop3A_495 {strides = array<i32>} : memref<2x8x4096xf32, #tpu.memory_space<vmem>>, vector<16xf32>,
      %parallel_loop3A_502 = arith.constant 7 : i32
      %parallel_loop3A_503 = vector.broadcast %parallel_loop3A_502 : i32 to vector<16xi32>
      %parallel_loop3A_504 = arith.addi %parallel_loop3A_431, %parallel_loop3A_503 : vector<16xi32>
      %parallel_loop3A_505 = tpu.vector_load_idx %arg5[%parallel_loop3A_504] : memref<256xf32, #tpu.memory_space<vmem>>[vector<16xi32>], vector<16xf32>,
      %parallel_loop3A_506 = arith.constant 0 : i32
      %parallel_loop3A_507 = arith.constant 7 : i32
      %parallel_loop3A_508 = arith.index_cast %parallel_loop3A_506 : i32 to index
      %parallel_loop3A_509 = arith.index_cast %parallel_loop3A_507 : i32 to index
      %parallel_loop3A_510 = arith.index_cast %parallel_loop3A_424 : i32 to index
      %parallel_loop3A_511 = tpu.vector_load %arg7[%parallel_loop3A_508, %parallel_loop3A_509, %parallel_loop3A_510] {strides = array<i32>} : memref<2x8x4096xf32, #tpu.memory_space<vmem>>, vector<16xf32>,
      tpu.vector_store %arg7[%parallel_loop3A_508, %parallel_loop3A_509, %parallel_loop3A_510], %parallel_loop3A_505 {strides = array<i32>} : memref<2x8x4096xf32, #tpu.memory_space<vmem>>, vector<16xf32>,
    } {sc.loop_unroll_factor = 8 : i64, sc.parallel_access}
    %add3A_161 = arith.constant 1 : i32
    %add3A_162 = arith.addi %select_n3A, %add3A_161 : i32
    %dma_wait3A_163 = arith.constant 1 : i32
    %dma_wait3A_164 = arith.constant 1 : i32
    %dma_wait3A_165 = arith.constant 0 : i32
    %dma_wait3A_166 = arith.constant 0 : i32
    %dma_wait3A_167 = tpu.memref_slice %arg7[%dma_wait3A_163, %dma_wait3A_165, %dma_wait3A_166] : memref<2x8x4096xf32, #tpu.memory_space<vmem>> -> memref<1x8x4096xf32, #tpu.memory_space<vmem>>
    %dma_wait3A_168 = tpu.memref_squeeze %dma_wait3A_167 : memref<1x8x4096xf32, #tpu.memory_space<vmem>> -> memref<8x4096xf32, #tpu.memory_space<vmem>>
    %dma_wait3A_169 = arith.constant 0 : i32
    %dma_wait3A_170 = arith.constant 0 : i32
    %dma_wait3A_171 = tpu.memref_slice %arg4[%add3A_162, %dma_wait3A_169, %dma_wait3A_170] : memref<200x8x4096xf32, #tpu.memory_space<hbm>> -> memref<1x8x4096xf32, #tpu.memory_space<hbm>>
    %dma_wait3A_172 = tpu.memref_squeeze %dma_wait3A_171 : memref<1x8x4096xf32, #tpu.memory_space<hbm>> -> memref<8x4096xf32, #tpu.memory_space<hbm>>
    %dma_wait3A_173 = tpu.memref_slice %arg9[%dma_wait3A_164] : memref<2x!tpu.dma_semaphore, #tpu.memory_space<semaphore_mem>> -> memref<1x!tpu.dma_semaphore, #tpu.memory_space<semaphore_mem>>
    %dma_wait3A_174 = tpu.memref_squeeze %dma_wait3A_173 : memref<1x!tpu.dma_semaphore, #tpu.memory_space<semaphore_mem>> -> memref<!tpu.dma_semaphore, #tpu.memory_space<semaphore_mem>>
    %dma_wait3A_175 = arith.constant 0 : i32
    %dma_wait3A_176 = arith.constant 0 : i32
    %dma_wait3A_177 = tpu.memref_slice %arg4[%add3A_162, %dma_wait3A_175, %dma_wait3A_176] : memref<200x8x4096xf32, #tpu.memory_space<hbm>> -> memref<1x8x4096xf32, #tpu.memory_space<hbm>>
    %dma_wait3A_178 = tpu.memref_squeeze %dma_wait3A_177 : memref<1x8x4096xf32, #tpu.memory_space<hbm>> -> memref<8x4096xf32, #tpu.memory_space<hbm>>
    %dma_wait3A_179 = arith.constant 0 : i32
    %dma_wait3A_180 = arith.constant 0 : i32
    %dma_wait3A_181 = tpu.memref_slice %arg7[%dma_wait3A_163, %dma_wait3A_179, %dma_wait3A_180] : memref<2x8x4096xf32, #tpu.memory_space<vmem>> -> memref<1x8x4096xf32, #tpu.memory_space<vmem>>
    %dma_wait3A_182 = tpu.memref_squeeze %dma_wait3A_181 : memref<1x8x4096xf32, #tpu.memory_space<vmem>> -> memref<8x4096xf32, #tpu.memory_space<vmem>>
    tpu.wait_dma2 semaphore(%dma_wait3A_174 : memref<!tpu.dma_semaphore, #tpu.memory_space<semaphore_mem>>) src(%dma_wait3A_182 : memref<8x4096xf32, #tpu.memory_space<vmem>>) dst(%dma_wait3A_178 : memref<8x4096xf32, #tpu.memory_space<hbm>>)
    %add3A_183 = arith.constant 2 : i32
    %add3A_184 = arith.addi %select_n3A, %add3A_183 : i32
    %dma_start3A_185 = arith.constant 0 : i32
    %dma_start3A_186 = arith.constant 0 : i32
    %dma_start3A_187 = arith.constant 0 : i32
    %dma_start3A_188 = arith.constant 0 : i32
    %dma_start3A_189 = tpu.memref_slice %arg7[%dma_start3A_185, %dma_start3A_187, %dma_start3A_188] : memref<2x8x4096xf32, #tpu.memory_space<vmem>> -> memref<1x8x4096xf32, #tpu.memory_space<vmem>>
    %dma_start3A_190 = tpu.memref_squeeze %dma_start3A_189 : memref<1x8x4096xf32, #tpu.memory_space<vmem>> -> memref<8x4096xf32, #tpu.memory_space<vmem>>
    %dma_start3A_191 = arith.constant 0 : i32
    %dma_start3A_192 = arith.constant 0 : i32
    %dma_start3A_193 = tpu.memref_slice %arg4[%add3A_184, %dma_start3A_191, %dma_start3A_192] : memref<200x8x4096xf32, #tpu.memory_space<hbm>> -> memref<1x8x4096xf32, #tpu.memory_space<hbm>>
    %dma_start3A_194 = tpu.memref_squeeze %dma_start3A_193 : memref<1x8x4096xf32, #tpu.memory_space<hbm>> -> memref<8x4096xf32, #tpu.memory_space<hbm>>
    %dma_start3A_195 = tpu.memref_slice %arg9[%dma_start3A_186] : memref<2x!tpu.dma_semaphore, #tpu.memory_space<semaphore_mem>> -> memref<1x!tpu.dma_semaphore, #tpu.memory_space<semaphore_mem>>
    %dma_start3A_196 = tpu.memref_squeeze %dma_start3A_195 : memref<1x!tpu.dma_semaphore, #tpu.memory_space<semaphore_mem>> -> memref<!tpu.dma_semaphore, #tpu.memory_space<semaphore_mem>>
    %dma_start3A_197 = arith.constant 0 : i32
    %dma_start3A_198 = arith.constant 0 : i32
    %dma_start3A_199 = tpu.memref_slice %arg4[%add3A_184, %dma_start3A_197, %dma_start3A_198] : memref<200x8x4096xf32, #tpu.memory_space<hbm>> -> memref<1x8x4096xf32, #tpu.memory_space<hbm>>
    %dma_start3A_200 = tpu.memref_squeeze %dma_start3A_199 : memref<1x8x4096xf32, #tpu.memory_space<hbm>> -> memref<8x4096xf32, #tpu.memory_space<hbm>>
    %dma_start3A_201 = arith.constant 0 : i32
    %dma_start3A_202 = arith.constant 0 : i32
    %dma_start3A_203 = tpu.memref_slice %arg7[%dma_start3A_185, %dma_start3A_201, %dma_start3A_202] : memref<2x8x4096xf32, #tpu.memory_space<vmem>> -> memref<1x8x4096xf32, #tpu.memory_space<vmem>>
    %dma_start3A_204 = tpu.memref_squeeze %dma_start3A_203 : memref<1x8x4096xf32, #tpu.memory_space<vmem>> -> memref<8x4096xf32, #tpu.memory_space<vmem>>
    tpu.enqueue_dma source(%dma_start3A_204 : memref<8x4096xf32, #tpu.memory_space<vmem>>) target(%dma_start3A_200 : memref<8x4096xf32, #tpu.memory_space<hbm>>) target_semaphore(%dma_start3A_196 : memref<!tpu.dma_semaphore, #tpu.memory_space<semaphore_mem>>)
    %add3A_205 = arith.constant 3 : i32
    %add3A_206 = arith.addi %select_n3A, %add3A_205 : i32
    %mul3A_207 = arith.constant 4096 : i32
    %mul3A_208 = arith.muli %add3A_206, %mul3A_207 : i32
    %dma_wait3A_209 = arith.constant 1 : i32
    %dma_wait3A_210 = arith.constant 1 : i32
    %dma_wait3A_211 = arith.constant 0 : i32
    %dma_wait3A_212 = tpu.memref_slice %arg6[%dma_wait3A_209, %dma_wait3A_211] : memref<2x4096xi32, #tpu.memory_space<vmem>> -> memref<1x4096xi32, #tpu.memory_space<vmem>>
    %dma_wait3A_213 = tpu.memref_squeeze %dma_wait3A_212 : memref<1x4096xi32, #tpu.memory_space<vmem>> -> memref<4096xi32, #tpu.memory_space<vmem>>
    %dma_wait3A_214 = tpu.memref_slice %arg2[%mul3A_208] : memref<819200xi32, #tpu.memory_space<hbm>> -> memref<4096xi32, #tpu.memory_space<hbm>>
    %dma_wait3A_215 = tpu.memref_slice %arg8[%dma_wait3A_210] : memref<2x!tpu.dma_semaphore, #tpu.memory_space<semaphore_mem>> -> memref<1x!tpu.dma_semaphore, #tpu.memory_space<semaphore_mem>>
    %dma_wait3A_216 = tpu.memref_squeeze %dma_wait3A_215 : memref<1x!tpu.dma_semaphore, #tpu.memory_space<semaphore_mem>> -> memref<!tpu.dma_semaphore, #tpu.memory_space<semaphore_mem>>
    %dma_wait3A_217 = arith.constant 0 : i32
    %dma_wait3A_218 = tpu.memref_slice %arg6[%dma_wait3A_209, %dma_wait3A_217] : memref<2x4096xi32, #tpu.memory_space<vmem>> -> memref<1x4096xi32, #tpu.memory_space<vmem>>
    %dma_wait3A_219 = tpu.memref_squeeze %dma_wait3A_218 : memref<1x4096xi32, #tpu.memory_space<vmem>> -> memref<4096xi32, #tpu.memory_space<vmem>>
    %dma_wait3A_220 = tpu.memref_slice %arg2[%mul3A_208] : memref<819200xi32, #tpu.memory_space<hbm>> -> memref<4096xi32, #tpu.memory_space<hbm>>
    tpu.wait_dma2 semaphore(%dma_wait3A_216 : memref<!tpu.dma_semaphore, #tpu.memory_space<semaphore_mem>>) src(%dma_wait3A_220 : memref<4096xi32, #tpu.memory_space<hbm>>) dst(%dma_wait3A_219 : memref<4096xi32, #tpu.memory_space<vmem>>)
    %gt3A_221 = arith.constant 4 : i32
    %gt3A_222 = arith.cmpi sgt, %select_n3A_12, %gt3A_221 : i32
    %convert_element_type3A_223 = arith.extui %gt3A_222 : i1 to i32
    %cond3A_224 = arith.constant 0 : i32
    %cond3A_225 = arith.cmpi ne, %convert_element_type3A_223, %cond3A_224 : i32
    scf.if %cond3A_225 {
      %add3A_423 = arith.constant 4 : i32
      %add3A_424 = arith.addi %select_n3A, %add3A_423 : i32
      %mul3A_425 = arith.constant 4096 : i32
      %mul3A_426 = arith.muli %add3A_424, %mul3A_425 : i32
      %dma_start3A_427 = arith.constant 0 : i32
      %dma_start3A_428 = arith.constant 0 : i32
      %dma_start3A_429 = arith.constant 0 : i32
      %dma_start3A_430 = tpu.memref_slice %arg6[%dma_start3A_427, %dma_start3A_429] : memref<2x4096xi32, #tpu.memory_space<vmem>> -> memref<1x4096xi32, #tpu.memory_space<vmem>>
      %dma_start3A_431 = tpu.memref_squeeze %dma_start3A_430 : memref<1x4096xi32, #tpu.memory_space<vmem>> -> memref<4096xi32, #tpu.memory_space<vmem>>
      %dma_start3A_432 = tpu.memref_slice %arg2[%mul3A_426] : memref<819200xi32, #tpu.memory_space<hbm>> -> memref<4096xi32, #tpu.memory_space<hbm>>
      %dma_start3A_433 = tpu.memref_slice %arg8[%dma_start3A_428] : memref<2x!tpu.dma_semaphore, #tpu.memory_space<semaphore_mem>> -> memref<1x!tpu.dma_semaphore, #tpu.memory_space<semaphore_mem>>
      %dma_start3A_434 = tpu.memref_squeeze %dma_start3A_433 : memref<1x!tpu.dma_semaphore, #tpu.memory_space<semaphore_mem>> -> memref<!tpu.dma_semaphore, #tpu.memory_space<semaphore_mem>>
      %dma_start3A_435 = arith.constant 0 : i32
      %dma_start3A_436 = tpu.memref_slice %arg6[%dma_start3A_427, %dma_start3A_435] : memref<2x4096xi32, #tpu.memory_space<vmem>> -> memref<1x4096xi32, #tpu.memory_space<vmem>>
      %dma_start3A_437 = tpu.memref_squeeze %dma_start3A_436 : memref<1x4096xi32, #tpu.memory_space<vmem>> -> memref<4096xi32, #tpu.memory_space<vmem>>
      %dma_start3A_438 = tpu.memref_slice %arg2[%mul3A_426] : memref<819200xi32, #tpu.memory_space<hbm>> -> memref<4096xi32, #tpu.memory_space<hbm>>
      tpu.enqueue_dma source(%dma_start3A_438 : memref<4096xi32, #tpu.memory_space<hbm>>) target(%dma_start3A_437 : memref<4096xi32, #tpu.memory_space<vmem>>) target_semaphore(%dma_start3A_434 : memref<!tpu.dma_semaphore, #tpu.memory_space<semaphore_mem>>)
    } else {
    }
    %parallel_loop3A_226 = arith.constant 0 : i32
    %parallel_loop3A_227 = arith.constant 4096 : i32
    %parallel_loop3A_228 = arith.constant 16 : i32
    scf.for %parallel_loop3A_423 = %parallel_loop3A_226 to %parallel_loop3A_227 step %parallel_loop3A_228  : i32 {
      %parallel_loop3A_424 = tpu.assume_multiple %parallel_loop3A_423, 16 : i32
      %parallel_loop3A_425 = arith.constant 1 : i32
      %parallel_loop3A_426 = arith.index_cast %parallel_loop3A_425 : i32 to index
      %parallel_loop3A_427 = arith.index_cast %parallel_loop3A_424 : i32 to index
      %parallel_loop3A_428 = tpu.vector_load %arg6[%parallel_loop3A_426, %parallel_loop3A_427] {strides = array<i32>} : memref<2x4096xi32, #tpu.memory_space<vmem>>, vector<16xi32>,
      %parallel_loop3A_429 = arith.constant 8 : i32
      %parallel_loop3A_430 = vector.broadcast %parallel_loop3A_429 : i32 to vector<16xi32>
      %parallel_loop3A_431 = arith.muli %parallel_loop3A_428, %parallel_loop3A_430 : vector<16xi32>
      %parallel_loop3A_432 = arith.constant 0 : i32
      %parallel_loop3A_433 = vector.broadcast %parallel_loop3A_432 : i32 to vector<16xi32>
      %parallel_loop3A_434 = arith.addi %parallel_loop3A_431, %parallel_loop3A_433 : vector<16xi32>
      %parallel_loop3A_435 = tpu.vector_load_idx %arg5[%parallel_loop3A_434] : memref<256xf32, #tpu.memory_space<vmem>>[vector<16xi32>], vector<16xf32>,
      %parallel_loop3A_436 = arith.constant 1 : i32
      %parallel_loop3A_437 = arith.constant 0 : i32
      %parallel_loop3A_438 = arith.index_cast %parallel_loop3A_436 : i32 to index
      %parallel_loop3A_439 = arith.index_cast %parallel_loop3A_437 : i32 to index
      %parallel_loop3A_440 = arith.index_cast %parallel_loop3A_424 : i32 to index
      %parallel_loop3A_441 = tpu.vector_load %arg7[%parallel_loop3A_438, %parallel_loop3A_439, %parallel_loop3A_440] {strides = array<i32>} : memref<2x8x4096xf32, #tpu.memory_space<vmem>>, vector<16xf32>,
      tpu.vector_store %arg7[%parallel_loop3A_438, %parallel_loop3A_439, %parallel_loop3A_440], %parallel_loop3A_435 {strides = array<i32>} : memref<2x8x4096xf32, #tpu.memory_space<vmem>>, vector<16xf32>,
      %parallel_loop3A_442 = arith.constant 1 : i32
      %parallel_loop3A_443 = vector.broadcast %parallel_loop3A_442 : i32 to vector<16xi32>
      %parallel_loop3A_444 = arith.addi %parallel_loop3A_431, %parallel_loop3A_443 : vector<16xi32>
      %parallel_loop3A_445 = tpu.vector_load_idx %arg5[%parallel_loop3A_444] : memref<256xf32, #tpu.memory_space<vmem>>[vector<16xi32>], vector<16xf32>,
      %parallel_loop3A_446 = arith.constant 1 : i32
      %parallel_loop3A_447 = arith.constant 1 : i32
      %parallel_loop3A_448 = arith.index_cast %parallel_loop3A_446 : i32 to index
      %parallel_loop3A_449 = arith.index_cast %parallel_loop3A_447 : i32 to index
      %parallel_loop3A_450 = arith.index_cast %parallel_loop3A_424 : i32 to index
      %parallel_loop3A_451 = tpu.vector_load %arg7[%parallel_loop3A_448, %parallel_loop3A_449, %parallel_loop3A_450] {strides = array<i32>} : memref<2x8x4096xf32, #tpu.memory_space<vmem>>, vector<16xf32>,
      tpu.vector_store %arg7[%parallel_loop3A_448, %parallel_loop3A_449, %parallel_loop3A_450], %parallel_loop3A_445 {strides = array<i32>} : memref<2x8x4096xf32, #tpu.memory_space<vmem>>, vector<16xf32>,
      %parallel_loop3A_452 = arith.constant 2 : i32
      %parallel_loop3A_453 = vector.broadcast %parallel_loop3A_452 : i32 to vector<16xi32>
      %parallel_loop3A_454 = arith.addi %parallel_loop3A_431, %parallel_loop3A_453 : vector<16xi32>
      %parallel_loop3A_455 = tpu.vector_load_idx %arg5[%parallel_loop3A_454] : memref<256xf32, #tpu.memory_space<vmem>>[vector<16xi32>], vector<16xf32>,
      %parallel_loop3A_456 = arith.constant 1 : i32
      %parallel_loop3A_457 = arith.constant 2 : i32
      %parallel_loop3A_458 = arith.index_cast %parallel_loop3A_456 : i32 to index
      %parallel_loop3A_459 = arith.index_cast %parallel_loop3A_457 : i32 to index
      %parallel_loop3A_460 = arith.index_cast %parallel_loop3A_424 : i32 to index
      %parallel_loop3A_461 = tpu.vector_load %arg7[%parallel_loop3A_458, %parallel_loop3A_459, %parallel_loop3A_460] {strides = array<i32>} : memref<2x8x4096xf32, #tpu.memory_space<vmem>>, vector<16xf32>,
      tpu.vector_store %arg7[%parallel_loop3A_458, %parallel_loop3A_459, %parallel_loop3A_460], %parallel_loop3A_455 {strides = array<i32>} : memref<2x8x4096xf32, #tpu.memory_space<vmem>>, vector<16xf32>,
      %parallel_loop3A_462 = arith.constant 3 : i32
      %parallel_loop3A_463 = vector.broadcast %parallel_loop3A_462 : i32 to vector<16xi32>
      %parallel_loop3A_464 = arith.addi %parallel_loop3A_431, %parallel_loop3A_463 : vector<16xi32>
      %parallel_loop3A_465 = tpu.vector_load_idx %arg5[%parallel_loop3A_464] : memref<256xf32, #tpu.memory_space<vmem>>[vector<16xi32>], vector<16xf32>,
      %parallel_loop3A_466 = arith.constant 1 : i32
      %parallel_loop3A_467 = arith.constant 3 : i32
      %parallel_loop3A_468 = arith.index_cast %parallel_loop3A_466 : i32 to index
      %parallel_loop3A_469 = arith.index_cast %parallel_loop3A_467 : i32 to index
      %parallel_loop3A_470 = arith.index_cast %parallel_loop3A_424 : i32 to index
      %parallel_loop3A_471 = tpu.vector_load %arg7[%parallel_loop3A_468, %parallel_loop3A_469, %parallel_loop3A_470] {strides = array<i32>} : memref<2x8x4096xf32, #tpu.memory_space<vmem>>, vector<16xf32>,
      tpu.vector_store %arg7[%parallel_loop3A_468, %parallel_loop3A_469, %parallel_loop3A_470], %parallel_loop3A_465 {strides = array<i32>} : memref<2x8x4096xf32, #tpu.memory_space<vmem>>, vector<16xf32>,
      %parallel_loop3A_472 = arith.constant 4 : i32
      %parallel_loop3A_473 = vector.broadcast %parallel_loop3A_472 : i32 to vector<16xi32>
      %parallel_loop3A_474 = arith.addi %parallel_loop3A_431, %parallel_loop3A_473 : vector<16xi32>
      %parallel_loop3A_475 = tpu.vector_load_idx %arg5[%parallel_loop3A_474] : memref<256xf32, #tpu.memory_space<vmem>>[vector<16xi32>], vector<16xf32>,
      %parallel_loop3A_476 = arith.constant 1 : i32
      %parallel_loop3A_477 = arith.constant 4 : i32
      %parallel_loop3A_478 = arith.index_cast %parallel_loop3A_476 : i32 to index
      %parallel_loop3A_479 = arith.index_cast %parallel_loop3A_477 : i32 to index
      %parallel_loop3A_480 = arith.index_cast %parallel_loop3A_424 : i32 to index
      %parallel_loop3A_481 = tpu.vector_load %arg7[%parallel_loop3A_478, %parallel_loop3A_479, %parallel_loop3A_480] {strides = array<i32>} : memref<2x8x4096xf32, #tpu.memory_space<vmem>>, vector<16xf32>,
      tpu.vector_store %arg7[%parallel_loop3A_478, %parallel_loop3A_479, %parallel_loop3A_480], %parallel_loop3A_475 {strides = array<i32>} : memref<2x8x4096xf32, #tpu.memory_space<vmem>>, vector<16xf32>,
      %parallel_loop3A_482 = arith.constant 5 : i32
      %parallel_loop3A_483 = vector.broadcast %parallel_loop3A_482 : i32 to vector<16xi32>
      %parallel_loop3A_484 = arith.addi %parallel_loop3A_431, %parallel_loop3A_483 : vector<16xi32>
      %parallel_loop3A_485 = tpu.vector_load_idx %arg5[%parallel_loop3A_484] : memref<256xf32, #tpu.memory_space<vmem>>[vector<16xi32>], vector<16xf32>,
      %parallel_loop3A_486 = arith.constant 1 : i32
      %parallel_loop3A_487 = arith.constant 5 : i32
      %parallel_loop3A_488 = arith.index_cast %parallel_loop3A_486 : i32 to index
      %parallel_loop3A_489 = arith.index_cast %parallel_loop3A_487 : i32 to index
      %parallel_loop3A_490 = arith.index_cast %parallel_loop3A_424 : i32 to index
      %parallel_loop3A_491 = tpu.vector_load %arg7[%parallel_loop3A_488, %parallel_loop3A_489, %parallel_loop3A_490] {strides = array<i32>} : memref<2x8x4096xf32, #tpu.memory_space<vmem>>, vector<16xf32>,
      tpu.vector_store %arg7[%parallel_loop3A_488, %parallel_loop3A_489, %parallel_loop3A_490], %parallel_loop3A_485 {strides = array<i32>} : memref<2x8x4096xf32, #tpu.memory_space<vmem>>, vector<16xf32>,
      %parallel_loop3A_492 = arith.constant 6 : i32
      %parallel_loop3A_493 = vector.broadcast %parallel_loop3A_492 : i32 to vector<16xi32>
      %parallel_loop3A_494 = arith.addi %parallel_loop3A_431, %parallel_loop3A_493 : vector<16xi32>
      %parallel_loop3A_495 = tpu.vector_load_idx %arg5[%parallel_loop3A_494] : memref<256xf32, #tpu.memory_space<vmem>>[vector<16xi32>], vector<16xf32>,
      %parallel_loop3A_496 = arith.constant 1 : i32
      %parallel_loop3A_497 = arith.constant 6 : i32
      %parallel_loop3A_498 = arith.index_cast %parallel_loop3A_496 : i32 to index
      %parallel_loop3A_499 = arith.index_cast %parallel_loop3A_497 : i32 to index
      %parallel_loop3A_500 = arith.index_cast %parallel_loop3A_424 : i32 to index
      %parallel_loop3A_501 = tpu.vector_load %arg7[%parallel_loop3A_498, %parallel_loop3A_499, %parallel_loop3A_500] {strides = array<i32>} : memref<2x8x4096xf32, #tpu.memory_space<vmem>>, vector<16xf32>,
      tpu.vector_store %arg7[%parallel_loop3A_498, %parallel_loop3A_499, %parallel_loop3A_500], %parallel_loop3A_495 {strides = array<i32>} : memref<2x8x4096xf32, #tpu.memory_space<vmem>>, vector<16xf32>,
      %parallel_loop3A_502 = arith.constant 7 : i32
      %parallel_loop3A_503 = vector.broadcast %parallel_loop3A_502 : i32 to vector<16xi32>
      %parallel_loop3A_504 = arith.addi %parallel_loop3A_431, %parallel_loop3A_503 : vector<16xi32>
      %parallel_loop3A_505 = tpu.vector_load_idx %arg5[%parallel_loop3A_504] : memref<256xf32, #tpu.memory_space<vmem>>[vector<16xi32>], vector<16xf32>,
      %parallel_loop3A_506 = arith.constant 1 : i32
      %parallel_loop3A_507 = arith.constant 7 : i32
      %parallel_loop3A_508 = arith.index_cast %parallel_loop3A_506 : i32 to index
      %parallel_loop3A_509 = arith.index_cast %parallel_loop3A_507 : i32 to index
      %parallel_loop3A_510 = arith.index_cast %parallel_loop3A_424 : i32 to index
      %parallel_loop3A_511 = tpu.vector_load %arg7[%parallel_loop3A_508, %parallel_loop3A_509, %parallel_loop3A_510] {strides = array<i32>} : memref<2x8x4096xf32, #tpu.memory_space<vmem>>, vector<16xf32>,
      tpu.vector_store %arg7[%parallel_loop3A_508, %parallel_loop3A_509, %parallel_loop3A_510], %parallel_loop3A_505 {strides = array<i32>} : memref<2x8x4096xf32, #tpu.memory_space<vmem>>, vector<16xf32>,
    } {sc.loop_unroll_factor = 8 : i64, sc.parallel_access}
    %add3A_229 = arith.constant 2 : i32
    %add3A_230 = arith.addi %select_n3A, %add3A_229 : i32
    %dma_wait3A_231 = arith.constant 0 : i32
    %dma_wait3A_232 = arith.constant 0 : i32
    %dma_wait3A_233 = arith.constant 0 : i32
    %dma_wait3A_234 = arith.constant 0 : i32
    %dma_wait3A_235 = tpu.memref_slice %arg7[%dma_wait3A_231, %dma_wait3A_233, %dma_wait3A_234] : memref<2x8x4096xf32, #tpu.memory_space<vmem>> -> memref<1x8x4096xf32, #tpu.memory_space<vmem>>
    %dma_wait3A_236 = tpu.memref_squeeze %dma_wait3A_235 : memref<1x8x4096xf32, #tpu.memory_space<vmem>> -> memref<8x4096xf32, #tpu.memory_space<vmem>>
    %dma_wait3A_237 = arith.constant 0 : i32
    %dma_wait3A_238 = arith.constant 0 : i32
    %dma_wait3A_239 = tpu.memref_slice %arg4[%add3A_230, %dma_wait3A_237, %dma_wait3A_238] : memref<200x8x4096xf32, #tpu.memory_space<hbm>> -> memref<1x8x4096xf32, #tpu.memory_space<hbm>>
    %dma_wait3A_240 = tpu.memref_squeeze %dma_wait3A_239 : memref<1x8x4096xf32, #tpu.memory_space<hbm>> -> memref<8x4096xf32, #tpu.memory_space<hbm>>
    %dma_wait3A_241 = tpu.memref_slice %arg9[%dma_wait3A_232] : memref<2x!tpu.dma_semaphore, #tpu.memory_space<semaphore_mem>> -> memref<1x!tpu.dma_semaphore, #tpu.memory_space<semaphore_mem>>
    %dma_wait3A_242 = tpu.memref_squeeze %dma_wait3A_241 : memref<1x!tpu.dma_semaphore, #tpu.memory_space<semaphore_mem>> -> memref<!tpu.dma_semaphore, #tpu.memory_space<semaphore_mem>>
    %dma_wait3A_243 = arith.constant 0 : i32
    %dma_wait3A_244 = arith.constant 0 : i32
    %dma_wait3A_245 = tpu.memref_slice %arg4[%add3A_230, %dma_wait3A_243, %dma_wait3A_244] : memref<200x8x4096xf32, #tpu.memory_space<hbm>> -> memref<1x8x4096xf32, #tpu.memory_space<hbm>>
    %dma_wait3A_246 = tpu.memref_squeeze %dma_wait3A_245 : memref<1x8x4096xf32, #tpu.memory_space<hbm>> -> memref<8x4096xf32, #tpu.memory_space<hbm>>
    %dma_wait3A_247 = arith.constant 0 : i32
    %dma_wait3A_248 = arith.constant 0 : i32
    %dma_wait3A_249 = tpu.memref_slice %arg7[%dma_wait3A_231, %dma_wait3A_247, %dma_wait3A_248] : memref<2x8x4096xf32, #tpu.memory_space<vmem>> -> memref<1x8x4096xf32, #tpu.memory_space<vmem>>
    %dma_wait3A_250 = tpu.memref_squeeze %dma_wait3A_249 : memref<1x8x4096xf32, #tpu.memory_space<vmem>> -> memref<8x4096xf32, #tpu.memory_space<vmem>>
    tpu.wait_dma2 semaphore(%dma_wait3A_242 : memref<!tpu.dma_semaphore, #tpu.memory_space<semaphore_mem>>) src(%dma_wait3A_250 : memref<8x4096xf32, #tpu.memory_space<vmem>>) dst(%dma_wait3A_246 : memref<8x4096xf32, #tpu.memory_space<hbm>>)
    %add3A_251 = arith.constant 3 : i32
    %add3A_252 = arith.addi %select_n3A, %add3A_251 : i32
    %dma_start3A_253 = arith.constant 1 : i32
    %dma_start3A_254 = arith.constant 1 : i32
    %dma_start3A_255 = arith.constant 0 : i32
    %dma_start3A_256 = arith.constant 0 : i32
    %dma_start3A_257 = tpu.memref_slice %arg7[%dma_start3A_253, %dma_start3A_255, %dma_start3A_256] : memref<2x8x4096xf32, #tpu.memory_space<vmem>> -> memref<1x8x4096xf32, #tpu.memory_space<vmem>>
    %dma_start3A_258 = tpu.memref_squeeze %dma_start3A_257 : memref<1x8x4096xf32, #tpu.memory_space<vmem>> -> memref<8x4096xf32, #tpu.memory_space<vmem>>
    %dma_start3A_259 = arith.constant 0 : i32
    %dma_start3A_260 = arith.constant 0 : i32
    %dma_start3A_261 = tpu.memref_slice %arg4[%add3A_252, %dma_start3A_259, %dma_start3A_260] : memref<200x8x4096xf32, #tpu.memory_space<hbm>> -> memref<1x8x4096xf32, #tpu.memory_space<hbm>>
    %dma_start3A_262 = tpu.memref_squeeze %dma_start3A_261 : memref<1x8x4096xf32, #tpu.memory_space<hbm>> -> memref<8x4096xf32, #tpu.memory_space<hbm>>
    %dma_start3A_263 = tpu.memref_slice %arg9[%dma_start3A_254] : memref<2x!tpu.dma_semaphore, #tpu.memory_space<semaphore_mem>> -> memref<1x!tpu.dma_semaphore, #tpu.memory_space<semaphore_mem>>
    %dma_start3A_264 = tpu.memref_squeeze %dma_start3A_263 : memref<1x!tpu.dma_semaphore, #tpu.memory_space<semaphore_mem>> -> memref<!tpu.dma_semaphore, #tpu.memory_space<semaphore_mem>>
    %dma_start3A_265 = arith.constant 0 : i32
    %dma_start3A_266 = arith.constant 0 : i32
    %dma_start3A_267 = tpu.memref_slice %arg4[%add3A_252, %dma_start3A_265, %dma_start3A_266] : memref<200x8x4096xf32, #tpu.memory_space<hbm>> -> memref<1x8x4096xf32, #tpu.memory_space<hbm>>
    %dma_start3A_268 = tpu.memref_squeeze %dma_start3A_267 : memref<1x8x4096xf32, #tpu.memory_space<hbm>> -> memref<8x4096xf32, #tpu.memory_space<hbm>>
    %dma_start3A_269 = arith.constant 0 : i32
    %dma_start3A_270 = arith.constant 0 : i32
    %dma_start3A_271 = tpu.memref_slice %arg7[%dma_start3A_253, %dma_start3A_269, %dma_start3A_270] : memref<2x8x4096xf32, #tpu.memory_space<vmem>> -> memref<1x8x4096xf32, #tpu.memory_space<vmem>>
    %dma_start3A_272 = tpu.memref_squeeze %dma_start3A_271 : memref<1x8x4096xf32, #tpu.memory_space<vmem>> -> memref<8x4096xf32, #tpu.memory_space<vmem>>
    tpu.enqueue_dma source(%dma_start3A_272 : memref<8x4096xf32, #tpu.memory_space<vmem>>) target(%dma_start3A_268 : memref<8x4096xf32, #tpu.memory_space<hbm>>) target_semaphore(%dma_start3A_264 : memref<!tpu.dma_semaphore, #tpu.memory_space<semaphore_mem>>)
    %add3A_273 = arith.constant 4 : i32
    %add3A_274 = arith.addi %select_n3A, %add3A_273 : i32
    %mul3A_275 = arith.constant 4096 : i32
    %mul3A_276 = arith.muli %add3A_274, %mul3A_275 : i32
    %dma_wait3A_277 = arith.constant 0 : i32
    %dma_wait3A_278 = arith.constant 0 : i32
    %dma_wait3A_279 = arith.constant 0 : i32
    %dma_wait3A_280 = tpu.memref_slice %arg6[%dma_wait3A_277, %dma_wait3A_279] : memref<2x4096xi32, #tpu.memory_space<vmem>> -> memref<1x4096xi32, #tpu.memory_space<vmem>>
    %dma_wait3A_281 = tpu.memref_squeeze %dma_wait3A_280 : memref<1x4096xi32, #tpu.memory_space<vmem>> -> memref<4096xi32, #tpu.memory_space<vmem>>
    %dma_wait3A_282 = tpu.memref_slice %arg2[%mul3A_276] : memref<819200xi32, #tpu.memory_space<hbm>> -> memref<4096xi32, #tpu.memory_space<hbm>>
    %dma_wait3A_283 = tpu.memref_slice %arg8[%dma_wait3A_278] : memref<2x!tpu.dma_semaphore, #tpu.memory_space<semaphore_mem>> -> memref<1x!tpu.dma_semaphore, #tpu.memory_space<semaphore_mem>>
    %dma_wait3A_284 = tpu.memref_squeeze %dma_wait3A_283 : memref<1x!tpu.dma_semaphore, #tpu.memory_space<semaphore_mem>> -> memref<!tpu.dma_semaphore, #tpu.memory_space<semaphore_mem>>
    %dma_wait3A_285 = arith.constant 0 : i32
    %dma_wait3A_286 = tpu.memref_slice %arg6[%dma_wait3A_277, %dma_wait3A_285] : memref<2x4096xi32, #tpu.memory_space<vmem>> -> memref<1x4096xi32, #tpu.memory_space<vmem>>
    %dma_wait3A_287 = tpu.memref_squeeze %dma_wait3A_286 : memref<1x4096xi32, #tpu.memory_space<vmem>> -> memref<4096xi32, #tpu.memory_space<vmem>>
    %dma_wait3A_288 = tpu.memref_slice %arg2[%mul3A_276] : memref<819200xi32, #tpu.memory_space<hbm>> -> memref<4096xi32, #tpu.memory_space<hbm>>
    tpu.wait_dma2 semaphore(%dma_wait3A_284 : memref<!tpu.dma_semaphore, #tpu.memory_space<semaphore_mem>>) src(%dma_wait3A_288 : memref<4096xi32, #tpu.memory_space<hbm>>) dst(%dma_wait3A_287 : memref<4096xi32, #tpu.memory_space<vmem>>)
    %gt3A_289 = arith.constant 5 : i32
    %gt3A_290 = arith.cmpi sgt, %select_n3A_12, %gt3A_289 : i32
    %convert_element_type3A_291 = arith.extui %gt3A_290 : i1 to i32
    %cond3A_292 = arith.constant 0 : i32
    %cond3A_293 = arith.cmpi ne, %convert_element_type3A_291, %cond3A_292 : i32
    scf.if %cond3A_293 {
      %add3A_423 = arith.constant 5 : i32
      %add3A_424 = arith.addi %select_n3A, %add3A_423 : i32
      %mul3A_425 = arith.constant 4096 : i32
      %mul3A_426 = arith.muli %add3A_424, %mul3A_425 : i32
      %dma_start3A_427 = arith.constant 1 : i32
      %dma_start3A_428 = arith.constant 1 : i32
      %dma_start3A_429 = arith.constant 0 : i32
      %dma_start3A_430 = tpu.memref_slice %arg6[%dma_start3A_427, %dma_start3A_429] : memref<2x4096xi32, #tpu.memory_space<vmem>> -> memref<1x4096xi32, #tpu.memory_space<vmem>>
      %dma_start3A_431 = tpu.memref_squeeze %dma_start3A_430 : memref<1x4096xi32, #tpu.memory_space<vmem>> -> memref<4096xi32, #tpu.memory_space<vmem>>
      %dma_start3A_432 = tpu.memref_slice %arg2[%mul3A_426] : memref<819200xi32, #tpu.memory_space<hbm>> -> memref<4096xi32, #tpu.memory_space<hbm>>
      %dma_start3A_433 = tpu.memref_slice %arg8[%dma_start3A_428] : memref<2x!tpu.dma_semaphore, #tpu.memory_space<semaphore_mem>> -> memref<1x!tpu.dma_semaphore, #tpu.memory_space<semaphore_mem>>
      %dma_start3A_434 = tpu.memref_squeeze %dma_start3A_433 : memref<1x!tpu.dma_semaphore, #tpu.memory_space<semaphore_mem>> -> memref<!tpu.dma_semaphore, #tpu.memory_space<semaphore_mem>>
      %dma_start3A_435 = arith.constant 0 : i32
      %dma_start3A_436 = tpu.memref_slice %arg6[%dma_start3A_427, %dma_start3A_435] : memref<2x4096xi32, #tpu.memory_space<vmem>> -> memref<1x4096xi32, #tpu.memory_space<vmem>>
      %dma_start3A_437 = tpu.memref_squeeze %dma_start3A_436 : memref<1x4096xi32, #tpu.memory_space<vmem>> -> memref<4096xi32, #tpu.memory_space<vmem>>
      %dma_start3A_438 = tpu.memref_slice %arg2[%mul3A_426] : memref<819200xi32, #tpu.memory_space<hbm>> -> memref<4096xi32, #tpu.memory_space<hbm>>
      tpu.enqueue_dma source(%dma_start3A_438 : memref<4096xi32, #tpu.memory_space<hbm>>) target(%dma_start3A_437 : memref<4096xi32, #tpu.memory_space<vmem>>) target_semaphore(%dma_start3A_434 : memref<!tpu.dma_semaphore, #tpu.memory_space<semaphore_mem>>)
    } else {
    }
    %parallel_loop3A_294 = arith.constant 0 : i32
    %parallel_loop3A_295 = arith.constant 4096 : i32
    %parallel_loop3A_296 = arith.constant 16 : i32
    scf.for %parallel_loop3A_423 = %parallel_loop3A_294 to %parallel_loop3A_295 step %parallel_loop3A_296  : i32 {
      %parallel_loop3A_424 = tpu.assume_multiple %parallel_loop3A_423, 16 : i32
      %parallel_loop3A_425 = arith.constant 0 : i32
      %parallel_loop3A_426 = arith.index_cast %parallel_loop3A_425 : i32 to index
      %parallel_loop3A_427 = arith.index_cast %parallel_loop3A_424 : i32 to index
      %parallel_loop3A_428 = tpu.vector_load %arg6[%parallel_loop3A_426, %parallel_loop3A_427] {strides = array<i32>} : memref<2x4096xi32, #tpu.memory_space<vmem>>, vector<16xi32>,
      %parallel_loop3A_429 = arith.constant 8 : i32
      %parallel_loop3A_430 = vector.broadcast %parallel_loop3A_429 : i32 to vector<16xi32>
      %parallel_loop3A_431 = arith.muli %parallel_loop3A_428, %parallel_loop3A_430 : vector<16xi32>
      %parallel_loop3A_432 = arith.constant 0 : i32
      %parallel_loop3A_433 = vector.broadcast %parallel_loop3A_432 : i32 to vector<16xi32>
      %parallel_loop3A_434 = arith.addi %parallel_loop3A_431, %parallel_loop3A_433 : vector<16xi32>
      %parallel_loop3A_435 = tpu.vector_load_idx %arg5[%parallel_loop3A_434] : memref<256xf32, #tpu.memory_space<vmem>>[vector<16xi32>], vector<16xf32>,
      %parallel_loop3A_436 = arith.constant 0 : i32
      %parallel_loop3A_437 = arith.constant 0 : i32
      %parallel_loop3A_438 = arith.index_cast %parallel_loop3A_436 : i32 to index
      %parallel_loop3A_439 = arith.index_cast %parallel_loop3A_437 : i32 to index
      %parallel_loop3A_440 = arith.index_cast %parallel_loop3A_424 : i32 to index
      %parallel_loop3A_441 = tpu.vector_load %arg7[%parallel_loop3A_438, %parallel_loop3A_439, %parallel_loop3A_440] {strides = array<i32>} : memref<2x8x4096xf32, #tpu.memory_space<vmem>>, vector<16xf32>,
      tpu.vector_store %arg7[%parallel_loop3A_438, %parallel_loop3A_439, %parallel_loop3A_440], %parallel_loop3A_435 {strides = array<i32>} : memref<2x8x4096xf32, #tpu.memory_space<vmem>>, vector<16xf32>,
      %parallel_loop3A_442 = arith.constant 1 : i32
      %parallel_loop3A_443 = vector.broadcast %parallel_loop3A_442 : i32 to vector<16xi32>
      %parallel_loop3A_444 = arith.addi %parallel_loop3A_431, %parallel_loop3A_443 : vector<16xi32>
      %parallel_loop3A_445 = tpu.vector_load_idx %arg5[%parallel_loop3A_444] : memref<256xf32, #tpu.memory_space<vmem>>[vector<16xi32>], vector<16xf32>,
      %parallel_loop3A_446 = arith.constant 0 : i32
      %parallel_loop3A_447 = arith.constant 1 : i32
      %parallel_loop3A_448 = arith.index_cast %parallel_loop3A_446 : i32 to index
      %parallel_loop3A_449 = arith.index_cast %parallel_loop3A_447 : i32 to index
      %parallel_loop3A_450 = arith.index_cast %parallel_loop3A_424 : i32 to index
      %parallel_loop3A_451 = tpu.vector_load %arg7[%parallel_loop3A_448, %parallel_loop3A_449, %parallel_loop3A_450] {strides = array<i32>} : memref<2x8x4096xf32, #tpu.memory_space<vmem>>, vector<16xf32>,
      tpu.vector_store %arg7[%parallel_loop3A_448, %parallel_loop3A_449, %parallel_loop3A_450], %parallel_loop3A_445 {strides = array<i32>} : memref<2x8x4096xf32, #tpu.memory_space<vmem>>, vector<16xf32>,
      %parallel_loop3A_452 = arith.constant 2 : i32
      %parallel_loop3A_453 = vector.broadcast %parallel_loop3A_452 : i32 to vector<16xi32>
      %parallel_loop3A_454 = arith.addi %parallel_loop3A_431, %parallel_loop3A_453 : vector<16xi32>
      %parallel_loop3A_455 = tpu.vector_load_idx %arg5[%parallel_loop3A_454] : memref<256xf32, #tpu.memory_space<vmem>>[vector<16xi32>], vector<16xf32>,
      %parallel_loop3A_456 = arith.constant 0 : i32
      %parallel_loop3A_457 = arith.constant 2 : i32
      %parallel_loop3A_458 = arith.index_cast %parallel_loop3A_456 : i32 to index
      %parallel_loop3A_459 = arith.index_cast %parallel_loop3A_457 : i32 to index
      %parallel_loop3A_460 = arith.index_cast %parallel_loop3A_424 : i32 to index
      %parallel_loop3A_461 = tpu.vector_load %arg7[%parallel_loop3A_458, %parallel_loop3A_459, %parallel_loop3A_460] {strides = array<i32>} : memref<2x8x4096xf32, #tpu.memory_space<vmem>>, vector<16xf32>,
      tpu.vector_store %arg7[%parallel_loop3A_458, %parallel_loop3A_459, %parallel_loop3A_460], %parallel_loop3A_455 {strides = array<i32>} : memref<2x8x4096xf32, #tpu.memory_space<vmem>>, vector<16xf32>,
      %parallel_loop3A_462 = arith.constant 3 : i32
      %parallel_loop3A_463 = vector.broadcast %parallel_loop3A_462 : i32 to vector<16xi32>
      %parallel_loop3A_464 = arith.addi %parallel_loop3A_431, %parallel_loop3A_463 : vector<16xi32>
      %parallel_loop3A_465 = tpu.vector_load_idx %arg5[%parallel_loop3A_464] : memref<256xf32, #tpu.memory_space<vmem>>[vector<16xi32>], vector<16xf32>,
      %parallel_loop3A_466 = arith.constant 0 : i32
      %parallel_loop3A_467 = arith.constant 3 : i32
      %parallel_loop3A_468 = arith.index_cast %parallel_loop3A_466 : i32 to index
      %parallel_loop3A_469 = arith.index_cast %parallel_loop3A_467 : i32 to index
      %parallel_loop3A_470 = arith.index_cast %parallel_loop3A_424 : i32 to index
      %parallel_loop3A_471 = tpu.vector_load %arg7[%parallel_loop3A_468, %parallel_loop3A_469, %parallel_loop3A_470] {strides = array<i32>} : memref<2x8x4096xf32, #tpu.memory_space<vmem>>, vector<16xf32>,
      tpu.vector_store %arg7[%parallel_loop3A_468, %parallel_loop3A_469, %parallel_loop3A_470], %parallel_loop3A_465 {strides = array<i32>} : memref<2x8x4096xf32, #tpu.memory_space<vmem>>, vector<16xf32>,
      %parallel_loop3A_472 = arith.constant 4 : i32
      %parallel_loop3A_473 = vector.broadcast %parallel_loop3A_472 : i32 to vector<16xi32>
      %parallel_loop3A_474 = arith.addi %parallel_loop3A_431, %parallel_loop3A_473 : vector<16xi32>
      %parallel_loop3A_475 = tpu.vector_load_idx %arg5[%parallel_loop3A_474] : memref<256xf32, #tpu.memory_space<vmem>>[vector<16xi32>], vector<16xf32>,
      %parallel_loop3A_476 = arith.constant 0 : i32
      %parallel_loop3A_477 = arith.constant 4 : i32
      %parallel_loop3A_478 = arith.index_cast %parallel_loop3A_476 : i32 to index
      %parallel_loop3A_479 = arith.index_cast %parallel_loop3A_477 : i32 to index
      %parallel_loop3A_480 = arith.index_cast %parallel_loop3A_424 : i32 to index
      %parallel_loop3A_481 = tpu.vector_load %arg7[%parallel_loop3A_478, %parallel_loop3A_479, %parallel_loop3A_480] {strides = array<i32>} : memref<2x8x4096xf32, #tpu.memory_space<vmem>>, vector<16xf32>,
      tpu.vector_store %arg7[%parallel_loop3A_478, %parallel_loop3A_479, %parallel_loop3A_480], %parallel_loop3A_475 {strides = array<i32>} : memref<2x8x4096xf32, #tpu.memory_space<vmem>>, vector<16xf32>,
      %parallel_loop3A_482 = arith.constant 5 : i32
      %parallel_loop3A_483 = vector.broadcast %parallel_loop3A_482 : i32 to vector<16xi32>
      %parallel_loop3A_484 = arith.addi %parallel_loop3A_431, %parallel_loop3A_483 : vector<16xi32>
      %parallel_loop3A_485 = tpu.vector_load_idx %arg5[%parallel_loop3A_484] : memref<256xf32, #tpu.memory_space<vmem>>[vector<16xi32>], vector<16xf32>,
      %parallel_loop3A_486 = arith.constant 0 : i32
      %parallel_loop3A_487 = arith.constant 5 : i32
      %parallel_loop3A_488 = arith.index_cast %parallel_loop3A_486 : i32 to index
      %parallel_loop3A_489 = arith.index_cast %parallel_loop3A_487 : i32 to index
      %parallel_loop3A_490 = arith.index_cast %parallel_loop3A_424 : i32 to index
      %parallel_loop3A_491 = tpu.vector_load %arg7[%parallel_loop3A_488, %parallel_loop3A_489, %parallel_loop3A_490] {strides = array<i32>} : memref<2x8x4096xf32, #tpu.memory_space<vmem>>, vector<16xf32>,
      tpu.vector_store %arg7[%parallel_loop3A_488, %parallel_loop3A_489, %parallel_loop3A_490], %parallel_loop3A_485 {strides = array<i32>} : memref<2x8x4096xf32, #tpu.memory_space<vmem>>, vector<16xf32>,
      %parallel_loop3A_492 = arith.constant 6 : i32
      %parallel_loop3A_493 = vector.broadcast %parallel_loop3A_492 : i32 to vector<16xi32>
      %parallel_loop3A_494 = arith.addi %parallel_loop3A_431, %parallel_loop3A_493 : vector<16xi32>
      %parallel_loop3A_495 = tpu.vector_load_idx %arg5[%parallel_loop3A_494] : memref<256xf32, #tpu.memory_space<vmem>>[vector<16xi32>], vector<16xf32>,
      %parallel_loop3A_496 = arith.constant 0 : i32
      %parallel_loop3A_497 = arith.constant 6 : i32
      %parallel_loop3A_498 = arith.index_cast %parallel_loop3A_496 : i32 to index
      %parallel_loop3A_499 = arith.index_cast %parallel_loop3A_497 : i32 to index
      %parallel_loop3A_500 = arith.index_cast %parallel_loop3A_424 : i32 to index
      %parallel_loop3A_501 = tpu.vector_load %arg7[%parallel_loop3A_498, %parallel_loop3A_499, %parallel_loop3A_500] {strides = array<i32>} : memref<2x8x4096xf32, #tpu.memory_space<vmem>>, vector<16xf32>,
      tpu.vector_store %arg7[%parallel_loop3A_498, %parallel_loop3A_499, %parallel_loop3A_500], %parallel_loop3A_495 {strides = array<i32>} : memref<2x8x4096xf32, #tpu.memory_space<vmem>>, vector<16xf32>,
      %parallel_loop3A_502 = arith.constant 7 : i32
      %parallel_loop3A_503 = vector.broadcast %parallel_loop3A_502 : i32 to vector<16xi32>
      %parallel_loop3A_504 = arith.addi %parallel_loop3A_431, %parallel_loop3A_503 : vector<16xi32>
      %parallel_loop3A_505 = tpu.vector_load_idx %arg5[%parallel_loop3A_504] : memref<256xf32, #tpu.memory_space<vmem>>[vector<16xi32>], vector<16xf32>,
      %parallel_loop3A_506 = arith.constant 0 : i32
      %parallel_loop3A_507 = arith.constant 7 : i32
      %parallel_loop3A_508 = arith.index_cast %parallel_loop3A_506 : i32 to index
      %parallel_loop3A_509 = arith.index_cast %parallel_loop3A_507 : i32 to index
      %parallel_loop3A_510 = arith.index_cast %parallel_loop3A_424 : i32 to index
      %parallel_loop3A_511 = tpu.vector_load %arg7[%parallel_loop3A_508, %parallel_loop3A_509, %parallel_loop3A_510] {strides = array<i32>} : memref<2x8x4096xf32, #tpu.memory_space<vmem>>, vector<16xf32>,
      tpu.vector_store %arg7[%parallel_loop3A_508, %parallel_loop3A_509, %parallel_loop3A_510], %parallel_loop3A_505 {strides = array<i32>} : memref<2x8x4096xf32, #tpu.memory_space<vmem>>, vector<16xf32>,
    } {sc.loop_unroll_factor = 8 : i64, sc.parallel_access}
    %add3A_297 = arith.constant 3 : i32
    %add3A_298 = arith.addi %select_n3A, %add3A_297 : i32
    %dma_wait3A_299 = arith.constant 1 : i32
    %dma_wait3A_300 = arith.constant 1 : i32
    %dma_wait3A_301 = arith.constant 0 : i32
    %dma_wait3A_302 = arith.constant 0 : i32
    %dma_wait3A_303 = tpu.memref_slice %arg7[%dma_wait3A_299, %dma_wait3A_301, %dma_wait3A_302] : memref<2x8x4096xf32, #tpu.memory_space<vmem>> -> memref<1x8x4096xf32, #tpu.memory_space<vmem>>
    %dma_wait3A_304 = tpu.memref_squeeze %dma_wait3A_303 : memref<1x8x4096xf32, #tpu.memory_space<vmem>> -> memref<8x4096xf32, #tpu.memory_space<vmem>>
    %dma_wait3A_305 = arith.constant 0 : i32
    %dma_wait3A_306 = arith.constant 0 : i32
    %dma_wait3A_307 = tpu.memref_slice %arg4[%add3A_298, %dma_wait3A_305, %dma_wait3A_306] : memref<200x8x4096xf32, #tpu.memory_space<hbm>> -> memref<1x8x4096xf32, #tpu.memory_space<hbm>>
    %dma_wait3A_308 = tpu.memref_squeeze %dma_wait3A_307 : memref<1x8x4096xf32, #tpu.memory_space<hbm>> -> memref<8x4096xf32, #tpu.memory_space<hbm>>
    %dma_wait3A_309 = tpu.memref_slice %arg9[%dma_wait3A_300] : memref<2x!tpu.dma_semaphore, #tpu.memory_space<semaphore_mem>> -> memref<1x!tpu.dma_semaphore, #tpu.memory_space<semaphore_mem>>
    %dma_wait3A_310 = tpu.memref_squeeze %dma_wait3A_309 : memref<1x!tpu.dma_semaphore, #tpu.memory_space<semaphore_mem>> -> memref<!tpu.dma_semaphore, #tpu.memory_space<semaphore_mem>>
    %dma_wait3A_311 = arith.constant 0 : i32
    %dma_wait3A_312 = arith.constant 0 : i32
    %dma_wait3A_313 = tpu.memref_slice %arg4[%add3A_298, %dma_wait3A_311, %dma_wait3A_312] : memref<200x8x4096xf32, #tpu.memory_space<hbm>> -> memref<1x8x4096xf32, #tpu.memory_space<hbm>>
    %dma_wait3A_314 = tpu.memref_squeeze %dma_wait3A_313 : memref<1x8x4096xf32, #tpu.memory_space<hbm>> -> memref<8x4096xf32, #tpu.memory_space<hbm>>
    %dma_wait3A_315 = arith.constant 0 : i32
    %dma_wait3A_316 = arith.constant 0 : i32
    %dma_wait3A_317 = tpu.memref_slice %arg7[%dma_wait3A_299, %dma_wait3A_315, %dma_wait3A_316] : memref<2x8x4096xf32, #tpu.memory_space<vmem>> -> memref<1x8x4096xf32, #tpu.memory_space<vmem>>
    %dma_wait3A_318 = tpu.memref_squeeze %dma_wait3A_317 : memref<1x8x4096xf32, #tpu.memory_space<vmem>> -> memref<8x4096xf32, #tpu.memory_space<vmem>>
    tpu.wait_dma2 semaphore(%dma_wait3A_310 : memref<!tpu.dma_semaphore, #tpu.memory_space<semaphore_mem>>) src(%dma_wait3A_318 : memref<8x4096xf32, #tpu.memory_space<vmem>>) dst(%dma_wait3A_314 : memref<8x4096xf32, #tpu.memory_space<hbm>>)
    %add3A_319 = arith.constant 4 : i32
    %add3A_320 = arith.addi %select_n3A, %add3A_319 : i32
    %dma_start3A_321 = arith.constant 0 : i32
    %dma_start3A_322 = arith.constant 0 : i32
    %dma_start3A_323 = arith.constant 0 : i32
    %dma_start3A_324 = arith.constant 0 : i32
    %dma_start3A_325 = tpu.memref_slice %arg7[%dma_start3A_321, %dma_start3A_323, %dma_start3A_324] : memref<2x8x4096xf32, #tpu.memory_space<vmem>> -> memref<1x8x4096xf32, #tpu.memory_space<vmem>>
    %dma_start3A_326 = tpu.memref_squeeze %dma_start3A_325 : memref<1x8x4096xf32, #tpu.memory_space<vmem>> -> memref<8x4096xf32, #tpu.memory_space<vmem>>
    %dma_start3A_327 = arith.constant 0 : i32
    %dma_start3A_328 = arith.constant 0 : i32
    %dma_start3A_329 = tpu.memref_slice %arg4[%add3A_320, %dma_start3A_327, %dma_start3A_328] : memref<200x8x4096xf32, #tpu.memory_space<hbm>> -> memref<1x8x4096xf32, #tpu.memory_space<hbm>>
    %dma_start3A_330 = tpu.memref_squeeze %dma_start3A_329 : memref<1x8x4096xf32, #tpu.memory_space<hbm>> -> memref<8x4096xf32, #tpu.memory_space<hbm>>
    %dma_start3A_331 = tpu.memref_slice %arg9[%dma_start3A_322] : memref<2x!tpu.dma_semaphore, #tpu.memory_space<semaphore_mem>> -> memref<1x!tpu.dma_semaphore, #tpu.memory_space<semaphore_mem>>
    %dma_start3A_332 = tpu.memref_squeeze %dma_start3A_331 : memref<1x!tpu.dma_semaphore, #tpu.memory_space<semaphore_mem>> -> memref<!tpu.dma_semaphore, #tpu.memory_space<semaphore_mem>>
    %dma_start3A_333 = arith.constant 0 : i32
    %dma_start3A_334 = arith.constant 0 : i32
    %dma_start3A_335 = tpu.memref_slice %arg4[%add3A_320, %dma_start3A_333, %dma_start3A_334] : memref<200x8x4096xf32, #tpu.memory_space<hbm>> -> memref<1x8x4096xf32, #tpu.memory_space<hbm>>
    %dma_start3A_336 = tpu.memref_squeeze %dma_start3A_335 : memref<1x8x4096xf32, #tpu.memory_space<hbm>> -> memref<8x4096xf32, #tpu.memory_space<hbm>>
    %dma_start3A_337 = arith.constant 0 : i32
    %dma_start3A_338 = arith.constant 0 : i32
    %dma_start3A_339 = tpu.memref_slice %arg7[%dma_start3A_321, %dma_start3A_337, %dma_start3A_338] : memref<2x8x4096xf32, #tpu.memory_space<vmem>> -> memref<1x8x4096xf32, #tpu.memory_space<vmem>>
    %dma_start3A_340 = tpu.memref_squeeze %dma_start3A_339 : memref<1x8x4096xf32, #tpu.memory_space<vmem>> -> memref<8x4096xf32, #tpu.memory_space<vmem>>
    tpu.enqueue_dma source(%dma_start3A_340 : memref<8x4096xf32, #tpu.memory_space<vmem>>) target(%dma_start3A_336 : memref<8x4096xf32, #tpu.memory_space<hbm>>) target_semaphore(%dma_start3A_332 : memref<!tpu.dma_semaphore, #tpu.memory_space<semaphore_mem>>)
    %add3A_341 = arith.constant 5 : i32
    %add3A_342 = arith.addi %select_n3A, %add3A_341 : i32
    %mul3A_343 = arith.constant 4096 : i32
    %mul3A_344 = arith.muli %add3A_342, %mul3A_343 : i32
    %dma_wait3A_345 = arith.constant 1 : i32
    %dma_wait3A_346 = arith.constant 1 : i32
    %dma_wait3A_347 = arith.constant 0 : i32
    %dma_wait3A_348 = tpu.memref_slice %arg6[%dma_wait3A_345, %dma_wait3A_347] : memref<2x4096xi32, #tpu.memory_space<vmem>> -> memref<1x4096xi32, #tpu.memory_space<vmem>>
    %dma_wait3A_349 = tpu.memref_squeeze %dma_wait3A_348 : memref<1x4096xi32, #tpu.memory_space<vmem>> -> memref<4096xi32, #tpu.memory_space<vmem>>
    %dma_wait3A_350 = tpu.memref_slice %arg2[%mul3A_344] : memref<819200xi32, #tpu.memory_space<hbm>> -> memref<4096xi32, #tpu.memory_space<hbm>>
    %dma_wait3A_351 = tpu.memref_slice %arg8[%dma_wait3A_346] : memref<2x!tpu.dma_semaphore, #tpu.memory_space<semaphore_mem>> -> memref<1x!tpu.dma_semaphore, #tpu.memory_space<semaphore_mem>>
    %dma_wait3A_352 = tpu.memref_squeeze %dma_wait3A_351 : memref<1x!tpu.dma_semaphore, #tpu.memory_space<semaphore_mem>> -> memref<!tpu.dma_semaphore, #tpu.memory_space<semaphore_mem>>
    %dma_wait3A_353 = arith.constant 0 : i32
    %dma_wait3A_354 = tpu.memref_slice %arg6[%dma_wait3A_345, %dma_wait3A_353] : memref<2x4096xi32, #tpu.memory_space<vmem>> -> memref<1x4096xi32, #tpu.memory_space<vmem>>
    %dma_wait3A_355 = tpu.memref_squeeze %dma_wait3A_354 : memref<1x4096xi32, #tpu.memory_space<vmem>> -> memref<4096xi32, #tpu.memory_space<vmem>>
    %dma_wait3A_356 = tpu.memref_slice %arg2[%mul3A_344] : memref<819200xi32, #tpu.memory_space<hbm>> -> memref<4096xi32, #tpu.memory_space<hbm>>
    tpu.wait_dma2 semaphore(%dma_wait3A_352 : memref<!tpu.dma_semaphore, #tpu.memory_space<semaphore_mem>>) src(%dma_wait3A_356 : memref<4096xi32, #tpu.memory_space<hbm>>) dst(%dma_wait3A_355 : memref<4096xi32, #tpu.memory_space<vmem>>)
    %gt3A_357 = arith.constant 6 : i32
    %gt3A_358 = arith.cmpi sgt, %select_n3A_12, %gt3A_357 : i32
    %convert_element_type3A_359 = arith.extui %gt3A_358 : i1 to i32
    %cond3A_360 = arith.constant 0 : i32
    %cond3A_361 = arith.cmpi ne, %convert_element_type3A_359, %cond3A_360 : i32
    scf.if %cond3A_361 {
      %add3A_423 = arith.constant 6 : i32
      %add3A_424 = arith.addi %select_n3A, %add3A_423 : i32
      %mul3A_425 = arith.constant 4096 : i32
      %mul3A_426 = arith.muli %add3A_424, %mul3A_425 : i32
      %dma_start3A_427 = arith.constant 0 : i32
      %dma_start3A_428 = arith.constant 0 : i32
      %dma_start3A_429 = arith.constant 0 : i32
      %dma_start3A_430 = tpu.memref_slice %arg6[%dma_start3A_427, %dma_start3A_429] : memref<2x4096xi32, #tpu.memory_space<vmem>> -> memref<1x4096xi32, #tpu.memory_space<vmem>>
      %dma_start3A_431 = tpu.memref_squeeze %dma_start3A_430 : memref<1x4096xi32, #tpu.memory_space<vmem>> -> memref<4096xi32, #tpu.memory_space<vmem>>
      %dma_start3A_432 = tpu.memref_slice %arg2[%mul3A_426] : memref<819200xi32, #tpu.memory_space<hbm>> -> memref<4096xi32, #tpu.memory_space<hbm>>
      %dma_start3A_433 = tpu.memref_slice %arg8[%dma_start3A_428] : memref<2x!tpu.dma_semaphore, #tpu.memory_space<semaphore_mem>> -> memref<1x!tpu.dma_semaphore, #tpu.memory_space<semaphore_mem>>
      %dma_start3A_434 = tpu.memref_squeeze %dma_start3A_433 : memref<1x!tpu.dma_semaphore, #tpu.memory_space<semaphore_mem>> -> memref<!tpu.dma_semaphore, #tpu.memory_space<semaphore_mem>>
      %dma_start3A_435 = arith.constant 0 : i32
      %dma_start3A_436 = tpu.memref_slice %arg6[%dma_start3A_427, %dma_start3A_435] : memref<2x4096xi32, #tpu.memory_space<vmem>> -> memref<1x4096xi32, #tpu.memory_space<vmem>>
      %dma_start3A_437 = tpu.memref_squeeze %dma_start3A_436 : memref<1x4096xi32, #tpu.memory_space<vmem>> -> memref<4096xi32, #tpu.memory_space<vmem>>
      %dma_start3A_438 = tpu.memref_slice %arg2[%mul3A_426] : memref<819200xi32, #tpu.memory_space<hbm>> -> memref<4096xi32, #tpu.memory_space<hbm>>
      tpu.enqueue_dma source(%dma_start3A_438 : memref<4096xi32, #tpu.memory_space<hbm>>) target(%dma_start3A_437 : memref<4096xi32, #tpu.memory_space<vmem>>) target_semaphore(%dma_start3A_434 : memref<!tpu.dma_semaphore, #tpu.memory_space<semaphore_mem>>)
    } else {
    }
    %parallel_loop3A_362 = arith.constant 0 : i32
    %parallel_loop3A_363 = arith.constant 4096 : i32
    %parallel_loop3A_364 = arith.constant 16 : i32
    scf.for %parallel_loop3A_423 = %parallel_loop3A_362 to %parallel_loop3A_363 step %parallel_loop3A_364  : i32 {
      %parallel_loop3A_424 = tpu.assume_multiple %parallel_loop3A_423, 16 : i32
      %parallel_loop3A_425 = arith.constant 1 : i32
      %parallel_loop3A_426 = arith.index_cast %parallel_loop3A_425 : i32 to index
      %parallel_loop3A_427 = arith.index_cast %parallel_loop3A_424 : i32 to index
      %parallel_loop3A_428 = tpu.vector_load %arg6[%parallel_loop3A_426, %parallel_loop3A_427] {strides = array<i32>} : memref<2x4096xi32, #tpu.memory_space<vmem>>, vector<16xi32>,
      %parallel_loop3A_429 = arith.constant 8 : i32
      %parallel_loop3A_430 = vector.broadcast %parallel_loop3A_429 : i32 to vector<16xi32>
      %parallel_loop3A_431 = arith.muli %parallel_loop3A_428, %parallel_loop3A_430 : vector<16xi32>
      %parallel_loop3A_432 = arith.constant 0 : i32
      %parallel_loop3A_433 = vector.broadcast %parallel_loop3A_432 : i32 to vector<16xi32>
      %parallel_loop3A_434 = arith.addi %parallel_loop3A_431, %parallel_loop3A_433 : vector<16xi32>
      %parallel_loop3A_435 = tpu.vector_load_idx %arg5[%parallel_loop3A_434] : memref<256xf32, #tpu.memory_space<vmem>>[vector<16xi32>], vector<16xf32>,
      %parallel_loop3A_436 = arith.constant 1 : i32
      %parallel_loop3A_437 = arith.constant 0 : i32
      %parallel_loop3A_438 = arith.index_cast %parallel_loop3A_436 : i32 to index
      %parallel_loop3A_439 = arith.index_cast %parallel_loop3A_437 : i32 to index
      %parallel_loop3A_440 = arith.index_cast %parallel_loop3A_424 : i32 to index
      %parallel_loop3A_441 = tpu.vector_load %arg7[%parallel_loop3A_438, %parallel_loop3A_439, %parallel_loop3A_440] {strides = array<i32>} : memref<2x8x4096xf32, #tpu.memory_space<vmem>>, vector<16xf32>,
      tpu.vector_store %arg7[%parallel_loop3A_438, %parallel_loop3A_439, %parallel_loop3A_440], %parallel_loop3A_435 {strides = array<i32>} : memref<2x8x4096xf32, #tpu.memory_space<vmem>>, vector<16xf32>,
      %parallel_loop3A_442 = arith.constant 1 : i32
      %parallel_loop3A_443 = vector.broadcast %parallel_loop3A_442 : i32 to vector<16xi32>
      %parallel_loop3A_444 = arith.addi %parallel_loop3A_431, %parallel_loop3A_443 : vector<16xi32>
      %parallel_loop3A_445 = tpu.vector_load_idx %arg5[%parallel_loop3A_444] : memref<256xf32, #tpu.memory_space<vmem>>[vector<16xi32>], vector<16xf32>,
      %parallel_loop3A_446 = arith.constant 1 : i32
      %parallel_loop3A_447 = arith.constant 1 : i32
      %parallel_loop3A_448 = arith.index_cast %parallel_loop3A_446 : i32 to index
      %parallel_loop3A_449 = arith.index_cast %parallel_loop3A_447 : i32 to index
      %parallel_loop3A_450 = arith.index_cast %parallel_loop3A_424 : i32 to index
      %parallel_loop3A_451 = tpu.vector_load %arg7[%parallel_loop3A_448, %parallel_loop3A_449, %parallel_loop3A_450] {strides = array<i32>} : memref<2x8x4096xf32, #tpu.memory_space<vmem>>, vector<16xf32>,
      tpu.vector_store %arg7[%parallel_loop3A_448, %parallel_loop3A_449, %parallel_loop3A_450], %parallel_loop3A_445 {strides = array<i32>} : memref<2x8x4096xf32, #tpu.memory_space<vmem>>, vector<16xf32>,
      %parallel_loop3A_452 = arith.constant 2 : i32
      %parallel_loop3A_453 = vector.broadcast %parallel_loop3A_452 : i32 to vector<16xi32>
      %parallel_loop3A_454 = arith.addi %parallel_loop3A_431, %parallel_loop3A_453 : vector<16xi32>
      %parallel_loop3A_455 = tpu.vector_load_idx %arg5[%parallel_loop3A_454] : memref<256xf32, #tpu.memory_space<vmem>>[vector<16xi32>], vector<16xf32>,
      %parallel_loop3A_456 = arith.constant 1 : i32
      %parallel_loop3A_457 = arith.constant 2 : i32
      %parallel_loop3A_458 = arith.index_cast %parallel_loop3A_456 : i32 to index
      %parallel_loop3A_459 = arith.index_cast %parallel_loop3A_457 : i32 to index
      %parallel_loop3A_460 = arith.index_cast %parallel_loop3A_424 : i32 to index
      %parallel_loop3A_461 = tpu.vector_load %arg7[%parallel_loop3A_458, %parallel_loop3A_459, %parallel_loop3A_460] {strides = array<i32>} : memref<2x8x4096xf32, #tpu.memory_space<vmem>>, vector<16xf32>,
      tpu.vector_store %arg7[%parallel_loop3A_458, %parallel_loop3A_459, %parallel_loop3A_460], %parallel_loop3A_455 {strides = array<i32>} : memref<2x8x4096xf32, #tpu.memory_space<vmem>>, vector<16xf32>,
      %parallel_loop3A_462 = arith.constant 3 : i32
      %parallel_loop3A_463 = vector.broadcast %parallel_loop3A_462 : i32 to vector<16xi32>
      %parallel_loop3A_464 = arith.addi %parallel_loop3A_431, %parallel_loop3A_463 : vector<16xi32>
      %parallel_loop3A_465 = tpu.vector_load_idx %arg5[%parallel_loop3A_464] : memref<256xf32, #tpu.memory_space<vmem>>[vector<16xi32>], vector<16xf32>,
      %parallel_loop3A_466 = arith.constant 1 : i32
      %parallel_loop3A_467 = arith.constant 3 : i32
      %parallel_loop3A_468 = arith.index_cast %parallel_loop3A_466 : i32 to index
      %parallel_loop3A_469 = arith.index_cast %parallel_loop3A_467 : i32 to index
      %parallel_loop3A_470 = arith.index_cast %parallel_loop3A_424 : i32 to index
      %parallel_loop3A_471 = tpu.vector_load %arg7[%parallel_loop3A_468, %parallel_loop3A_469, %parallel_loop3A_470] {strides = array<i32>} : memref<2x8x4096xf32, #tpu.memory_space<vmem>>, vector<16xf32>,
      tpu.vector_store %arg7[%parallel_loop3A_468, %parallel_loop3A_469, %parallel_loop3A_470], %parallel_loop3A_465 {strides = array<i32>} : memref<2x8x4096xf32, #tpu.memory_space<vmem>>, vector<16xf32>,
      %parallel_loop3A_472 = arith.constant 4 : i32
      %parallel_loop3A_473 = vector.broadcast %parallel_loop3A_472 : i32 to vector<16xi32>
      %parallel_loop3A_474 = arith.addi %parallel_loop3A_431, %parallel_loop3A_473 : vector<16xi32>
      %parallel_loop3A_475 = tpu.vector_load_idx %arg5[%parallel_loop3A_474] : memref<256xf32, #tpu.memory_space<vmem>>[vector<16xi32>], vector<16xf32>,
      %parallel_loop3A_476 = arith.constant 1 : i32
      %parallel_loop3A_477 = arith.constant 4 : i32
      %parallel_loop3A_478 = arith.index_cast %parallel_loop3A_476 : i32 to index
      %parallel_loop3A_479 = arith.index_cast %parallel_loop3A_477 : i32 to index
      %parallel_loop3A_480 = arith.index_cast %parallel_loop3A_424 : i32 to index
      %parallel_loop3A_481 = tpu.vector_load %arg7[%parallel_loop3A_478, %parallel_loop3A_479, %parallel_loop3A_480] {strides = array<i32>} : memref<2x8x4096xf32, #tpu.memory_space<vmem>>, vector<16xf32>,
      tpu.vector_store %arg7[%parallel_loop3A_478, %parallel_loop3A_479, %parallel_loop3A_480], %parallel_loop3A_475 {strides = array<i32>} : memref<2x8x4096xf32, #tpu.memory_space<vmem>>, vector<16xf32>,
      %parallel_loop3A_482 = arith.constant 5 : i32
      %parallel_loop3A_483 = vector.broadcast %parallel_loop3A_482 : i32 to vector<16xi32>
      %parallel_loop3A_484 = arith.addi %parallel_loop3A_431, %parallel_loop3A_483 : vector<16xi32>
      %parallel_loop3A_485 = tpu.vector_load_idx %arg5[%parallel_loop3A_484] : memref<256xf32, #tpu.memory_space<vmem>>[vector<16xi32>], vector<16xf32>,
      %parallel_loop3A_486 = arith.constant 1 : i32
      %parallel_loop3A_487 = arith.constant 5 : i32
      %parallel_loop3A_488 = arith.index_cast %parallel_loop3A_486 : i32 to index
      %parallel_loop3A_489 = arith.index_cast %parallel_loop3A_487 : i32 to index
      %parallel_loop3A_490 = arith.index_cast %parallel_loop3A_424 : i32 to index
      %parallel_loop3A_491 = tpu.vector_load %arg7[%parallel_loop3A_488, %parallel_loop3A_489, %parallel_loop3A_490] {strides = array<i32>} : memref<2x8x4096xf32, #tpu.memory_space<vmem>>, vector<16xf32>,
      tpu.vector_store %arg7[%parallel_loop3A_488, %parallel_loop3A_489, %parallel_loop3A_490], %parallel_loop3A_485 {strides = array<i32>} : memref<2x8x4096xf32, #tpu.memory_space<vmem>>, vector<16xf32>,
      %parallel_loop3A_492 = arith.constant 6 : i32
      %parallel_loop3A_493 = vector.broadcast %parallel_loop3A_492 : i32 to vector<16xi32>
      %parallel_loop3A_494 = arith.addi %parallel_loop3A_431, %parallel_loop3A_493 : vector<16xi32>
      %parallel_loop3A_495 = tpu.vector_load_idx %arg5[%parallel_loop3A_494] : memref<256xf32, #tpu.memory_space<vmem>>[vector<16xi32>], vector<16xf32>,
      %parallel_loop3A_496 = arith.constant 1 : i32
      %parallel_loop3A_497 = arith.constant 6 : i32
      %parallel_loop3A_498 = arith.index_cast %parallel_loop3A_496 : i32 to index
      %parallel_loop3A_499 = arith.index_cast %parallel_loop3A_497 : i32 to index
      %parallel_loop3A_500 = arith.index_cast %parallel_loop3A_424 : i32 to index
      %parallel_loop3A_501 = tpu.vector_load %arg7[%parallel_loop3A_498, %parallel_loop3A_499, %parallel_loop3A_500] {strides = array<i32>} : memref<2x8x4096xf32, #tpu.memory_space<vmem>>, vector<16xf32>,
      tpu.vector_store %arg7[%parallel_loop3A_498, %parallel_loop3A_499, %parallel_loop3A_500], %parallel_loop3A_495 {strides = array<i32>} : memref<2x8x4096xf32, #tpu.memory_space<vmem>>, vector<16xf32>,
      %parallel_loop3A_502 = arith.constant 7 : i32
      %parallel_loop3A_503 = vector.broadcast %parallel_loop3A_502 : i32 to vector<16xi32>
      %parallel_loop3A_504 = arith.addi %parallel_loop3A_431, %parallel_loop3A_503 : vector<16xi32>
      %parallel_loop3A_505 = tpu.vector_load_idx %arg5[%parallel_loop3A_504] : memref<256xf32, #tpu.memory_space<vmem>>[vector<16xi32>], vector<16xf32>,
      %parallel_loop3A_506 = arith.constant 1 : i32
      %parallel_loop3A_507 = arith.constant 7 : i32
      %parallel_loop3A_508 = arith.index_cast %parallel_loop3A_506 : i32 to index
      %parallel_loop3A_509 = arith.index_cast %parallel_loop3A_507 : i32 to index
      %parallel_loop3A_510 = arith.index_cast %parallel_loop3A_424 : i32 to index
      %parallel_loop3A_511 = tpu.vector_load %arg7[%parallel_loop3A_508, %parallel_loop3A_509, %parallel_loop3A_510] {strides = array<i32>} : memref<2x8x4096xf32, #tpu.memory_space<vmem>>, vector<16xf32>,
      tpu.vector_store %arg7[%parallel_loop3A_508, %parallel_loop3A_509, %parallel_loop3A_510], %parallel_loop3A_505 {strides = array<i32>} : memref<2x8x4096xf32, #tpu.memory_space<vmem>>, vector<16xf32>,
    } {sc.loop_unroll_factor = 8 : i64, sc.parallel_access}
    %add3A_365 = arith.constant 4 : i32
    %add3A_366 = arith.addi %select_n3A, %add3A_365 : i32
    %dma_wait3A_367 = arith.constant 0 : i32
    %dma_wait3A_368 = arith.constant 0 : i32
    %dma_wait3A_369 = arith.constant 0 : i32
    %dma_wait3A_370 = arith.constant 0 : i32
    %dma_wait3A_371 = tpu.memref_slice %arg7[%dma_wait3A_367, %dma_wait3A_369, %dma_wait3A_370] : memref<2x8x4096xf32, #tpu.memory_space<vmem>> -> memref<1x8x4096xf32, #tpu.memory_space<vmem>>
    %dma_wait3A_372 = tpu.memref_squeeze %dma_wait3A_371 : memref<1x8x4096xf32, #tpu.memory_space<vmem>> -> memref<8x4096xf32, #tpu.memory_space<vmem>>
    %dma_wait3A_373 = arith.constant 0 : i32
    %dma_wait3A_374 = arith.constant 0 : i32
    %dma_wait3A_375 = tpu.memref_slice %arg4[%add3A_366, %dma_wait3A_373, %dma_wait3A_374] : memref<200x8x4096xf32, #tpu.memory_space<hbm>> -> memref<1x8x4096xf32, #tpu.memory_space<hbm>>
    %dma_wait3A_376 = tpu.memref_squeeze %dma_wait3A_375 : memref<1x8x4096xf32, #tpu.memory_space<hbm>> -> memref<8x4096xf32, #tpu.memory_space<hbm>>
    %dma_wait3A_377 = tpu.memref_slice %arg9[%dma_wait3A_368] : memref<2x!tpu.dma_semaphore, #tpu.memory_space<semaphore_mem>> -> memref<1x!tpu.dma_semaphore, #tpu.memory_space<semaphore_mem>>
    %dma_wait3A_378 = tpu.memref_squeeze %dma_wait3A_377 : memref<1x!tpu.dma_semaphore, #tpu.memory_space<semaphore_mem>> -> memref<!tpu.dma_semaphore, #tpu.memory_space<semaphore_mem>>
    %dma_wait3A_379 = arith.constant 0 : i32
    %dma_wait3A_380 = arith.constant 0 : i32
    %dma_wait3A_381 = tpu.memref_slice %arg4[%add3A_366, %dma_wait3A_379, %dma_wait3A_380] : memref<200x8x4096xf32, #tpu.memory_space<hbm>> -> memref<1x8x4096xf32, #tpu.memory_space<hbm>>
    %dma_wait3A_382 = tpu.memref_squeeze %dma_wait3A_381 : memref<1x8x4096xf32, #tpu.memory_space<hbm>> -> memref<8x4096xf32, #tpu.memory_space<hbm>>
    %dma_wait3A_383 = arith.constant 0 : i32
    %dma_wait3A_384 = arith.constant 0 : i32
    %dma_wait3A_385 = tpu.memref_slice %arg7[%dma_wait3A_367, %dma_wait3A_383, %dma_wait3A_384] : memref<2x8x4096xf32, #tpu.memory_space<vmem>> -> memref<1x8x4096xf32, #tpu.memory_space<vmem>>
    %dma_wait3A_386 = tpu.memref_squeeze %dma_wait3A_385 : memref<1x8x4096xf32, #tpu.memory_space<vmem>> -> memref<8x4096xf32, #tpu.memory_space<vmem>>
    tpu.wait_dma2 semaphore(%dma_wait3A_378 : memref<!tpu.dma_semaphore, #tpu.memory_space<semaphore_mem>>) src(%dma_wait3A_386 : memref<8x4096xf32, #tpu.memory_space<vmem>>) dst(%dma_wait3A_382 : memref<8x4096xf32, #tpu.memory_space<hbm>>)
    %add3A_387 = arith.constant 5 : i32
    %add3A_388 = arith.addi %select_n3A, %add3A_387 : i32
    %dma_start3A_389 = arith.constant 1 : i32
    %dma_start3A_390 = arith.constant 1 : i32
    %dma_start3A_391 = arith.constant 0 : i32
    %dma_start3A_392 = arith.constant 0 : i32
    %dma_start3A_393 = tpu.memref_slice %arg7[%dma_start3A_389, %dma_start3A_391, %dma_start3A_392] : memref<2x8x4096xf32, #tpu.memory_space<vmem>> -> memref<1x8x4096xf32, #tpu.memory_space<vmem>>
    %dma_start3A_394 = tpu.memref_squeeze %dma_start3A_393 : memref<1x8x4096xf32, #tpu.memory_space<vmem>> -> memref<8x4096xf32, #tpu.memory_space<vmem>>
    %dma_start3A_395 = arith.constant 0 : i32
    %dma_start3A_396 = arith.constant 0 : i32
    %dma_start3A_397 = tpu.memref_slice %arg4[%add3A_388, %dma_start3A_395, %dma_start3A_396] : memref<200x8x4096xf32, #tpu.memory_space<hbm>> -> memref<1x8x4096xf32, #tpu.memory_space<hbm>>
    %dma_start3A_398 = tpu.memref_squeeze %dma_start3A_397 : memref<1x8x4096xf32, #tpu.memory_space<hbm>> -> memref<8x4096xf32, #tpu.memory_space<hbm>>
    %dma_start3A_399 = tpu.memref_slice %arg9[%dma_start3A_390] : memref<2x!tpu.dma_semaphore, #tpu.memory_space<semaphore_mem>> -> memref<1x!tpu.dma_semaphore, #tpu.memory_space<semaphore_mem>>
    %dma_start3A_400 = tpu.memref_squeeze %dma_start3A_399 : memref<1x!tpu.dma_semaphore, #tpu.memory_space<semaphore_mem>> -> memref<!tpu.dma_semaphore, #tpu.memory_space<semaphore_mem>>
    %dma_start3A_401 = arith.constant 0 : i32
    %dma_start3A_402 = arith.constant 0 : i32
    %dma_start3A_403 = tpu.memref_slice %arg4[%add3A_388, %dma_start3A_401, %dma_start3A_402] : memref<200x8x4096xf32, #tpu.memory_space<hbm>> -> memref<1x8x4096xf32, #tpu.memory_space<hbm>>
    %dma_start3A_404 = tpu.memref_squeeze %dma_start3A_403 : memref<1x8x4096xf32, #tpu.memory_space<hbm>> -> memref<8x4096xf32, #tpu.memory_space<hbm>>
    %dma_start3A_405 = arith.constant 0 : i32
    %dma_start3A_406 = arith.constant 0 : i32
    %dma_start3A_407 = tpu.memref_slice %arg7[%dma_start3A_389, %dma_start3A_405, %dma_start3A_406] : memref<2x8x4096xf32, #tpu.memory_space<vmem>> -> memref<1x8x4096xf32, #tpu.memory_space<vmem>>
    %dma_start3A_408 = tpu.memref_squeeze %dma_start3A_407 : memref<1x8x4096xf32, #tpu.memory_space<vmem>> -> memref<8x4096xf32, #tpu.memory_space<vmem>>
    tpu.enqueue_dma source(%dma_start3A_408 : memref<8x4096xf32, #tpu.memory_space<vmem>>) target(%dma_start3A_404 : memref<8x4096xf32, #tpu.memory_space<hbm>>) target_semaphore(%dma_start3A_400 : memref<!tpu.dma_semaphore, #tpu.memory_space<semaphore_mem>>)
    %gt3A_409 = arith.constant 6 : i32
    %gt3A_410 = arith.cmpi sgt, %select_n3A_12, %gt3A_409 : i32
    %convert_element_type3A_411 = arith.extui %gt3A_410 : i1 to i32
    %cond3A_412 = arith.constant 0 : i32
    %cond3A_413 = arith.cmpi ne, %convert_element_type3A_411, %cond3A_412 : i32
    scf.if %cond3A_413 {
      %add3A_423 = arith.constant 6 : i32
      %add3A_424 = arith.addi %select_n3A, %add3A_423 : i32
      %mul3A_425 = arith.constant 4096 : i32
      %mul3A_426 = arith.muli %add3A_424, %mul3A_425 : i32
      %dma_wait3A_427 = arith.constant 0 : i32
      %dma_wait3A_428 = arith.constant 0 : i32
      %dma_wait3A_429 = arith.constant 0 : i32
      %dma_wait3A_430 = tpu.memref_slice %arg6[%dma_wait3A_427, %dma_wait3A_429] : memref<2x4096xi32, #tpu.memory_space<vmem>> -> memref<1x4096xi32, #tpu.memory_space<vmem>>
      %dma_wait3A_431 = tpu.memref_squeeze %dma_wait3A_430 : memref<1x4096xi32, #tpu.memory_space<vmem>> -> memref<4096xi32, #tpu.memory_space<vmem>>
      %dma_wait3A_432 = tpu.memref_slice %arg2[%mul3A_426] : memref<819200xi32, #tpu.memory_space<hbm>> -> memref<4096xi32, #tpu.memory_space<hbm>>
      %dma_wait3A_433 = tpu.memref_slice %arg8[%dma_wait3A_428] : memref<2x!tpu.dma_semaphore, #tpu.memory_space<semaphore_mem>> -> memref<1x!tpu.dma_semaphore, #tpu.memory_space<semaphore_mem>>
      %dma_wait3A_434 = tpu.memref_squeeze %dma_wait3A_433 : memref<1x!tpu.dma_semaphore, #tpu.memory_space<semaphore_mem>> -> memref<!tpu.dma_semaphore, #tpu.memory_space<semaphore_mem>>
      %dma_wait3A_435 = arith.constant 0 : i32
      %dma_wait3A_436 = tpu.memref_slice %arg6[%dma_wait3A_427, %dma_wait3A_435] : memref<2x4096xi32, #tpu.memory_space<vmem>> -> memref<1x4096xi32, #tpu.memory_space<vmem>>
      %dma_wait3A_437 = tpu.memref_squeeze %dma_wait3A_436 : memref<1x4096xi32, #tpu.memory_space<vmem>> -> memref<4096xi32, #tpu.memory_space<vmem>>
      %dma_wait3A_438 = tpu.memref_slice %arg2[%mul3A_426] : memref<819200xi32, #tpu.memory_space<hbm>> -> memref<4096xi32, #tpu.memory_space<hbm>>
      tpu.wait_dma2 semaphore(%dma_wait3A_434 : memref<!tpu.dma_semaphore, #tpu.memory_space<semaphore_mem>>) src(%dma_wait3A_438 : memref<4096xi32, #tpu.memory_space<hbm>>) dst(%dma_wait3A_437 : memref<4096xi32, #tpu.memory_space<vmem>>)
      %parallel_loop3A_439 = arith.constant 0 : i32
      %parallel_loop3A_440 = arith.constant 4096 : i32
      %parallel_loop3A_441 = arith.constant 16 : i32
      scf.for %parallel_loop3A_486 = %parallel_loop3A_439 to %parallel_loop3A_440 step %parallel_loop3A_441  : i32 {
        %parallel_loop3A_487 = tpu.assume_multiple %parallel_loop3A_486, 16 : i32
        %parallel_loop3A_488 = arith.constant 0 : i32
        %parallel_loop3A_489 = arith.index_cast %parallel_loop3A_488 : i32 to index
        %parallel_loop3A_490 = arith.index_cast %parallel_loop3A_487 : i32 to index
        %parallel_loop3A_491 = tpu.vector_load %arg6[%parallel_loop3A_489, %parallel_loop3A_490] {strides = array<i32>} : memref<2x4096xi32, #tpu.memory_space<vmem>>, vector<16xi32>,
        %parallel_loop3A_492 = arith.constant 8 : i32
        %parallel_loop3A_493 = vector.broadcast %parallel_loop3A_492 : i32 to vector<16xi32>
        %parallel_loop3A_494 = arith.muli %parallel_loop3A_491, %parallel_loop3A_493 : vector<16xi32>
        %parallel_loop3A_495 = arith.constant 0 : i32
        %parallel_loop3A_496 = vector.broadcast %parallel_loop3A_495 : i32 to vector<16xi32>
        %parallel_loop3A_497 = arith.addi %parallel_loop3A_494, %parallel_loop3A_496 : vector<16xi32>
        %parallel_loop3A_498 = tpu.vector_load_idx %arg5[%parallel_loop3A_497] : memref<256xf32, #tpu.memory_space<vmem>>[vector<16xi32>], vector<16xf32>,
        %parallel_loop3A_499 = arith.constant 0 : i32
        %parallel_loop3A_500 = arith.constant 0 : i32
        %parallel_loop3A_501 = arith.index_cast %parallel_loop3A_499 : i32 to index
        %parallel_loop3A_502 = arith.index_cast %parallel_loop3A_500 : i32 to index
        %parallel_loop3A_503 = arith.index_cast %parallel_loop3A_487 : i32 to index
        %parallel_loop3A_504 = tpu.vector_load %arg7[%parallel_loop3A_501, %parallel_loop3A_502, %parallel_loop3A_503] {strides = array<i32>} : memref<2x8x4096xf32, #tpu.memory_space<vmem>>, vector<16xf32>,
        tpu.vector_store %arg7[%parallel_loop3A_501, %parallel_loop3A_502, %parallel_loop3A_503], %parallel_loop3A_498 {strides = array<i32>} : memref<2x8x4096xf32, #tpu.memory_space<vmem>>, vector<16xf32>,
        %parallel_loop3A_505 = arith.constant 1 : i32
        %parallel_loop3A_506 = vector.broadcast %parallel_loop3A_505 : i32 to vector<16xi32>
        %parallel_loop3A_507 = arith.addi %parallel_loop3A_494, %parallel_loop3A_506 : vector<16xi32>
        %parallel_loop3A_508 = tpu.vector_load_idx %arg5[%parallel_loop3A_507] : memref<256xf32, #tpu.memory_space<vmem>>[vector<16xi32>], vector<16xf32>,
        %parallel_loop3A_509 = arith.constant 0 : i32
        %parallel_loop3A_510 = arith.constant 1 : i32
        %parallel_loop3A_511 = arith.index_cast %parallel_loop3A_509 : i32 to index
        %parallel_loop3A_512 = arith.index_cast %parallel_loop3A_510 : i32 to index
        %parallel_loop3A_513 = arith.index_cast %parallel_loop3A_487 : i32 to index
        %parallel_loop3A_514 = tpu.vector_load %arg7[%parallel_loop3A_511, %parallel_loop3A_512, %parallel_loop3A_513] {strides = array<i32>} : memref<2x8x4096xf32, #tpu.memory_space<vmem>>, vector<16xf32>,
        tpu.vector_store %arg7[%parallel_loop3A_511, %parallel_loop3A_512, %parallel_loop3A_513], %parallel_loop3A_508 {strides = array<i32>} : memref<2x8x4096xf32, #tpu.memory_space<vmem>>, vector<16xf32>,
        %parallel_loop3A_515 = arith.constant 2 : i32
        %parallel_loop3A_516 = vector.broadcast %parallel_loop3A_515 : i32 to vector<16xi32>
        %parallel_loop3A_517 = arith.addi %parallel_loop3A_494, %parallel_loop3A_516 : vector<16xi32>
        %parallel_loop3A_518 = tpu.vector_load_idx %arg5[%parallel_loop3A_517] : memref<256xf32, #tpu.memory_space<vmem>>[vector<16xi32>], vector<16xf32>,
        %parallel_loop3A_519 = arith.constant 0 : i32
        %parallel_loop3A_520 = arith.constant 2 : i32
        %parallel_loop3A_521 = arith.index_cast %parallel_loop3A_519 : i32 to index
        %parallel_loop3A_522 = arith.index_cast %parallel_loop3A_520 : i32 to index
        %parallel_loop3A_523 = arith.index_cast %parallel_loop3A_487 : i32 to index
        %parallel_loop3A_524 = tpu.vector_load %arg7[%parallel_loop3A_521, %parallel_loop3A_522, %parallel_loop3A_523] {strides = array<i32>} : memref<2x8x4096xf32, #tpu.memory_space<vmem>>, vector<16xf32>,
        tpu.vector_store %arg7[%parallel_loop3A_521, %parallel_loop3A_522, %parallel_loop3A_523], %parallel_loop3A_518 {strides = array<i32>} : memref<2x8x4096xf32, #tpu.memory_space<vmem>>, vector<16xf32>,
        %parallel_loop3A_525 = arith.constant 3 : i32
        %parallel_loop3A_526 = vector.broadcast %parallel_loop3A_525 : i32 to vector<16xi32>
        %parallel_loop3A_527 = arith.addi %parallel_loop3A_494, %parallel_loop3A_526 : vector<16xi32>
        %parallel_loop3A_528 = tpu.vector_load_idx %arg5[%parallel_loop3A_527] : memref<256xf32, #tpu.memory_space<vmem>>[vector<16xi32>], vector<16xf32>,
        %parallel_loop3A_529 = arith.constant 0 : i32
        %parallel_loop3A_530 = arith.constant 3 : i32
        %parallel_loop3A_531 = arith.index_cast %parallel_loop3A_529 : i32 to index
        %parallel_loop3A_532 = arith.index_cast %parallel_loop3A_530 : i32 to index
        %parallel_loop3A_533 = arith.index_cast %parallel_loop3A_487 : i32 to index
        %parallel_loop3A_534 = tpu.vector_load %arg7[%parallel_loop3A_531, %parallel_loop3A_532, %parallel_loop3A_533] {strides = array<i32>} : memref<2x8x4096xf32, #tpu.memory_space<vmem>>, vector<16xf32>,
        tpu.vector_store %arg7[%parallel_loop3A_531, %parallel_loop3A_532, %parallel_loop3A_533], %parallel_loop3A_528 {strides = array<i32>} : memref<2x8x4096xf32, #tpu.memory_space<vmem>>, vector<16xf32>,
        %parallel_loop3A_535 = arith.constant 4 : i32
        %parallel_loop3A_536 = vector.broadcast %parallel_loop3A_535 : i32 to vector<16xi32>
        %parallel_loop3A_537 = arith.addi %parallel_loop3A_494, %parallel_loop3A_536 : vector<16xi32>
        %parallel_loop3A_538 = tpu.vector_load_idx %arg5[%parallel_loop3A_537] : memref<256xf32, #tpu.memory_space<vmem>>[vector<16xi32>], vector<16xf32>,
        %parallel_loop3A_539 = arith.constant 0 : i32
        %parallel_loop3A_540 = arith.constant 4 : i32
        %parallel_loop3A_541 = arith.index_cast %parallel_loop3A_539 : i32 to index
        %parallel_loop3A_542 = arith.index_cast %parallel_loop3A_540 : i32 to index
        %parallel_loop3A_543 = arith.index_cast %parallel_loop3A_487 : i32 to index
        %parallel_loop3A_544 = tpu.vector_load %arg7[%parallel_loop3A_541, %parallel_loop3A_542, %parallel_loop3A_543] {strides = array<i32>} : memref<2x8x4096xf32, #tpu.memory_space<vmem>>, vector<16xf32>,
        tpu.vector_store %arg7[%parallel_loop3A_541, %parallel_loop3A_542, %parallel_loop3A_543], %parallel_loop3A_538 {strides = array<i32>} : memref<2x8x4096xf32, #tpu.memory_space<vmem>>, vector<16xf32>,
        %parallel_loop3A_545 = arith.constant 5 : i32
        %parallel_loop3A_546 = vector.broadcast %parallel_loop3A_545 : i32 to vector<16xi32>
        %parallel_loop3A_547 = arith.addi %parallel_loop3A_494, %parallel_loop3A_546 : vector<16xi32>
        %parallel_loop3A_548 = tpu.vector_load_idx %arg5[%parallel_loop3A_547] : memref<256xf32, #tpu.memory_space<vmem>>[vector<16xi32>], vector<16xf32>,
        %parallel_loop3A_549 = arith.constant 0 : i32
        %parallel_loop3A_550 = arith.constant 5 : i32
        %parallel_loop3A_551 = arith.index_cast %parallel_loop3A_549 : i32 to index
        %parallel_loop3A_552 = arith.index_cast %parallel_loop3A_550 : i32 to index
        %parallel_loop3A_553 = arith.index_cast %parallel_loop3A_487 : i32 to index
        %parallel_loop3A_554 = tpu.vector_load %arg7[%parallel_loop3A_551, %parallel_loop3A_552, %parallel_loop3A_553] {strides = array<i32>} : memref<2x8x4096xf32, #tpu.memory_space<vmem>>, vector<16xf32>,
        tpu.vector_store %arg7[%parallel_loop3A_551, %parallel_loop3A_552, %parallel_loop3A_553], %parallel_loop3A_548 {strides = array<i32>} : memref<2x8x4096xf32, #tpu.memory_space<vmem>>, vector<16xf32>,
        %parallel_loop3A_555 = arith.constant 6 : i32
        %parallel_loop3A_556 = vector.broadcast %parallel_loop3A_555 : i32 to vector<16xi32>
        %parallel_loop3A_557 = arith.addi %parallel_loop3A_494, %parallel_loop3A_556 : vector<16xi32>
        %parallel_loop3A_558 = tpu.vector_load_idx %arg5[%parallel_loop3A_557] : memref<256xf32, #tpu.memory_space<vmem>>[vector<16xi32>], vector<16xf32>,
        %parallel_loop3A_559 = arith.constant 0 : i32
        %parallel_loop3A_560 = arith.constant 6 : i32
        %parallel_loop3A_561 = arith.index_cast %parallel_loop3A_559 : i32 to index
        %parallel_loop3A_562 = arith.index_cast %parallel_loop3A_560 : i32 to index
        %parallel_loop3A_563 = arith.index_cast %parallel_loop3A_487 : i32 to index
        %parallel_loop3A_564 = tpu.vector_load %arg7[%parallel_loop3A_561, %parallel_loop3A_562, %parallel_loop3A_563] {strides = array<i32>} : memref<2x8x4096xf32, #tpu.memory_space<vmem>>, vector<16xf32>,
        tpu.vector_store %arg7[%parallel_loop3A_561, %parallel_loop3A_562, %parallel_loop3A_563], %parallel_loop3A_558 {strides = array<i32>} : memref<2x8x4096xf32, #tpu.memory_space<vmem>>, vector<16xf32>,
        %parallel_loop3A_565 = arith.constant 7 : i32
        %parallel_loop3A_566 = vector.broadcast %parallel_loop3A_565 : i32 to vector<16xi32>
        %parallel_loop3A_567 = arith.addi %parallel_loop3A_494, %parallel_loop3A_566 : vector<16xi32>
        %parallel_loop3A_568 = tpu.vector_load_idx %arg5[%parallel_loop3A_567] : memref<256xf32, #tpu.memory_space<vmem>>[vector<16xi32>], vector<16xf32>,
        %parallel_loop3A_569 = arith.constant 0 : i32
        %parallel_loop3A_570 = arith.constant 7 : i32
        %parallel_loop3A_571 = arith.index_cast %parallel_loop3A_569 : i32 to index
        %parallel_loop3A_572 = arith.index_cast %parallel_loop3A_570 : i32 to index
        %parallel_loop3A_573 = arith.index_cast %parallel_loop3A_487 : i32 to index
        %parallel_loop3A_574 = tpu.vector_load %arg7[%parallel_loop3A_571, %parallel_loop3A_572, %parallel_loop3A_573] {strides = array<i32>} : memref<2x8x4096xf32, #tpu.memory_space<vmem>>, vector<16xf32>,
        tpu.vector_store %arg7[%parallel_loop3A_571, %parallel_loop3A_572, %parallel_loop3A_573], %parallel_loop3A_568 {strides = array<i32>} : memref<2x8x4096xf32, #tpu.memory_space<vmem>>, vector<16xf32>,
      } {sc.loop_unroll_factor = 8 : i64, sc.parallel_access}
      %add3A_442 = arith.constant 5 : i32
      %add3A_443 = arith.addi %select_n3A, %add3A_442 : i32
      %dma_wait3A_444 = arith.constant 1 : i32
      %dma_wait3A_445 = arith.constant 1 : i32
      %dma_wait3A_446 = arith.constant 0 : i32
      %dma_wait3A_447 = arith.constant 0 : i32
      %dma_wait3A_448 = tpu.memref_slice %arg7[%dma_wait3A_444, %dma_wait3A_446, %dma_wait3A_447] : memref<2x8x4096xf32, #tpu.memory_space<vmem>> -> memref<1x8x4096xf32, #tpu.memory_space<vmem>>
      %dma_wait3A_449 = tpu.memref_squeeze %dma_wait3A_448 : memref<1x8x4096xf32, #tpu.memory_space<vmem>> -> memref<8x4096xf32, #tpu.memory_space<vmem>>
      %dma_wait3A_450 = arith.constant 0 : i32
      %dma_wait3A_451 = arith.constant 0 : i32
      %dma_wait3A_452 = tpu.memref_slice %arg4[%add3A_443, %dma_wait3A_450, %dma_wait3A_451] : memref<200x8x4096xf32, #tpu.memory_space<hbm>> -> memref<1x8x4096xf32, #tpu.memory_space<hbm>>
      %dma_wait3A_453 = tpu.memref_squeeze %dma_wait3A_452 : memref<1x8x4096xf32, #tpu.memory_space<hbm>> -> memref<8x4096xf32, #tpu.memory_space<hbm>>
      %dma_wait3A_454 = tpu.memref_slice %arg9[%dma_wait3A_445] : memref<2x!tpu.dma_semaphore, #tpu.memory_space<semaphore_mem>> -> memref<1x!tpu.dma_semaphore, #tpu.memory_space<semaphore_mem>>
      %dma_wait3A_455 = tpu.memref_squeeze %dma_wait3A_454 : memref<1x!tpu.dma_semaphore, #tpu.memory_space<semaphore_mem>> -> memref<!tpu.dma_semaphore, #tpu.memory_space<semaphore_mem>>
      %dma_wait3A_456 = arith.constant 0 : i32
      %dma_wait3A_457 = arith.constant 0 : i32
      %dma_wait3A_458 = tpu.memref_slice %arg4[%add3A_443, %dma_wait3A_456, %dma_wait3A_457] : memref<200x8x4096xf32, #tpu.memory_space<hbm>> -> memref<1x8x4096xf32, #tpu.memory_space<hbm>>
      %dma_wait3A_459 = tpu.memref_squeeze %dma_wait3A_458 : memref<1x8x4096xf32, #tpu.memory_space<hbm>> -> memref<8x4096xf32, #tpu.memory_space<hbm>>
      %dma_wait3A_460 = arith.constant 0 : i32
      %dma_wait3A_461 = arith.constant 0 : i32
      %dma_wait3A_462 = tpu.memref_slice %arg7[%dma_wait3A_444, %dma_wait3A_460, %dma_wait3A_461] : memref<2x8x4096xf32, #tpu.memory_space<vmem>> -> memref<1x8x4096xf32, #tpu.memory_space<vmem>>
      %dma_wait3A_463 = tpu.memref_squeeze %dma_wait3A_462 : memref<1x8x4096xf32, #tpu.memory_space<vmem>> -> memref<8x4096xf32, #tpu.memory_space<vmem>>
      tpu.wait_dma2 semaphore(%dma_wait3A_455 : memref<!tpu.dma_semaphore, #tpu.memory_space<semaphore_mem>>) src(%dma_wait3A_463 : memref<8x4096xf32, #tpu.memory_space<vmem>>) dst(%dma_wait3A_459 : memref<8x4096xf32, #tpu.memory_space<hbm>>)
      %add3A_464 = arith.constant 6 : i32
      %add3A_465 = arith.addi %select_n3A, %add3A_464 : i32
      %dma_start3A_466 = arith.constant 0 : i32
      %dma_start3A_467 = arith.constant 0 : i32
      %dma_start3A_468 = arith.constant 0 : i32
      %dma_start3A_469 = arith.constant 0 : i32
      %dma_start3A_470 = tpu.memref_slice %arg7[%dma_start3A_466, %dma_start3A_468, %dma_start3A_469] : memref<2x8x4096xf32, #tpu.memory_space<vmem>> -> memref<1x8x4096xf32, #tpu.memory_space<vmem>>
      %dma_start3A_471 = tpu.memref_squeeze %dma_start3A_470 : memref<1x8x4096xf32, #tpu.memory_space<vmem>> -> memref<8x4096xf32, #tpu.memory_space<vmem>>
      %dma_start3A_472 = arith.constant 0 : i32
      %dma_start3A_473 = arith.constant 0 : i32
      %dma_start3A_474 = tpu.memref_slice %arg4[%add3A_465, %dma_start3A_472, %dma_start3A_473] : memref<200x8x4096xf32, #tpu.memory_space<hbm>> -> memref<1x8x4096xf32, #tpu.memory_space<hbm>>
      %dma_start3A_475 = tpu.memref_squeeze %dma_start3A_474 : memref<1x8x4096xf32, #tpu.memory_space<hbm>> -> memref<8x4096xf32, #tpu.memory_space<hbm>>
      %dma_start3A_476 = tpu.memref_slice %arg9[%dma_start3A_467] : memref<2x!tpu.dma_semaphore, #tpu.memory_space<semaphore_mem>> -> memref<1x!tpu.dma_semaphore, #tpu.memory_space<semaphore_mem>>
      %dma_start3A_477 = tpu.memref_squeeze %dma_start3A_476 : memref<1x!tpu.dma_semaphore, #tpu.memory_space<semaphore_mem>> -> memref<!tpu.dma_semaphore, #tpu.memory_space<semaphore_mem>>
      %dma_start3A_478 = arith.constant 0 : i32
      %dma_start3A_479 = arith.constant 0 : i32
      %dma_start3A_480 = tpu.memref_slice %arg4[%add3A_465, %dma_start3A_478, %dma_start3A_479] : memref<200x8x4096xf32, #tpu.memory_space<hbm>> -> memref<1x8x4096xf32, #tpu.memory_space<hbm>>
      %dma_start3A_481 = tpu.memref_squeeze %dma_start3A_480 : memref<1x8x4096xf32, #tpu.memory_space<hbm>> -> memref<8x4096xf32, #tpu.memory_space<hbm>>
      %dma_start3A_482 = arith.constant 0 : i32
      %dma_start3A_483 = arith.constant 0 : i32
      %dma_start3A_484 = tpu.memref_slice %arg7[%dma_start3A_466, %dma_start3A_482, %dma_start3A_483] : memref<2x8x4096xf32, #tpu.memory_space<vmem>> -> memref<1x8x4096xf32, #tpu.memory_space<vmem>>
      %dma_start3A_485 = tpu.memref_squeeze %dma_start3A_484 : memref<1x8x4096xf32, #tpu.memory_space<vmem>> -> memref<8x4096xf32, #tpu.memory_space<vmem>>
      tpu.enqueue_dma source(%dma_start3A_485 : memref<8x4096xf32, #tpu.memory_space<vmem>>) target(%dma_start3A_481 : memref<8x4096xf32, #tpu.memory_space<hbm>>) target_semaphore(%dma_start3A_477 : memref<!tpu.dma_semaphore, #tpu.memory_space<semaphore_mem>>)
    } else {
    }
    %eq3A = arith.constant 6 : i32
    %eq3A_414 = arith.cmpi eq, %select_n3A_12, %eq3A : i32
    %convert_element_type3A_415 = arith.extui %eq3A_414 : i1 to i32
    %cond3A_416 = arith.constant 0 : i32
    %cond3A_417 = arith.cmpi ne, %convert_element_type3A_415, %cond3A_416 : i32
    scf.if %cond3A_417 {
      %add3A_423 = arith.constant 5 : i32
      %add3A_424 = arith.addi %select_n3A, %add3A_423 : i32
      %dma_wait3A_425 = arith.constant 1 : i32
      %dma_wait3A_426 = arith.constant 1 : i32
      %dma_wait3A_427 = arith.constant 0 : i32
      %dma_wait3A_428 = arith.constant 0 : i32
      %dma_wait3A_429 = tpu.memref_slice %arg7[%dma_wait3A_425, %dma_wait3A_427, %dma_wait3A_428] : memref<2x8x4096xf32, #tpu.memory_space<vmem>> -> memref<1x8x4096xf32, #tpu.memory_space<vmem>>
      %dma_wait3A_430 = tpu.memref_squeeze %dma_wait3A_429 : memref<1x8x4096xf32, #tpu.memory_space<vmem>> -> memref<8x4096xf32, #tpu.memory_space<vmem>>
      %dma_wait3A_431 = arith.constant 0 : i32
      %dma_wait3A_432 = arith.constant 0 : i32
      %dma_wait3A_433 = tpu.memref_slice %arg4[%add3A_424, %dma_wait3A_431, %dma_wait3A_432] : memref<200x8x4096xf32, #tpu.memory_space<hbm>> -> memref<1x8x4096xf32, #tpu.memory_space<hbm>>
      %dma_wait3A_434 = tpu.memref_squeeze %dma_wait3A_433 : memref<1x8x4096xf32, #tpu.memory_space<hbm>> -> memref<8x4096xf32, #tpu.memory_space<hbm>>
      %dma_wait3A_435 = tpu.memref_slice %arg9[%dma_wait3A_426] : memref<2x!tpu.dma_semaphore, #tpu.memory_space<semaphore_mem>> -> memref<1x!tpu.dma_semaphore, #tpu.memory_space<semaphore_mem>>
      %dma_wait3A_436 = tpu.memref_squeeze %dma_wait3A_435 : memref<1x!tpu.dma_semaphore, #tpu.memory_space<semaphore_mem>> -> memref<!tpu.dma_semaphore, #tpu.memory_space<semaphore_mem>>
      %dma_wait3A_437 = arith.constant 0 : i32
      %dma_wait3A_438 = arith.constant 0 : i32
      %dma_wait3A_439 = tpu.memref_slice %arg4[%add3A_424, %dma_wait3A_437, %dma_wait3A_438] : memref<200x8x4096xf32, #tpu.memory_space<hbm>> -> memref<1x8x4096xf32, #tpu.memory_space<hbm>>
      %dma_wait3A_440 = tpu.memref_squeeze %dma_wait3A_439 : memref<1x8x4096xf32, #tpu.memory_space<hbm>> -> memref<8x4096xf32, #tpu.memory_space<hbm>>
      %dma_wait3A_441 = arith.constant 0 : i32
      %dma_wait3A_442 = arith.constant 0 : i32
      %dma_wait3A_443 = tpu.memref_slice %arg7[%dma_wait3A_425, %dma_wait3A_441, %dma_wait3A_442] : memref<2x8x4096xf32, #tpu.memory_space<vmem>> -> memref<1x8x4096xf32, #tpu.memory_space<vmem>>
      %dma_wait3A_444 = tpu.memref_squeeze %dma_wait3A_443 : memref<1x8x4096xf32, #tpu.memory_space<vmem>> -> memref<8x4096xf32, #tpu.memory_space<vmem>>
      tpu.wait_dma2 semaphore(%dma_wait3A_436 : memref<!tpu.dma_semaphore, #tpu.memory_space<semaphore_mem>>) src(%dma_wait3A_444 : memref<8x4096xf32, #tpu.memory_space<vmem>>) dst(%dma_wait3A_440 : memref<8x4096xf32, #tpu.memory_space<hbm>>)
    } else {
    }
    %eq3A_418 = arith.constant 7 : i32
    %eq3A_419 = arith.cmpi eq, %select_n3A_12, %eq3A_418 : i32
    %convert_element_type3A_420 = arith.extui %eq3A_419 : i1 to i32
    %cond3A_421 = arith.constant 0 : i32
    %cond3A_422 = arith.cmpi ne, %convert_element_type3A_420, %cond3A_421 : i32
    scf.if %cond3A_422 {
      %add3A_423 = arith.constant 6 : i32
      %add3A_424 = arith.addi %select_n3A, %add3A_423 : i32
      %dma_wait3A_425 = arith.constant 0 : i32
      %dma_wait3A_426 = arith.constant 0 : i32
      %dma_wait3A_427 = arith.constant 0 : i32
      %dma_wait3A_428 = arith.constant 0 : i32
      %dma_wait3A_429 = tpu.memref_slice %arg7[%dma_wait3A_425, %dma_wait3A_427, %dma_wait3A_428] : memref<2x8x4096xf32, #tpu.memory_space<vmem>> -> memref<1x8x4096xf32, #tpu.memory_space<vmem>>
      %dma_wait3A_430 = tpu.memref_squeeze %dma_wait3A_429 : memref<1x8x4096xf32, #tpu.memory_space<vmem>> -> memref<8x4096xf32, #tpu.memory_space<vmem>>
      %dma_wait3A_431 = arith.constant 0 : i32
      %dma_wait3A_432 = arith.constant 0 : i32
      %dma_wait3A_433 = tpu.memref_slice %arg4[%add3A_424, %dma_wait3A_431, %dma_wait3A_432] : memref<200x8x4096xf32, #tpu.memory_space<hbm>> -> memref<1x8x4096xf32, #tpu.memory_space<hbm>>
      %dma_wait3A_434 = tpu.memref_squeeze %dma_wait3A_433 : memref<1x8x4096xf32, #tpu.memory_space<hbm>> -> memref<8x4096xf32, #tpu.memory_space<hbm>>
      %dma_wait3A_435 = tpu.memref_slice %arg9[%dma_wait3A_426] : memref<2x!tpu.dma_semaphore, #tpu.memory_space<semaphore_mem>> -> memref<1x!tpu.dma_semaphore, #tpu.memory_space<semaphore_mem>>
      %dma_wait3A_436 = tpu.memref_squeeze %dma_wait3A_435 : memref<1x!tpu.dma_semaphore, #tpu.memory_space<semaphore_mem>> -> memref<!tpu.dma_semaphore, #tpu.memory_space<semaphore_mem>>
      %dma_wait3A_437 = arith.constant 0 : i32
      %dma_wait3A_438 = arith.constant 0 : i32
      %dma_wait3A_439 = tpu.memref_slice %arg4[%add3A_424, %dma_wait3A_437, %dma_wait3A_438] : memref<200x8x4096xf32, #tpu.memory_space<hbm>> -> memref<1x8x4096xf32, #tpu.memory_space<hbm>>
      %dma_wait3A_440 = tpu.memref_squeeze %dma_wait3A_439 : memref<1x8x4096xf32, #tpu.memory_space<hbm>> -> memref<8x4096xf32, #tpu.memory_space<hbm>>
      %dma_wait3A_441 = arith.constant 0 : i32
      %dma_wait3A_442 = arith.constant 0 : i32
      %dma_wait3A_443 = tpu.memref_slice %arg7[%dma_wait3A_425, %dma_wait3A_441, %dma_wait3A_442] : memref<2x8x4096xf32, #tpu.memory_space<vmem>> -> memref<1x8x4096xf32, #tpu.memory_space<vmem>>
      %dma_wait3A_444 = tpu.memref_squeeze %dma_wait3A_443 : memref<1x8x4096xf32, #tpu.memory_space<vmem>> -> memref<8x4096xf32, #tpu.memory_space<vmem>>
      tpu.wait_dma2 semaphore(%dma_wait3A_436 : memref<!tpu.dma_semaphore, #tpu.memory_space<semaphore_mem>>) src(%dma_wait3A_444 : memref<8x4096xf32, #tpu.memory_space<vmem>>) dst(%dma_wait3A_440 : memref<8x4096xf32, #tpu.memory_space<hbm>>)
    } else {
    }
    return
  }
}

</mosaic_0001>

<sc_bundles>
// kernel: kernel.3.cloned.1.call-start
scs
__scs_entry_jumppad:
0x0: {  	(pc) =	sbr.rel $0x88, $3  }
0x1: {  	(tag) =	ssettag $0x0;
	lr =	simm.s32 $0x1  }
0x2: {  	[smem:$0x3F9F] =	sst lr;
	_ =	strace $0xD0000000  }
0x3: {  	_ = 	snop  }
0x4: {  	_ = 	snop  }
0x5: {  	_ = 	snop  }
0x6: {  	_ = 	snop  }
0x7: {  	_ = 	snop  }
__scs_overlays_trampoline_lowered:
0x8: {  	[smem:$0x3FAE] =	sst s0  }
0x9: {  	[smem:$0x3FAF] =	sst s1  }
0xa: {  	[smem:$0x3FB0] =	sst s2  }
0xb: {  	[smem:$0x3FB1] =	sst s3  }
0xc: {  	[smem:$0x3FB2] =	sst s4  }
0xd: {  	[smem:$0x3FB3] =	sst s5  }
0xe: {  	[smem:$0x3FB4] =	sst s6  }
0xf: {  	[smem:$0x3FB5] =	sst s7  }
0x10: {  	[smem:$0x3FB6] =	sst s8  }
0x11: {  	[smem:$0x3FB7] =	sst s9;
	s0 =	simm.s32 @!p0 $0x0  }
0x12: {  	s1 =	sld [smem:$0x3F9D];
	s0 =	simm.s32 @p0 $0x1  }
0x13: {  	[smem:$0x3FB8] =	sst s0;
	s0 =	simm.s32 @!p1 $0x0  }
0x14: {  	s2 =	sld [smem:$0x3F9C];
	s0 =	simm.s32 @p1 $0x1  }
0x15: {  	[smem:$0x3FB9] =	sst s0;
	s0 =	simm.s32 @!p2 $0x0  }
0x16: {  	s3 =	sld [smem:$0x3FDB];
	s0 =	simm.s32 @p2 $0x1  }
0x17: {  	s4 =	simm.s32 $0x1BF5;
	[smem:$0x3FBB] =	sst s0  }
0x18: {  	s0 =	sld [smem:$0x3F9E];
	_ =	swait.ge [sflag:s4], $0x0  }
0x19: {  	s7 =	sld [smem:$0x3F9F]  }
0x1a: {  	s8 =	sadd.s32 $0xFFFFE003, lr  }
0x1b: {  	s9 =	sadd.s32 $0xFFFFFEF7, lr;
	s5 =	simm.s32 $0xFFFFFFFF;
	p2 =	slt.u32 s8, $0xFFFFF086  }
0x1c: {  	p1 =	slt.u32 s9, $0xF7A;
	s5 =	simm.s32 @!p2 $0x0  }
0x1d: {  	s5 =	simm.s32 @p1 $0x1;
	p0 =	seq.s32 s7, s2  }
0x1e: {  	s7 =	smul.u32 @!p0 $0xF7A, s2;
	p2 =	seq.s32 @!p0 s5, $0x0  }
0x1f: {  	s9 =	smul.u32 $0xF7A, s1;
	s8 =	simm.s32 @!p0 $0x1BF5;
	p2 =	por !p2, p0  }
0x20: {  	[sflag:s8] =	ssyncset.s32 @!p0 $0xFFFFF086;
	s6 =	sadd.s32 @!p0 s3, s7;
	s7 =	simm.s32 @!p0 $0x108  }
0x21: {  	s3 =	sadd.s32 s3, s9;
	s6 =	sadd.s32 @!p0 $0x88, s6;
	s7 =	simm.s32 @p2 $0x1082  }
0x22: {  	[simem:s7], [sflag:s8] =	dma.local @!p0 [hbm:s6], $0xF7A  }
0x23: {  	s9 =	sor.u32 $0xD0000000, s2;
	s6 =	simm.s32 $0x108;
	_ =	swait.ge @!p0 [sflag:s8], $0x0  }
0x24: {  	s3 =	sadd.s32 $0x88, s3;
	s6 =	simm.s32 @!p1 $0x1082;
	[sflag:s4] =	ssyncset.s32 $0xFFFFF086  }
0x25: {  	[simem:s6], [sflag:s4] =	dma.local [hbm:s3], $0xF7A  }
0x26: {  	[smem:$0x3F9F] =	sst s1;
	(tag) =	ssettag s2;
	_ =	strace s9  }
0x27: {  	s1 =	sld [smem:$0x3FAF]  }
0x28: {  	s2 =	sld [smem:$0x3FB0]  }
0x29: {  	s4 =	sld [smem:$0x3FB2]  }
0x2a: {  	p0 =	seq.s32 s5, $0x0;
	s5 =	sld [smem:$0x3FB3]  }
0x2b: {  	s6 =	sld [smem:$0x3FB4]  }
0x2c: {  	s7 =	sld [smem:$0x3FB5]  }
0x2d: {  	s3 =	simm.s32 $0x108;
	s8 =	sld [smem:$0x3FB6]  }
0x2e: {  	s3 =	simm.s32 @!p0 $0x1082;
	s9 =	sld [smem:$0x3FB7]  }
0x2f: {  	lr =	sadd.s32 s0, s3;
	s0 =	sld [smem:$0x3FAE]  }
0x30: {  	s3 =	sld [smem:$0x3FB1]  }
0x31: {  	[smem:$0x3FBA] =	sst s10  }
0x32: {  	s10 =	sld [smem:$0x3FB8];
	_ =	sdelay $0x3  }
0x33: {  	p0 =	seq.s32 s10, $0x1;
	s10 =	sld [smem:$0x3FBA];
	_ =	sdelay $0x3  }
0x34: {  	[smem:$0x3FBA] =	sst s10  }
0x35: {  	s10 =	sld [smem:$0x3FB9];
	_ =	sdelay $0x3  }
0x36: {  	p1 =	seq.s32 s10, $0x1;
	s10 =	sld [smem:$0x3FBA];
	_ =	sdelay $0x3  }
0x37: {  	[smem:$0x3FBA] =	sst s10  }
0x38: {  	s10 =	sld [smem:$0x3FBB]  }
0x39: {  	_ = 	snop;
	(pc) =	sbr.ind lr, $3  }
0x3a: {  	_ = 	snop  }
0x3b: {  	_ = 	snop  }
0x3c: {  	p2 =	seq.s32 s10, $0x1;
	s10 =	sld [smem:$0x3FBA]  }
0x3d: {  	_ =	shalt  }
0x3e: {  	_ =	shalt  }
0x3f: {  	_ =	shalt  }
0x40: {  	_ =	shalt  }
0x41: {  	_ =	shalt  }
0x42: {  	_ =	shalt  }
0x43: {  	_ =	shalt  }
0x44: {  	_ =	shalt  }
0x45: {  	_ =	shalt  }
0x46: {  	_ =	shalt  }
0x47: {  	_ =	shalt  }
0x48: {  	_ =	shalt  }
0x49: {  	_ =	shalt  }
0x4a: {  	_ =	shalt  }
0x4b: {  	_ =	shalt  }
0x4c: {  	_ =	shalt  }
0x4d: {  	_ =	shalt  }
0x4e: {  	_ =	shalt  }
0x4f: {  	_ =	shalt  }
0x50: {  	_ =	shalt  }
0x51: {  	_ =	shalt  }
0x52: {  	_ =	shalt  }
0x53: {  	_ =	shalt  }
0x54: {  	_ =	shalt  }
0x55: {  	_ =	shalt  }
0x56: {  	_ =	shalt  }
0x57: {  	_ =	shalt  }
0x58: {  	_ =	shalt  }
0x59: {  	_ =	shalt  }
0x5a: {  	_ =	shalt  }
0x5b: {  	_ =	shalt  }
0x5c: {  	_ =	shalt  }
0x5d: {  	_ =	shalt  }
0x5e: {  	_ =	shalt  }
0x5f: {  	_ =	shalt  }
0x60: {  	_ =	shalt  }
0x61: {  	_ =	shalt  }
0x62: {  	_ =	shalt  }
0x63: {  	_ =	shalt  }
0x64: {  	_ =	shalt  }
0x65: {  	_ =	shalt  }
0x66: {  	_ =	shalt  }
0x67: {  	_ =	shalt  }
0x68: {  	_ =	shalt  }
0x69: {  	_ =	shalt  }
0x6a: {  	_ =	shalt  }
0x6b: {  	_ =	shalt  }
0x6c: {  	_ =	shalt  }
0x6d: {  	_ =	shalt  }
0x6e: {  	_ =	shalt  }
0x6f: {  	_ =	shalt  }
0x70: {  	_ =	shalt  }
0x71: {  	_ =	shalt  }
0x72: {  	_ =	shalt  }
0x73: {  	_ =	shalt  }
0x74: {  	_ =	shalt  }
0x75: {  	_ =	shalt  }
0x76: {  	_ =	shalt  }
0x77: {  	_ =	shalt  }
0x78: {  	_ =	shalt  }
0x79: {  	_ =	shalt  }
0x7a: {  	_ =	shalt  }
0x7b: {  	_ =	shalt  }
0x7c: {  	_ =	shalt  }
0x7d: {  	_ =	shalt  }
0x7e: {  	_ =	shalt  }
0x7f: {  	_ =	shalt  }
0x80: {  	_ =	shalt  }
0x81: {  	_ =	shalt  }
0x82: {  	_ =	shalt  }
0x83: {  	_ =	shalt  }
0x84: {  	_ =	shalt  }
0x85: {  	_ =	shalt  }
0x86: {  	_ =	shalt  }
0x87: {  	_ =	shalt  }
.Lfunc_end0:
.L_simem_size_0:
called_computation_lowered:
.L_overlay_start_0:
0x88: {  	s2 =	sld [smem:$0x3FD9]  }
0x89: {  	s3 =	sld [smem:$0x3FFE];
	_ =	sdelay $0x1  }
0x8a: {  	s1 =	srdreg.scid  }
0x8b: {  	s0 =	sand.u32 $0x1, s1  }
0x8c: {  	s17 =	sshll.u32 s0, $0xA;
	s2 =	sadd.s32 s3, s2  }
0x8d: {  	s2 =	sadd.s32 s2, s17  }
0x8e: {  	[smem:$0x3FC6] =	sst s2  }
0x8f: {  	_ = 	snop  }
0x90: {  	s2 =	sld [smem:$0x3FD0];
	(tm) =	ssettm $0x1  }
0x91: {  	s18 =	sld [smem:$0x3FFB];
	_ =	sdelay $0x3  }
0x92: {  	_ =	strace s18  }
0x93: {  	s3 =	sld [smem:$0x3FFC];
	_ =	sdelay $0x3  }
0x94: {  	_ =	strace s3  }
0x95: {  	s3 =	sld [smem:$0x3FFD];
	_ =	sdelay $0x3  }
0x96: {  	_ =	strace s3  }
0x97: {  	_ =	strace $0x8FFFFFFF  }
0x98: {  	s19 =	sld [smem:$0x3FDB];
	_ =	sdelay $0x1  }
0x99: {  	s4 =	simm.s32 $_scs_section_size  }
0x9a: {  	s5 =	simm.s32 $_size__tile_overlayer_lowered;
	s6 =	simm.s32 $_tile_overlayer_lowered  }
0x9b: {  	s22 =	simm.s32 $0x1BFF;
	s21 =	sshll.u32 s6, $0x1;
	s3 =	sadd.s32 s4, s19  }
0x9c: {  	s7 =	simm.s32 $0x0;
	s20 =	sshll.u32 s5, $0x1;
	s5 =	sadd.s32 s21, s3  }
0x9d: {  	[timem:s7], [sflag:s22] =	dma.local [hbm:s5], s20  }
0x9e: {  	_ =	swait.ge [sflag:s22], s20  }
0x9f: {  	s4 =	ssub.s32 $0x0, s20;
	[sflag:s22] =	ssyncset.done $0x0  }
0xa0: {  	[sflag:s22] =	ssyncadd.s32 s4;
	_ =	sdelay $0x1  }
0xa1: {  	s23 =	simm.s32 $0x1B8B  }
0xa2: {  	_ =	swait.ge [sflag:s23], $0x1  }
0xa3: {  	[sflag:s23] =	ssyncset.done $0x0  }
0xa4: {  	s25 =	simm.s32 $0x1B8E;
	s24 =	sld [smem:$0x3FFE];
	[sflag:s23] =	ssyncadd.s32 $0xFFFFFFFF  }
0xa5: {  	s26 =	simm.s32 $execute0_lowered;
	[smem:$0x3FD2] =	sst s25  }
0xa6: {  	s5 =	sshll.u32 s26, $0x1;
	_ =	strace $0x80000046;
	[dreg:$0x1] =	wrdreg $0xFFFFFFFF  }
0xa7: {  	s28 =	simm.s32 $_size_execute0_lowered;
	s3 =	sadd.s32 s3, s5;
	[dreg:$0x0] =	wrdreg $0x0  }
0xa8: {  	s5 =	sshll.u32 s28, $0x1;
	[dreg:$0x2] =	wrdreg s3  }
0xa9: {  	[dreg:$0x3] =	wrdreg s5  }
0xaa: {  	[dreg:$0x4] =	wrdreg $0xC0  }
0xab: {  	_ =	task [dreg:s7], $0x5FFFF  }
0xac: {  	[dreg:$0x1] =	wrdreg $0xFFFFFFFF  }
0xad: {  	[dreg:$0x0] =	wrdreg $0x60  }
0xae: {  	[dreg:$0x2] =	wrdreg s24  }
0xaf: {  	[dreg:$0x3] =	wrdreg s2  }
0xb0: {  	[dreg:$0x4] =	wrdreg $0x9  }
0xb1: {  	_ =	task.clear_ibuf [dreg:s7], $0x5FFFF;
	_ =	strace $0x90000046  }
0xb2: {  	s29 =	simm.s32 $0x9;
	_ =	strace $0x80000048  }
0xb3: {  	_ =	swait.ge [sflag:s29], $0x1  }
0xb4: {  	[sflag:s29] =	ssyncadd.s32 $0xFFFFFFFF  }
0xb5: {  	_ =	strace $0x90000048  }
0xb6: {  	_ =	sfence  }
0xb7: {  	s30 =	sld [smem:$0x0];
	_ =	sdelay $0x2  }
0xb8: {  	s31 =	sshll.u32 s1, $0xD;
	s1 =	sshrl.u32 s1, $0x2  }
0xb9: {  	s3 =	sand.u32 $0x4000, s31;
	s1 =	sadd.s32 s1, s30  }
0xba: {  	s0 =	sor.u32 s3, s0;
	s1 =	sshll.u32 s1, $0x11  }
0xbb: {  	s0 =	sor.u32 s1, s0  }
0xbc: {  	s0 =	sadd.s32 $0x8F2B, s0  }
0xbd: {  	[sflag:s0] =	ssyncadd.remote.s32 $0x1  }
0xbe: {  	_ =	sfence.sel $0xFFFF  }
0xbf: {  	[dreg:$0x0] =	wrdreg $0xFFFFFFFF;
	(pc) =	sbr.abs _section_cstart, $3  }
0xc0: {  	[dreg:$0x1] =	wrdreg $0xFFFFFFFF  }
0xc1: {  	_ =	task.clear_ibuf [dreg:s7], $0x2FFFF;
	_ =	strace $0x9FFFFFFF  }
0xc2: {  	(tm) =	ssettm $0x7FFFFFFF  }
0xc3: {  	_ =	shalt  }
tec
execute0_lowered:
.L_overlay_start_1:
0x0: {  	(tag) =	ssettag $0x1  }
0x1: {  	s1 =	srdreg.scid;
	s3 =	rddreg [dreg:$0x0]  }
0x2: {  	s0 =	stileid.u32;
	s6 =	rddreg [dreg:$0x1]  }
0x3: {  	s2 =	simm.s32 $0x0;
	s19 =	simm.s32 $0x5;
	s20 =	simm.s32 $0x1  }
0x4: {  	s21 =	simm.s32 $0x2100;
	s22 =	simm.s32 $0x2;
	s23 =	simm.s32 $0x3  }
0x5: {  	s24 =	simm.s32 $0xA100;
	s4 =	sand.u32 $0x1, s1;
	s26 =	sshll.u32 s0, $0x1  }
0x6: {  	s25 =	simm.s32 $0x4;
	s1 =	rddreg [dreg:$0x2];
	s5 =	sor.u32 s4, s26  }
0x7: {  	[smem:$0x7FF] =	sst s2;
	p0 =	slt.u32 s0, $0x4;
	s7 =	smul.u32 $0x6, s5  }
0x8: {  	s8 =	sadd.s32 $0x600, s3;
	s4 =	ssub.s32 $0x2, s4;
	s5 =	smul.u32 $0x7, s5  }
0x9: {  	s3 =	sadd.s32 $0x400, s3;
	s28 =	sshrl.u32 s4, $0x1;
	s7 =	sadd.s32 $0x8, s7  }
0xa: {  	_ =	strace $0x80000047;
	s18 =	ssub.s32 s4, s28;
	s7 =	smov.u32 @p0 s5  }
0xb: {  	s26 =	simm.s32 $0x0;
	s18 =	smax.u32 s18, $0x1;
	s9 =	sshll.u32 s7, $0xC  }
0xc: {  	p0 =	sgt.u32 s0, $0x3;
	s29 =	sshll.u32 s7, $0x9;
	s30 =	sshrl.u32 s9, $0x3  }
0xd: {  	s4 =	sand.u32 $0x1FFFFE00, s29;
	s31 =	sand.u32 $0x1FFFF000, s9;
	s15 =	sadd.s32 s8, s30  }
.Ltmp0:
0xe: {  	s4 =	sadd.s32 s8, s4;
	s6 =	sadd.s32 s6, s31;
	(pc) =	sbr.rel .LBB2_1-.Ltmp0, $4  }
0xf: {  	s5 =	sadd.s32 $0x200, s15;
	s7 =	sadd.s32 $0x400, s15;
	s8 =	sadd.s32 $0x1000, s6  }
0x10: {  	s9 =	sadd.s32 $0x600, s15;
	s10 =	sadd.s32 $0x2000, s6;
	s11 =	sadd.s32 $0x800, s15  }
0x11: {  	s12 =	sadd.s32 $0x3000, s6;
	s13 =	sadd.s32 $0xA00, s15;
	s14 =	sadd.s32 $0x4000, s6  }
0x12: {  	s15 =	sadd.s32 $0xC00, s15;
	s16 =	sadd.s32 $0x5000, s6;
	s17 =	sadd.s32 $0x6000, s6  }
.LBB2_32:
0x13: {  	_ =	sdelay $0x2  }
0x14: {  	[tilespmem:s28+$0x160] =	vst v8  }
0x15: {  	[tilespmem:s28+$0x180] =	vst v3;
	v0 =	vld.idx.msk [tilespmem:v2+s2+$0x0], $0xffff  }
0x16: {  	[tilespmem:s28+$0x190] =	vst v7;
	v1 =	vld.idx.msk [tilespmem:v1+s2+$0x0], $0xffff  }
0x17: {  	[tilespmem:s28+$0x1A0] =	vst v5  }
0x18: {  	[tilespmem:s28+$0x1B0] =	vst v4  }
0x19: {  	[tilespmem:s28+$0x1C0] =	vst v6  }
0x1a: {  	[tilespmem:s28+$0x1D0] =	vst v0  }
0x1b: {  	[tilespmem:s28+$0x1E0] =	vst v1  }
0x1c: {  	_ =	swait.ge [sflag:s25], $0x8000  }
0x1d: {  	[sflag:s25] =	ssyncset.done $0x0  }
0x1e: {  	s28 =	simm.s32 $0x3;
	[sflag:s25] =	ssyncadd.s32 $0xFFFF8000  }
0x1f: {  	[hbm4b:s17+s2] =	stream.linear.scatter [tilespmem:s21], [sflag:$0x3], $0x8000, $0x38;
	[tilespmem:$0x12100] =	vst v63  }
.LBB2_33:
0x20: {  	s26 =	sadd.s32 $0x1, s26  }
0x21: {  	p1 =	sne.s32 s26, s18  }
.Ltmp1:
0x22: {  	_ = 	snop;
	(pc) =	sbr.rel @!p1 .LBB2_34-.Ltmp1, $4  }
0x23: {  	_ = 	snop  }
0x24: {  	_ =	swait.ge [sflag:s28], $0x8000  }
0x25: {  	[sflag:s28] =	ssyncset.done $0x0  }
0x26: {  	[sflag:s28] =	ssyncadd.s32 $0xFFFF8000  }
.LBB2_1:
0x27: {  	[tilespmem:s2], [sflag:$0x5] =	stream.linear.gather [hbm4b:s3+s2], $0x100, $0x38;
	[tilespmem:$0x12100] =	vst v63  }
0x28: {  	_ =	swait.ge [sflag:s19], $0x100  }
0x29: {  	s28 =	simm.s32 $0x100;
	s29 =	simm.s32 $0x10;
	[sflag:s19] =	ssyncset.done $0x0  }
0x2a: {  	s31 =	sadd.s32 $0x0, s4;
	s30 =	simm.s32 $0x200;
	[sflag:s19] =	ssyncadd.s32 $0xFFFFFF00  }
.LBB2_2:
0x2b: {  	[tilespmem:s28], [sflag:$0x1] =	stream.linear.gather [hbm4b:s31+s2], $0x80, $0x38;
	[tilespmem:$0x12100] =	vst v63  }
0x2c: {  	s31 =	smov.u32 s29;
	s28 =	smov.u32 s30;
	p1 =	sne.s32 s29, $0x1F0  }
.Ltmp2:
0x2d: {  	s29 =	sadd.s32 $0x10, s29;
	(pc) =	sbr.rel @p1 .LBB2_2-.Ltmp2, $2  }
0x2e: {  	_ =	sdelay $0x2  }
0x2f: {  	s30 =	sadd.s32 $0x100, s30;
	s31 =	sadd.s32 s31, s4  }
0x30: {  	[tilespmem:s28], [sflag:$0x1] =	stream.linear.gather [hbm4b:s31+s2], $0x80, $0x38;
	[tilespmem:$0x12100] =	vst v63  }
0x31: {  	_ =	swait.ge [sflag:s20], $0x1000  }
0x32: {  	[sflag:s20] =	ssyncset.done $0x0  }
0x33: {  	s28 =	simm.s32 $0x0;
	s29 =	simm.s32 $0x180;
	[sflag:s20] =	ssyncadd.s32 $0xFFFFF000  }
.LBB2_4:
0x34: {  	p1 =	sne.s32 s28, $0x1F0  }
.Ltmp3:
0x35: {  	_ = 	snop;
	(pc) =	sbr.rel @p1 .LBB2_4-.Ltmp3, $4  }
0x36: {  	_ = 	snop  }
0x37: {  	s30 =	sadd.s32 s28, s5  }
0x38: {  	[tilespmem:s29], [sflag:$0x2] =	stream.linear.gather [hbm4b:s30+s2], $0x80, $0x38;
	[tilespmem:$0x12100] =	vst v63  }
0x39: {  	s28 =	sadd.s32 $0x10, s28;
	s29 =	sadd.s32 $0x100, s29  }
0x3a: {  	s28 =	simm.s32 $0x140  }
0x3b: {  	v0 =	vld [tilespmem:s28+$0x30]  }
0x3c: {  	v1 =	vld [tilespmem:s28+$0xFFFFFFD0]  }
0x3d: {  	v2 =	vld [tilespmem:s28+$0xFFFFFFE0]  }
0x3e: {  	v3 =	vld [tilespmem:s28+$0xFFFFFFF0]  }
0x3f: {  	v6 =	vld [tilespmem:s28+$0x0]  }
0x40: {  	v8 =	vld [tilespmem:s28+$0x10];
	v7 =	vshll.u32 v0, $0x3  }
0x41: {  	v9 =	vld [tilespmem:s28+$0xFFFFFFC0];
	v5 =	vshll.u32 v1, $0x3  }
0x42: {  	v1 =	vld [tilespmem:s28+$0x20];
	v4 =	vshll.u32 v2, $0x3  }
0x43: {  	v3 =	vshll.u32 v3, $0x3  }
0x44: {  	v2 =	vshll.u32 v6, $0x3  }
0x45: {  	v0 =	vshll.u32 v8, $0x3;
	v8 =	vld.idx.msk [tilespmem:v7+s2+$0x0], $0xffff  }
0x46: {  	v6 =	vshll.u32 v9, $0x3;
	v10 =	vld.idx.msk [tilespmem:v5+s2+$0x0], $0xffff  }
0x47: {  	v1 =	vshll.u32 v1, $0x3;
	v11 =	vld.idx.msk [tilespmem:v4+s2+$0x0], $0xffff  }
0x48: {  	v12 =	vor.u32 $0x1, v7;
	v9 =	vld.idx.msk [tilespmem:v3+s2+$0x0], $0xffff  }
0x49: {  	v13 =	vor.u32 $0x1, v5;
	v14 =	vld.idx.msk [tilespmem:v2+s2+$0x0], $0xffff  }
0x4a: {  	s28 =	simm.s32 $0x2300;
	v15 =	vor.u32 $0x1, v4;
	v16 =	vld.idx.msk [tilespmem:v0+s2+$0x0], $0xffff  }
0x4b: {  	v17 =	vor.u32 $0x1, v3;
	v19 =	vld.idx.msk [tilespmem:v6+s2+$0x0], $0xffff;
	[tilespmem:s28+$0xFFFFFE70] =	vst v8  }
0x4c: {  	v26 =	vor.u32 $0x1, v0;
	v18 =	vld.idx.msk [tilespmem:v1+s2+$0x0], $0xffff;
	[tilespmem:s28+$0xFFFFFE10] =	vst v10  }
0x4d: {  	v27 =	vor.u32 $0x1, v6;
	[tilespmem:s28+$0xFFFFFE20] =	vst v11;
	v10 =	vld.idx.msk [tilespmem:v12+s2+$0x0], $0xffff  }
0x4e: {  	v8 =	vor.u32 $0x1, v2;
	[tilespmem:s28+$0xFFFFFE30] =	vst v9;
	v11 =	vld.idx.msk [tilespmem:v13+s2+$0x0], $0xffff  }
0x4f: {  	v28 =	vor.u32 $0x1, v1;
	[tilespmem:s28+$0xFFFFFE40] =	vst v14;
	v15 =	vld.idx.msk [tilespmem:v15+s2+$0x0], $0xffff  }
0x50: {  	v9 =	vor.u32 $0x2, v7;
	[tilespmem:s28+$0xFFFFFE50] =	vst v16;
	v17 =	vld.idx.msk [tilespmem:v17+s2+$0x0], $0xffff  }
0x51: {  	v29 =	vor.u32 $0x2, v5;
	[tilespmem:s28+$0xFFFFFE00] =	vst v19;
	v12 =	vld.idx.msk [tilespmem:v26+s2+$0x0], $0xffff  }
0x52: {  	v30 =	vor.u32 $0x2, v4;
	v13 =	vld.idx.msk [tilespmem:v27+s2+$0x0], $0xffff;
	[tilespmem:s28+$0xFFFFFE60] =	vst v18  }
0x53: {  	v33 =	vor.u32 $0x2, v6;
	v8 =	vld.idx.msk [tilespmem:v8+s2+$0x0], $0xffff;
	[tilespmem:s28+$0xFFFFFEF0] =	vst v10  }
0x54: {  	v10 =	vor.u32 $0x2, v3;
	[tilespmem:s28+$0xFFFFFE90] =	vst v11;
	v11 =	vld.idx.msk [tilespmem:v28+s2+$0x0], $0xffff  }
0x55: {  	v31 =	vor.u32 $0x2, v2;
	[tilespmem:s28+$0xFFFFFEA0] =	vst v15;
	v9 =	vld.idx.msk [tilespmem:v9+s2+$0x0], $0xffff  }
0x56: {  	v34 =	vor.u32 $0x2, v0;
	[tilespmem:s28+$0xFFFFFEB0] =	vst v17;
	v16 =	vld.idx.msk [tilespmem:v29+s2+$0x0], $0xffff  }
0x57: {  	v32 =	vor.u32 $0x3, v7;
	[tilespmem:s28+$0xFFFFFE80] =	vst v13;
	v18 =	vld.idx.msk [tilespmem:v30+s2+$0x0], $0xffff  }
0x58: {  	v35 =	vor.u32 $0x3, v5;
	[tilespmem:s28+$0xFFFFFED0] =	vst v12;
	v15 =	vld.idx.msk [tilespmem:v33+s2+$0x0], $0xffff  }
0x59: {  	v39 =	vor.u32 $0x3, v6;
	[tilespmem:s28+$0xFFFFFEC0] =	vst v8;
	v10 =	vld.idx.msk [tilespmem:v10+s2+$0x0], $0xffff  }
0x5a: {  	v8 =	vor.u32 $0x2, v1;
	v19 =	vld.idx.msk [tilespmem:v31+s2+$0x0], $0xffff;
	[tilespmem:s28+$0xFFFFFEE0] =	vst v11  }
0x5b: {  	v11 =	vld.idx.msk [tilespmem:v34+s2+$0x0], $0xffff;
	[tilespmem:s28+$0xFFFFFF70] =	vst v9;
	v9 =	vor.u32 $0x3, v4  }
0x5c: {  	v37 =	vor.u32 $0x3, v3;
	[tilespmem:s28+$0xFFFFFF10] =	vst v16;
	v36 =	vld.idx.msk [tilespmem:v32+s2+$0x0], $0xffff  }
0x5d: {  	v40 =	vor.u32 $0x3, v2;
	[tilespmem:s28+$0xFFFFFF00] =	vst v15;
	v12 =	vld.idx.msk [tilespmem:v35+s2+$0x0], $0xffff  }
0x5e: {  	v38 =	vor.u32 $0x4, v7;
	[tilespmem:s28+$0xFFFFFF20] =	vst v18;
	v17 =	vld.idx.msk [tilespmem:v39+s2+$0x0], $0xffff  }
0x5f: {  	v42 =	vor.u32 $0x4, v5;
	v8 =	vld.idx.msk [tilespmem:v8+s2+$0x0], $0xffff;
	[tilespmem:s28+$0xFFFFFF30] =	vst v10  }
0x60: {  	v45 =	vor.u32 $0x4, v6;
	[tilespmem:s28+$0xFFFFFF40] =	vst v19;
	v9 =	vld.idx.msk [tilespmem:v9+s2+$0x0], $0xffff  }
0x61: {  	v10 =	vor.u32 $0x3, v0;
	[tilespmem:s28+$0xFFFFFF50] =	vst v11;
	v14 =	vld.idx.msk [tilespmem:v37+s2+$0x0], $0xffff  }
0x62: {  	v41 =	vor.u32 $0x3, v1;
	v11 =	vld.idx.msk [tilespmem:v40+s2+$0x0], $0xffff;
	[tilespmem:s28+$0xFFFFFFF0] =	vst v36  }
0x63: {  	v44 =	vor.u32 $0x4, v4;
	[tilespmem:s28+$0xFFFFFF90] =	vst v12;
	v43 =	vld.idx.msk [tilespmem:v38+s2+$0x0], $0xffff  }
0x64: {  	v46 =	vor.u32 $0x4, v3;
	[tilespmem:s28+$0xFFFFFF80] =	vst v17;
	v13 =	vld.idx.msk [tilespmem:v42+s2+$0x0], $0xffff  }
0x65: {  	v47 =	vor.u32 $0x4, v2;
	v18 =	vld.idx.msk [tilespmem:v45+s2+$0x0], $0xffff;
	[tilespmem:s28+$0xFFFFFF60] =	vst v8  }
0x66: {  	v8 =	vor.u32 $0x5, v7;
	v10 =	vld.idx.msk [tilespmem:v10+s2+$0x0], $0xffff;
	[tilespmem:s28+$0xFFFFFFA0] =	vst v9  }
0x67: {  	v50 =	vor.u32 $0x5, v5;
	v9 =	vld.idx.msk [tilespmem:v41+s2+$0x0], $0xffff;
	[tilespmem:s28+$0xFFFFFFB0] =	vst v14  }
0x68: {  	v51 =	vor.u32 $0x5, v6;
	[tilespmem:s28+$0xFFFFFFC0] =	vst v11;
	v16 =	vld.idx.msk [tilespmem:v44+s2+$0x0], $0xffff  }
0x69: {  	v48 =	vor.u32 $0x4, v0;
	v11 =	vld.idx.msk [tilespmem:v46+s2+$0x0], $0xffff;
	[tilespmem:s28+$0x70] =	vst v43  }
0x6a: {  	v49 =	vor.u32 $0x4, v1;
	v19 =	vld.idx.msk [tilespmem:v47+s2+$0x0], $0xffff;
	[tilespmem:s28+$0x10] =	vst v13  }
0x6b: {  	v53 =	vor.u32 $0x5, v3;
	[tilespmem:s28+$0x0] =	vst v18;
	v8 =	vld.idx.msk [tilespmem:v8+s2+$0x0], $0xffff  }
0x6c: {  	v54 =	vor.u32 $0x5, v2;
	v17 =	vld.idx.msk [tilespmem:v50+s2+$0x0], $0xffff;
	[tilespmem:s28+$0xFFFFFFD0] =	vst v10  }
0x6d: {  	v12 =	vld.idx.msk [tilespmem:v51+s2+$0x0], $0xffff;
	v10 =	vor.u32 $0x6, v7;
	[tilespmem:s28+$0xFFFFFFE0] =	vst v9  }
0x6e: {  	v56 =	vor.u32 $0x6, v5;
	v52 =	vld.idx.msk [tilespmem:v48+s2+$0x0], $0xffff;
	[tilespmem:s28+$0x20] =	vst v16  }
0x6f: {  	v9 =	vor.u32 $0x5, v4;
	v15 =	vld.idx.msk [tilespmem:v49+s2+$0x0], $0xffff;
	[tilespmem:s28+$0x30] =	vst v11  }
0x70: {  	[tilespmem:s28+$0x40] =	vst v19;
	v11 =	vor.u32 $0x6, v6;
	v14 =	vld.idx.msk [tilespmem:v53+s2+$0x0], $0xffff  }
0x71: {  	v55 =	vor.u32 $0x5, v1;
	v16 =	vld.idx.msk [tilespmem:v54+s2+$0x0], $0xffff;
	[tilespmem:s28+$0xF0] =	vst v8  }
0x72: {  	v8 =	vor.u32 $0x5, v0;
	[tilespmem:s28+$0x90] =	vst v17;
	v10 =	vld.idx.msk [tilespmem:v10+s2+$0x0], $0xffff  }
0x73: {  	v58 =	vor.u32 $0x6, v3;
	[tilespmem:s28+$0x80] =	vst v12;
	v13 =	vld.idx.msk [tilespmem:v56+s2+$0x0], $0xffff  }
0x74: {  	v7 =	vor.u32 $0x7, v7;
	v9 =	vld.idx.msk [tilespmem:v9+s2+$0x0], $0xffff;
	[tilespmem:s28+$0x50] =	vst v52  }
0x75: {  	v57 =	vor.u32 $0x6, v4;
	[tilespmem:s28+$0x60] =	vst v15;
	v11 =	vld.idx.msk [tilespmem:v11+s2+$0x0], $0xffff  }
0x76: {  	v6 =	vor.u32 $0x7, v6;
	v18 =	vld.idx.msk [tilespmem:v55+s2+$0x0], $0xffff;
	[tilespmem:s28+$0xB0] =	vst v14  }
0x77: {  	v8 =	vld.idx.msk [tilespmem:v8+s2+$0x0], $0xffff;
	[tilespmem:s28+$0x170] =	vst v10;
	v10 =	vor.u32 $0x6, v2  }
0x78: {  	v59 =	vor.u32 $0x6, v0;
	[tilespmem:s28+$0xC0] =	vst v16;
	v61 =	vld.idx.msk [tilespmem:v58+s2+$0x0], $0xffff  }
0x79: {  	v7 =	vld.idx.msk [tilespmem:v7+s2+$0x0], $0xffff;
	[tilespmem:s28+$0xA0] =	vst v9;
	v9 =	vor.u32 $0x6, v1  }
0x7a: {  	v5 =	vor.u32 $0x7, v5;
	v60 =	vld.idx.msk [tilespmem:v57+s2+$0x0], $0xffff;
	[tilespmem:s28+$0x100] =	vst v11  }
0x7b: {  	v62 =	vor.u32 $0x7, v3;
	v4 =	vor.u32 $0x7, v4;
	[tilespmem:s28+$0x110] =	vst v13;
	v3 =	vld.idx.msk [tilespmem:v6+s2+$0x0], $0xffff  }
0x7c: {  	[tilespmem:s28+$0xD0] =	vst v8;
	v10 =	vld.idx.msk [tilespmem:v10+s2+$0x0], $0xffff  }
0x7d: {  	v63 =	vor.u32 $0x7, v2;
	[tilespmem:s28+$0xE0] =	vst v18;
	v12 =	vld.idx.msk [tilespmem:v59+s2+$0x0], $0xffff  }
0x7e: {  	[tilespmem:s28+$0x1F0] =	vst v7;
	v8 =	vld.idx.msk [tilespmem:v9+s2+$0x0], $0xffff  }
0x7f: {  	v7 =	vld.idx.msk [tilespmem:v5+s2+$0x0], $0xffff;
	[tilespmem:s28+$0x120] =	vst v60  }
0x80: {  	[tilespmem:s28+$0x130] =	vst v61;
	v5 =	vld.idx.msk [tilespmem:v4+s2+$0x0], $0xffff  }
0x81: {  	v4 =	vld.idx.msk [tilespmem:v62+s2+$0x0], $0xffff;
	[tilespmem:s28+$0x140] =	vst v10  }
0x82: {  	s29 =	simm.s32 $0x0;
	s30 =	simm.s32 $0x240;
	v2 =	vor.u32 $0x7, v0;
	v1 =	vor.u32 $0x7, v1;
	[tilespmem:s28+$0x150] =	vst v12;
	v6 =	vld.idx.msk [tilespmem:v63+s2+$0x0], $0xffff  }
.LBB2_6:
0x83: {  	v0 =	vld [tilespmem:s30+$0x30];
	s29 =	sadd.s32 $0x80, s29;
	[tilespmem:s28+$0x160] =	vst v8  }
0x84: {  	v8 =	vld [tilespmem:s30+$0xFFFFFFD0];
	p1 =	slt.u32 s29, $0xF80;
	[tilespmem:s28+$0x180] =	vst v3  }
0x85: {  	v3 =	vld [tilespmem:s30+$0xFFFFFFE0];
	[tilespmem:s28+$0x190] =	vst v7  }
0x86: {  	v7 =	vld [tilespmem:s30+$0xFFFFFFF0];
	[tilespmem:s28+$0x1A0] =	vst v5  }
0x87: {  	v5 =	vld [tilespmem:s30+$0x0];
	[tilespmem:s28+$0x1B0] =	vst v4  }
0x88: {  	v4 =	vld [tilespmem:s30+$0x10];
	v0 =	vshll.u32 v0, $0x3;
	[tilespmem:s28+$0x1C0] =	vst v6  }
0x89: {  	v6 =	vshll.u32 v8, $0x3;
	v8 =	vld [tilespmem:s30+$0x20]  }
0x8a: {  	v9 =	vld [tilespmem:s30+$0xFFFFFFC0];
	v10 =	vor.u32 $0x1, v6;
	v17 =	vor.u32 $0x2, v6;
	v18 =	vshll.u32 v3, $0x3  }
0x8b: {  	v3 =	vor.u32 $0x1, v18;
	v19 =	vor.u32 $0x2, v18;
	v20 =	vshll.u32 v7, $0x3;
	v2 =	vld.idx.msk [tilespmem:v2+s2+$0x0], $0xffff  }
0x8c: {  	v7 =	vor.u32 $0x1, v20;
	v21 =	vor.u32 $0x2, v20;
	v22 =	vshll.u32 v5, $0x3;
	v1 =	vld.idx.msk [tilespmem:v1+s2+$0x0], $0xffff  }
0x8d: {  	v5 =	vor.u32 $0x1, v22;
	v23 =	vor.u32 $0x2, v22;
	v24 =	vshll.u32 v4, $0x3;
	v4 =	vld.idx.msk [tilespmem:v0+s2+$0x0], $0xffff  }
0x8e: {  	v11 =	vld.idx.msk [tilespmem:v6+s2+$0x0], $0xffff;
	v12 =	vor.u32 $0x1, v24;
	v25 =	vor.u32 $0x2, v24;
	v26 =	vshll.u32 v8, $0x3  }
0x8f: {  	v13 =	vor.u32 $0x1, v0;
	v8 =	vshll.u32 v9, $0x3;
	v9 =	vld.idx.msk [tilespmem:v18+s2+$0x0], $0xffff;
	v27 =	vor.u32 $0x1, v26  }
0x90: {  	v30 =	vor.u32 $0x2, v26;
	v28 =	vor.u32 $0x1, v8;
	v29 =	vor.u32 $0x2, v8;
	v14 =	vld.idx.msk [tilespmem:v20+s2+$0x0], $0xffff  }
0x91: {  	v32 =	vor.u32 $0x3, v6;
	v33 =	vor.u32 $0x3, v18;
	v31 =	vor.u32 $0x3, v8;
	v16 =	vld.idx.msk [tilespmem:v22+s2+$0x0], $0xffff;
	[tilespmem:s28+$0x1D0] =	vst v2  }
0x92: {  	v34 =	vor.u32 $0x3, v20;
	v35 =	vor.u32 $0x3, v22;
	v36 =	vor.u32 $0x3, v24;
	v2 =	vld.idx.msk [tilespmem:v24+s2+$0x0], $0xffff;
	[tilespmem:s28+$0x1E0] =	vst v1;
	s28 =	sadd.s32 $0x400, s28  }
0x93: {  	v38 =	vor.u32 $0x4, v6;
	v39 =	vor.u32 $0x3, v26;
	v37 =	vor.u32 $0x4, v8;
	v1 =	vld.idx.msk [tilespmem:v26+s2+$0x0], $0xffff;
	[tilespmem:s28+$0xFFFFFE70] =	vst v4  }
0x94: {  	v40 =	vor.u32 $0x4, v18;
	v41 =	vor.u32 $0x4, v20;
	v42 =	vor.u32 $0x4, v22;
	[tilespmem:s28+$0xFFFFFE10] =	vst v11;
	v4 =	vld.idx.msk [tilespmem:v13+s2+$0x0], $0xffff  }
0x95: {  	v44 =	vor.u32 $0x4, v24;
	v45 =	vor.u32 $0x4, v26;
	v15 =	vor.u32 $0x5, v8;
	v43 =	vld.idx.msk [tilespmem:v8+s2+$0x0], $0xffff;
	[tilespmem:s28+$0xFFFFFE20] =	vst v9  }
0x96: {  	v49 =	vor.u32 $0x2, v0;
	v47 =	vor.u32 $0x5, v6;
	v48 =	vor.u32 $0x5, v18;
	v46 =	vld.idx.msk [tilespmem:v10+s2+$0x0], $0xffff;
	[tilespmem:s28+$0xFFFFFE30] =	vst v14  }
0x97: {  	v51 =	vor.u32 $0x5, v20;
	v52 =	vor.u32 $0x5, v22;
	v50 =	vld.idx.msk [tilespmem:v3+s2+$0x0], $0xffff;
	[tilespmem:s28+$0xFFFFFE40] =	vst v16;
	v16 =	vor.u32 $0x5, v24  }
0x98: {  	v54 =	vor.u32 $0x5, v26;
	v13 =	vor.u32 $0x6, v8;
	v10 =	vor.u32 $0x6, v6;
	v53 =	vld.idx.msk [tilespmem:v7+s2+$0x0], $0xffff;
	[tilespmem:s28+$0xFFFFFE50] =	vst v2  }
0x99: {  	v11 =	vor.u32 $0x6, v20;
	v9 =	vor.u32 $0x6, v22;
	v14 =	vor.u32 $0x6, v18;
	v55 =	vld.idx.msk [tilespmem:v5+s2+$0x0], $0xffff;
	[tilespmem:s28+$0xFFFFFE60] =	vst v1  }
0x9a: {  	v3 =	vor.u32 $0x7, v8;
	v8 =	vor.u32 $0x6, v26;
	v56 =	vld.idx.msk [tilespmem:v12+s2+$0x0], $0xffff;
	v12 =	vor.u32 $0x6, v24;
	[tilespmem:s28+$0xFFFFFEF0] =	vst v4  }
0x9b: {  	v7 =	vor.u32 $0x7, v6;
	v5 =	vor.u32 $0x7, v18;
	v4 =	vor.u32 $0x7, v20;
	[tilespmem:s28+$0xFFFFFE00] =	vst v43;
	v18 =	vld.idx.msk [tilespmem:v49+s2+$0x0], $0xffff  }
0x9c: {  	v6 =	vor.u32 $0x7, v22;
	v2 =	vor.u32 $0x7, v24;
	v1 =	vor.u32 $0x7, v26;
	v20 =	vld.idx.msk [tilespmem:v28+s2+$0x0], $0xffff;
	[tilespmem:s28+$0xFFFFFE90] =	vst v46  }
0x9d: {  	v24 =	vor.u32 $0x3, v0;
	[tilespmem:s28+$0xFFFFFEA0] =	vst v50;
	v22 =	vld.idx.msk [tilespmem:v27+s2+$0x0], $0xffff  }
0x9e: {  	v17 =	vld.idx.msk [tilespmem:v17+s2+$0x0], $0xffff;
	[tilespmem:s28+$0xFFFFFEB0] =	vst v53  }
0x9f: {  	v19 =	vld.idx.msk [tilespmem:v19+s2+$0x0], $0xffff;
	[tilespmem:s28+$0xFFFFFEC0] =	vst v55  }
0xa0: {  	v21 =	vld.idx.msk [tilespmem:v21+s2+$0x0], $0xffff;
	[tilespmem:s28+$0xFFFFFED0] =	vst v56  }
0xa1: {  	v23 =	vld.idx.msk [tilespmem:v23+s2+$0x0], $0xffff;
	[tilespmem:s28+$0xFFFFFF70] =	vst v18  }
0xa2: {  	[tilespmem:s28+$0xFFFFFE80] =	vst v20;
	v18 =	vld.idx.msk [tilespmem:v24+s2+$0x0], $0xffff  }
0xa3: {  	v20 =	vld.idx.msk [tilespmem:v29+s2+$0x0], $0xffff;
	[tilespmem:s28+$0xFFFFFEE0] =	vst v22  }
0xa4: {  	v22 =	vor.u32 $0x4, v0;
	[tilespmem:s28+$0xFFFFFF10] =	vst v17;
	v17 =	vld.idx.msk [tilespmem:v25+s2+$0x0], $0xffff  }
0xa5: {  	[tilespmem:s28+$0xFFFFFF20] =	vst v19;
	v19 =	vld.idx.msk [tilespmem:v30+s2+$0x0], $0xffff  }
0xa6: {  	v24 =	vld.idx.msk [tilespmem:v32+s2+$0x0], $0xffff;
	[tilespmem:s28+$0xFFFFFF30] =	vst v21  }
0xa7: {  	v21 =	vld.idx.msk [tilespmem:v33+s2+$0x0], $0xffff;
	[tilespmem:s28+$0xFFFFFF40] =	vst v23  }
0xa8: {  	v23 =	vld.idx.msk [tilespmem:v34+s2+$0x0], $0xffff;
	[tilespmem:s28+$0xFFFFFFF0] =	vst v18  }
0xa9: {  	[tilespmem:s28+$0xFFFFFF00] =	vst v20;
	v18 =	vld.idx.msk [tilespmem:v22+s2+$0x0], $0xffff  }
0xaa: {  	v20 =	vld.idx.msk [tilespmem:v31+s2+$0x0], $0xffff;
	[tilespmem:s28+$0xFFFFFF50] =	vst v17  }
0xab: {  	v17 =	vld.idx.msk [tilespmem:v35+s2+$0x0], $0xffff;
	[tilespmem:s28+$0xFFFFFF60] =	vst v19;
	v19 =	vor.u32 $0x5, v0  }
0xac: {  	[tilespmem:s28+$0xFFFFFF90] =	vst v24;
	v22 =	vld.idx.msk [tilespmem:v36+s2+$0x0], $0xffff  }
0xad: {  	[tilespmem:s28+$0xFFFFFFA0] =	vst v21;
	v21 =	vld.idx.msk [tilespmem:v39+s2+$0x0], $0xffff  }
0xae: {  	v24 =	vld.idx.msk [tilespmem:v38+s2+$0x0], $0xffff;
	[tilespmem:s28+$0xFFFFFFB0] =	vst v23  }
0xaf: {  	v23 =	vld.idx.msk [tilespmem:v40+s2+$0x0], $0xffff;
	[tilespmem:s28+$0x70] =	vst v18  }
0xb0: {  	[tilespmem:s28+$0xFFFFFF80] =	vst v20;
	v18 =	vld.idx.msk [tilespmem:v19+s2+$0x0], $0xffff  }
0xb1: {  	v19 =	vld.idx.msk [tilespmem:v37+s2+$0x0], $0xffff;
	[tilespmem:s28+$0xFFFFFFC0] =	vst v17  }
0xb2: {  	v20 =	vor.u32 $0x6, v0;
	v17 =	vld.idx.msk [tilespmem:v41+s2+$0x0], $0xffff;
	[tilespmem:s28+$0xFFFFFFD0] =	vst v22  }
0xb3: {  	v22 =	vld.idx.msk [tilespmem:v42+s2+$0x0], $0xffff;
	[tilespmem:s28+$0xFFFFFFE0] =	vst v21  }
0xb4: {  	[tilespmem:s28+$0x10] =	vst v24;
	v21 =	vld.idx.msk [tilespmem:v44+s2+$0x0], $0xffff  }
0xb5: {  	[tilespmem:s28+$0x20] =	vst v23;
	v23 =	vld.idx.msk [tilespmem:v45+s2+$0x0], $0xffff  }
0xb6: {  	v24 =	vld.idx.msk [tilespmem:v47+s2+$0x0], $0xffff;
	[tilespmem:s28+$0xF0] =	vst v18  }
0xb7: {  	[tilespmem:s28+$0x0] =	vst v19;
	v18 =	vld.idx.msk [tilespmem:v20+s2+$0x0], $0xffff  }
0xb8: {  	v15 =	vld.idx.msk [tilespmem:v15+s2+$0x0], $0xffff;
	[tilespmem:s28+$0x30] =	vst v17  }
0xb9: {  	v0 =	vor.u32 $0x7, v0;
	v17 =	vld.idx.msk [tilespmem:v48+s2+$0x0], $0xffff;
	[tilespmem:s28+$0x40] =	vst v22  }
0xba: {  	v19 =	vld.idx.msk [tilespmem:v51+s2+$0x0], $0xffff;
	[tilespmem:s28+$0x50] =	vst v21  }
0xbb: {  	v20 =	vld.idx.msk [tilespmem:v52+s2+$0x0], $0xffff;
	[tilespmem:s28+$0x60] =	vst v23  }
0xbc: {  	[tilespmem:s28+$0x90] =	vst v24;
	v16 =	vld.idx.msk [tilespmem:v16+s2+$0x0], $0xffff  }
0xbd: {  	v21 =	vld.idx.msk [tilespmem:v54+s2+$0x0], $0xffff;
	[tilespmem:s28+$0x170] =	vst v18  }
0xbe: {  	[tilespmem:s28+$0x80] =	vst v15;
	v0 =	vld.idx.msk [tilespmem:v0+s2+$0x0], $0xffff  }
0xbf: {  	v13 =	vld.idx.msk [tilespmem:v13+s2+$0x0], $0xffff;
	[tilespmem:s28+$0xA0] =	vst v17  }
0xc0: {  	v10 =	vld.idx.msk [tilespmem:v10+s2+$0x0], $0xffff;
	[tilespmem:s28+$0xB0] =	vst v19  }
0xc1: {  	v14 =	vld.idx.msk [tilespmem:v14+s2+$0x0], $0xffff;
	[tilespmem:s28+$0xC0] =	vst v20  }
0xc2: {  	v11 =	vld.idx.msk [tilespmem:v11+s2+$0x0], $0xffff;
	[tilespmem:s28+$0xD0] =	vst v16  }
0xc3: {  	v9 =	vld.idx.msk [tilespmem:v9+s2+$0x0], $0xffff;
	[tilespmem:s28+$0xE0] =	vst v21  }
0xc4: {  	v12 =	vld.idx.msk [tilespmem:v12+s2+$0x0], $0xffff;
	[tilespmem:s28+$0x1F0] =	vst v0  }
0xc5: {  	[tilespmem:s28+$0x100] =	vst v13;
	v8 =	vld.idx.msk [tilespmem:v8+s2+$0x0], $0xffff  }
.Ltmp4:
0xc6: {  	v3 =	vld.idx.msk [tilespmem:v3+s2+$0x0], $0xffff;
	[tilespmem:s28+$0x110] =	vst v10;
	(pc) =	sbr.rel @p1 .LBB2_6-.Ltmp4, $4  }
0xc7: {  	v7 =	vld.idx.msk [tilespmem:v7+s2+$0x0], $0xffff;
	[tilespmem:s28+$0x120] =	vst v14  }
0xc8: {  	v5 =	vld.idx.msk [tilespmem:v5+s2+$0x0], $0xffff;
	[tilespmem:s28+$0x130] =	vst v11  }
0xc9: {  	v4 =	vld.idx.msk [tilespmem:v4+s2+$0x0], $0xffff;
	[tilespmem:s28+$0x140] =	vst v9  }
0xca: {  	s30 =	sadd.s32 $0x100, s30;
	v6 =	vld.idx.msk [tilespmem:v6+s2+$0x0], $0xffff;
	[tilespmem:s28+$0x150] =	vst v12  }
0xcb: {  	_ =	sdelay $0x2  }
0xcc: {  	[tilespmem:s28+$0x160] =	vst v8  }
0xcd: {  	[tilespmem:s28+$0x180] =	vst v3;
	v0 =	vld.idx.msk [tilespmem:v2+s2+$0x0], $0xffff  }
0xce: {  	[tilespmem:s28+$0x190] =	vst v7;
	v1 =	vld.idx.msk [tilespmem:v1+s2+$0x0], $0xffff  }
0xcf: {  	[tilespmem:s28+$0x1A0] =	vst v5  }
0xd0: {  	[tilespmem:s28+$0x1B0] =	vst v4  }
0xd1: {  	[tilespmem:s28+$0x1C0] =	vst v6  }
0xd2: {  	[tilespmem:s28+$0x1D0] =	vst v0  }
0xd3: {  	[tilespmem:s28+$0x1E0] =	vst v1;
	s28 =	simm.s32 $0x0  }
0xd4: {  	[hbm4b:s6+s28] =	stream.linear.scatter [tilespmem:s21], [sflag:$0x3], $0x8000, $0x38;
	[tilespmem:$0x12100] =	vst v63  }
0xd5: {  	_ =	swait.ge [sflag:s22], $0x1000  }
0xd6: {  	[sflag:s22] =	ssyncset.done $0x0  }
0xd7: {  	s29 =	simm.s32 $0x100;
	[sflag:s22] =	ssyncadd.s32 $0xFFFFF000  }
.LBB2_8:
0xd8: {  	p1 =	sne.s32 s28, $0x1F0  }
.Ltmp5:
0xd9: {  	_ = 	snop;
	(pc) =	sbr.rel @p1 .LBB2_8-.Ltmp5, $4  }
0xda: {  	_ = 	snop  }
0xdb: {  	s30 =	sadd.s32 s28, s7  }
0xdc: {  	[tilespmem:s29], [sflag:$0x1] =	stream.linear.gather [hbm4b:s30+s2], $0x80, $0x38;
	[tilespmem:$0x12100] =	vst v63  }
0xdd: {  	s28 =	sadd.s32 $0x10, s28;
	s29 =	sadd.s32 $0x100, s29  }
0xde: {  	s28 =	simm.s32 $0x1F0  }
0xdf: {  	v0 =	vld [tilespmem:s28+$0x0]  }
0xe0: {  	v1 =	vld [tilespmem:s28+$0xFFFFFFA0]  }
0xe1: {  	v2 =	vld [tilespmem:s28+$0xFFFFFFB0]  }
0xe2: {  	v3 =	vld [tilespmem:s28+$0xFFFFFFC0]  }
0xe3: {  	v6 =	vld [tilespmem:s28+$0xFFFFFFD0]  }
0xe4: {  	v8 =	vld [tilespmem:s28+$0xFFFFFFE0];
	v7 =	vshll.u32 v0, $0x3  }
0xe5: {  	v9 =	vld [tilespmem:s28+$0xFFFFFF90];
	v5 =	vshll.u32 v1, $0x3  }
0xe6: {  	v1 =	vld [tilespmem:s28+$0xFFFFFFF0];
	v4 =	vshll.u32 v2, $0x3  }
0xe7: {  	v3 =	vshll.u32 v3, $0x3  }
0xe8: {  	v2 =	vshll.u32 v6, $0x3  }
0xe9: {  	v0 =	vshll.u32 v8, $0x3;
	v8 =	vld.idx.msk [tilespmem:v7+s2+$0x0], $0xffff  }
0xea: {  	v6 =	vshll.u32 v9, $0x3;
	v10 =	vld.idx.msk [tilespmem:v5+s2+$0x0], $0xffff  }
0xeb: {  	v1 =	vshll.u32 v1, $0x3;
	v11 =	vld.idx.msk [tilespmem:v4+s2+$0x0], $0xffff  }
0xec: {  	v12 =	vor.u32 $0x1, v7;
	v9 =	vld.idx.msk [tilespmem:v3+s2+$0x0], $0xffff  }
0xed: {  	v13 =	vor.u32 $0x1, v5;
	v14 =	vld.idx.msk [tilespmem:v2+s2+$0x0], $0xffff  }
0xee: {  	s28 =	simm.s32 $0xA4F0;
	v15 =	vor.u32 $0x1, v4;
	v16 =	vld.idx.msk [tilespmem:v0+s2+$0x0], $0xffff  }
0xef: {  	v17 =	vor.u32 $0x1, v3;
	v19 =	vld.idx.msk [tilespmem:v6+s2+$0x0], $0xffff;
	[tilespmem:s28+$0xFFFFFC80] =	vst v8  }
0xf0: {  	v26 =	vor.u32 $0x1, v0;
	v18 =	vld.idx.msk [tilespmem:v1+s2+$0x0], $0xffff;
	[tilespmem:s28+$0xFFFFFC20] =	vst v10  }
0xf1: {  	v27 =	vor.u32 $0x1, v6;
	[tilespmem:s28+$0xFFFFFC30] =	vst v11;
	v10 =	vld.idx.msk [tilespmem:v12+s2+$0x0], $0xffff  }
0xf2: {  	v8 =	vor.u32 $0x1, v2;
	[tilespmem:s28+$0xFFFFFC40] =	vst v9;
	v11 =	vld.idx.msk [tilespmem:v13+s2+$0x0], $0xffff  }
0xf3: {  	v28 =	vor.u32 $0x1, v1;
	[tilespmem:s28+$0xFFFFFC50] =	vst v14;
	v15 =	vld.idx.msk [tilespmem:v15+s2+$0x0], $0xffff  }
0xf4: {  	v9 =	vor.u32 $0x2, v7;
	[tilespmem:s28+$0xFFFFFC60] =	vst v16;
	v17 =	vld.idx.msk [tilespmem:v17+s2+$0x0], $0xffff  }
0xf5: {  	v29 =	vor.u32 $0x2, v5;
	[tilespmem:s28+$0xFFFFFC10] =	vst v19;
	v12 =	vld.idx.msk [tilespmem:v26+s2+$0x0], $0xffff  }
0xf6: {  	v30 =	vor.u32 $0x2, v4;
	v13 =	vld.idx.msk [tilespmem:v27+s2+$0x0], $0xffff;
	[tilespmem:s28+$0xFFFFFC70] =	vst v18  }
0xf7: {  	v33 =	vor.u32 $0x2, v6;
	v8 =	vld.idx.msk [tilespmem:v8+s2+$0x0], $0xffff;
	[tilespmem:s28+$0xFFFFFD00] =	vst v10  }
0xf8: {  	v10 =	vor.u32 $0x2, v3;
	[tilespmem:s28+$0xFFFFFCA0] =	vst v11;
	v11 =	vld.idx.msk [tilespmem:v28+s2+$0x0], $0xffff  }
0xf9: {  	v31 =	vor.u32 $0x2, v2;
	[tilespmem:s28+$0xFFFFFCB0] =	vst v15;
	v9 =	vld.idx.msk [tilespmem:v9+s2+$0x0], $0xffff  }
0xfa: {  	v34 =	vor.u32 $0x2, v0;
	[tilespmem:s28+$0xFFFFFCC0] =	vst v17;
	v16 =	vld.idx.msk [tilespmem:v29+s2+$0x0], $0xffff  }
0xfb: {  	v32 =	vor.u32 $0x3, v7;
	[tilespmem:s28+$0xFFFFFC90] =	vst v13;
	v18 =	vld.idx.msk [tilespmem:v30+s2+$0x0], $0xffff  }
0xfc: {  	v35 =	vor.u32 $0x3, v5;
	[tilespmem:s28+$0xFFFFFCE0] =	vst v12;
	v15 =	vld.idx.msk [tilespmem:v33+s2+$0x0], $0xffff  }
0xfd: {  	v39 =	vor.u32 $0x3, v6;
	[tilespmem:s28+$0xFFFFFCD0] =	vst v8;
	v10 =	vld.idx.msk [tilespmem:v10+s2+$0x0], $0xffff  }
0xfe: {  	v8 =	vor.u32 $0x2, v1;
	v19 =	vld.idx.msk [tilespmem:v31+s2+$0x0], $0xffff;
	[tilespmem:s28+$0xFFFFFCF0] =	vst v11  }
0xff: {  	v11 =	vld.idx.msk [tilespmem:v34+s2+$0x0], $0xffff;
	[tilespmem:s28+$0xFFFFFD80] =	vst v9;
	v9 =	vor.u32 $0x3, v4  }
0x100: {  	v37 =	vor.u32 $0x3, v3;
	[tilespmem:s28+$0xFFFFFD20] =	vst v16;
	v36 =	vld.idx.msk [tilespmem:v32+s2+$0x0], $0xffff  }
0x101: {  	v40 =	vor.u32 $0x3, v2;
	[tilespmem:s28+$0xFFFFFD10] =	vst v15;
	v12 =	vld.idx.msk [tilespmem:v35+s2+$0x0], $0xffff  }
0x102: {  	v38 =	vor.u32 $0x4, v7;
	[tilespmem:s28+$0xFFFFFD30] =	vst v18;
	v17 =	vld.idx.msk [tilespmem:v39+s2+$0x0], $0xffff  }
0x103: {  	v42 =	vor.u32 $0x4, v5;
	v8 =	vld.idx.msk [tilespmem:v8+s2+$0x0], $0xffff;
	[tilespmem:s28+$0xFFFFFD40] =	vst v10  }
0x104: {  	v45 =	vor.u32 $0x4, v6;
	[tilespmem:s28+$0xFFFFFD50] =	vst v19;
	v9 =	vld.idx.msk [tilespmem:v9+s2+$0x0], $0xffff  }
0x105: {  	v10 =	vor.u32 $0x3, v0;
	[tilespmem:s28+$0xFFFFFD60] =	vst v11;
	v14 =	vld.idx.msk [tilespmem:v37+s2+$0x0], $0xffff  }
0x106: {  	v41 =	vor.u32 $0x3, v1;
	v11 =	vld.idx.msk [tilespmem:v40+s2+$0x0], $0xffff;
	[tilespmem:s28+$0xFFFFFE00] =	vst v36  }
0x107: {  	v44 =	vor.u32 $0x4, v4;
	[tilespmem:s28+$0xFFFFFDA0] =	vst v12;
	v43 =	vld.idx.msk [tilespmem:v38+s2+$0x0], $0xffff  }
0x108: {  	v46 =	vor.u32 $0x4, v3;
	[tilespmem:s28+$0xFFFFFD90] =	vst v17;
	v13 =	vld.idx.msk [tilespmem:v42+s2+$0x0], $0xffff  }
0x109: {  	v47 =	vor.u32 $0x4, v2;
	v18 =	vld.idx.msk [tilespmem:v45+s2+$0x0], $0xffff;
	[tilespmem:s28+$0xFFFFFD70] =	vst v8  }
0x10a: {  	v8 =	vor.u32 $0x5, v7;
	v10 =	vld.idx.msk [tilespmem:v10+s2+$0x0], $0xffff;
	[tilespmem:s28+$0xFFFFFDB0] =	vst v9  }
0x10b: {  	v50 =	vor.u32 $0x5, v5;
	v9 =	vld.idx.msk [tilespmem:v41+s2+$0x0], $0xffff;
	[tilespmem:s28+$0xFFFFFDC0] =	vst v14  }
0x10c: {  	v51 =	vor.u32 $0x5, v6;
	[tilespmem:s28+$0xFFFFFDD0] =	vst v11;
	v16 =	vld.idx.msk [tilespmem:v44+s2+$0x0], $0xffff  }
0x10d: {  	v48 =	vor.u32 $0x4, v0;
	v11 =	vld.idx.msk [tilespmem:v46+s2+$0x0], $0xffff;
	[tilespmem:s28+$0xFFFFFE80] =	vst v43  }
0x10e: {  	v49 =	vor.u32 $0x4, v1;
	v19 =	vld.idx.msk [tilespmem:v47+s2+$0x0], $0xffff;
	[tilespmem:s28+$0xFFFFFE20] =	vst v13  }
0x10f: {  	v53 =	vor.u32 $0x5, v3;
	[tilespmem:s28+$0xFFFFFE10] =	vst v18;
	v8 =	vld.idx.msk [tilespmem:v8+s2+$0x0], $0xffff  }
0x110: {  	v54 =	vor.u32 $0x5, v2;
	v17 =	vld.idx.msk [tilespmem:v50+s2+$0x0], $0xffff;
	[tilespmem:s28+$0xFFFFFDE0] =	vst v10  }
0x111: {  	v12 =	vld.idx.msk [tilespmem:v51+s2+$0x0], $0xffff;
	v10 =	vor.u32 $0x6, v7;
	[tilespmem:s28+$0xFFFFFDF0] =	vst v9  }
0x112: {  	v56 =	vor.u32 $0x6, v5;
	v52 =	vld.idx.msk [tilespmem:v48+s2+$0x0], $0xffff;
	[tilespmem:s28+$0xFFFFFE30] =	vst v16  }
0x113: {  	v9 =	vor.u32 $0x5, v4;
	v15 =	vld.idx.msk [tilespmem:v49+s2+$0x0], $0xffff;
	[tilespmem:s28+$0xFFFFFE40] =	vst v11  }
0x114: {  	[tilespmem:s28+$0xFFFFFE50] =	vst v19;
	v11 =	vor.u32 $0x6, v6;
	v14 =	vld.idx.msk [tilespmem:v53+s2+$0x0], $0xffff  }
0x115: {  	v55 =	vor.u32 $0x5, v1;
	v16 =	vld.idx.msk [tilespmem:v54+s2+$0x0], $0xffff;
	[tilespmem:s28+$0xFFFFFF00] =	vst v8  }
0x116: {  	v8 =	vor.u32 $0x5, v0;
	[tilespmem:s28+$0xFFFFFEA0] =	vst v17;
	v10 =	vld.idx.msk [tilespmem:v10+s2+$0x0], $0xffff  }
0x117: {  	v58 =	vor.u32 $0x6, v3;
	[tilespmem:s28+$0xFFFFFE90] =	vst v12;
	v13 =	vld.idx.msk [tilespmem:v56+s2+$0x0], $0xffff  }
0x118: {  	v7 =	vor.u32 $0x7, v7;
	v9 =	vld.idx.msk [tilespmem:v9+s2+$0x0], $0xffff;
	[tilespmem:s28+$0xFFFFFE60] =	vst v52  }
0x119: {  	v57 =	vor.u32 $0x6, v4;
	[tilespmem:s28+$0xFFFFFE70] =	vst v15;
	v11 =	vld.idx.msk [tilespmem:v11+s2+$0x0], $0xffff  }
0x11a: {  	v6 =	vor.u32 $0x7, v6;
	v18 =	vld.idx.msk [tilespmem:v55+s2+$0x0], $0xffff;
	[tilespmem:s28+$0xFFFFFEC0] =	vst v14  }
0x11b: {  	v8 =	vld.idx.msk [tilespmem:v8+s2+$0x0], $0xffff;
	[tilespmem:s28+$0xFFFFFF80] =	vst v10;
	v10 =	vor.u32 $0x6, v2  }
0x11c: {  	v59 =	vor.u32 $0x6, v0;
	[tilespmem:s28+$0xFFFFFED0] =	vst v16;
	v61 =	vld.idx.msk [tilespmem:v58+s2+$0x0], $0xffff  }
0x11d: {  	v7 =	vld.idx.msk [tilespmem:v7+s2+$0x0], $0xffff;
	[tilespmem:s28+$0xFFFFFEB0] =	vst v9;
	v9 =	vor.u32 $0x6, v1  }
0x11e: {  	v5 =	vor.u32 $0x7, v5;
	v60 =	vld.idx.msk [tilespmem:v57+s2+$0x0], $0xffff;
	[tilespmem:s28+$0xFFFFFF10] =	vst v11  }
0x11f: {  	v62 =	vor.u32 $0x7, v3;
	v4 =	vor.u32 $0x7, v4;
	[tilespmem:s28+$0xFFFFFF20] =	vst v13;
	v3 =	vld.idx.msk [tilespmem:v6+s2+$0x0], $0xffff  }
0x120: {  	[tilespmem:s28+$0xFFFFFEE0] =	vst v8;
	v10 =	vld.idx.msk [tilespmem:v10+s2+$0x0], $0xffff  }
0x121: {  	v63 =	vor.u32 $0x7, v2;
	[tilespmem:s28+$0xFFFFFEF0] =	vst v18;
	v12 =	vld.idx.msk [tilespmem:v59+s2+$0x0], $0xffff  }
0x122: {  	[tilespmem:s28+$0x0] =	vst v7;
	v8 =	vld.idx.msk [tilespmem:v9+s2+$0x0], $0xffff  }
0x123: {  	v7 =	vld.idx.msk [tilespmem:v5+s2+$0x0], $0xffff;
	[tilespmem:s28+$0xFFFFFF30] =	vst v60  }
0x124: {  	[tilespmem:s28+$0xFFFFFF40] =	vst v61;
	v5 =	vld.idx.msk [tilespmem:v4+s2+$0x0], $0xffff  }
0x125: {  	v4 =	vld.idx.msk [tilespmem:v62+s2+$0x0], $0xffff;
	[tilespmem:s28+$0xFFFFFF50] =	vst v10  }
0x126: {  	s29 =	simm.s32 $0x0;
	s30 =	simm.s32 $0x2F0;
	v2 =	vor.u32 $0x7, v0;
	v1 =	vor.u32 $0x7, v1;
	[tilespmem:s28+$0xFFFFFF60] =	vst v12;
	v6 =	vld.idx.msk [tilespmem:v63+s2+$0x0], $0xffff  }
.LBB2_10:
0x127: {  	v0 =	vld [tilespmem:s30+$0x0];
	s29 =	sadd.s32 $0x80, s29;
	[tilespmem:s28+$0xFFFFFF70] =	vst v8  }
0x128: {  	v8 =	vld [tilespmem:s30+$0xFFFFFFA0];
	p1 =	slt.u32 s29, $0xF80;
	[tilespmem:s28+$0xFFFFFF90] =	vst v3  }
0x129: {  	v3 =	vld [tilespmem:s30+$0xFFFFFFB0];
	[tilespmem:s28+$0xFFFFFFA0] =	vst v7  }
0x12a: {  	v7 =	vld [tilespmem:s30+$0xFFFFFFC0];
	[tilespmem:s28+$0xFFFFFFB0] =	vst v5  }
0x12b: {  	v5 =	vld [tilespmem:s30+$0xFFFFFFD0];
	[tilespmem:s28+$0xFFFFFFC0] =	vst v4  }
0x12c: {  	v4 =	vld [tilespmem:s30+$0xFFFFFFE0];
	v0 =	vshll.u32 v0, $0x3;
	[tilespmem:s28+$0xFFFFFFD0] =	vst v6  }
0x12d: {  	v6 =	vshll.u32 v8, $0x3;
	v8 =	vld [tilespmem:s30+$0xFFFFFFF0]  }
0x12e: {  	v9 =	vld [tilespmem:s30+$0xFFFFFF90];
	v10 =	vor.u32 $0x1, v6;
	v17 =	vor.u32 $0x2, v6;
	v18 =	vshll.u32 v3, $0x3  }
0x12f: {  	v3 =	vor.u32 $0x1, v18;
	v19 =	vor.u32 $0x2, v18;
	v20 =	vshll.u32 v7, $0x3;
	v2 =	vld.idx.msk [tilespmem:v2+s2+$0x0], $0xffff  }
0x130: {  	v7 =	vor.u32 $0x1, v20;
	v21 =	vor.u32 $0x2, v20;
	v22 =	vshll.u32 v5, $0x3;
	v1 =	vld.idx.msk [tilespmem:v1+s2+$0x0], $0xffff  }
0x131: {  	v5 =	vor.u32 $0x1, v22;
	v23 =	vor.u32 $0x2, v22;
	v24 =	vshll.u32 v4, $0x3;
	v4 =	vld.idx.msk [tilespmem:v0+s2+$0x0], $0xffff  }
0x132: {  	v11 =	vld.idx.msk [tilespmem:v6+s2+$0x0], $0xffff;
	v12 =	vor.u32 $0x1, v24;
	v25 =	vor.u32 $0x2, v24;
	v26 =	vshll.u32 v8, $0x3  }
0x133: {  	v13 =	vor.u32 $0x1, v0;
	v8 =	vshll.u32 v9, $0x3;
	v9 =	vld.idx.msk [tilespmem:v18+s2+$0x0], $0xffff;
	v27 =	vor.u32 $0x1, v26  }
0x134: {  	v30 =	vor.u32 $0x2, v26;
	v28 =	vor.u32 $0x1, v8;
	v29 =	vor.u32 $0x2, v8;
	v14 =	vld.idx.msk [tilespmem:v20+s2+$0x0], $0xffff  }
0x135: {  	v32 =	vor.u32 $0x3, v6;
	v33 =	vor.u32 $0x3, v18;
	v31 =	vor.u32 $0x3, v8;
	v16 =	vld.idx.msk [tilespmem:v22+s2+$0x0], $0xffff;
	[tilespmem:s28+$0xFFFFFFE0] =	vst v2  }
0x136: {  	v34 =	vor.u32 $0x3, v20;
	v35 =	vor.u32 $0x3, v22;
	v36 =	vor.u32 $0x3, v24;
	v2 =	vld.idx.msk [tilespmem:v24+s2+$0x0], $0xffff;
	[tilespmem:s28+$0xFFFFFFF0] =	vst v1;
	s28 =	sadd.s32 $0x400, s28  }
0x137: {  	v38 =	vor.u32 $0x4, v6;
	v39 =	vor.u32 $0x3, v26;
	v37 =	vor.u32 $0x4, v8;
	v1 =	vld.idx.msk [tilespmem:v26+s2+$0x0], $0xffff;
	[tilespmem:s28+$0xFFFFFC80] =	vst v4  }
0x138: {  	v40 =	vor.u32 $0x4, v18;
	v41 =	vor.u32 $0x4, v20;
	v42 =	vor.u32 $0x4, v22;
	[tilespmem:s28+$0xFFFFFC20] =	vst v11;
	v4 =	vld.idx.msk [tilespmem:v13+s2+$0x0], $0xffff  }
0x139: {  	v44 =	vor.u32 $0x4, v24;
	v45 =	vor.u32 $0x4, v26;
	v15 =	vor.u32 $0x5, v8;
	v43 =	vld.idx.msk [tilespmem:v8+s2+$0x0], $0xffff;
	[tilespmem:s28+$0xFFFFFC30] =	vst v9  }
0x13a: {  	v49 =	vor.u32 $0x2, v0;
	v47 =	vor.u32 $0x5, v6;
	v48 =	vor.u32 $0x5, v18;
	v46 =	vld.idx.msk [tilespmem:v10+s2+$0x0], $0xffff;
	[tilespmem:s28+$0xFFFFFC40] =	vst v14  }
0x13b: {  	v51 =	vor.u32 $0x5, v20;
	v52 =	vor.u32 $0x5, v22;
	v50 =	vld.idx.msk [tilespmem:v3+s2+$0x0], $0xffff;
	[tilespmem:s28+$0xFFFFFC50] =	vst v16;
	v16 =	vor.u32 $0x5, v24  }
0x13c: {  	v54 =	vor.u32 $0x5, v26;
	v13 =	vor.u32 $0x6, v8;
	v10 =	vor.u32 $0x6, v6;
	v53 =	vld.idx.msk [tilespmem:v7+s2+$0x0], $0xffff;
	[tilespmem:s28+$0xFFFFFC60] =	vst v2  }
0x13d: {  	v11 =	vor.u32 $0x6, v20;
	v9 =	vor.u32 $0x6, v22;
	v14 =	vor.u32 $0x6, v18;
	v55 =	vld.idx.msk [tilespmem:v5+s2+$0x0], $0xffff;
	[tilespmem:s28+$0xFFFFFC70] =	vst v1  }
0x13e: {  	v3 =	vor.u32 $0x7, v8;
	v8 =	vor.u32 $0x6, v26;
	v56 =	vld.idx.msk [tilespmem:v12+s2+$0x0], $0xffff;
	v12 =	vor.u32 $0x6, v24;
	[tilespmem:s28+$0xFFFFFD00] =	vst v4  }
0x13f: {  	v7 =	vor.u32 $0x7, v6;
	v5 =	vor.u32 $0x7, v18;
	v4 =	vor.u32 $0x7, v20;
	[tilespmem:s28+$0xFFFFFC10] =	vst v43;
	v18 =	vld.idx.msk [tilespmem:v49+s2+$0x0], $0xffff  }
0x140: {  	v6 =	vor.u32 $0x7, v22;
	v2 =	vor.u32 $0x7, v24;
	v1 =	vor.u32 $0x7, v26;
	v20 =	vld.idx.msk [tilespmem:v28+s2+$0x0], $0xffff;
	[tilespmem:s28+$0xFFFFFCA0] =	vst v46  }
0x141: {  	v24 =	vor.u32 $0x3, v0;
	[tilespmem:s28+$0xFFFFFCB0] =	vst v50;
	v22 =	vld.idx.msk [tilespmem:v27+s2+$0x0], $0xffff  }
0x142: {  	v17 =	vld.idx.msk [tilespmem:v17+s2+$0x0], $0xffff;
	[tilespmem:s28+$0xFFFFFCC0] =	vst v53  }
0x143: {  	v19 =	vld.idx.msk [tilespmem:v19+s2+$0x0], $0xffff;
	[tilespmem:s28+$0xFFFFFCD0] =	vst v55  }
0x144: {  	v21 =	vld.idx.msk [tilespmem:v21+s2+$0x0], $0xffff;
	[tilespmem:s28+$0xFFFFFCE0] =	vst v56  }
0x145: {  	v23 =	vld.idx.msk [tilespmem:v23+s2+$0x0], $0xffff;
	[tilespmem:s28+$0xFFFFFD80] =	vst v18  }
0x146: {  	[tilespmem:s28+$0xFFFFFC90] =	vst v20;
	v18 =	vld.idx.msk [tilespmem:v24+s2+$0x0], $0xffff  }
0x147: {  	v20 =	vld.idx.msk [tilespmem:v29+s2+$0x0], $0xffff;
	[tilespmem:s28+$0xFFFFFCF0] =	vst v22  }
0x148: {  	v22 =	vor.u32 $0x4, v0;
	[tilespmem:s28+$0xFFFFFD20] =	vst v17;
	v17 =	vld.idx.msk [tilespmem:v25+s2+$0x0], $0xffff  }
0x149: {  	[tilespmem:s28+$0xFFFFFD30] =	vst v19;
	v19 =	vld.idx.msk [tilespmem:v30+s2+$0x0], $0xffff  }
0x14a: {  	v24 =	vld.idx.msk [tilespmem:v32+s2+$0x0], $0xffff;
	[tilespmem:s28+$0xFFFFFD40] =	vst v21  }
0x14b: {  	v21 =	vld.idx.msk [tilespmem:v33+s2+$0x0], $0xffff;
	[tilespmem:s28+$0xFFFFFD50] =	vst v23  }
0x14c: {  	v23 =	vld.idx.msk [tilespmem:v34+s2+$0x0], $0xffff;
	[tilespmem:s28+$0xFFFFFE00] =	vst v18  }
0x14d: {  	[tilespmem:s28+$0xFFFFFD10] =	vst v20;
	v18 =	vld.idx.msk [tilespmem:v22+s2+$0x0], $0xffff  }
0x14e: {  	v20 =	vld.idx.msk [tilespmem:v31+s2+$0x0], $0xffff;
	[tilespmem:s28+$0xFFFFFD60] =	vst v17  }
0x14f: {  	v17 =	vld.idx.msk [tilespmem:v35+s2+$0x0], $0xffff;
	[tilespmem:s28+$0xFFFFFD70] =	vst v19;
	v19 =	vor.u32 $0x5, v0  }
0x150: {  	[tilespmem:s28+$0xFFFFFDA0] =	vst v24;
	v22 =	vld.idx.msk [tilespmem:v36+s2+$0x0], $0xffff  }
0x151: {  	[tilespmem:s28+$0xFFFFFDB0] =	vst v21;
	v21 =	vld.idx.msk [tilespmem:v39+s2+$0x0], $0xffff  }
0x152: {  	v24 =	vld.idx.msk [tilespmem:v38+s2+$0x0], $0xffff;
	[tilespmem:s28+$0xFFFFFDC0] =	vst v23  }
0x153: {  	v23 =	vld.idx.msk [tilespmem:v40+s2+$0x0], $0xffff;
	[tilespmem:s28+$0xFFFFFE80] =	vst v18  }
0x154: {  	[tilespmem:s28+$0xFFFFFD90] =	vst v20;
	v18 =	vld.idx.msk [tilespmem:v19+s2+$0x0], $0xffff  }
0x155: {  	v19 =	vld.idx.msk [tilespmem:v37+s2+$0x0], $0xffff;
	[tilespmem:s28+$0xFFFFFDD0] =	vst v17  }
0x156: {  	v20 =	vor.u32 $0x6, v0;
	v17 =	vld.idx.msk [tilespmem:v41+s2+$0x0], $0xffff;
	[tilespmem:s28+$0xFFFFFDE0] =	vst v22  }
0x157: {  	v22 =	vld.idx.msk [tilespmem:v42+s2+$0x0], $0xffff;
	[tilespmem:s28+$0xFFFFFDF0] =	vst v21  }
0x158: {  	[tilespmem:s28+$0xFFFFFE20] =	vst v24;
	v21 =	vld.idx.msk [tilespmem:v44+s2+$0x0], $0xffff  }
0x159: {  	[tilespmem:s28+$0xFFFFFE30] =	vst v23;
	v23 =	vld.idx.msk [tilespmem:v45+s2+$0x0], $0xffff  }
0x15a: {  	v24 =	vld.idx.msk [tilespmem:v47+s2+$0x0], $0xffff;
	[tilespmem:s28+$0xFFFFFF00] =	vst v18  }
0x15b: {  	[tilespmem:s28+$0xFFFFFE10] =	vst v19;
	v18 =	vld.idx.msk [tilespmem:v20+s2+$0x0], $0xffff  }
0x15c: {  	v15 =	vld.idx.msk [tilespmem:v15+s2+$0x0], $0xffff;
	[tilespmem:s28+$0xFFFFFE40] =	vst v17  }
0x15d: {  	v0 =	vor.u32 $0x7, v0;
	v17 =	vld.idx.msk [tilespmem:v48+s2+$0x0], $0xffff;
	[tilespmem:s28+$0xFFFFFE50] =	vst v22  }
0x15e: {  	v19 =	vld.idx.msk [tilespmem:v51+s2+$0x0], $0xffff;
	[tilespmem:s28+$0xFFFFFE60] =	vst v21  }
0x15f: {  	v20 =	vld.idx.msk [tilespmem:v52+s2+$0x0], $0xffff;
	[tilespmem:s28+$0xFFFFFE70] =	vst v23  }
0x160: {  	[tilespmem:s28+$0xFFFFFEA0] =	vst v24;
	v16 =	vld.idx.msk [tilespmem:v16+s2+$0x0], $0xffff  }
0x161: {  	v21 =	vld.idx.msk [tilespmem:v54+s2+$0x0], $0xffff;
	[tilespmem:s28+$0xFFFFFF80] =	vst v18  }
0x162: {  	[tilespmem:s28+$0xFFFFFE90] =	vst v15;
	v0 =	vld.idx.msk [tilespmem:v0+s2+$0x0], $0xffff  }
0x163: {  	v13 =	vld.idx.msk [tilespmem:v13+s2+$0x0], $0xffff;
	[tilespmem:s28+$0xFFFFFEB0] =	vst v17  }
0x164: {  	v10 =	vld.idx.msk [tilespmem:v10+s2+$0x0], $0xffff;
	[tilespmem:s28+$0xFFFFFEC0] =	vst v19  }
0x165: {  	v14 =	vld.idx.msk [tilespmem:v14+s2+$0x0], $0xffff;
	[tilespmem:s28+$0xFFFFFED0] =	vst v20  }
0x166: {  	v11 =	vld.idx.msk [tilespmem:v11+s2+$0x0], $0xffff;
	[tilespmem:s28+$0xFFFFFEE0] =	vst v16  }
0x167: {  	v9 =	vld.idx.msk [tilespmem:v9+s2+$0x0], $0xffff;
	[tilespmem:s28+$0xFFFFFEF0] =	vst v21  }
0x168: {  	v12 =	vld.idx.msk [tilespmem:v12+s2+$0x0], $0xffff;
	[tilespmem:s28+$0x0] =	vst v0  }
0x169: {  	[tilespmem:s28+$0xFFFFFF10] =	vst v13;
	v8 =	vld.idx.msk [tilespmem:v8+s2+$0x0], $0xffff  }
.Ltmp6:
0x16a: {  	v3 =	vld.idx.msk [tilespmem:v3+s2+$0x0], $0xffff;
	[tilespmem:s28+$0xFFFFFF20] =	vst v10;
	(pc) =	sbr.rel @p1 .LBB2_10-.Ltmp6, $4  }
0x16b: {  	v7 =	vld.idx.msk [tilespmem:v7+s2+$0x0], $0xffff;
	[tilespmem:s28+$0xFFFFFF30] =	vst v14  }
0x16c: {  	v5 =	vld.idx.msk [tilespmem:v5+s2+$0x0], $0xffff;
	[tilespmem:s28+$0xFFFFFF40] =	vst v11  }
0x16d: {  	v4 =	vld.idx.msk [tilespmem:v4+s2+$0x0], $0xffff;
	[tilespmem:s28+$0xFFFFFF50] =	vst v9  }
0x16e: {  	s30 =	sadd.s32 $0x100, s30;
	v6 =	vld.idx.msk [tilespmem:v6+s2+$0x0], $0xffff;
	[tilespmem:s28+$0xFFFFFF60] =	vst v12  }
0x16f: {  	_ =	sdelay $0x2  }
0x170: {  	[tilespmem:s28+$0xFFFFFF70] =	vst v8  }
0x171: {  	[tilespmem:s28+$0xFFFFFF90] =	vst v3;
	v0 =	vld.idx.msk [tilespmem:v2+s2+$0x0], $0xffff  }
0x172: {  	[tilespmem:s28+$0xFFFFFFA0] =	vst v7;
	v1 =	vld.idx.msk [tilespmem:v1+s2+$0x0], $0xffff  }
0x173: {  	[tilespmem:s28+$0xFFFFFFB0] =	vst v5  }
0x174: {  	[tilespmem:s28+$0xFFFFFFC0] =	vst v4  }
0x175: {  	[tilespmem:s28+$0xFFFFFFD0] =	vst v6  }
0x176: {  	[tilespmem:s28+$0xFFFFFFE0] =	vst v0  }
0x177: {  	[tilespmem:s28+$0xFFFFFFF0] =	vst v1  }
0x178: {  	_ =	swait.ge [sflag:s23], $0x8000  }
0x179: {  	[sflag:s23] =	ssyncset.done $0x0  }
0x17a: {  	s28 =	simm.s32 $0x0;
	[sflag:s23] =	ssyncadd.s32 $0xFFFF8000  }
0x17b: {  	[hbm4b:s8+s28] =	stream.linear.scatter [tilespmem:s24], [sflag:$0x4], $0x8000, $0x38;
	[tilespmem:$0x12100] =	vst v63  }
0x17c: {  	_ =	swait.ge [sflag:s20], $0x1000  }
0x17d: {  	[sflag:s20] =	ssyncset.done $0x0  }
0x17e: {  	s29 =	simm.s32 $0x180;
	[sflag:s20] =	ssyncadd.s32 $0xFFFFF000  }
.LBB2_12:
0x17f: {  	p1 =	sne.s32 s28, $0x1F0  }
.Ltmp7:
0x180: {  	_ = 	snop;
	(pc) =	sbr.rel @p1 .LBB2_12-.Ltmp7, $4  }
0x181: {  	_ = 	snop  }
0x182: {  	s30 =	sadd.s32 s28, s9  }
0x183: {  	[tilespmem:s29], [sflag:$0x2] =	stream.linear.gather [hbm4b:s30+s2], $0x80, $0x38;
	[tilespmem:$0x12100] =	vst v63  }
0x184: {  	s28 =	sadd.s32 $0x10, s28;
	s29 =	sadd.s32 $0x100, s29  }
0x185: {  	s28 =	simm.s32 $0x140  }
0x186: {  	v0 =	vld [tilespmem:s28+$0x30]  }
0x187: {  	v1 =	vld [tilespmem:s28+$0xFFFFFFD0]  }
0x188: {  	v2 =	vld [tilespmem:s28+$0xFFFFFFE0]  }
0x189: {  	v3 =	vld [tilespmem:s28+$0xFFFFFFF0]  }
0x18a: {  	v6 =	vld [tilespmem:s28+$0x0]  }
0x18b: {  	v8 =	vld [tilespmem:s28+$0x10];
	v7 =	vshll.u32 v0, $0x3  }
0x18c: {  	v9 =	vld [tilespmem:s28+$0xFFFFFFC0];
	v5 =	vshll.u32 v1, $0x3  }
0x18d: {  	v1 =	vld [tilespmem:s28+$0x20];
	v4 =	vshll.u32 v2, $0x3  }
0x18e: {  	v3 =	vshll.u32 v3, $0x3  }
0x18f: {  	v2 =	vshll.u32 v6, $0x3  }
0x190: {  	v0 =	vshll.u32 v8, $0x3;
	v8 =	vld.idx.msk [tilespmem:v7+s2+$0x0], $0xffff  }
0x191: {  	v6 =	vshll.u32 v9, $0x3;
	v10 =	vld.idx.msk [tilespmem:v5+s2+$0x0], $0xffff  }
0x192: {  	v1 =	vshll.u32 v1, $0x3;
	v11 =	vld.idx.msk [tilespmem:v4+s2+$0x0], $0xffff  }
0x193: {  	v12 =	vor.u32 $0x1, v7;
	v9 =	vld.idx.msk [tilespmem:v3+s2+$0x0], $0xffff  }
0x194: {  	v13 =	vor.u32 $0x1, v5;
	v14 =	vld.idx.msk [tilespmem:v2+s2+$0x0], $0xffff  }
0x195: {  	s28 =	simm.s32 $0x2300;
	v15 =	vor.u32 $0x1, v4;
	v16 =	vld.idx.msk [tilespmem:v0+s2+$0x0], $0xffff  }
0x196: {  	v17 =	vor.u32 $0x1, v3;
	v19 =	vld.idx.msk [tilespmem:v6+s2+$0x0], $0xffff;
	[tilespmem:s28+$0xFFFFFE70] =	vst v8  }
0x197: {  	v26 =	vor.u32 $0x1, v0;
	v18 =	vld.idx.msk [tilespmem:v1+s2+$0x0], $0xffff;
	[tilespmem:s28+$0xFFFFFE10] =	vst v10  }
0x198: {  	v27 =	vor.u32 $0x1, v6;
	[tilespmem:s28+$0xFFFFFE20] =	vst v11;
	v10 =	vld.idx.msk [tilespmem:v12+s2+$0x0], $0xffff  }
0x199: {  	v8 =	vor.u32 $0x1, v2;
	[tilespmem:s28+$0xFFFFFE30] =	vst v9;
	v11 =	vld.idx.msk [tilespmem:v13+s2+$0x0], $0xffff  }
0x19a: {  	v28 =	vor.u32 $0x1, v1;
	[tilespmem:s28+$0xFFFFFE40] =	vst v14;
	v15 =	vld.idx.msk [tilespmem:v15+s2+$0x0], $0xffff  }
0x19b: {  	v9 =	vor.u32 $0x2, v7;
	[tilespmem:s28+$0xFFFFFE50] =	vst v16;
	v17 =	vld.idx.msk [tilespmem:v17+s2+$0x0], $0xffff  }
0x19c: {  	v29 =	vor.u32 $0x2, v5;
	[tilespmem:s28+$0xFFFFFE00] =	vst v19;
	v12 =	vld.idx.msk [tilespmem:v26+s2+$0x0], $0xffff  }
0x19d: {  	v30 =	vor.u32 $0x2, v4;
	v13 =	vld.idx.msk [tilespmem:v27+s2+$0x0], $0xffff;
	[tilespmem:s28+$0xFFFFFE60] =	vst v18  }
0x19e: {  	v33 =	vor.u32 $0x2, v6;
	v8 =	vld.idx.msk [tilespmem:v8+s2+$0x0], $0xffff;
	[tilespmem:s28+$0xFFFFFEF0] =	vst v10  }
0x19f: {  	v10 =	vor.u32 $0x2, v3;
	[tilespmem:s28+$0xFFFFFE90] =	vst v11;
	v11 =	vld.idx.msk [tilespmem:v28+s2+$0x0], $0xffff  }
0x1a0: {  	v31 =	vor.u32 $0x2, v2;
	[tilespmem:s28+$0xFFFFFEA0] =	vst v15;
	v9 =	vld.idx.msk [tilespmem:v9+s2+$0x0], $0xffff  }
0x1a1: {  	v34 =	vor.u32 $0x2, v0;
	[tilespmem:s28+$0xFFFFFEB0] =	vst v17;
	v16 =	vld.idx.msk [tilespmem:v29+s2+$0x0], $0xffff  }
0x1a2: {  	v32 =	vor.u32 $0x3, v7;
	[tilespmem:s28+$0xFFFFFE80] =	vst v13;
	v18 =	vld.idx.msk [tilespmem:v30+s2+$0x0], $0xffff  }
0x1a3: {  	v35 =	vor.u32 $0x3, v5;
	[tilespmem:s28+$0xFFFFFED0] =	vst v12;
	v15 =	vld.idx.msk [tilespmem:v33+s2+$0x0], $0xffff  }
0x1a4: {  	v39 =	vor.u32 $0x3, v6;
	[tilespmem:s28+$0xFFFFFEC0] =	vst v8;
	v10 =	vld.idx.msk [tilespmem:v10+s2+$0x0], $0xffff  }
0x1a5: {  	v8 =	vor.u32 $0x2, v1;
	v19 =	vld.idx.msk [tilespmem:v31+s2+$0x0], $0xffff;
	[tilespmem:s28+$0xFFFFFEE0] =	vst v11  }
0x1a6: {  	v11 =	vld.idx.msk [tilespmem:v34+s2+$0x0], $0xffff;
	[tilespmem:s28+$0xFFFFFF70] =	vst v9;
	v9 =	vor.u32 $0x3, v4  }
0x1a7: {  	v37 =	vor.u32 $0x3, v3;
	[tilespmem:s28+$0xFFFFFF10] =	vst v16;
	v36 =	vld.idx.msk [tilespmem:v32+s2+$0x0], $0xffff  }
0x1a8: {  	v40 =	vor.u32 $0x3, v2;
	[tilespmem:s28+$0xFFFFFF00] =	vst v15;
	v12 =	vld.idx.msk [tilespmem:v35+s2+$0x0], $0xffff  }
0x1a9: {  	v38 =	vor.u32 $0x4, v7;
	[tilespmem:s28+$0xFFFFFF20] =	vst v18;
	v17 =	vld.idx.msk [tilespmem:v39+s2+$0x0], $0xffff  }
0x1aa: {  	v42 =	vor.u32 $0x4, v5;
	v8 =	vld.idx.msk [tilespmem:v8+s2+$0x0], $0xffff;
	[tilespmem:s28+$0xFFFFFF30] =	vst v10  }
0x1ab: {  	v45 =	vor.u32 $0x4, v6;
	[tilespmem:s28+$0xFFFFFF40] =	vst v19;
	v9 =	vld.idx.msk [tilespmem:v9+s2+$0x0], $0xffff  }
0x1ac: {  	v10 =	vor.u32 $0x3, v0;
	[tilespmem:s28+$0xFFFFFF50] =	vst v11;
	v14 =	vld.idx.msk [tilespmem:v37+s2+$0x0], $0xffff  }
0x1ad: {  	v41 =	vor.u32 $0x3, v1;
	v11 =	vld.idx.msk [tilespmem:v40+s2+$0x0], $0xffff;
	[tilespmem:s28+$0xFFFFFFF0] =	vst v36  }
0x1ae: {  	v44 =	vor.u32 $0x4, v4;
	[tilespmem:s28+$0xFFFFFF90] =	vst v12;
	v43 =	vld.idx.msk [tilespmem:v38+s2+$0x0], $0xffff  }
0x1af: {  	v46 =	vor.u32 $0x4, v3;
	[tilespmem:s28+$0xFFFFFF80] =	vst v17;
	v13 =	vld.idx.msk [tilespmem:v42+s2+$0x0], $0xffff  }
0x1b0: {  	v47 =	vor.u32 $0x4, v2;
	v18 =	vld.idx.msk [tilespmem:v45+s2+$0x0], $0xffff;
	[tilespmem:s28+$0xFFFFFF60] =	vst v8  }
0x1b1: {  	v8 =	vor.u32 $0x5, v7;
	v10 =	vld.idx.msk [tilespmem:v10+s2+$0x0], $0xffff;
	[tilespmem:s28+$0xFFFFFFA0] =	vst v9  }
0x1b2: {  	v50 =	vor.u32 $0x5, v5;
	v9 =	vld.idx.msk [tilespmem:v41+s2+$0x0], $0xffff;
	[tilespmem:s28+$0xFFFFFFB0] =	vst v14  }
0x1b3: {  	v51 =	vor.u32 $0x5, v6;
	[tilespmem:s28+$0xFFFFFFC0] =	vst v11;
	v16 =	vld.idx.msk [tilespmem:v44+s2+$0x0], $0xffff  }
0x1b4: {  	v48 =	vor.u32 $0x4, v0;
	v11 =	vld.idx.msk [tilespmem:v46+s2+$0x0], $0xffff;
	[tilespmem:s28+$0x70] =	vst v43  }
0x1b5: {  	v49 =	vor.u32 $0x4, v1;
	v19 =	vld.idx.msk [tilespmem:v47+s2+$0x0], $0xffff;
	[tilespmem:s28+$0x10] =	vst v13  }
0x1b6: {  	v53 =	vor.u32 $0x5, v3;
	[tilespmem:s28+$0x0] =	vst v18;
	v8 =	vld.idx.msk [tilespmem:v8+s2+$0x0], $0xffff  }
0x1b7: {  	v54 =	vor.u32 $0x5, v2;
	v17 =	vld.idx.msk [tilespmem:v50+s2+$0x0], $0xffff;
	[tilespmem:s28+$0xFFFFFFD0] =	vst v10  }
0x1b8: {  	v12 =	vld.idx.msk [tilespmem:v51+s2+$0x0], $0xffff;
	v10 =	vor.u32 $0x6, v7;
	[tilespmem:s28+$0xFFFFFFE0] =	vst v9  }
0x1b9: {  	v56 =	vor.u32 $0x6, v5;
	v52 =	vld.idx.msk [tilespmem:v48+s2+$0x0], $0xffff;
	[tilespmem:s28+$0x20] =	vst v16  }
0x1ba: {  	v9 =	vor.u32 $0x5, v4;
	v15 =	vld.idx.msk [tilespmem:v49+s2+$0x0], $0xffff;
	[tilespmem:s28+$0x30] =	vst v11  }
0x1bb: {  	[tilespmem:s28+$0x40] =	vst v19;
	v11 =	vor.u32 $0x6, v6;
	v14 =	vld.idx.msk [tilespmem:v53+s2+$0x0], $0xffff  }
0x1bc: {  	v55 =	vor.u32 $0x5, v1;
	v16 =	vld.idx.msk [tilespmem:v54+s2+$0x0], $0xffff;
	[tilespmem:s28+$0xF0] =	vst v8  }
0x1bd: {  	v8 =	vor.u32 $0x5, v0;
	[tilespmem:s28+$0x90] =	vst v17;
	v10 =	vld.idx.msk [tilespmem:v10+s2+$0x0], $0xffff  }
0x1be: {  	v58 =	vor.u32 $0x6, v3;
	[tilespmem:s28+$0x80] =	vst v12;
	v13 =	vld.idx.msk [tilespmem:v56+s2+$0x0], $0xffff  }
0x1bf: {  	v7 =	vor.u32 $0x7, v7;
	v9 =	vld.idx.msk [tilespmem:v9+s2+$0x0], $0xffff;
	[tilespmem:s28+$0x50] =	vst v52  }
0x1c0: {  	v57 =	vor.u32 $0x6, v4;
	[tilespmem:s28+$0x60] =	vst v15;
	v11 =	vld.idx.msk [tilespmem:v11+s2+$0x0], $0xffff  }
0x1c1: {  	v6 =	vor.u32 $0x7, v6;
	v18 =	vld.idx.msk [tilespmem:v55+s2+$0x0], $0xffff;
	[tilespmem:s28+$0xB0] =	vst v14  }
0x1c2: {  	v8 =	vld.idx.msk [tilespmem:v8+s2+$0x0], $0xffff;
	[tilespmem:s28+$0x170] =	vst v10;
	v10 =	vor.u32 $0x6, v2  }
0x1c3: {  	v59 =	vor.u32 $0x6, v0;
	[tilespmem:s28+$0xC0] =	vst v16;
	v61 =	vld.idx.msk [tilespmem:v58+s2+$0x0], $0xffff  }
0x1c4: {  	v7 =	vld.idx.msk [tilespmem:v7+s2+$0x0], $0xffff;
	[tilespmem:s28+$0xA0] =	vst v9;
	v9 =	vor.u32 $0x6, v1  }
0x1c5: {  	v5 =	vor.u32 $0x7, v5;
	v60 =	vld.idx.msk [tilespmem:v57+s2+$0x0], $0xffff;
	[tilespmem:s28+$0x100] =	vst v11  }
0x1c6: {  	v62 =	vor.u32 $0x7, v3;
	v4 =	vor.u32 $0x7, v4;
	[tilespmem:s28+$0x110] =	vst v13;
	v3 =	vld.idx.msk [tilespmem:v6+s2+$0x0], $0xffff  }
0x1c7: {  	[tilespmem:s28+$0xD0] =	vst v8;
	v10 =	vld.idx.msk [tilespmem:v10+s2+$0x0], $0xffff  }
0x1c8: {  	v63 =	vor.u32 $0x7, v2;
	[tilespmem:s28+$0xE0] =	vst v18;
	v12 =	vld.idx.msk [tilespmem:v59+s2+$0x0], $0xffff  }
0x1c9: {  	[tilespmem:s28+$0x1F0] =	vst v7;
	v8 =	vld.idx.msk [tilespmem:v9+s2+$0x0], $0xffff  }
0x1ca: {  	v7 =	vld.idx.msk [tilespmem:v5+s2+$0x0], $0xffff;
	[tilespmem:s28+$0x120] =	vst v60  }
0x1cb: {  	[tilespmem:s28+$0x130] =	vst v61;
	v5 =	vld.idx.msk [tilespmem:v4+s2+$0x0], $0xffff  }
0x1cc: {  	v4 =	vld.idx.msk [tilespmem:v62+s2+$0x0], $0xffff;
	[tilespmem:s28+$0x140] =	vst v10  }
0x1cd: {  	s29 =	simm.s32 $0x0;
	s30 =	simm.s32 $0x240;
	v2 =	vor.u32 $0x7, v0;
	v1 =	vor.u32 $0x7, v1;
	[tilespmem:s28+$0x150] =	vst v12;
	v6 =	vld.idx.msk [tilespmem:v63+s2+$0x0], $0xffff  }
.LBB2_14:
0x1ce: {  	v0 =	vld [tilespmem:s30+$0x30];
	s29 =	sadd.s32 $0x80, s29;
	[tilespmem:s28+$0x160] =	vst v8  }
0x1cf: {  	v8 =	vld [tilespmem:s30+$0xFFFFFFD0];
	p1 =	slt.u32 s29, $0xF80;
	[tilespmem:s28+$0x180] =	vst v3  }
0x1d0: {  	v3 =	vld [tilespmem:s30+$0xFFFFFFE0];
	[tilespmem:s28+$0x190] =	vst v7  }
0x1d1: {  	v7 =	vld [tilespmem:s30+$0xFFFFFFF0];
	[tilespmem:s28+$0x1A0] =	vst v5  }
0x1d2: {  	v5 =	vld [tilespmem:s30+$0x0];
	[tilespmem:s28+$0x1B0] =	vst v4  }
0x1d3: {  	v4 =	vld [tilespmem:s30+$0x10];
	v0 =	vshll.u32 v0, $0x3;
	[tilespmem:s28+$0x1C0] =	vst v6  }
0x1d4: {  	v6 =	vshll.u32 v8, $0x3;
	v8 =	vld [tilespmem:s30+$0x20]  }
0x1d5: {  	v9 =	vld [tilespmem:s30+$0xFFFFFFC0];
	v10 =	vor.u32 $0x1, v6;
	v17 =	vor.u32 $0x2, v6;
	v18 =	vshll.u32 v3, $0x3  }
0x1d6: {  	v3 =	vor.u32 $0x1, v18;
	v19 =	vor.u32 $0x2, v18;
	v20 =	vshll.u32 v7, $0x3;
	v2 =	vld.idx.msk [tilespmem:v2+s2+$0x0], $0xffff  }
0x1d7: {  	v7 =	vor.u32 $0x1, v20;
	v21 =	vor.u32 $0x2, v20;
	v22 =	vshll.u32 v5, $0x3;
	v1 =	vld.idx.msk [tilespmem:v1+s2+$0x0], $0xffff  }
0x1d8: {  	v5 =	vor.u32 $0x1, v22;
	v23 =	vor.u32 $0x2, v22;
	v24 =	vshll.u32 v4, $0x3;
	v4 =	vld.idx.msk [tilespmem:v0+s2+$0x0], $0xffff  }
0x1d9: {  	v11 =	vld.idx.msk [tilespmem:v6+s2+$0x0], $0xffff;
	v12 =	vor.u32 $0x1, v24;
	v25 =	vor.u32 $0x2, v24;
	v26 =	vshll.u32 v8, $0x3  }
0x1da: {  	v13 =	vor.u32 $0x1, v0;
	v8 =	vshll.u32 v9, $0x3;
	v9 =	vld.idx.msk [tilespmem:v18+s2+$0x0], $0xffff;
	v27 =	vor.u32 $0x1, v26  }
0x1db: {  	v30 =	vor.u32 $0x2, v26;
	v28 =	vor.u32 $0x1, v8;
	v29 =	vor.u32 $0x2, v8;
	v14 =	vld.idx.msk [tilespmem:v20+s2+$0x0], $0xffff  }
0x1dc: {  	v32 =	vor.u32 $0x3, v6;
	v33 =	vor.u32 $0x3, v18;
	v31 =	vor.u32 $0x3, v8;
	v16 =	vld.idx.msk [tilespmem:v22+s2+$0x0], $0xffff;
	[tilespmem:s28+$0x1D0] =	vst v2  }
0x1dd: {  	v34 =	vor.u32 $0x3, v20;
	v35 =	vor.u32 $0x3, v22;
	v36 =	vor.u32 $0x3, v24;
	v2 =	vld.idx.msk [tilespmem:v24+s2+$0x0], $0xffff;
	[tilespmem:s28+$0x1E0] =	vst v1;
	s28 =	sadd.s32 $0x400, s28  }
0x1de: {  	v38 =	vor.u32 $0x4, v6;
	v39 =	vor.u32 $0x3, v26;
	v37 =	vor.u32 $0x4, v8;
	v1 =	vld.idx.msk [tilespmem:v26+s2+$0x0], $0xffff;
	[tilespmem:s28+$0xFFFFFE70] =	vst v4  }
0x1df: {  	v40 =	vor.u32 $0x4, v18;
	v41 =	vor.u32 $0x4, v20;
	v42 =	vor.u32 $0x4, v22;
	[tilespmem:s28+$0xFFFFFE10] =	vst v11;
	v4 =	vld.idx.msk [tilespmem:v13+s2+$0x0], $0xffff  }
0x1e0: {  	v44 =	vor.u32 $0x4, v24;
	v45 =	vor.u32 $0x4, v26;
	v15 =	vor.u32 $0x5, v8;
	v43 =	vld.idx.msk [tilespmem:v8+s2+$0x0], $0xffff;
	[tilespmem:s28+$0xFFFFFE20] =	vst v9  }
0x1e1: {  	v49 =	vor.u32 $0x2, v0;
	v47 =	vor.u32 $0x5, v6;
	v48 =	vor.u32 $0x5, v18;
	v46 =	vld.idx.msk [tilespmem:v10+s2+$0x0], $0xffff;
	[tilespmem:s28+$0xFFFFFE30] =	vst v14  }
0x1e2: {  	v51 =	vor.u32 $0x5, v20;
	v52 =	vor.u32 $0x5, v22;
	v50 =	vld.idx.msk [tilespmem:v3+s2+$0x0], $0xffff;
	[tilespmem:s28+$0xFFFFFE40] =	vst v16;
	v16 =	vor.u32 $0x5, v24  }
0x1e3: {  	v54 =	vor.u32 $0x5, v26;
	v13 =	vor.u32 $0x6, v8;
	v10 =	vor.u32 $0x6, v6;
	v53 =	vld.idx.msk [tilespmem:v7+s2+$0x0], $0xffff;
	[tilespmem:s28+$0xFFFFFE50] =	vst v2  }
0x1e4: {  	v11 =	vor.u32 $0x6, v20;
	v9 =	vor.u32 $0x6, v22;
	v14 =	vor.u32 $0x6, v18;
	v55 =	vld.idx.msk [tilespmem:v5+s2+$0x0], $0xffff;
	[tilespmem:s28+$0xFFFFFE60] =	vst v1  }
0x1e5: {  	v3 =	vor.u32 $0x7, v8;
	v8 =	vor.u32 $0x6, v26;
	v56 =	vld.idx.msk [tilespmem:v12+s2+$0x0], $0xffff;
	v12 =	vor.u32 $0x6, v24;
	[tilespmem:s28+$0xFFFFFEF0] =	vst v4  }
0x1e6: {  	v7 =	vor.u32 $0x7, v6;
	v5 =	vor.u32 $0x7, v18;
	v4 =	vor.u32 $0x7, v20;
	[tilespmem:s28+$0xFFFFFE00] =	vst v43;
	v18 =	vld.idx.msk [tilespmem:v49+s2+$0x0], $0xffff  }
0x1e7: {  	v6 =	vor.u32 $0x7, v22;
	v2 =	vor.u32 $0x7, v24;
	v1 =	vor.u32 $0x7, v26;
	v20 =	vld.idx.msk [tilespmem:v28+s2+$0x0], $0xffff;
	[tilespmem:s28+$0xFFFFFE90] =	vst v46  }
0x1e8: {  	v24 =	vor.u32 $0x3, v0;
	[tilespmem:s28+$0xFFFFFEA0] =	vst v50;
	v22 =	vld.idx.msk [tilespmem:v27+s2+$0x0], $0xffff  }
0x1e9: {  	v17 =	vld.idx.msk [tilespmem:v17+s2+$0x0], $0xffff;
	[tilespmem:s28+$0xFFFFFEB0] =	vst v53  }
0x1ea: {  	v19 =	vld.idx.msk [tilespmem:v19+s2+$0x0], $0xffff;
	[tilespmem:s28+$0xFFFFFEC0] =	vst v55  }
0x1eb: {  	v21 =	vld.idx.msk [tilespmem:v21+s2+$0x0], $0xffff;
	[tilespmem:s28+$0xFFFFFED0] =	vst v56  }
0x1ec: {  	v23 =	vld.idx.msk [tilespmem:v23+s2+$0x0], $0xffff;
	[tilespmem:s28+$0xFFFFFF70] =	vst v18  }
0x1ed: {  	[tilespmem:s28+$0xFFFFFE80] =	vst v20;
	v18 =	vld.idx.msk [tilespmem:v24+s2+$0x0], $0xffff  }
0x1ee: {  	v20 =	vld.idx.msk [tilespmem:v29+s2+$0x0], $0xffff;
	[tilespmem:s28+$0xFFFFFEE0] =	vst v22  }
0x1ef: {  	v22 =	vor.u32 $0x4, v0;
	[tilespmem:s28+$0xFFFFFF10] =	vst v17;
	v17 =	vld.idx.msk [tilespmem:v25+s2+$0x0], $0xffff  }
0x1f0: {  	[tilespmem:s28+$0xFFFFFF20] =	vst v19;
	v19 =	vld.idx.msk [tilespmem:v30+s2+$0x0], $0xffff  }
0x1f1: {  	v24 =	vld.idx.msk [tilespmem:v32+s2+$0x0], $0xffff;
	[tilespmem:s28+$0xFFFFFF30] =	vst v21  }
0x1f2: {  	v21 =	vld.idx.msk [tilespmem:v33+s2+$0x0], $0xffff;
	[tilespmem:s28+$0xFFFFFF40] =	vst v23  }
0x1f3: {  	v23 =	vld.idx.msk [tilespmem:v34+s2+$0x0], $0xffff;
	[tilespmem:s28+$0xFFFFFFF0] =	vst v18  }
0x1f4: {  	[tilespmem:s28+$0xFFFFFF00] =	vst v20;
	v18 =	vld.idx.msk [tilespmem:v22+s2+$0x0], $0xffff  }
0x1f5: {  	v20 =	vld.idx.msk [tilespmem:v31+s2+$0x0], $0xffff;
	[tilespmem:s28+$0xFFFFFF50] =	vst v17  }
0x1f6: {  	v17 =	vld.idx.msk [tilespmem:v35+s2+$0x0], $0xffff;
	[tilespmem:s28+$0xFFFFFF60] =	vst v19;
	v19 =	vor.u32 $0x5, v0  }
0x1f7: {  	[tilespmem:s28+$0xFFFFFF90] =	vst v24;
	v22 =	vld.idx.msk [tilespmem:v36+s2+$0x0], $0xffff  }
0x1f8: {  	[tilespmem:s28+$0xFFFFFFA0] =	vst v21;
	v21 =	vld.idx.msk [tilespmem:v39+s2+$0x0], $0xffff  }
0x1f9: {  	v24 =	vld.idx.msk [tilespmem:v38+s2+$0x0], $0xffff;
	[tilespmem:s28+$0xFFFFFFB0] =	vst v23  }
0x1fa: {  	v23 =	vld.idx.msk [tilespmem:v40+s2+$0x0], $0xffff;
	[tilespmem:s28+$0x70] =	vst v18  }
0x1fb: {  	[tilespmem:s28+$0xFFFFFF80] =	vst v20;
	v18 =	vld.idx.msk [tilespmem:v19+s2+$0x0], $0xffff  }
0x1fc: {  	v19 =	vld.idx.msk [tilespmem:v37+s2+$0x0], $0xffff;
	[tilespmem:s28+$0xFFFFFFC0] =	vst v17  }
0x1fd: {  	v20 =	vor.u32 $0x6, v0;
	v17 =	vld.idx.msk [tilespmem:v41+s2+$0x0], $0xffff;
	[tilespmem:s28+$0xFFFFFFD0] =	vst v22  }
0x1fe: {  	v22 =	vld.idx.msk [tilespmem:v42+s2+$0x0], $0xffff;
	[tilespmem:s28+$0xFFFFFFE0] =	vst v21  }
0x1ff: {  	[tilespmem:s28+$0x10] =	vst v24;
	v21 =	vld.idx.msk [tilespmem:v44+s2+$0x0], $0xffff  }
0x200: {  	[tilespmem:s28+$0x20] =	vst v23;
	v23 =	vld.idx.msk [tilespmem:v45+s2+$0x0], $0xffff  }
0x201: {  	v24 =	vld.idx.msk [tilespmem:v47+s2+$0x0], $0xffff;
	[tilespmem:s28+$0xF0] =	vst v18  }
0x202: {  	[tilespmem:s28+$0x0] =	vst v19;
	v18 =	vld.idx.msk [tilespmem:v20+s2+$0x0], $0xffff  }
0x203: {  	v15 =	vld.idx.msk [tilespmem:v15+s2+$0x0], $0xffff;
	[tilespmem:s28+$0x30] =	vst v17  }
0x204: {  	v0 =	vor.u32 $0x7, v0;
	v17 =	vld.idx.msk [tilespmem:v48+s2+$0x0], $0xffff;
	[tilespmem:s28+$0x40] =	vst v22  }
0x205: {  	v19 =	vld.idx.msk [tilespmem:v51+s2+$0x0], $0xffff;
	[tilespmem:s28+$0x50] =	vst v21  }
0x206: {  	v20 =	vld.idx.msk [tilespmem:v52+s2+$0x0], $0xffff;
	[tilespmem:s28+$0x60] =	vst v23  }
0x207: {  	[tilespmem:s28+$0x90] =	vst v24;
	v16 =	vld.idx.msk [tilespmem:v16+s2+$0x0], $0xffff  }
0x208: {  	v21 =	vld.idx.msk [tilespmem:v54+s2+$0x0], $0xffff;
	[tilespmem:s28+$0x170] =	vst v18  }
0x209: {  	[tilespmem:s28+$0x80] =	vst v15;
	v0 =	vld.idx.msk [tilespmem:v0+s2+$0x0], $0xffff  }
0x20a: {  	v13 =	vld.idx.msk [tilespmem:v13+s2+$0x0], $0xffff;
	[tilespmem:s28+$0xA0] =	vst v17  }
0x20b: {  	v10 =	vld.idx.msk [tilespmem:v10+s2+$0x0], $0xffff;
	[tilespmem:s28+$0xB0] =	vst v19  }
0x20c: {  	v14 =	vld.idx.msk [tilespmem:v14+s2+$0x0], $0xffff;
	[tilespmem:s28+$0xC0] =	vst v20  }
0x20d: {  	v11 =	vld.idx.msk [tilespmem:v11+s2+$0x0], $0xffff;
	[tilespmem:s28+$0xD0] =	vst v16  }
0x20e: {  	v9 =	vld.idx.msk [tilespmem:v9+s2+$0x0], $0xffff;
	[tilespmem:s28+$0xE0] =	vst v21  }
0x20f: {  	v12 =	vld.idx.msk [tilespmem:v12+s2+$0x0], $0xffff;
	[tilespmem:s28+$0x1F0] =	vst v0  }
0x210: {  	[tilespmem:s28+$0x100] =	vst v13;
	v8 =	vld.idx.msk [tilespmem:v8+s2+$0x0], $0xffff  }
.Ltmp8:
0x211: {  	v3 =	vld.idx.msk [tilespmem:v3+s2+$0x0], $0xffff;
	[tilespmem:s28+$0x110] =	vst v10;
	(pc) =	sbr.rel @p1 .LBB2_14-.Ltmp8, $4  }
0x212: {  	v7 =	vld.idx.msk [tilespmem:v7+s2+$0x0], $0xffff;
	[tilespmem:s28+$0x120] =	vst v14  }
0x213: {  	v5 =	vld.idx.msk [tilespmem:v5+s2+$0x0], $0xffff;
	[tilespmem:s28+$0x130] =	vst v11  }
0x214: {  	v4 =	vld.idx.msk [tilespmem:v4+s2+$0x0], $0xffff;
	[tilespmem:s28+$0x140] =	vst v9  }
0x215: {  	s30 =	sadd.s32 $0x100, s30;
	v6 =	vld.idx.msk [tilespmem:v6+s2+$0x0], $0xffff;
	[tilespmem:s28+$0x150] =	vst v12  }
0x216: {  	_ =	sdelay $0x2  }
0x217: {  	[tilespmem:s28+$0x160] =	vst v8  }
0x218: {  	[tilespmem:s28+$0x180] =	vst v3;
	v0 =	vld.idx.msk [tilespmem:v2+s2+$0x0], $0xffff  }
0x219: {  	[tilespmem:s28+$0x190] =	vst v7;
	v1 =	vld.idx.msk [tilespmem:v1+s2+$0x0], $0xffff  }
0x21a: {  	[tilespmem:s28+$0x1A0] =	vst v5  }
0x21b: {  	[tilespmem:s28+$0x1B0] =	vst v4  }
0x21c: {  	[tilespmem:s28+$0x1C0] =	vst v6  }
0x21d: {  	[tilespmem:s28+$0x1D0] =	vst v0  }
0x21e: {  	[tilespmem:s28+$0x1E0] =	vst v1  }
0x21f: {  	_ =	swait.ge [sflag:s25], $0x8000  }
0x220: {  	[sflag:s25] =	ssyncset.done $0x0  }
0x221: {  	s28 =	simm.s32 $0x0;
	[sflag:s25] =	ssyncadd.s32 $0xFFFF8000  }
0x222: {  	[hbm4b:s10+s28] =	stream.linear.scatter [tilespmem:s21], [sflag:$0x3], $0x8000, $0x38;
	[tilespmem:$0x12100] =	vst v63  }
0x223: {  	_ =	swait.ge [sflag:s22], $0x1000  }
0x224: {  	[sflag:s22] =	ssyncset.done $0x0  }
0x225: {  	s29 =	simm.s32 $0x100;
	[sflag:s22] =	ssyncadd.s32 $0xFFFFF000  }
.LBB2_16:
0x226: {  	p1 =	sne.s32 s28, $0x1F0  }
.Ltmp9:
0x227: {  	_ = 	snop;
	(pc) =	sbr.rel @p1 .LBB2_16-.Ltmp9, $4  }
0x228: {  	_ = 	snop  }
0x229: {  	s30 =	sadd.s32 s28, s11  }
0x22a: {  	[tilespmem:s29], [sflag:$0x1] =	stream.linear.gather [hbm4b:s30+s2], $0x80, $0x38;
	[tilespmem:$0x12100] =	vst v63  }
0x22b: {  	s28 =	sadd.s32 $0x10, s28;
	s29 =	sadd.s32 $0x100, s29  }
0x22c: {  	s28 =	simm.s32 $0x1F0  }
0x22d: {  	v0 =	vld [tilespmem:s28+$0x0]  }
0x22e: {  	v1 =	vld [tilespmem:s28+$0xFFFFFFA0]  }
0x22f: {  	v2 =	vld [tilespmem:s28+$0xFFFFFFB0]  }
0x230: {  	v3 =	vld [tilespmem:s28+$0xFFFFFFC0]  }
0x231: {  	v6 =	vld [tilespmem:s28+$0xFFFFFFD0]  }
0x232: {  	v8 =	vld [tilespmem:s28+$0xFFFFFFE0];
	v7 =	vshll.u32 v0, $0x3  }
0x233: {  	v9 =	vld [tilespmem:s28+$0xFFFFFF90];
	v5 =	vshll.u32 v1, $0x3  }
0x234: {  	v1 =	vld [tilespmem:s28+$0xFFFFFFF0];
	v4 =	vshll.u32 v2, $0x3  }
0x235: {  	v3 =	vshll.u32 v3, $0x3  }
0x236: {  	v2 =	vshll.u32 v6, $0x3  }
0x237: {  	v0 =	vshll.u32 v8, $0x3;
	v8 =	vld.idx.msk [tilespmem:v7+s2+$0x0], $0xffff  }
0x238: {  	v6 =	vshll.u32 v9, $0x3;
	v10 =	vld.idx.msk [tilespmem:v5+s2+$0x0], $0xffff  }
0x239: {  	v1 =	vshll.u32 v1, $0x3;
	v11 =	vld.idx.msk [tilespmem:v4+s2+$0x0], $0xffff  }
0x23a: {  	v12 =	vor.u32 $0x1, v7;
	v9 =	vld.idx.msk [tilespmem:v3+s2+$0x0], $0xffff  }
0x23b: {  	v13 =	vor.u32 $0x1, v5;
	v14 =	vld.idx.msk [tilespmem:v2+s2+$0x0], $0xffff  }
0x23c: {  	s28 =	simm.s32 $0xA4F0;
	v15 =	vor.u32 $0x1, v4;
	v16 =	vld.idx.msk [tilespmem:v0+s2+$0x0], $0xffff  }
0x23d: {  	v17 =	vor.u32 $0x1, v3;
	v19 =	vld.idx.msk [tilespmem:v6+s2+$0x0], $0xffff;
	[tilespmem:s28+$0xFFFFFC80] =	vst v8  }
0x23e: {  	v26 =	vor.u32 $0x1, v0;
	v18 =	vld.idx.msk [tilespmem:v1+s2+$0x0], $0xffff;
	[tilespmem:s28+$0xFFFFFC20] =	vst v10  }
0x23f: {  	v27 =	vor.u32 $0x1, v6;
	[tilespmem:s28+$0xFFFFFC30] =	vst v11;
	v10 =	vld.idx.msk [tilespmem:v12+s2+$0x0], $0xffff  }
0x240: {  	v8 =	vor.u32 $0x1, v2;
	[tilespmem:s28+$0xFFFFFC40] =	vst v9;
	v11 =	vld.idx.msk [tilespmem:v13+s2+$0x0], $0xffff  }
0x241: {  	v28 =	vor.u32 $0x1, v1;
	[tilespmem:s28+$0xFFFFFC50] =	vst v14;
	v15 =	vld.idx.msk [tilespmem:v15+s2+$0x0], $0xffff  }
0x242: {  	v9 =	vor.u32 $0x2, v7;
	[tilespmem:s28+$0xFFFFFC60] =	vst v16;
	v17 =	vld.idx.msk [tilespmem:v17+s2+$0x0], $0xffff  }
0x243: {  	v29 =	vor.u32 $0x2, v5;
	[tilespmem:s28+$0xFFFFFC10] =	vst v19;
	v12 =	vld.idx.msk [tilespmem:v26+s2+$0x0], $0xffff  }
0x244: {  	v30 =	vor.u32 $0x2, v4;
	v13 =	vld.idx.msk [tilespmem:v27+s2+$0x0], $0xffff;
	[tilespmem:s28+$0xFFFFFC70] =	vst v18  }
0x245: {  	v33 =	vor.u32 $0x2, v6;
	v8 =	vld.idx.msk [tilespmem:v8+s2+$0x0], $0xffff;
	[tilespmem:s28+$0xFFFFFD00] =	vst v10  }
0x246: {  	v10 =	vor.u32 $0x2, v3;
	[tilespmem:s28+$0xFFFFFCA0] =	vst v11;
	v11 =	vld.idx.msk [tilespmem:v28+s2+$0x0], $0xffff  }
0x247: {  	v31 =	vor.u32 $0x2, v2;
	[tilespmem:s28+$0xFFFFFCB0] =	vst v15;
	v9 =	vld.idx.msk [tilespmem:v9+s2+$0x0], $0xffff  }
0x248: {  	v34 =	vor.u32 $0x2, v0;
	[tilespmem:s28+$0xFFFFFCC0] =	vst v17;
	v16 =	vld.idx.msk [tilespmem:v29+s2+$0x0], $0xffff  }
0x249: {  	v32 =	vor.u32 $0x3, v7;
	[tilespmem:s28+$0xFFFFFC90] =	vst v13;
	v18 =	vld.idx.msk [tilespmem:v30+s2+$0x0], $0xffff  }
0x24a: {  	v35 =	vor.u32 $0x3, v5;
	[tilespmem:s28+$0xFFFFFCE0] =	vst v12;
	v15 =	vld.idx.msk [tilespmem:v33+s2+$0x0], $0xffff  }
0x24b: {  	v39 =	vor.u32 $0x3, v6;
	[tilespmem:s28+$0xFFFFFCD0] =	vst v8;
	v10 =	vld.idx.msk [tilespmem:v10+s2+$0x0], $0xffff  }
0x24c: {  	v8 =	vor.u32 $0x2, v1;
	v19 =	vld.idx.msk [tilespmem:v31+s2+$0x0], $0xffff;
	[tilespmem:s28+$0xFFFFFCF0] =	vst v11  }
0x24d: {  	v11 =	vld.idx.msk [tilespmem:v34+s2+$0x0], $0xffff;
	[tilespmem:s28+$0xFFFFFD80] =	vst v9;
	v9 =	vor.u32 $0x3, v4  }
0x24e: {  	v37 =	vor.u32 $0x3, v3;
	[tilespmem:s28+$0xFFFFFD20] =	vst v16;
	v36 =	vld.idx.msk [tilespmem:v32+s2+$0x0], $0xffff  }
0x24f: {  	v40 =	vor.u32 $0x3, v2;
	[tilespmem:s28+$0xFFFFFD10] =	vst v15;
	v12 =	vld.idx.msk [tilespmem:v35+s2+$0x0], $0xffff  }
0x250: {  	v38 =	vor.u32 $0x4, v7;
	[tilespmem:s28+$0xFFFFFD30] =	vst v18;
	v17 =	vld.idx.msk [tilespmem:v39+s2+$0x0], $0xffff  }
0x251: {  	v42 =	vor.u32 $0x4, v5;
	v8 =	vld.idx.msk [tilespmem:v8+s2+$0x0], $0xffff;
	[tilespmem:s28+$0xFFFFFD40] =	vst v10  }
0x252: {  	v45 =	vor.u32 $0x4, v6;
	[tilespmem:s28+$0xFFFFFD50] =	vst v19;
	v9 =	vld.idx.msk [tilespmem:v9+s2+$0x0], $0xffff  }
0x253: {  	v10 =	vor.u32 $0x3, v0;
	[tilespmem:s28+$0xFFFFFD60] =	vst v11;
	v14 =	vld.idx.msk [tilespmem:v37+s2+$0x0], $0xffff  }
0x254: {  	v41 =	vor.u32 $0x3, v1;
	v11 =	vld.idx.msk [tilespmem:v40+s2+$0x0], $0xffff;
	[tilespmem:s28+$0xFFFFFE00] =	vst v36  }
0x255: {  	v44 =	vor.u32 $0x4, v4;
	[tilespmem:s28+$0xFFFFFDA0] =	vst v12;
	v43 =	vld.idx.msk [tilespmem:v38+s2+$0x0], $0xffff  }
0x256: {  	v46 =	vor.u32 $0x4, v3;
	[tilespmem:s28+$0xFFFFFD90] =	vst v17;
	v13 =	vld.idx.msk [tilespmem:v42+s2+$0x0], $0xffff  }
0x257: {  	v47 =	vor.u32 $0x4, v2;
	v18 =	vld.idx.msk [tilespmem:v45+s2+$0x0], $0xffff;
	[tilespmem:s28+$0xFFFFFD70] =	vst v8  }
0x258: {  	v8 =	vor.u32 $0x5, v7;
	v10 =	vld.idx.msk [tilespmem:v10+s2+$0x0], $0xffff;
	[tilespmem:s28+$0xFFFFFDB0] =	vst v9  }
0x259: {  	v50 =	vor.u32 $0x5, v5;
	v9 =	vld.idx.msk [tilespmem:v41+s2+$0x0], $0xffff;
	[tilespmem:s28+$0xFFFFFDC0] =	vst v14  }
0x25a: {  	v51 =	vor.u32 $0x5, v6;
	[tilespmem:s28+$0xFFFFFDD0] =	vst v11;
	v16 =	vld.idx.msk [tilespmem:v44+s2+$0x0], $0xffff  }
0x25b: {  	v48 =	vor.u32 $0x4, v0;
	v11 =	vld.idx.msk [tilespmem:v46+s2+$0x0], $0xffff;
	[tilespmem:s28+$0xFFFFFE80] =	vst v43  }
0x25c: {  	v49 =	vor.u32 $0x4, v1;
	v19 =	vld.idx.msk [tilespmem:v47+s2+$0x0], $0xffff;
	[tilespmem:s28+$0xFFFFFE20] =	vst v13  }
0x25d: {  	v53 =	vor.u32 $0x5, v3;
	[tilespmem:s28+$0xFFFFFE10] =	vst v18;
	v8 =	vld.idx.msk [tilespmem:v8+s2+$0x0], $0xffff  }
0x25e: {  	v54 =	vor.u32 $0x5, v2;
	v17 =	vld.idx.msk [tilespmem:v50+s2+$0x0], $0xffff;
	[tilespmem:s28+$0xFFFFFDE0] =	vst v10  }
0x25f: {  	v12 =	vld.idx.msk [tilespmem:v51+s2+$0x0], $0xffff;
	v10 =	vor.u32 $0x6, v7;
	[tilespmem:s28+$0xFFFFFDF0] =	vst v9  }
0x260: {  	v56 =	vor.u32 $0x6, v5;
	v52 =	vld.idx.msk [tilespmem:v48+s2+$0x0], $0xffff;
	[tilespmem:s28+$0xFFFFFE30] =	vst v16  }
0x261: {  	v9 =	vor.u32 $0x5, v4;
	v15 =	vld.idx.msk [tilespmem:v49+s2+$0x0], $0xffff;
	[tilespmem:s28+$0xFFFFFE40] =	vst v11  }
0x262: {  	[tilespmem:s28+$0xFFFFFE50] =	vst v19;
	v11 =	vor.u32 $0x6, v6;
	v14 =	vld.idx.msk [tilespmem:v53+s2+$0x0], $0xffff  }
0x263: {  	v55 =	vor.u32 $0x5, v1;
	v16 =	vld.idx.msk [tilespmem:v54+s2+$0x0], $0xffff;
	[tilespmem:s28+$0xFFFFFF00] =	vst v8  }
0x264: {  	v8 =	vor.u32 $0x5, v0;
	[tilespmem:s28+$0xFFFFFEA0] =	vst v17;
	v10 =	vld.idx.msk [tilespmem:v10+s2+$0x0], $0xffff  }
0x265: {  	v58 =	vor.u32 $0x6, v3;
	[tilespmem:s28+$0xFFFFFE90] =	vst v12;
	v13 =	vld.idx.msk [tilespmem:v56+s2+$0x0], $0xffff  }
0x266: {  	v7 =	vor.u32 $0x7, v7;
	v9 =	vld.idx.msk [tilespmem:v9+s2+$0x0], $0xffff;
	[tilespmem:s28+$0xFFFFFE60] =	vst v52  }
0x267: {  	v57 =	vor.u32 $0x6, v4;
	[tilespmem:s28+$0xFFFFFE70] =	vst v15;
	v11 =	vld.idx.msk [tilespmem:v11+s2+$0x0], $0xffff  }
0x268: {  	v6 =	vor.u32 $0x7, v6;
	v18 =	vld.idx.msk [tilespmem:v55+s2+$0x0], $0xffff;
	[tilespmem:s28+$0xFFFFFEC0] =	vst v14  }
0x269: {  	v8 =	vld.idx.msk [tilespmem:v8+s2+$0x0], $0xffff;
	[tilespmem:s28+$0xFFFFFF80] =	vst v10;
	v10 =	vor.u32 $0x6, v2  }
0x26a: {  	v59 =	vor.u32 $0x6, v0;
	[tilespmem:s28+$0xFFFFFED0] =	vst v16;
	v61 =	vld.idx.msk [tilespmem:v58+s2+$0x0], $0xffff  }
0x26b: {  	v7 =	vld.idx.msk [tilespmem:v7+s2+$0x0], $0xffff;
	[tilespmem:s28+$0xFFFFFEB0] =	vst v9;
	v9 =	vor.u32 $0x6, v1  }
0x26c: {  	v5 =	vor.u32 $0x7, v5;
	v60 =	vld.idx.msk [tilespmem:v57+s2+$0x0], $0xffff;
	[tilespmem:s28+$0xFFFFFF10] =	vst v11  }
0x26d: {  	v62 =	vor.u32 $0x7, v3;
	v4 =	vor.u32 $0x7, v4;
	[tilespmem:s28+$0xFFFFFF20] =	vst v13;
	v3 =	vld.idx.msk [tilespmem:v6+s2+$0x0], $0xffff  }
0x26e: {  	[tilespmem:s28+$0xFFFFFEE0] =	vst v8;
	v10 =	vld.idx.msk [tilespmem:v10+s2+$0x0], $0xffff  }
0x26f: {  	v63 =	vor.u32 $0x7, v2;
	[tilespmem:s28+$0xFFFFFEF0] =	vst v18;
	v12 =	vld.idx.msk [tilespmem:v59+s2+$0x0], $0xffff  }
0x270: {  	[tilespmem:s28+$0x0] =	vst v7;
	v8 =	vld.idx.msk [tilespmem:v9+s2+$0x0], $0xffff  }
0x271: {  	v7 =	vld.idx.msk [tilespmem:v5+s2+$0x0], $0xffff;
	[tilespmem:s28+$0xFFFFFF30] =	vst v60  }
0x272: {  	[tilespmem:s28+$0xFFFFFF40] =	vst v61;
	v5 =	vld.idx.msk [tilespmem:v4+s2+$0x0], $0xffff  }
0x273: {  	v4 =	vld.idx.msk [tilespmem:v62+s2+$0x0], $0xffff;
	[tilespmem:s28+$0xFFFFFF50] =	vst v10  }
0x274: {  	s29 =	simm.s32 $0x0;
	s30 =	simm.s32 $0x2F0;
	v2 =	vor.u32 $0x7, v0;
	v1 =	vor.u32 $0x7, v1;
	[tilespmem:s28+$0xFFFFFF60] =	vst v12;
	v6 =	vld.idx.msk [tilespmem:v63+s2+$0x0], $0xffff  }
.LBB2_18:
0x275: {  	v0 =	vld [tilespmem:s30+$0x0];
	s29 =	sadd.s32 $0x80, s29;
	[tilespmem:s28+$0xFFFFFF70] =	vst v8  }
0x276: {  	v8 =	vld [tilespmem:s30+$0xFFFFFFA0];
	p1 =	slt.u32 s29, $0xF80;
	[tilespmem:s28+$0xFFFFFF90] =	vst v3  }
0x277: {  	v3 =	vld [tilespmem:s30+$0xFFFFFFB0];
	[tilespmem:s28+$0xFFFFFFA0] =	vst v7  }
0x278: {  	v7 =	vld [tilespmem:s30+$0xFFFFFFC0];
	[tilespmem:s28+$0xFFFFFFB0] =	vst v5  }
0x279: {  	v5 =	vld [tilespmem:s30+$0xFFFFFFD0];
	[tilespmem:s28+$0xFFFFFFC0] =	vst v4  }
0x27a: {  	v4 =	vld [tilespmem:s30+$0xFFFFFFE0];
	v0 =	vshll.u32 v0, $0x3;
	[tilespmem:s28+$0xFFFFFFD0] =	vst v6  }
0x27b: {  	v6 =	vshll.u32 v8, $0x3;
	v8 =	vld [tilespmem:s30+$0xFFFFFFF0]  }
0x27c: {  	v9 =	vld [tilespmem:s30+$0xFFFFFF90];
	v10 =	vor.u32 $0x1, v6;
	v17 =	vor.u32 $0x2, v6;
	v18 =	vshll.u32 v3, $0x3  }
0x27d: {  	v3 =	vor.u32 $0x1, v18;
	v19 =	vor.u32 $0x2, v18;
	v20 =	vshll.u32 v7, $0x3;
	v2 =	vld.idx.msk [tilespmem:v2+s2+$0x0], $0xffff  }
0x27e: {  	v7 =	vor.u32 $0x1, v20;
	v21 =	vor.u32 $0x2, v20;
	v22 =	vshll.u32 v5, $0x3;
	v1 =	vld.idx.msk [tilespmem:v1+s2+$0x0], $0xffff  }
0x27f: {  	v5 =	vor.u32 $0x1, v22;
	v23 =	vor.u32 $0x2, v22;
	v24 =	vshll.u32 v4, $0x3;
	v4 =	vld.idx.msk [tilespmem:v0+s2+$0x0], $0xffff  }
0x280: {  	v11 =	vld.idx.msk [tilespmem:v6+s2+$0x0], $0xffff;
	v12 =	vor.u32 $0x1, v24;
	v25 =	vor.u32 $0x2, v24;
	v26 =	vshll.u32 v8, $0x3  }
0x281: {  	v13 =	vor.u32 $0x1, v0;
	v8 =	vshll.u32 v9, $0x3;
	v9 =	vld.idx.msk [tilespmem:v18+s2+$0x0], $0xffff;
	v27 =	vor.u32 $0x1, v26  }
0x282: {  	v30 =	vor.u32 $0x2, v26;
	v28 =	vor.u32 $0x1, v8;
	v29 =	vor.u32 $0x2, v8;
	v14 =	vld.idx.msk [tilespmem:v20+s2+$0x0], $0xffff  }
0x283: {  	v32 =	vor.u32 $0x3, v6;
	v33 =	vor.u32 $0x3, v18;
	v31 =	vor.u32 $0x3, v8;
	v16 =	vld.idx.msk [tilespmem:v22+s2+$0x0], $0xffff;
	[tilespmem:s28+$0xFFFFFFE0] =	vst v2  }
0x284: {  	v34 =	vor.u32 $0x3, v20;
	v35 =	vor.u32 $0x3, v22;
	v36 =	vor.u32 $0x3, v24;
	v2 =	vld.idx.msk [tilespmem:v24+s2+$0x0], $0xffff;
	[tilespmem:s28+$0xFFFFFFF0] =	vst v1;
	s28 =	sadd.s32 $0x400, s28  }
0x285: {  	v38 =	vor.u32 $0x4, v6;
	v39 =	vor.u32 $0x3, v26;
	v37 =	vor.u32 $0x4, v8;
	v1 =	vld.idx.msk [tilespmem:v26+s2+$0x0], $0xffff;
	[tilespmem:s28+$0xFFFFFC80] =	vst v4  }
0x286: {  	v40 =	vor.u32 $0x4, v18;
	v41 =	vor.u32 $0x4, v20;
	v42 =	vor.u32 $0x4, v22;
	[tilespmem:s28+$0xFFFFFC20] =	vst v11;
	v4 =	vld.idx.msk [tilespmem:v13+s2+$0x0], $0xffff  }
0x287: {  	v44 =	vor.u32 $0x4, v24;
	v45 =	vor.u32 $0x4, v26;
	v15 =	vor.u32 $0x5, v8;
	v43 =	vld.idx.msk [tilespmem:v8+s2+$0x0], $0xffff;
	[tilespmem:s28+$0xFFFFFC30] =	vst v9  }
0x288: {  	v49 =	vor.u32 $0x2, v0;
	v47 =	vor.u32 $0x5, v6;
	v48 =	vor.u32 $0x5, v18;
	v46 =	vld.idx.msk [tilespmem:v10+s2+$0x0], $0xffff;
	[tilespmem:s28+$0xFFFFFC40] =	vst v14  }
0x289: {  	v51 =	vor.u32 $0x5, v20;
	v52 =	vor.u32 $0x5, v22;
	v50 =	vld.idx.msk [tilespmem:v3+s2+$0x0], $0xffff;
	[tilespmem:s28+$0xFFFFFC50] =	vst v16;
	v16 =	vor.u32 $0x5, v24  }
0x28a: {  	v54 =	vor.u32 $0x5, v26;
	v13 =	vor.u32 $0x6, v8;
	v10 =	vor.u32 $0x6, v6;
	v53 =	vld.idx.msk [tilespmem:v7+s2+$0x0], $0xffff;
	[tilespmem:s28+$0xFFFFFC60] =	vst v2  }
0x28b: {  	v11 =	vor.u32 $0x6, v20;
	v9 =	vor.u32 $0x6, v22;
	v14 =	vor.u32 $0x6, v18;
	v55 =	vld.idx.msk [tilespmem:v5+s2+$0x0], $0xffff;
	[tilespmem:s28+$0xFFFFFC70] =	vst v1  }
0x28c: {  	v3 =	vor.u32 $0x7, v8;
	v8 =	vor.u32 $0x6, v26;
	v56 =	vld.idx.msk [tilespmem:v12+s2+$0x0], $0xffff;
	v12 =	vor.u32 $0x6, v24;
	[tilespmem:s28+$0xFFFFFD00] =	vst v4  }
0x28d: {  	v7 =	vor.u32 $0x7, v6;
	v5 =	vor.u32 $0x7, v18;
	v4 =	vor.u32 $0x7, v20;
	[tilespmem:s28+$0xFFFFFC10] =	vst v43;
	v18 =	vld.idx.msk [tilespmem:v49+s2+$0x0], $0xffff  }
0x28e: {  	v6 =	vor.u32 $0x7, v22;
	v2 =	vor.u32 $0x7, v24;
	v1 =	vor.u32 $0x7, v26;
	v20 =	vld.idx.msk [tilespmem:v28+s2+$0x0], $0xffff;
	[tilespmem:s28+$0xFFFFFCA0] =	vst v46  }
0x28f: {  	v24 =	vor.u32 $0x3, v0;
	[tilespmem:s28+$0xFFFFFCB0] =	vst v50;
	v22 =	vld.idx.msk [tilespmem:v27+s2+$0x0], $0xffff  }
0x290: {  	v17 =	vld.idx.msk [tilespmem:v17+s2+$0x0], $0xffff;
	[tilespmem:s28+$0xFFFFFCC0] =	vst v53  }
0x291: {  	v19 =	vld.idx.msk [tilespmem:v19+s2+$0x0], $0xffff;
	[tilespmem:s28+$0xFFFFFCD0] =	vst v55  }
0x292: {  	v21 =	vld.idx.msk [tilespmem:v21+s2+$0x0], $0xffff;
	[tilespmem:s28+$0xFFFFFCE0] =	vst v56  }
0x293: {  	v23 =	vld.idx.msk [tilespmem:v23+s2+$0x0], $0xffff;
	[tilespmem:s28+$0xFFFFFD80] =	vst v18  }
0x294: {  	[tilespmem:s28+$0xFFFFFC90] =	vst v20;
	v18 =	vld.idx.msk [tilespmem:v24+s2+$0x0], $0xffff  }
0x295: {  	v20 =	vld.idx.msk [tilespmem:v29+s2+$0x0], $0xffff;
	[tilespmem:s28+$0xFFFFFCF0] =	vst v22  }
0x296: {  	v22 =	vor.u32 $0x4, v0;
	[tilespmem:s28+$0xFFFFFD20] =	vst v17;
	v17 =	vld.idx.msk [tilespmem:v25+s2+$0x0], $0xffff  }
0x297: {  	[tilespmem:s28+$0xFFFFFD30] =	vst v19;
	v19 =	vld.idx.msk [tilespmem:v30+s2+$0x0], $0xffff  }
0x298: {  	v24 =	vld.idx.msk [tilespmem:v32+s2+$0x0], $0xffff;
	[tilespmem:s28+$0xFFFFFD40] =	vst v21  }
0x299: {  	v21 =	vld.idx.msk [tilespmem:v33+s2+$0x0], $0xffff;
	[tilespmem:s28+$0xFFFFFD50] =	vst v23  }
0x29a: {  	v23 =	vld.idx.msk [tilespmem:v34+s2+$0x0], $0xffff;
	[tilespmem:s28+$0xFFFFFE00] =	vst v18  }
0x29b: {  	[tilespmem:s28+$0xFFFFFD10] =	vst v20;
	v18 =	vld.idx.msk [tilespmem:v22+s2+$0x0], $0xffff  }
0x29c: {  	v20 =	vld.idx.msk [tilespmem:v31+s2+$0x0], $0xffff;
	[tilespmem:s28+$0xFFFFFD60] =	vst v17  }
0x29d: {  	v17 =	vld.idx.msk [tilespmem:v35+s2+$0x0], $0xffff;
	[tilespmem:s28+$0xFFFFFD70] =	vst v19;
	v19 =	vor.u32 $0x5, v0  }
0x29e: {  	[tilespmem:s28+$0xFFFFFDA0] =	vst v24;
	v22 =	vld.idx.msk [tilespmem:v36+s2+$0x0], $0xffff  }
0x29f: {  	[tilespmem:s28+$0xFFFFFDB0] =	vst v21;
	v21 =	vld.idx.msk [tilespmem:v39+s2+$0x0], $0xffff  }
0x2a0: {  	v24 =	vld.idx.msk [tilespmem:v38+s2+$0x0], $0xffff;
	[tilespmem:s28+$0xFFFFFDC0] =	vst v23  }
0x2a1: {  	v23 =	vld.idx.msk [tilespmem:v40+s2+$0x0], $0xffff;
	[tilespmem:s28+$0xFFFFFE80] =	vst v18  }
0x2a2: {  	[tilespmem:s28+$0xFFFFFD90] =	vst v20;
	v18 =	vld.idx.msk [tilespmem:v19+s2+$0x0], $0xffff  }
0x2a3: {  	v19 =	vld.idx.msk [tilespmem:v37+s2+$0x0], $0xffff;
	[tilespmem:s28+$0xFFFFFDD0] =	vst v17  }
0x2a4: {  	v20 =	vor.u32 $0x6, v0;
	v17 =	vld.idx.msk [tilespmem:v41+s2+$0x0], $0xffff;
	[tilespmem:s28+$0xFFFFFDE0] =	vst v22  }
0x2a5: {  	v22 =	vld.idx.msk [tilespmem:v42+s2+$0x0], $0xffff;
	[tilespmem:s28+$0xFFFFFDF0] =	vst v21  }
0x2a6: {  	[tilespmem:s28+$0xFFFFFE20] =	vst v24;
	v21 =	vld.idx.msk [tilespmem:v44+s2+$0x0], $0xffff  }
0x2a7: {  	[tilespmem:s28+$0xFFFFFE30] =	vst v23;
	v23 =	vld.idx.msk [tilespmem:v45+s2+$0x0], $0xffff  }
0x2a8: {  	v24 =	vld.idx.msk [tilespmem:v47+s2+$0x0], $0xffff;
	[tilespmem:s28+$0xFFFFFF00] =	vst v18  }
0x2a9: {  	[tilespmem:s28+$0xFFFFFE10] =	vst v19;
	v18 =	vld.idx.msk [tilespmem:v20+s2+$0x0], $0xffff  }
0x2aa: {  	v15 =	vld.idx.msk [tilespmem:v15+s2+$0x0], $0xffff;
	[tilespmem:s28+$0xFFFFFE40] =	vst v17  }
0x2ab: {  	v0 =	vor.u32 $0x7, v0;
	v17 =	vld.idx.msk [tilespmem:v48+s2+$0x0], $0xffff;
	[tilespmem:s28+$0xFFFFFE50] =	vst v22  }
0x2ac: {  	v19 =	vld.idx.msk [tilespmem:v51+s2+$0x0], $0xffff;
	[tilespmem:s28+$0xFFFFFE60] =	vst v21  }
0x2ad: {  	v20 =	vld.idx.msk [tilespmem:v52+s2+$0x0], $0xffff;
	[tilespmem:s28+$0xFFFFFE70] =	vst v23  }
0x2ae: {  	[tilespmem:s28+$0xFFFFFEA0] =	vst v24;
	v16 =	vld.idx.msk [tilespmem:v16+s2+$0x0], $0xffff  }
0x2af: {  	v21 =	vld.idx.msk [tilespmem:v54+s2+$0x0], $0xffff;
	[tilespmem:s28+$0xFFFFFF80] =	vst v18  }
0x2b0: {  	[tilespmem:s28+$0xFFFFFE90] =	vst v15;
	v0 =	vld.idx.msk [tilespmem:v0+s2+$0x0], $0xffff  }
0x2b1: {  	v13 =	vld.idx.msk [tilespmem:v13+s2+$0x0], $0xffff;
	[tilespmem:s28+$0xFFFFFEB0] =	vst v17  }
0x2b2: {  	v10 =	vld.idx.msk [tilespmem:v10+s2+$0x0], $0xffff;
	[tilespmem:s28+$0xFFFFFEC0] =	vst v19  }
0x2b3: {  	v14 =	vld.idx.msk [tilespmem:v14+s2+$0x0], $0xffff;
	[tilespmem:s28+$0xFFFFFED0] =	vst v20  }
0x2b4: {  	v11 =	vld.idx.msk [tilespmem:v11+s2+$0x0], $0xffff;
	[tilespmem:s28+$0xFFFFFEE0] =	vst v16  }
0x2b5: {  	v9 =	vld.idx.msk [tilespmem:v9+s2+$0x0], $0xffff;
	[tilespmem:s28+$0xFFFFFEF0] =	vst v21  }
0x2b6: {  	v12 =	vld.idx.msk [tilespmem:v12+s2+$0x0], $0xffff;
	[tilespmem:s28+$0x0] =	vst v0  }
0x2b7: {  	[tilespmem:s28+$0xFFFFFF10] =	vst v13;
	v8 =	vld.idx.msk [tilespmem:v8+s2+$0x0], $0xffff  }
.Ltmp10:
0x2b8: {  	v3 =	vld.idx.msk [tilespmem:v3+s2+$0x0], $0xffff;
	[tilespmem:s28+$0xFFFFFF20] =	vst v10;
	(pc) =	sbr.rel @p1 .LBB2_18-.Ltmp10, $4  }
0x2b9: {  	v7 =	vld.idx.msk [tilespmem:v7+s2+$0x0], $0xffff;
	[tilespmem:s28+$0xFFFFFF30] =	vst v14  }
0x2ba: {  	v5 =	vld.idx.msk [tilespmem:v5+s2+$0x0], $0xffff;
	[tilespmem:s28+$0xFFFFFF40] =	vst v11  }
0x2bb: {  	v4 =	vld.idx.msk [tilespmem:v4+s2+$0x0], $0xffff;
	[tilespmem:s28+$0xFFFFFF50] =	vst v9  }
0x2bc: {  	s30 =	sadd.s32 $0x100, s30;
	v6 =	vld.idx.msk [tilespmem:v6+s2+$0x0], $0xffff;
	[tilespmem:s28+$0xFFFFFF60] =	vst v12  }
0x2bd: {  	_ =	sdelay $0x2  }
0x2be: {  	[tilespmem:s28+$0xFFFFFF70] =	vst v8  }
0x2bf: {  	[tilespmem:s28+$0xFFFFFF90] =	vst v3;
	v0 =	vld.idx.msk [tilespmem:v2+s2+$0x0], $0xffff  }
0x2c0: {  	[tilespmem:s28+$0xFFFFFFA0] =	vst v7;
	v1 =	vld.idx.msk [tilespmem:v1+s2+$0x0], $0xffff  }
0x2c1: {  	[tilespmem:s28+$0xFFFFFFB0] =	vst v5  }
0x2c2: {  	[tilespmem:s28+$0xFFFFFFC0] =	vst v4  }
0x2c3: {  	[tilespmem:s28+$0xFFFFFFD0] =	vst v6  }
0x2c4: {  	[tilespmem:s28+$0xFFFFFFE0] =	vst v0  }
0x2c5: {  	[tilespmem:s28+$0xFFFFFFF0] =	vst v1  }
0x2c6: {  	_ =	swait.ge [sflag:s23], $0x8000  }
0x2c7: {  	[sflag:s23] =	ssyncset.done $0x0  }
0x2c8: {  	s28 =	simm.s32 $0x0;
	[sflag:s23] =	ssyncadd.s32 $0xFFFF8000  }
0x2c9: {  	[hbm4b:s12+s28] =	stream.linear.scatter [tilespmem:s24], [sflag:$0x4], $0x8000, $0x38;
	[tilespmem:$0x12100] =	vst v63  }
0x2ca: {  	_ =	swait.ge [sflag:s20], $0x1000  }
0x2cb: {  	[sflag:s20] =	ssyncset.done $0x0  }
0x2cc: {  	s29 =	simm.s32 $0x180;
	[sflag:s20] =	ssyncadd.s32 $0xFFFFF000  }
.LBB2_20:
0x2cd: {  	p1 =	sne.s32 s28, $0x1F0  }
.Ltmp11:
0x2ce: {  	_ = 	snop;
	(pc) =	sbr.rel @p1 .LBB2_20-.Ltmp11, $4  }
0x2cf: {  	_ = 	snop  }
0x2d0: {  	s30 =	sadd.s32 s28, s13  }
0x2d1: {  	[tilespmem:s29], [sflag:$0x2] =	stream.linear.gather [hbm4b:s30+s2], $0x80, $0x38;
	[tilespmem:$0x12100] =	vst v63  }
0x2d2: {  	s28 =	sadd.s32 $0x10, s28;
	s29 =	sadd.s32 $0x100, s29  }
0x2d3: {  	s28 =	simm.s32 $0x140  }
0x2d4: {  	v0 =	vld [tilespmem:s28+$0x30]  }
0x2d5: {  	v1 =	vld [tilespmem:s28+$0xFFFFFFD0]  }
0x2d6: {  	v2 =	vld [tilespmem:s28+$0xFFFFFFE0]  }
0x2d7: {  	v3 =	vld [tilespmem:s28+$0xFFFFFFF0]  }
0x2d8: {  	v6 =	vld [tilespmem:s28+$0x0]  }
0x2d9: {  	v8 =	vld [tilespmem:s28+$0x10];
	v7 =	vshll.u32 v0, $0x3  }
0x2da: {  	v9 =	vld [tilespmem:s28+$0xFFFFFFC0];
	v5 =	vshll.u32 v1, $0x3  }
0x2db: {  	v1 =	vld [tilespmem:s28+$0x20];
	v4 =	vshll.u32 v2, $0x3  }
0x2dc: {  	v3 =	vshll.u32 v3, $0x3  }
0x2dd: {  	v2 =	vshll.u32 v6, $0x3  }
0x2de: {  	v0 =	vshll.u32 v8, $0x3;
	v8 =	vld.idx.msk [tilespmem:v7+s2+$0x0], $0xffff  }
0x2df: {  	v6 =	vshll.u32 v9, $0x3;
	v10 =	vld.idx.msk [tilespmem:v5+s2+$0x0], $0xffff  }
0x2e0: {  	v1 =	vshll.u32 v1, $0x3;
	v11 =	vld.idx.msk [tilespmem:v4+s2+$0x0], $0xffff  }
0x2e1: {  	v12 =	vor.u32 $0x1, v7;
	v9 =	vld.idx.msk [tilespmem:v3+s2+$0x0], $0xffff  }
0x2e2: {  	v13 =	vor.u32 $0x1, v5;
	v14 =	vld.idx.msk [tilespmem:v2+s2+$0x0], $0xffff  }
0x2e3: {  	s28 =	simm.s32 $0x2300;
	v15 =	vor.u32 $0x1, v4;
	v16 =	vld.idx.msk [tilespmem:v0+s2+$0x0], $0xffff  }
0x2e4: {  	v17 =	vor.u32 $0x1, v3;
	v19 =	vld.idx.msk [tilespmem:v6+s2+$0x0], $0xffff;
	[tilespmem:s28+$0xFFFFFE70] =	vst v8  }
0x2e5: {  	v26 =	vor.u32 $0x1, v0;
	v18 =	vld.idx.msk [tilespmem:v1+s2+$0x0], $0xffff;
	[tilespmem:s28+$0xFFFFFE10] =	vst v10  }
0x2e6: {  	v27 =	vor.u32 $0x1, v6;
	[tilespmem:s28+$0xFFFFFE20] =	vst v11;
	v10 =	vld.idx.msk [tilespmem:v12+s2+$0x0], $0xffff  }
0x2e7: {  	v8 =	vor.u32 $0x1, v2;
	[tilespmem:s28+$0xFFFFFE30] =	vst v9;
	v11 =	vld.idx.msk [tilespmem:v13+s2+$0x0], $0xffff  }
0x2e8: {  	v28 =	vor.u32 $0x1, v1;
	[tilespmem:s28+$0xFFFFFE40] =	vst v14;
	v15 =	vld.idx.msk [tilespmem:v15+s2+$0x0], $0xffff  }
0x2e9: {  	v9 =	vor.u32 $0x2, v7;
	[tilespmem:s28+$0xFFFFFE50] =	vst v16;
	v17 =	vld.idx.msk [tilespmem:v17+s2+$0x0], $0xffff  }
0x2ea: {  	v29 =	vor.u32 $0x2, v5;
	[tilespmem:s28+$0xFFFFFE00] =	vst v19;
	v12 =	vld.idx.msk [tilespmem:v26+s2+$0x0], $0xffff  }
0x2eb: {  	v30 =	vor.u32 $0x2, v4;
	v13 =	vld.idx.msk [tilespmem:v27+s2+$0x0], $0xffff;
	[tilespmem:s28+$0xFFFFFE60] =	vst v18  }
0x2ec: {  	v33 =	vor.u32 $0x2, v6;
	v8 =	vld.idx.msk [tilespmem:v8+s2+$0x0], $0xffff;
	[tilespmem:s28+$0xFFFFFEF0] =	vst v10  }
0x2ed: {  	v10 =	vor.u32 $0x2, v3;
	[tilespmem:s28+$0xFFFFFE90] =	vst v11;
	v11 =	vld.idx.msk [tilespmem:v28+s2+$0x0], $0xffff  }
0x2ee: {  	v31 =	vor.u32 $0x2, v2;
	[tilespmem:s28+$0xFFFFFEA0] =	vst v15;
	v9 =	vld.idx.msk [tilespmem:v9+s2+$0x0], $0xffff  }
0x2ef: {  	v34 =	vor.u32 $0x2, v0;
	[tilespmem:s28+$0xFFFFFEB0] =	vst v17;
	v16 =	vld.idx.msk [tilespmem:v29+s2+$0x0], $0xffff  }
0x2f0: {  	v32 =	vor.u32 $0x3, v7;
	[tilespmem:s28+$0xFFFFFE80] =	vst v13;
	v18 =	vld.idx.msk [tilespmem:v30+s2+$0x0], $0xffff  }
0x2f1: {  	v35 =	vor.u32 $0x3, v5;
	[tilespmem:s28+$0xFFFFFED0] =	vst v12;
	v15 =	vld.idx.msk [tilespmem:v33+s2+$0x0], $0xffff  }
0x2f2: {  	v39 =	vor.u32 $0x3, v6;
	[tilespmem:s28+$0xFFFFFEC0] =	vst v8;
	v10 =	vld.idx.msk [tilespmem:v10+s2+$0x0], $0xffff  }
0x2f3: {  	v8 =	vor.u32 $0x2, v1;
	v19 =	vld.idx.msk [tilespmem:v31+s2+$0x0], $0xffff;
	[tilespmem:s28+$0xFFFFFEE0] =	vst v11  }
0x2f4: {  	v11 =	vld.idx.msk [tilespmem:v34+s2+$0x0], $0xffff;
	[tilespmem:s28+$0xFFFFFF70] =	vst v9;
	v9 =	vor.u32 $0x3, v4  }
0x2f5: {  	v37 =	vor.u32 $0x3, v3;
	[tilespmem:s28+$0xFFFFFF10] =	vst v16;
	v36 =	vld.idx.msk [tilespmem:v32+s2+$0x0], $0xffff  }
0x2f6: {  	v40 =	vor.u32 $0x3, v2;
	[tilespmem:s28+$0xFFFFFF00] =	vst v15;
	v12 =	vld.idx.msk [tilespmem:v35+s2+$0x0], $0xffff  }
0x2f7: {  	v38 =	vor.u32 $0x4, v7;
	[tilespmem:s28+$0xFFFFFF20] =	vst v18;
	v17 =	vld.idx.msk [tilespmem:v39+s2+$0x0], $0xffff  }
0x2f8: {  	v42 =	vor.u32 $0x4, v5;
	v8 =	vld.idx.msk [tilespmem:v8+s2+$0x0], $0xffff;
	[tilespmem:s28+$0xFFFFFF30] =	vst v10  }
0x2f9: {  	v45 =	vor.u32 $0x4, v6;
	[tilespmem:s28+$0xFFFFFF40] =	vst v19;
	v9 =	vld.idx.msk [tilespmem:v9+s2+$0x0], $0xffff  }
0x2fa: {  	v10 =	vor.u32 $0x3, v0;
	[tilespmem:s28+$0xFFFFFF50] =	vst v11;
	v14 =	vld.idx.msk [tilespmem:v37+s2+$0x0], $0xffff  }
0x2fb: {  	v41 =	vor.u32 $0x3, v1;
	v11 =	vld.idx.msk [tilespmem:v40+s2+$0x0], $0xffff;
	[tilespmem:s28+$0xFFFFFFF0] =	vst v36  }
0x2fc: {  	v44 =	vor.u32 $0x4, v4;
	[tilespmem:s28+$0xFFFFFF90] =	vst v12;
	v43 =	vld.idx.msk [tilespmem:v38+s2+$0x0], $0xffff  }
0x2fd: {  	v46 =	vor.u32 $0x4, v3;
	[tilespmem:s28+$0xFFFFFF80] =	vst v17;
	v13 =	vld.idx.msk [tilespmem:v42+s2+$0x0], $0xffff  }
0x2fe: {  	v47 =	vor.u32 $0x4, v2;
	v18 =	vld.idx.msk [tilespmem:v45+s2+$0x0], $0xffff;
	[tilespmem:s28+$0xFFFFFF60] =	vst v8  }
0x2ff: {  	v8 =	vor.u32 $0x5, v7;
	v10 =	vld.idx.msk [tilespmem:v10+s2+$0x0], $0xffff;
	[tilespmem:s28+$0xFFFFFFA0] =	vst v9  }
0x300: {  	v50 =	vor.u32 $0x5, v5;
	v9 =	vld.idx.msk [tilespmem:v41+s2+$0x0], $0xffff;
	[tilespmem:s28+$0xFFFFFFB0] =	vst v14  }
0x301: {  	v51 =	vor.u32 $0x5, v6;
	[tilespmem:s28+$0xFFFFFFC0] =	vst v11;
	v16 =	vld.idx.msk [tilespmem:v44+s2+$0x0], $0xffff  }
0x302: {  	v48 =	vor.u32 $0x4, v0;
	v11 =	vld.idx.msk [tilespmem:v46+s2+$0x0], $0xffff;
	[tilespmem:s28+$0x70] =	vst v43  }
0x303: {  	v49 =	vor.u32 $0x4, v1;
	v19 =	vld.idx.msk [tilespmem:v47+s2+$0x0], $0xffff;
	[tilespmem:s28+$0x10] =	vst v13  }
0x304: {  	v53 =	vor.u32 $0x5, v3;
	[tilespmem:s28+$0x0] =	vst v18;
	v8 =	vld.idx.msk [tilespmem:v8+s2+$0x0], $0xffff  }
0x305: {  	v54 =	vor.u32 $0x5, v2;
	v17 =	vld.idx.msk [tilespmem:v50+s2+$0x0], $0xffff;
	[tilespmem:s28+$0xFFFFFFD0] =	vst v10  }
0x306: {  	v12 =	vld.idx.msk [tilespmem:v51+s2+$0x0], $0xffff;
	v10 =	vor.u32 $0x6, v7;
	[tilespmem:s28+$0xFFFFFFE0] =	vst v9  }
0x307: {  	v56 =	vor.u32 $0x6, v5;
	v52 =	vld.idx.msk [tilespmem:v48+s2+$0x0], $0xffff;
	[tilespmem:s28+$0x20] =	vst v16  }
0x308: {  	v9 =	vor.u32 $0x5, v4;
	v15 =	vld.idx.msk [tilespmem:v49+s2+$0x0], $0xffff;
	[tilespmem:s28+$0x30] =	vst v11  }
0x309: {  	[tilespmem:s28+$0x40] =	vst v19;
	v11 =	vor.u32 $0x6, v6;
	v14 =	vld.idx.msk [tilespmem:v53+s2+$0x0], $0xffff  }
0x30a: {  	v55 =	vor.u32 $0x5, v1;
	v16 =	vld.idx.msk [tilespmem:v54+s2+$0x0], $0xffff;
	[tilespmem:s28+$0xF0] =	vst v8  }
0x30b: {  	v8 =	vor.u32 $0x5, v0;
	[tilespmem:s28+$0x90] =	vst v17;
	v10 =	vld.idx.msk [tilespmem:v10+s2+$0x0], $0xffff  }
0x30c: {  	v58 =	vor.u32 $0x6, v3;
	[tilespmem:s28+$0x80] =	vst v12;
	v13 =	vld.idx.msk [tilespmem:v56+s2+$0x0], $0xffff  }
0x30d: {  	v7 =	vor.u32 $0x7, v7;
	v9 =	vld.idx.msk [tilespmem:v9+s2+$0x0], $0xffff;
	[tilespmem:s28+$0x50] =	vst v52  }
0x30e: {  	v57 =	vor.u32 $0x6, v4;
	[tilespmem:s28+$0x60] =	vst v15;
	v11 =	vld.idx.msk [tilespmem:v11+s2+$0x0], $0xffff  }
0x30f: {  	v6 =	vor.u32 $0x7, v6;
	v18 =	vld.idx.msk [tilespmem:v55+s2+$0x0], $0xffff;
	[tilespmem:s28+$0xB0] =	vst v14  }
0x310: {  	v8 =	vld.idx.msk [tilespmem:v8+s2+$0x0], $0xffff;
	[tilespmem:s28+$0x170] =	vst v10;
	v10 =	vor.u32 $0x6, v2  }
0x311: {  	v59 =	vor.u32 $0x6, v0;
	[tilespmem:s28+$0xC0] =	vst v16;
	v61 =	vld.idx.msk [tilespmem:v58+s2+$0x0], $0xffff  }
0x312: {  	v7 =	vld.idx.msk [tilespmem:v7+s2+$0x0], $0xffff;
	[tilespmem:s28+$0xA0] =	vst v9;
	v9 =	vor.u32 $0x6, v1  }
0x313: {  	v5 =	vor.u32 $0x7, v5;
	v60 =	vld.idx.msk [tilespmem:v57+s2+$0x0], $0xffff;
	[tilespmem:s28+$0x100] =	vst v11  }
0x314: {  	v62 =	vor.u32 $0x7, v3;
	v4 =	vor.u32 $0x7, v4;
	[tilespmem:s28+$0x110] =	vst v13;
	v3 =	vld.idx.msk [tilespmem:v6+s2+$0x0], $0xffff  }
0x315: {  	[tilespmem:s28+$0xD0] =	vst v8;
	v10 =	vld.idx.msk [tilespmem:v10+s2+$0x0], $0xffff  }
0x316: {  	v63 =	vor.u32 $0x7, v2;
	[tilespmem:s28+$0xE0] =	vst v18;
	v12 =	vld.idx.msk [tilespmem:v59+s2+$0x0], $0xffff  }
0x317: {  	[tilespmem:s28+$0x1F0] =	vst v7;
	v8 =	vld.idx.msk [tilespmem:v9+s2+$0x0], $0xffff  }
0x318: {  	v7 =	vld.idx.msk [tilespmem:v5+s2+$0x0], $0xffff;
	[tilespmem:s28+$0x120] =	vst v60  }
0x319: {  	[tilespmem:s28+$0x130] =	vst v61;
	v5 =	vld.idx.msk [tilespmem:v4+s2+$0x0], $0xffff  }
0x31a: {  	v4 =	vld.idx.msk [tilespmem:v62+s2+$0x0], $0xffff;
	[tilespmem:s28+$0x140] =	vst v10  }
0x31b: {  	s29 =	simm.s32 $0x0;
	s30 =	simm.s32 $0x240;
	v2 =	vor.u32 $0x7, v0;
	v1 =	vor.u32 $0x7, v1;
	[tilespmem:s28+$0x150] =	vst v12;
	v6 =	vld.idx.msk [tilespmem:v63+s2+$0x0], $0xffff  }
.LBB2_22:
0x31c: {  	v0 =	vld [tilespmem:s30+$0x30];
	s29 =	sadd.s32 $0x80, s29;
	[tilespmem:s28+$0x160] =	vst v8  }
0x31d: {  	v8 =	vld [tilespmem:s30+$0xFFFFFFD0];
	p1 =	slt.u32 s29, $0xF80;
	[tilespmem:s28+$0x180] =	vst v3  }
0x31e: {  	v3 =	vld [tilespmem:s30+$0xFFFFFFE0];
	[tilespmem:s28+$0x190] =	vst v7  }
0x31f: {  	v7 =	vld [tilespmem:s30+$0xFFFFFFF0];
	[tilespmem:s28+$0x1A0] =	vst v5  }
0x320: {  	v5 =	vld [tilespmem:s30+$0x0];
	[tilespmem:s28+$0x1B0] =	vst v4  }
0x321: {  	v4 =	vld [tilespmem:s30+$0x10];
	v0 =	vshll.u32 v0, $0x3;
	[tilespmem:s28+$0x1C0] =	vst v6  }
0x322: {  	v6 =	vshll.u32 v8, $0x3;
	v8 =	vld [tilespmem:s30+$0x20]  }
0x323: {  	v9 =	vld [tilespmem:s30+$0xFFFFFFC0];
	v10 =	vor.u32 $0x1, v6;
	v17 =	vor.u32 $0x2, v6;
	v18 =	vshll.u32 v3, $0x3  }
0x324: {  	v3 =	vor.u32 $0x1, v18;
	v19 =	vor.u32 $0x2, v18;
	v20 =	vshll.u32 v7, $0x3;
	v2 =	vld.idx.msk [tilespmem:v2+s2+$0x0], $0xffff  }
0x325: {  	v7 =	vor.u32 $0x1, v20;
	v21 =	vor.u32 $0x2, v20;
	v22 =	vshll.u32 v5, $0x3;
	v1 =	vld.idx.msk [tilespmem:v1+s2+$0x0], $0xffff  }
0x326: {  	v5 =	vor.u32 $0x1, v22;
	v23 =	vor.u32 $0x2, v22;
	v24 =	vshll.u32 v4, $0x3;
	v4 =	vld.idx.msk [tilespmem:v0+s2+$0x0], $0xffff  }
0x327: {  	v11 =	vld.idx.msk [tilespmem:v6+s2+$0x0], $0xffff;
	v12 =	vor.u32 $0x1, v24;
	v25 =	vor.u32 $0x2, v24;
	v26 =	vshll.u32 v8, $0x3  }
0x328: {  	v13 =	vor.u32 $0x1, v0;
	v8 =	vshll.u32 v9, $0x3;
	v9 =	vld.idx.msk [tilespmem:v18+s2+$0x0], $0xffff;
	v27 =	vor.u32 $0x1, v26  }
0x329: {  	v30 =	vor.u32 $0x2, v26;
	v28 =	vor.u32 $0x1, v8;
	v29 =	vor.u32 $0x2, v8;
	v14 =	vld.idx.msk [tilespmem:v20+s2+$0x0], $0xffff  }
0x32a: {  	v32 =	vor.u32 $0x3, v6;
	v33 =	vor.u32 $0x3, v18;
	v31 =	vor.u32 $0x3, v8;
	v16 =	vld.idx.msk [tilespmem:v22+s2+$0x0], $0xffff;
	[tilespmem:s28+$0x1D0] =	vst v2  }
0x32b: {  	v34 =	vor.u32 $0x3, v20;
	v35 =	vor.u32 $0x3, v22;
	v36 =	vor.u32 $0x3, v24;
	v2 =	vld.idx.msk [tilespmem:v24+s2+$0x0], $0xffff;
	[tilespmem:s28+$0x1E0] =	vst v1;
	s28 =	sadd.s32 $0x400, s28  }
0x32c: {  	v38 =	vor.u32 $0x4, v6;
	v39 =	vor.u32 $0x3, v26;
	v37 =	vor.u32 $0x4, v8;
	v1 =	vld.idx.msk [tilespmem:v26+s2+$0x0], $0xffff;
	[tilespmem:s28+$0xFFFFFE70] =	vst v4  }
0x32d: {  	v40 =	vor.u32 $0x4, v18;
	v41 =	vor.u32 $0x4, v20;
	v42 =	vor.u32 $0x4, v22;
	[tilespmem:s28+$0xFFFFFE10] =	vst v11;
	v4 =	vld.idx.msk [tilespmem:v13+s2+$0x0], $0xffff  }
0x32e: {  	v44 =	vor.u32 $0x4, v24;
	v45 =	vor.u32 $0x4, v26;
	v15 =	vor.u32 $0x5, v8;
	v43 =	vld.idx.msk [tilespmem:v8+s2+$0x0], $0xffff;
	[tilespmem:s28+$0xFFFFFE20] =	vst v9  }
0x32f: {  	v49 =	vor.u32 $0x2, v0;
	v47 =	vor.u32 $0x5, v6;
	v48 =	vor.u32 $0x5, v18;
	v46 =	vld.idx.msk [tilespmem:v10+s2+$0x0], $0xffff;
	[tilespmem:s28+$0xFFFFFE30] =	vst v14  }
0x330: {  	v51 =	vor.u32 $0x5, v20;
	v52 =	vor.u32 $0x5, v22;
	v50 =	vld.idx.msk [tilespmem:v3+s2+$0x0], $0xffff;
	[tilespmem:s28+$0xFFFFFE40] =	vst v16;
	v16 =	vor.u32 $0x5, v24  }
0x331: {  	v54 =	vor.u32 $0x5, v26;
	v13 =	vor.u32 $0x6, v8;
	v10 =	vor.u32 $0x6, v6;
	v53 =	vld.idx.msk [tilespmem:v7+s2+$0x0], $0xffff;
	[tilespmem:s28+$0xFFFFFE50] =	vst v2  }
0x332: {  	v11 =	vor.u32 $0x6, v20;
	v9 =	vor.u32 $0x6, v22;
	v14 =	vor.u32 $0x6, v18;
	v55 =	vld.idx.msk [tilespmem:v5+s2+$0x0], $0xffff;
	[tilespmem:s28+$0xFFFFFE60] =	vst v1  }
0x333: {  	v3 =	vor.u32 $0x7, v8;
	v8 =	vor.u32 $0x6, v26;
	v56 =	vld.idx.msk [tilespmem:v12+s2+$0x0], $0xffff;
	v12 =	vor.u32 $0x6, v24;
	[tilespmem:s28+$0xFFFFFEF0] =	vst v4  }
0x334: {  	v7 =	vor.u32 $0x7, v6;
	v5 =	vor.u32 $0x7, v18;
	v4 =	vor.u32 $0x7, v20;
	[tilespmem:s28+$0xFFFFFE00] =	vst v43;
	v18 =	vld.idx.msk [tilespmem:v49+s2+$0x0], $0xffff  }
0x335: {  	v6 =	vor.u32 $0x7, v22;
	v2 =	vor.u32 $0x7, v24;
	v1 =	vor.u32 $0x7, v26;
	v20 =	vld.idx.msk [tilespmem:v28+s2+$0x0], $0xffff;
	[tilespmem:s28+$0xFFFFFE90] =	vst v46  }
0x336: {  	v24 =	vor.u32 $0x3, v0;
	[tilespmem:s28+$0xFFFFFEA0] =	vst v50;
	v22 =	vld.idx.msk [tilespmem:v27+s2+$0x0], $0xffff  }
0x337: {  	v17 =	vld.idx.msk [tilespmem:v17+s2+$0x0], $0xffff;
	[tilespmem:s28+$0xFFFFFEB0] =	vst v53  }
0x338: {  	v19 =	vld.idx.msk [tilespmem:v19+s2+$0x0], $0xffff;
	[tilespmem:s28+$0xFFFFFEC0] =	vst v55  }
0x339: {  	v21 =	vld.idx.msk [tilespmem:v21+s2+$0x0], $0xffff;
	[tilespmem:s28+$0xFFFFFED0] =	vst v56  }
0x33a: {  	v23 =	vld.idx.msk [tilespmem:v23+s2+$0x0], $0xffff;
	[tilespmem:s28+$0xFFFFFF70] =	vst v18  }
0x33b: {  	[tilespmem:s28+$0xFFFFFE80] =	vst v20;
	v18 =	vld.idx.msk [tilespmem:v24+s2+$0x0], $0xffff  }
0x33c: {  	v20 =	vld.idx.msk [tilespmem:v29+s2+$0x0], $0xffff;
	[tilespmem:s28+$0xFFFFFEE0] =	vst v22  }
0x33d: {  	v22 =	vor.u32 $0x4, v0;
	[tilespmem:s28+$0xFFFFFF10] =	vst v17;
	v17 =	vld.idx.msk [tilespmem:v25+s2+$0x0], $0xffff  }
0x33e: {  	[tilespmem:s28+$0xFFFFFF20] =	vst v19;
	v19 =	vld.idx.msk [tilespmem:v30+s2+$0x0], $0xffff  }
0x33f: {  	v24 =	vld.idx.msk [tilespmem:v32+s2+$0x0], $0xffff;
	[tilespmem:s28+$0xFFFFFF30] =	vst v21  }
0x340: {  	v21 =	vld.idx.msk [tilespmem:v33+s2+$0x0], $0xffff;
	[tilespmem:s28+$0xFFFFFF40] =	vst v23  }
0x341: {  	v23 =	vld.idx.msk [tilespmem:v34+s2+$0x0], $0xffff;
	[tilespmem:s28+$0xFFFFFFF0] =	vst v18  }
0x342: {  	[tilespmem:s28+$0xFFFFFF00] =	vst v20;
	v18 =	vld.idx.msk [tilespmem:v22+s2+$0x0], $0xffff  }
0x343: {  	v20 =	vld.idx.msk [tilespmem:v31+s2+$0x0], $0xffff;
	[tilespmem:s28+$0xFFFFFF50] =	vst v17  }
0x344: {  	v17 =	vld.idx.msk [tilespmem:v35+s2+$0x0], $0xffff;
	[tilespmem:s28+$0xFFFFFF60] =	vst v19;
	v19 =	vor.u32 $0x5, v0  }
0x345: {  	[tilespmem:s28+$0xFFFFFF90] =	vst v24;
	v22 =	vld.idx.msk [tilespmem:v36+s2+$0x0], $0xffff  }
0x346: {  	[tilespmem:s28+$0xFFFFFFA0] =	vst v21;
	v21 =	vld.idx.msk [tilespmem:v39+s2+$0x0], $0xffff  }
0x347: {  	v24 =	vld.idx.msk [tilespmem:v38+s2+$0x0], $0xffff;
	[tilespmem:s28+$0xFFFFFFB0] =	vst v23  }
0x348: {  	v23 =	vld.idx.msk [tilespmem:v40+s2+$0x0], $0xffff;
	[tilespmem:s28+$0x70] =	vst v18  }
0x349: {  	[tilespmem:s28+$0xFFFFFF80] =	vst v20;
	v18 =	vld.idx.msk [tilespmem:v19+s2+$0x0], $0xffff  }
0x34a: {  	v19 =	vld.idx.msk [tilespmem:v37+s2+$0x0], $0xffff;
	[tilespmem:s28+$0xFFFFFFC0] =	vst v17  }
0x34b: {  	v20 =	vor.u32 $0x6, v0;
	v17 =	vld.idx.msk [tilespmem:v41+s2+$0x0], $0xffff;
	[tilespmem:s28+$0xFFFFFFD0] =	vst v22  }
0x34c: {  	v22 =	vld.idx.msk [tilespmem:v42+s2+$0x0], $0xffff;
	[tilespmem:s28+$0xFFFFFFE0] =	vst v21  }
0x34d: {  	[tilespmem:s28+$0x10] =	vst v24;
	v21 =	vld.idx.msk [tilespmem:v44+s2+$0x0], $0xffff  }
0x34e: {  	[tilespmem:s28+$0x20] =	vst v23;
	v23 =	vld.idx.msk [tilespmem:v45+s2+$0x0], $0xffff  }
0x34f: {  	v24 =	vld.idx.msk [tilespmem:v47+s2+$0x0], $0xffff;
	[tilespmem:s28+$0xF0] =	vst v18  }
0x350: {  	[tilespmem:s28+$0x0] =	vst v19;
	v18 =	vld.idx.msk [tilespmem:v20+s2+$0x0], $0xffff  }
0x351: {  	v15 =	vld.idx.msk [tilespmem:v15+s2+$0x0], $0xffff;
	[tilespmem:s28+$0x30] =	vst v17  }
0x352: {  	v0 =	vor.u32 $0x7, v0;
	v17 =	vld.idx.msk [tilespmem:v48+s2+$0x0], $0xffff;
	[tilespmem:s28+$0x40] =	vst v22  }
0x353: {  	v19 =	vld.idx.msk [tilespmem:v51+s2+$0x0], $0xffff;
	[tilespmem:s28+$0x50] =	vst v21  }
0x354: {  	v20 =	vld.idx.msk [tilespmem:v52+s2+$0x0], $0xffff;
	[tilespmem:s28+$0x60] =	vst v23  }
0x355: {  	[tilespmem:s28+$0x90] =	vst v24;
	v16 =	vld.idx.msk [tilespmem:v16+s2+$0x0], $0xffff  }
0x356: {  	v21 =	vld.idx.msk [tilespmem:v54+s2+$0x0], $0xffff;
	[tilespmem:s28+$0x170] =	vst v18  }
0x357: {  	[tilespmem:s28+$0x80] =	vst v15;
	v0 =	vld.idx.msk [tilespmem:v0+s2+$0x0], $0xffff  }
0x358: {  	v13 =	vld.idx.msk [tilespmem:v13+s2+$0x0], $0xffff;
	[tilespmem:s28+$0xA0] =	vst v17  }
0x359: {  	v10 =	vld.idx.msk [tilespmem:v10+s2+$0x0], $0xffff;
	[tilespmem:s28+$0xB0] =	vst v19  }
0x35a: {  	v14 =	vld.idx.msk [tilespmem:v14+s2+$0x0], $0xffff;
	[tilespmem:s28+$0xC0] =	vst v20  }
0x35b: {  	v11 =	vld.idx.msk [tilespmem:v11+s2+$0x0], $0xffff;
	[tilespmem:s28+$0xD0] =	vst v16  }
0x35c: {  	v9 =	vld.idx.msk [tilespmem:v9+s2+$0x0], $0xffff;
	[tilespmem:s28+$0xE0] =	vst v21  }
0x35d: {  	v12 =	vld.idx.msk [tilespmem:v12+s2+$0x0], $0xffff;
	[tilespmem:s28+$0x1F0] =	vst v0  }
0x35e: {  	[tilespmem:s28+$0x100] =	vst v13;
	v8 =	vld.idx.msk [tilespmem:v8+s2+$0x0], $0xffff  }
.Ltmp12:
0x35f: {  	v3 =	vld.idx.msk [tilespmem:v3+s2+$0x0], $0xffff;
	[tilespmem:s28+$0x110] =	vst v10;
	(pc) =	sbr.rel @p1 .LBB2_22-.Ltmp12, $4  }
0x360: {  	v7 =	vld.idx.msk [tilespmem:v7+s2+$0x0], $0xffff;
	[tilespmem:s28+$0x120] =	vst v14  }
0x361: {  	v5 =	vld.idx.msk [tilespmem:v5+s2+$0x0], $0xffff;
	[tilespmem:s28+$0x130] =	vst v11  }
0x362: {  	v4 =	vld.idx.msk [tilespmem:v4+s2+$0x0], $0xffff;
	[tilespmem:s28+$0x140] =	vst v9  }
0x363: {  	s30 =	sadd.s32 $0x100, s30;
	v6 =	vld.idx.msk [tilespmem:v6+s2+$0x0], $0xffff;
	[tilespmem:s28+$0x150] =	vst v12  }
0x364: {  	_ =	sdelay $0x2  }
0x365: {  	[tilespmem:s28+$0x160] =	vst v8  }
0x366: {  	[tilespmem:s28+$0x180] =	vst v3;
	v0 =	vld.idx.msk [tilespmem:v2+s2+$0x0], $0xffff  }
0x367: {  	[tilespmem:s28+$0x190] =	vst v7;
	v1 =	vld.idx.msk [tilespmem:v1+s2+$0x0], $0xffff  }
0x368: {  	[tilespmem:s28+$0x1A0] =	vst v5  }
0x369: {  	[tilespmem:s28+$0x1B0] =	vst v4  }
0x36a: {  	[tilespmem:s28+$0x1C0] =	vst v6  }
0x36b: {  	[tilespmem:s28+$0x1D0] =	vst v0  }
0x36c: {  	[tilespmem:s28+$0x1E0] =	vst v1  }
0x36d: {  	_ =	swait.ge [sflag:s25], $0x8000  }
0x36e: {  	[sflag:s25] =	ssyncset.done $0x0  }
.Ltmp13:
0x36f: {  	[sflag:s25] =	ssyncadd.s32 $0xFFFF8000;
	(pc) =	sbr.rel @p0 .LBB2_27-.Ltmp13, $4  }
0x370: {  	[hbm4b:s14+s2] =	stream.linear.scatter [tilespmem:s21], [sflag:$0x3], $0x8000, $0x38;
	[tilespmem:$0x12100] =	vst v63  }
0x371: {  	_ =	swait.ge [sflag:s22], $0x1000  }
0x372: {  	[sflag:s22] =	ssyncset.done $0x0  }
0x373: {  	[sflag:s22] =	ssyncadd.s32 $0xFFFFF000  }
0x374: {  	s28 =	simm.s32 $0x100  }
0x375: {  	s29 =	simm.s32 $0x10;
	s31 =	sadd.s32 $0x0, s15;
	s30 =	simm.s32 $0x200  }
.LBB2_25:
0x376: {  	[tilespmem:s28], [sflag:$0x1] =	stream.linear.gather [hbm4b:s31+s2], $0x80, $0x38;
	[tilespmem:$0x12100] =	vst v63  }
0x377: {  	s31 =	smov.u32 s29;
	s28 =	smov.u32 s30;
	p1 =	sne.s32 s29, $0x1F0  }
.Ltmp14:
0x378: {  	s29 =	sadd.s32 $0x10, s29;
	(pc) =	sbr.rel @p1 .LBB2_25-.Ltmp14, $2  }
0x379: {  	_ =	sdelay $0x2  }
0x37a: {  	s30 =	sadd.s32 $0x100, s30;
	s31 =	sadd.s32 s31, s15  }
0x37b: {  	[tilespmem:s28], [sflag:$0x1] =	stream.linear.gather [hbm4b:s31+s2], $0x80, $0x38;
	[tilespmem:$0x12100] =	vst v63  }
.LBB2_27:
0x37c: {  	s28 =	simm.s32 $0x1F0  }
0x37d: {  	v0 =	vld [tilespmem:s28+$0x0]  }
0x37e: {  	v1 =	vld [tilespmem:s28+$0xFFFFFFA0]  }
0x37f: {  	v2 =	vld [tilespmem:s28+$0xFFFFFFB0]  }
0x380: {  	v3 =	vld [tilespmem:s28+$0xFFFFFFC0]  }
0x381: {  	v6 =	vld [tilespmem:s28+$0xFFFFFFD0]  }
0x382: {  	v8 =	vld [tilespmem:s28+$0xFFFFFFE0];
	v7 =	vshll.u32 v0, $0x3  }
0x383: {  	v9 =	vld [tilespmem:s28+$0xFFFFFF90];
	v5 =	vshll.u32 v1, $0x3  }
0x384: {  	v1 =	vld [tilespmem:s28+$0xFFFFFFF0];
	v4 =	vshll.u32 v2, $0x3  }
0x385: {  	v3 =	vshll.u32 v3, $0x3  }
0x386: {  	v2 =	vshll.u32 v6, $0x3  }
0x387: {  	v0 =	vshll.u32 v8, $0x3;
	v8 =	vld.idx.msk [tilespmem:v7+s2+$0x0], $0xffff  }
0x388: {  	v6 =	vshll.u32 v9, $0x3;
	v10 =	vld.idx.msk [tilespmem:v5+s2+$0x0], $0xffff  }
0x389: {  	v1 =	vshll.u32 v1, $0x3;
	v11 =	vld.idx.msk [tilespmem:v4+s2+$0x0], $0xffff  }
0x38a: {  	v12 =	vor.u32 $0x1, v7;
	v9 =	vld.idx.msk [tilespmem:v3+s2+$0x0], $0xffff  }
0x38b: {  	v13 =	vor.u32 $0x1, v5;
	v14 =	vld.idx.msk [tilespmem:v2+s2+$0x0], $0xffff  }
0x38c: {  	s28 =	simm.s32 $0xA4F0;
	v15 =	vor.u32 $0x1, v4;
	v16 =	vld.idx.msk [tilespmem:v0+s2+$0x0], $0xffff  }
0x38d: {  	v17 =	vor.u32 $0x1, v3;
	v19 =	vld.idx.msk [tilespmem:v6+s2+$0x0], $0xffff;
	[tilespmem:s28+$0xFFFFFC80] =	vst v8  }
0x38e: {  	v26 =	vor.u32 $0x1, v0;
	v18 =	vld.idx.msk [tilespmem:v1+s2+$0x0], $0xffff;
	[tilespmem:s28+$0xFFFFFC20] =	vst v10  }
0x38f: {  	v27 =	vor.u32 $0x1, v6;
	[tilespmem:s28+$0xFFFFFC30] =	vst v11;
	v10 =	vld.idx.msk [tilespmem:v12+s2+$0x0], $0xffff  }
0x390: {  	v8 =	vor.u32 $0x1, v2;
	[tilespmem:s28+$0xFFFFFC40] =	vst v9;
	v11 =	vld.idx.msk [tilespmem:v13+s2+$0x0], $0xffff  }
0x391: {  	v28 =	vor.u32 $0x1, v1;
	[tilespmem:s28+$0xFFFFFC50] =	vst v14;
	v15 =	vld.idx.msk [tilespmem:v15+s2+$0x0], $0xffff  }
0x392: {  	v9 =	vor.u32 $0x2, v7;
	[tilespmem:s28+$0xFFFFFC60] =	vst v16;
	v17 =	vld.idx.msk [tilespmem:v17+s2+$0x0], $0xffff  }
0x393: {  	v29 =	vor.u32 $0x2, v5;
	[tilespmem:s28+$0xFFFFFC10] =	vst v19;
	v12 =	vld.idx.msk [tilespmem:v26+s2+$0x0], $0xffff  }
0x394: {  	v30 =	vor.u32 $0x2, v4;
	v13 =	vld.idx.msk [tilespmem:v27+s2+$0x0], $0xffff;
	[tilespmem:s28+$0xFFFFFC70] =	vst v18  }
0x395: {  	v33 =	vor.u32 $0x2, v6;
	v8 =	vld.idx.msk [tilespmem:v8+s2+$0x0], $0xffff;
	[tilespmem:s28+$0xFFFFFD00] =	vst v10  }
0x396: {  	v10 =	vor.u32 $0x2, v3;
	[tilespmem:s28+$0xFFFFFCA0] =	vst v11;
	v11 =	vld.idx.msk [tilespmem:v28+s2+$0x0], $0xffff  }
0x397: {  	v31 =	vor.u32 $0x2, v2;
	[tilespmem:s28+$0xFFFFFCB0] =	vst v15;
	v9 =	vld.idx.msk [tilespmem:v9+s2+$0x0], $0xffff  }
0x398: {  	v34 =	vor.u32 $0x2, v0;
	[tilespmem:s28+$0xFFFFFCC0] =	vst v17;
	v16 =	vld.idx.msk [tilespmem:v29+s2+$0x0], $0xffff  }
0x399: {  	v32 =	vor.u32 $0x3, v7;
	[tilespmem:s28+$0xFFFFFC90] =	vst v13;
	v18 =	vld.idx.msk [tilespmem:v30+s2+$0x0], $0xffff  }
0x39a: {  	v35 =	vor.u32 $0x3, v5;
	[tilespmem:s28+$0xFFFFFCE0] =	vst v12;
	v15 =	vld.idx.msk [tilespmem:v33+s2+$0x0], $0xffff  }
0x39b: {  	v39 =	vor.u32 $0x3, v6;
	[tilespmem:s28+$0xFFFFFCD0] =	vst v8;
	v10 =	vld.idx.msk [tilespmem:v10+s2+$0x0], $0xffff  }
0x39c: {  	v8 =	vor.u32 $0x2, v1;
	v19 =	vld.idx.msk [tilespmem:v31+s2+$0x0], $0xffff;
	[tilespmem:s28+$0xFFFFFCF0] =	vst v11  }
0x39d: {  	v11 =	vld.idx.msk [tilespmem:v34+s2+$0x0], $0xffff;
	[tilespmem:s28+$0xFFFFFD80] =	vst v9;
	v9 =	vor.u32 $0x3, v4  }
0x39e: {  	v37 =	vor.u32 $0x3, v3;
	[tilespmem:s28+$0xFFFFFD20] =	vst v16;
	v36 =	vld.idx.msk [tilespmem:v32+s2+$0x0], $0xffff  }
0x39f: {  	v40 =	vor.u32 $0x3, v2;
	[tilespmem:s28+$0xFFFFFD10] =	vst v15;
	v12 =	vld.idx.msk [tilespmem:v35+s2+$0x0], $0xffff  }
0x3a0: {  	v38 =	vor.u32 $0x4, v7;
	[tilespmem:s28+$0xFFFFFD30] =	vst v18;
	v17 =	vld.idx.msk [tilespmem:v39+s2+$0x0], $0xffff  }
0x3a1: {  	v42 =	vor.u32 $0x4, v5;
	v8 =	vld.idx.msk [tilespmem:v8+s2+$0x0], $0xffff;
	[tilespmem:s28+$0xFFFFFD40] =	vst v10  }
0x3a2: {  	v45 =	vor.u32 $0x4, v6;
	[tilespmem:s28+$0xFFFFFD50] =	vst v19;
	v9 =	vld.idx.msk [tilespmem:v9+s2+$0x0], $0xffff  }
0x3a3: {  	v10 =	vor.u32 $0x3, v0;
	[tilespmem:s28+$0xFFFFFD60] =	vst v11;
	v14 =	vld.idx.msk [tilespmem:v37+s2+$0x0], $0xffff  }
0x3a4: {  	v41 =	vor.u32 $0x3, v1;
	v11 =	vld.idx.msk [tilespmem:v40+s2+$0x0], $0xffff;
	[tilespmem:s28+$0xFFFFFE00] =	vst v36  }
0x3a5: {  	v44 =	vor.u32 $0x4, v4;
	[tilespmem:s28+$0xFFFFFDA0] =	vst v12;
	v43 =	vld.idx.msk [tilespmem:v38+s2+$0x0], $0xffff  }
0x3a6: {  	v46 =	vor.u32 $0x4, v3;
	[tilespmem:s28+$0xFFFFFD90] =	vst v17;
	v13 =	vld.idx.msk [tilespmem:v42+s2+$0x0], $0xffff  }
0x3a7: {  	v47 =	vor.u32 $0x4, v2;
	v18 =	vld.idx.msk [tilespmem:v45+s2+$0x0], $0xffff;
	[tilespmem:s28+$0xFFFFFD70] =	vst v8  }
0x3a8: {  	v8 =	vor.u32 $0x5, v7;
	v10 =	vld.idx.msk [tilespmem:v10+s2+$0x0], $0xffff;
	[tilespmem:s28+$0xFFFFFDB0] =	vst v9  }
0x3a9: {  	v50 =	vor.u32 $0x5, v5;
	v9 =	vld.idx.msk [tilespmem:v41+s2+$0x0], $0xffff;
	[tilespmem:s28+$0xFFFFFDC0] =	vst v14  }
0x3aa: {  	v51 =	vor.u32 $0x5, v6;
	[tilespmem:s28+$0xFFFFFDD0] =	vst v11;
	v16 =	vld.idx.msk [tilespmem:v44+s2+$0x0], $0xffff  }
0x3ab: {  	v48 =	vor.u32 $0x4, v0;
	v11 =	vld.idx.msk [tilespmem:v46+s2+$0x0], $0xffff;
	[tilespmem:s28+$0xFFFFFE80] =	vst v43  }
0x3ac: {  	v49 =	vor.u32 $0x4, v1;
	v19 =	vld.idx.msk [tilespmem:v47+s2+$0x0], $0xffff;
	[tilespmem:s28+$0xFFFFFE20] =	vst v13  }
0x3ad: {  	v53 =	vor.u32 $0x5, v3;
	[tilespmem:s28+$0xFFFFFE10] =	vst v18;
	v8 =	vld.idx.msk [tilespmem:v8+s2+$0x0], $0xffff  }
0x3ae: {  	v54 =	vor.u32 $0x5, v2;
	v17 =	vld.idx.msk [tilespmem:v50+s2+$0x0], $0xffff;
	[tilespmem:s28+$0xFFFFFDE0] =	vst v10  }
0x3af: {  	v12 =	vld.idx.msk [tilespmem:v51+s2+$0x0], $0xffff;
	v10 =	vor.u32 $0x6, v7;
	[tilespmem:s28+$0xFFFFFDF0] =	vst v9  }
0x3b0: {  	v56 =	vor.u32 $0x6, v5;
	v52 =	vld.idx.msk [tilespmem:v48+s2+$0x0], $0xffff;
	[tilespmem:s28+$0xFFFFFE30] =	vst v16  }
0x3b1: {  	v9 =	vor.u32 $0x5, v4;
	v15 =	vld.idx.msk [tilespmem:v49+s2+$0x0], $0xffff;
	[tilespmem:s28+$0xFFFFFE40] =	vst v11  }
0x3b2: {  	[tilespmem:s28+$0xFFFFFE50] =	vst v19;
	v11 =	vor.u32 $0x6, v6;
	v14 =	vld.idx.msk [tilespmem:v53+s2+$0x0], $0xffff  }
0x3b3: {  	v55 =	vor.u32 $0x5, v1;
	v16 =	vld.idx.msk [tilespmem:v54+s2+$0x0], $0xffff;
	[tilespmem:s28+$0xFFFFFF00] =	vst v8  }
0x3b4: {  	v8 =	vor.u32 $0x5, v0;
	[tilespmem:s28+$0xFFFFFEA0] =	vst v17;
	v10 =	vld.idx.msk [tilespmem:v10+s2+$0x0], $0xffff  }
0x3b5: {  	v58 =	vor.u32 $0x6, v3;
	[tilespmem:s28+$0xFFFFFE90] =	vst v12;
	v13 =	vld.idx.msk [tilespmem:v56+s2+$0x0], $0xffff  }
0x3b6: {  	v7 =	vor.u32 $0x7, v7;
	v9 =	vld.idx.msk [tilespmem:v9+s2+$0x0], $0xffff;
	[tilespmem:s28+$0xFFFFFE60] =	vst v52  }
0x3b7: {  	v57 =	vor.u32 $0x6, v4;
	[tilespmem:s28+$0xFFFFFE70] =	vst v15;
	v11 =	vld.idx.msk [tilespmem:v11+s2+$0x0], $0xffff  }
0x3b8: {  	v6 =	vor.u32 $0x7, v6;
	v18 =	vld.idx.msk [tilespmem:v55+s2+$0x0], $0xffff;
	[tilespmem:s28+$0xFFFFFEC0] =	vst v14  }
0x3b9: {  	v8 =	vld.idx.msk [tilespmem:v8+s2+$0x0], $0xffff;
	[tilespmem:s28+$0xFFFFFF80] =	vst v10;
	v10 =	vor.u32 $0x6, v2  }
0x3ba: {  	v59 =	vor.u32 $0x6, v0;
	[tilespmem:s28+$0xFFFFFED0] =	vst v16;
	v61 =	vld.idx.msk [tilespmem:v58+s2+$0x0], $0xffff  }
0x3bb: {  	v7 =	vld.idx.msk [tilespmem:v7+s2+$0x0], $0xffff;
	[tilespmem:s28+$0xFFFFFEB0] =	vst v9;
	v9 =	vor.u32 $0x6, v1  }
0x3bc: {  	v5 =	vor.u32 $0x7, v5;
	v60 =	vld.idx.msk [tilespmem:v57+s2+$0x0], $0xffff;
	[tilespmem:s28+$0xFFFFFF10] =	vst v11  }
0x3bd: {  	v62 =	vor.u32 $0x7, v3;
	v4 =	vor.u32 $0x7, v4;
	[tilespmem:s28+$0xFFFFFF20] =	vst v13;
	v3 =	vld.idx.msk [tilespmem:v6+s2+$0x0], $0xffff  }
0x3be: {  	[tilespmem:s28+$0xFFFFFEE0] =	vst v8;
	v10 =	vld.idx.msk [tilespmem:v10+s2+$0x0], $0xffff  }
0x3bf: {  	v63 =	vor.u32 $0x7, v2;
	[tilespmem:s28+$0xFFFFFEF0] =	vst v18;
	v12 =	vld.idx.msk [tilespmem:v59+s2+$0x0], $0xffff  }
0x3c0: {  	[tilespmem:s28+$0x0] =	vst v7;
	v8 =	vld.idx.msk [tilespmem:v9+s2+$0x0], $0xffff  }
0x3c1: {  	v7 =	vld.idx.msk [tilespmem:v5+s2+$0x0], $0xffff;
	[tilespmem:s28+$0xFFFFFF30] =	vst v60  }
0x3c2: {  	[tilespmem:s28+$0xFFFFFF40] =	vst v61;
	v5 =	vld.idx.msk [tilespmem:v4+s2+$0x0], $0xffff  }
0x3c3: {  	v4 =	vld.idx.msk [tilespmem:v62+s2+$0x0], $0xffff;
	[tilespmem:s28+$0xFFFFFF50] =	vst v10  }
0x3c4: {  	s29 =	simm.s32 $0x0;
	s30 =	simm.s32 $0x2F0;
	v2 =	vor.u32 $0x7, v0;
	v1 =	vor.u32 $0x7, v1;
	[tilespmem:s28+$0xFFFFFF60] =	vst v12;
	v6 =	vld.idx.msk [tilespmem:v63+s2+$0x0], $0xffff  }
.LBB2_28:
0x3c5: {  	v0 =	vld [tilespmem:s30+$0x0];
	s29 =	sadd.s32 $0x80, s29;
	[tilespmem:s28+$0xFFFFFF70] =	vst v8  }
0x3c6: {  	v8 =	vld [tilespmem:s30+$0xFFFFFFA0];
	p1 =	slt.u32 s29, $0xF80;
	[tilespmem:s28+$0xFFFFFF90] =	vst v3  }
0x3c7: {  	v3 =	vld [tilespmem:s30+$0xFFFFFFB0];
	[tilespmem:s28+$0xFFFFFFA0] =	vst v7  }
0x3c8: {  	v7 =	vld [tilespmem:s30+$0xFFFFFFC0];
	[tilespmem:s28+$0xFFFFFFB0] =	vst v5  }
0x3c9: {  	v5 =	vld [tilespmem:s30+$0xFFFFFFD0];
	[tilespmem:s28+$0xFFFFFFC0] =	vst v4  }
0x3ca: {  	v4 =	vld [tilespmem:s30+$0xFFFFFFE0];
	v0 =	vshll.u32 v0, $0x3;
	[tilespmem:s28+$0xFFFFFFD0] =	vst v6  }
0x3cb: {  	v6 =	vshll.u32 v8, $0x3;
	v8 =	vld [tilespmem:s30+$0xFFFFFFF0]  }
0x3cc: {  	v9 =	vld [tilespmem:s30+$0xFFFFFF90];
	v10 =	vor.u32 $0x1, v6;
	v17 =	vor.u32 $0x2, v6;
	v18 =	vshll.u32 v3, $0x3  }
0x3cd: {  	v3 =	vor.u32 $0x1, v18;
	v19 =	vor.u32 $0x2, v18;
	v20 =	vshll.u32 v7, $0x3;
	v2 =	vld.idx.msk [tilespmem:v2+s2+$0x0], $0xffff  }
0x3ce: {  	v7 =	vor.u32 $0x1, v20;
	v21 =	vor.u32 $0x2, v20;
	v22 =	vshll.u32 v5, $0x3;
	v1 =	vld.idx.msk [tilespmem:v1+s2+$0x0], $0xffff  }
0x3cf: {  	v5 =	vor.u32 $0x1, v22;
	v23 =	vor.u32 $0x2, v22;
	v24 =	vshll.u32 v4, $0x3;
	v4 =	vld.idx.msk [tilespmem:v0+s2+$0x0], $0xffff  }
0x3d0: {  	v11 =	vld.idx.msk [tilespmem:v6+s2+$0x0], $0xffff;
	v12 =	vor.u32 $0x1, v24;
	v25 =	vor.u32 $0x2, v24;
	v26 =	vshll.u32 v8, $0x3  }
0x3d1: {  	v13 =	vor.u32 $0x1, v0;
	v8 =	vshll.u32 v9, $0x3;
	v9 =	vld.idx.msk [tilespmem:v18+s2+$0x0], $0xffff;
	v27 =	vor.u32 $0x1, v26  }
0x3d2: {  	v30 =	vor.u32 $0x2, v26;
	v28 =	vor.u32 $0x1, v8;
	v29 =	vor.u32 $0x2, v8;
	v14 =	vld.idx.msk [tilespmem:v20+s2+$0x0], $0xffff  }
0x3d3: {  	v32 =	vor.u32 $0x3, v6;
	v33 =	vor.u32 $0x3, v18;
	v31 =	vor.u32 $0x3, v8;
	v16 =	vld.idx.msk [tilespmem:v22+s2+$0x0], $0xffff;
	[tilespmem:s28+$0xFFFFFFE0] =	vst v2  }
0x3d4: {  	v34 =	vor.u32 $0x3, v20;
	v35 =	vor.u32 $0x3, v22;
	v36 =	vor.u32 $0x3, v24;
	v2 =	vld.idx.msk [tilespmem:v24+s2+$0x0], $0xffff;
	[tilespmem:s28+$0xFFFFFFF0] =	vst v1;
	s28 =	sadd.s32 $0x400, s28  }
0x3d5: {  	v38 =	vor.u32 $0x4, v6;
	v39 =	vor.u32 $0x3, v26;
	v37 =	vor.u32 $0x4, v8;
	v1 =	vld.idx.msk [tilespmem:v26+s2+$0x0], $0xffff;
	[tilespmem:s28+$0xFFFFFC80] =	vst v4  }
0x3d6: {  	v40 =	vor.u32 $0x4, v18;
	v41 =	vor.u32 $0x4, v20;
	v42 =	vor.u32 $0x4, v22;
	[tilespmem:s28+$0xFFFFFC20] =	vst v11;
	v4 =	vld.idx.msk [tilespmem:v13+s2+$0x0], $0xffff  }
0x3d7: {  	v44 =	vor.u32 $0x4, v24;
	v45 =	vor.u32 $0x4, v26;
	v15 =	vor.u32 $0x5, v8;
	v43 =	vld.idx.msk [tilespmem:v8+s2+$0x0], $0xffff;
	[tilespmem:s28+$0xFFFFFC30] =	vst v9  }
0x3d8: {  	v49 =	vor.u32 $0x2, v0;
	v47 =	vor.u32 $0x5, v6;
	v48 =	vor.u32 $0x5, v18;
	v46 =	vld.idx.msk [tilespmem:v10+s2+$0x0], $0xffff;
	[tilespmem:s28+$0xFFFFFC40] =	vst v14  }
0x3d9: {  	v51 =	vor.u32 $0x5, v20;
	v52 =	vor.u32 $0x5, v22;
	v50 =	vld.idx.msk [tilespmem:v3+s2+$0x0], $0xffff;
	[tilespmem:s28+$0xFFFFFC50] =	vst v16;
	v16 =	vor.u32 $0x5, v24  }
0x3da: {  	v54 =	vor.u32 $0x5, v26;
	v13 =	vor.u32 $0x6, v8;
	v10 =	vor.u32 $0x6, v6;
	v53 =	vld.idx.msk [tilespmem:v7+s2+$0x0], $0xffff;
	[tilespmem:s28+$0xFFFFFC60] =	vst v2  }
0x3db: {  	v11 =	vor.u32 $0x6, v20;
	v9 =	vor.u32 $0x6, v22;
	v14 =	vor.u32 $0x6, v18;
	v55 =	vld.idx.msk [tilespmem:v5+s2+$0x0], $0xffff;
	[tilespmem:s28+$0xFFFFFC70] =	vst v1  }
0x3dc: {  	v3 =	vor.u32 $0x7, v8;
	v8 =	vor.u32 $0x6, v26;
	v56 =	vld.idx.msk [tilespmem:v12+s2+$0x0], $0xffff;
	v12 =	vor.u32 $0x6, v24;
	[tilespmem:s28+$0xFFFFFD00] =	vst v4  }
0x3dd: {  	v7 =	vor.u32 $0x7, v6;
	v5 =	vor.u32 $0x7, v18;
	v4 =	vor.u32 $0x7, v20;
	[tilespmem:s28+$0xFFFFFC10] =	vst v43;
	v18 =	vld.idx.msk [tilespmem:v49+s2+$0x0], $0xffff  }
0x3de: {  	v6 =	vor.u32 $0x7, v22;
	v2 =	vor.u32 $0x7, v24;
	v1 =	vor.u32 $0x7, v26;
	v20 =	vld.idx.msk [tilespmem:v28+s2+$0x0], $0xffff;
	[tilespmem:s28+$0xFFFFFCA0] =	vst v46  }
0x3df: {  	v24 =	vor.u32 $0x3, v0;
	[tilespmem:s28+$0xFFFFFCB0] =	vst v50;
	v22 =	vld.idx.msk [tilespmem:v27+s2+$0x0], $0xffff  }
0x3e0: {  	v17 =	vld.idx.msk [tilespmem:v17+s2+$0x0], $0xffff;
	[tilespmem:s28+$0xFFFFFCC0] =	vst v53  }
0x3e1: {  	v19 =	vld.idx.msk [tilespmem:v19+s2+$0x0], $0xffff;
	[tilespmem:s28+$0xFFFFFCD0] =	vst v55  }
0x3e2: {  	v21 =	vld.idx.msk [tilespmem:v21+s2+$0x0], $0xffff;
	[tilespmem:s28+$0xFFFFFCE0] =	vst v56  }
0x3e3: {  	v23 =	vld.idx.msk [tilespmem:v23+s2+$0x0], $0xffff;
	[tilespmem:s28+$0xFFFFFD80] =	vst v18  }
0x3e4: {  	[tilespmem:s28+$0xFFFFFC90] =	vst v20;
	v18 =	vld.idx.msk [tilespmem:v24+s2+$0x0], $0xffff  }
0x3e5: {  	v20 =	vld.idx.msk [tilespmem:v29+s2+$0x0], $0xffff;
	[tilespmem:s28+$0xFFFFFCF0] =	vst v22  }
0x3e6: {  	v22 =	vor.u32 $0x4, v0;
	[tilespmem:s28+$0xFFFFFD20] =	vst v17;
	v17 =	vld.idx.msk [tilespmem:v25+s2+$0x0], $0xffff  }
0x3e7: {  	[tilespmem:s28+$0xFFFFFD30] =	vst v19;
	v19 =	vld.idx.msk [tilespmem:v30+s2+$0x0], $0xffff  }
0x3e8: {  	v24 =	vld.idx.msk [tilespmem:v32+s2+$0x0], $0xffff;
	[tilespmem:s28+$0xFFFFFD40] =	vst v21  }
0x3e9: {  	v21 =	vld.idx.msk [tilespmem:v33+s2+$0x0], $0xffff;
	[tilespmem:s28+$0xFFFFFD50] =	vst v23  }
0x3ea: {  	v23 =	vld.idx.msk [tilespmem:v34+s2+$0x0], $0xffff;
	[tilespmem:s28+$0xFFFFFE00] =	vst v18  }
0x3eb: {  	[tilespmem:s28+$0xFFFFFD10] =	vst v20;
	v18 =	vld.idx.msk [tilespmem:v22+s2+$0x0], $0xffff  }
0x3ec: {  	v20 =	vld.idx.msk [tilespmem:v31+s2+$0x0], $0xffff;
	[tilespmem:s28+$0xFFFFFD60] =	vst v17  }
0x3ed: {  	v17 =	vld.idx.msk [tilespmem:v35+s2+$0x0], $0xffff;
	[tilespmem:s28+$0xFFFFFD70] =	vst v19;
	v19 =	vor.u32 $0x5, v0  }
0x3ee: {  	[tilespmem:s28+$0xFFFFFDA0] =	vst v24;
	v22 =	vld.idx.msk [tilespmem:v36+s2+$0x0], $0xffff  }
0x3ef: {  	[tilespmem:s28+$0xFFFFFDB0] =	vst v21;
	v21 =	vld.idx.msk [tilespmem:v39+s2+$0x0], $0xffff  }
0x3f0: {  	v24 =	vld.idx.msk [tilespmem:v38+s2+$0x0], $0xffff;
	[tilespmem:s28+$0xFFFFFDC0] =	vst v23  }
0x3f1: {  	v23 =	vld.idx.msk [tilespmem:v40+s2+$0x0], $0xffff;
	[tilespmem:s28+$0xFFFFFE80] =	vst v18  }
0x3f2: {  	[tilespmem:s28+$0xFFFFFD90] =	vst v20;
	v18 =	vld.idx.msk [tilespmem:v19+s2+$0x0], $0xffff  }
0x3f3: {  	v19 =	vld.idx.msk [tilespmem:v37+s2+$0x0], $0xffff;
	[tilespmem:s28+$0xFFFFFDD0] =	vst v17  }
0x3f4: {  	v20 =	vor.u32 $0x6, v0;
	v17 =	vld.idx.msk [tilespmem:v41+s2+$0x0], $0xffff;
	[tilespmem:s28+$0xFFFFFDE0] =	vst v22  }
0x3f5: {  	v22 =	vld.idx.msk [tilespmem:v42+s2+$0x0], $0xffff;
	[tilespmem:s28+$0xFFFFFDF0] =	vst v21  }
0x3f6: {  	[tilespmem:s28+$0xFFFFFE20] =	vst v24;
	v21 =	vld.idx.msk [tilespmem:v44+s2+$0x0], $0xffff  }
0x3f7: {  	[tilespmem:s28+$0xFFFFFE30] =	vst v23;
	v23 =	vld.idx.msk [tilespmem:v45+s2+$0x0], $0xffff  }
0x3f8: {  	v24 =	vld.idx.msk [tilespmem:v47+s2+$0x0], $0xffff;
	[tilespmem:s28+$0xFFFFFF00] =	vst v18  }
0x3f9: {  	[tilespmem:s28+$0xFFFFFE10] =	vst v19;
	v18 =	vld.idx.msk [tilespmem:v20+s2+$0x0], $0xffff  }
0x3fa: {  	v15 =	vld.idx.msk [tilespmem:v15+s2+$0x0], $0xffff;
	[tilespmem:s28+$0xFFFFFE40] =	vst v17  }
0x3fb: {  	v0 =	vor.u32 $0x7, v0;
	v17 =	vld.idx.msk [tilespmem:v48+s2+$0x0], $0xffff;
	[tilespmem:s28+$0xFFFFFE50] =	vst v22  }
0x3fc: {  	v19 =	vld.idx.msk [tilespmem:v51+s2+$0x0], $0xffff;
	[tilespmem:s28+$0xFFFFFE60] =	vst v21  }
0x3fd: {  	v20 =	vld.idx.msk [tilespmem:v52+s2+$0x0], $0xffff;
	[tilespmem:s28+$0xFFFFFE70] =	vst v23  }
0x3fe: {  	[tilespmem:s28+$0xFFFFFEA0] =	vst v24;
	v16 =	vld.idx.msk [tilespmem:v16+s2+$0x0], $0xffff  }
0x3ff: {  	v21 =	vld.idx.msk [tilespmem:v54+s2+$0x0], $0xffff;
	[tilespmem:s28+$0xFFFFFF80] =	vst v18  }
0x400: {  	[tilespmem:s28+$0xFFFFFE90] =	vst v15;
	v0 =	vld.idx.msk [tilespmem:v0+s2+$0x0], $0xffff  }
0x401: {  	v13 =	vld.idx.msk [tilespmem:v13+s2+$0x0], $0xffff;
	[tilespmem:s28+$0xFFFFFEB0] =	vst v17  }
0x402: {  	v10 =	vld.idx.msk [tilespmem:v10+s2+$0x0], $0xffff;
	[tilespmem:s28+$0xFFFFFEC0] =	vst v19  }
0x403: {  	v14 =	vld.idx.msk [tilespmem:v14+s2+$0x0], $0xffff;
	[tilespmem:s28+$0xFFFFFED0] =	vst v20  }
0x404: {  	v11 =	vld.idx.msk [tilespmem:v11+s2+$0x0], $0xffff;
	[tilespmem:s28+$0xFFFFFEE0] =	vst v16  }
0x405: {  	v9 =	vld.idx.msk [tilespmem:v9+s2+$0x0], $0xffff;
	[tilespmem:s28+$0xFFFFFEF0] =	vst v21  }
0x406: {  	v12 =	vld.idx.msk [tilespmem:v12+s2+$0x0], $0xffff;
	[tilespmem:s28+$0x0] =	vst v0  }
0x407: {  	[tilespmem:s28+$0xFFFFFF10] =	vst v13;
	v8 =	vld.idx.msk [tilespmem:v8+s2+$0x0], $0xffff  }
.Ltmp15:
0x408: {  	v3 =	vld.idx.msk [tilespmem:v3+s2+$0x0], $0xffff;
	[tilespmem:s28+$0xFFFFFF20] =	vst v10;
	(pc) =	sbr.rel @p1 .LBB2_28-.Ltmp15, $4  }
0x409: {  	v7 =	vld.idx.msk [tilespmem:v7+s2+$0x0], $0xffff;
	[tilespmem:s28+$0xFFFFFF30] =	vst v14  }
0x40a: {  	v5 =	vld.idx.msk [tilespmem:v5+s2+$0x0], $0xffff;
	[tilespmem:s28+$0xFFFFFF40] =	vst v11  }
0x40b: {  	v4 =	vld.idx.msk [tilespmem:v4+s2+$0x0], $0xffff;
	[tilespmem:s28+$0xFFFFFF50] =	vst v9  }
0x40c: {  	s30 =	sadd.s32 $0x100, s30;
	v6 =	vld.idx.msk [tilespmem:v6+s2+$0x0], $0xffff;
	[tilespmem:s28+$0xFFFFFF60] =	vst v12  }
0x40d: {  	_ =	sdelay $0x2  }
0x40e: {  	[tilespmem:s28+$0xFFFFFF70] =	vst v8  }
0x40f: {  	[tilespmem:s28+$0xFFFFFF90] =	vst v3;
	v0 =	vld.idx.msk [tilespmem:v2+s2+$0x0], $0xffff  }
0x410: {  	[tilespmem:s28+$0xFFFFFFA0] =	vst v7;
	v1 =	vld.idx.msk [tilespmem:v1+s2+$0x0], $0xffff  }
0x411: {  	[tilespmem:s28+$0xFFFFFFB0] =	vst v5  }
0x412: {  	[tilespmem:s28+$0xFFFFFFC0] =	vst v4  }
0x413: {  	[tilespmem:s28+$0xFFFFFFD0] =	vst v6  }
0x414: {  	[tilespmem:s28+$0xFFFFFFE0] =	vst v0  }
.Ltmp16:
0x415: {  	[tilespmem:s28+$0xFFFFFFF0] =	vst v1;
	(pc) =	sbr.rel @p0 .LBB2_33-.Ltmp16, $4  }
0x416: {  	_ =	swait.ge [sflag:s23], $0x8000  }
0x417: {  	[sflag:s23] =	ssyncset.done $0x0  }
0x418: {  	s28 =	simm.s32 $0x4;
	[sflag:s23] =	ssyncadd.s32 $0xFFFF8000  }
0x419: {  	[hbm4b:s16+s2] =	stream.linear.scatter [tilespmem:s24], [sflag:$0x4], $0x8000, $0x38;
	[tilespmem:$0x12100] =	vst v63  }
0x41a: {  	_ =	swait.ge [sflag:s20], $0x1000  }
0x41b: {  	[sflag:s20] =	ssyncset.done $0x0  }
0x41c: {  	s28 =	simm.s32 $0x140;
	[sflag:s20] =	ssyncadd.s32 $0xFFFFF000  }
0x41d: {  	v0 =	vld [tilespmem:s28+$0x30]  }
0x41e: {  	v1 =	vld [tilespmem:s28+$0xFFFFFFD0]  }
0x41f: {  	v2 =	vld [tilespmem:s28+$0xFFFFFFE0]  }
0x420: {  	v3 =	vld [tilespmem:s28+$0xFFFFFFF0]  }
0x421: {  	v6 =	vld [tilespmem:s28+$0x0]  }
0x422: {  	v8 =	vld [tilespmem:s28+$0x10];
	v7 =	vshll.u32 v0, $0x3  }
0x423: {  	v9 =	vld [tilespmem:s28+$0xFFFFFFC0];
	v5 =	vshll.u32 v1, $0x3  }
0x424: {  	v1 =	vld [tilespmem:s28+$0x20];
	v4 =	vshll.u32 v2, $0x3  }
0x425: {  	v3 =	vshll.u32 v3, $0x3  }
0x426: {  	v2 =	vshll.u32 v6, $0x3  }
0x427: {  	v0 =	vshll.u32 v8, $0x3;
	v8 =	vld.idx.msk [tilespmem:v7+s2+$0x0], $0xffff  }
0x428: {  	v6 =	vshll.u32 v9, $0x3;
	v10 =	vld.idx.msk [tilespmem:v5+s2+$0x0], $0xffff  }
0x429: {  	v1 =	vshll.u32 v1, $0x3;
	v11 =	vld.idx.msk [tilespmem:v4+s2+$0x0], $0xffff  }
0x42a: {  	v12 =	vor.u32 $0x1, v7;
	v9 =	vld.idx.msk [tilespmem:v3+s2+$0x0], $0xffff  }
0x42b: {  	v13 =	vor.u32 $0x1, v5;
	v14 =	vld.idx.msk [tilespmem:v2+s2+$0x0], $0xffff  }
0x42c: {  	s28 =	simm.s32 $0x2300;
	v15 =	vor.u32 $0x1, v4;
	v16 =	vld.idx.msk [tilespmem:v0+s2+$0x0], $0xffff  }
0x42d: {  	v17 =	vor.u32 $0x1, v3;
	v19 =	vld.idx.msk [tilespmem:v6+s2+$0x0], $0xffff;
	[tilespmem:s28+$0xFFFFFE70] =	vst v8  }
0x42e: {  	v26 =	vor.u32 $0x1, v0;
	v18 =	vld.idx.msk [tilespmem:v1+s2+$0x0], $0xffff;
	[tilespmem:s28+$0xFFFFFE10] =	vst v10  }
0x42f: {  	v27 =	vor.u32 $0x1, v6;
	[tilespmem:s28+$0xFFFFFE20] =	vst v11;
	v10 =	vld.idx.msk [tilespmem:v12+s2+$0x0], $0xffff  }
0x430: {  	v8 =	vor.u32 $0x1, v2;
	[tilespmem:s28+$0xFFFFFE30] =	vst v9;
	v11 =	vld.idx.msk [tilespmem:v13+s2+$0x0], $0xffff  }
0x431: {  	v28 =	vor.u32 $0x1, v1;
	[tilespmem:s28+$0xFFFFFE40] =	vst v14;
	v15 =	vld.idx.msk [tilespmem:v15+s2+$0x0], $0xffff  }
0x432: {  	v9 =	vor.u32 $0x2, v7;
	[tilespmem:s28+$0xFFFFFE50] =	vst v16;
	v17 =	vld.idx.msk [tilespmem:v17+s2+$0x0], $0xffff  }
0x433: {  	v29 =	vor.u32 $0x2, v5;
	[tilespmem:s28+$0xFFFFFE00] =	vst v19;
	v12 =	vld.idx.msk [tilespmem:v26+s2+$0x0], $0xffff  }
0x434: {  	v30 =	vor.u32 $0x2, v4;
	v13 =	vld.idx.msk [tilespmem:v27+s2+$0x0], $0xffff;
	[tilespmem:s28+$0xFFFFFE60] =	vst v18  }
0x435: {  	v33 =	vor.u32 $0x2, v6;
	v8 =	vld.idx.msk [tilespmem:v8+s2+$0x0], $0xffff;
	[tilespmem:s28+$0xFFFFFEF0] =	vst v10  }
0x436: {  	v10 =	vor.u32 $0x2, v3;
	[tilespmem:s28+$0xFFFFFE90] =	vst v11;
	v11 =	vld.idx.msk [tilespmem:v28+s2+$0x0], $0xffff  }
0x437: {  	v31 =	vor.u32 $0x2, v2;
	[tilespmem:s28+$0xFFFFFEA0] =	vst v15;
	v9 =	vld.idx.msk [tilespmem:v9+s2+$0x0], $0xffff  }
0x438: {  	v34 =	vor.u32 $0x2, v0;
	[tilespmem:s28+$0xFFFFFEB0] =	vst v17;
	v16 =	vld.idx.msk [tilespmem:v29+s2+$0x0], $0xffff  }
0x439: {  	v32 =	vor.u32 $0x3, v7;
	[tilespmem:s28+$0xFFFFFE80] =	vst v13;
	v18 =	vld.idx.msk [tilespmem:v30+s2+$0x0], $0xffff  }
0x43a: {  	v35 =	vor.u32 $0x3, v5;
	[tilespmem:s28+$0xFFFFFED0] =	vst v12;
	v15 =	vld.idx.msk [tilespmem:v33+s2+$0x0], $0xffff  }
0x43b: {  	v39 =	vor.u32 $0x3, v6;
	[tilespmem:s28+$0xFFFFFEC0] =	vst v8;
	v10 =	vld.idx.msk [tilespmem:v10+s2+$0x0], $0xffff  }
0x43c: {  	v8 =	vor.u32 $0x2, v1;
	v19 =	vld.idx.msk [tilespmem:v31+s2+$0x0], $0xffff;
	[tilespmem:s28+$0xFFFFFEE0] =	vst v11  }
0x43d: {  	v11 =	vld.idx.msk [tilespmem:v34+s2+$0x0], $0xffff;
	[tilespmem:s28+$0xFFFFFF70] =	vst v9;
	v9 =	vor.u32 $0x3, v4  }
0x43e: {  	v37 =	vor.u32 $0x3, v3;
	[tilespmem:s28+$0xFFFFFF10] =	vst v16;
	v36 =	vld.idx.msk [tilespmem:v32+s2+$0x0], $0xffff  }
0x43f: {  	v40 =	vor.u32 $0x3, v2;
	[tilespmem:s28+$0xFFFFFF00] =	vst v15;
	v12 =	vld.idx.msk [tilespmem:v35+s2+$0x0], $0xffff  }
0x440: {  	v38 =	vor.u32 $0x4, v7;
	[tilespmem:s28+$0xFFFFFF20] =	vst v18;
	v17 =	vld.idx.msk [tilespmem:v39+s2+$0x0], $0xffff  }
0x441: {  	v42 =	vor.u32 $0x4, v5;
	v8 =	vld.idx.msk [tilespmem:v8+s2+$0x0], $0xffff;
	[tilespmem:s28+$0xFFFFFF30] =	vst v10  }
0x442: {  	v45 =	vor.u32 $0x4, v6;
	[tilespmem:s28+$0xFFFFFF40] =	vst v19;
	v9 =	vld.idx.msk [tilespmem:v9+s2+$0x0], $0xffff  }
0x443: {  	v10 =	vor.u32 $0x3, v0;
	[tilespmem:s28+$0xFFFFFF50] =	vst v11;
	v14 =	vld.idx.msk [tilespmem:v37+s2+$0x0], $0xffff  }
0x444: {  	v41 =	vor.u32 $0x3, v1;
	v11 =	vld.idx.msk [tilespmem:v40+s2+$0x0], $0xffff;
	[tilespmem:s28+$0xFFFFFFF0] =	vst v36  }
0x445: {  	v44 =	vor.u32 $0x4, v4;
	[tilespmem:s28+$0xFFFFFF90] =	vst v12;
	v43 =	vld.idx.msk [tilespmem:v38+s2+$0x0], $0xffff  }
0x446: {  	v46 =	vor.u32 $0x4, v3;
	[tilespmem:s28+$0xFFFFFF80] =	vst v17;
	v13 =	vld.idx.msk [tilespmem:v42+s2+$0x0], $0xffff  }
0x447: {  	v47 =	vor.u32 $0x4, v2;
	v18 =	vld.idx.msk [tilespmem:v45+s2+$0x0], $0xffff;
	[tilespmem:s28+$0xFFFFFF60] =	vst v8  }
0x448: {  	v8 =	vor.u32 $0x5, v7;
	v10 =	vld.idx.msk [tilespmem:v10+s2+$0x0], $0xffff;
	[tilespmem:s28+$0xFFFFFFA0] =	vst v9  }
0x449: {  	v50 =	vor.u32 $0x5, v5;
	v9 =	vld.idx.msk [tilespmem:v41+s2+$0x0], $0xffff;
	[tilespmem:s28+$0xFFFFFFB0] =	vst v14  }
0x44a: {  	v51 =	vor.u32 $0x5, v6;
	[tilespmem:s28+$0xFFFFFFC0] =	vst v11;
	v16 =	vld.idx.msk [tilespmem:v44+s2+$0x0], $0xffff  }
0x44b: {  	v48 =	vor.u32 $0x4, v0;
	v11 =	vld.idx.msk [tilespmem:v46+s2+$0x0], $0xffff;
	[tilespmem:s28+$0x70] =	vst v43  }
0x44c: {  	v49 =	vor.u32 $0x4, v1;
	v19 =	vld.idx.msk [tilespmem:v47+s2+$0x0], $0xffff;
	[tilespmem:s28+$0x10] =	vst v13  }
0x44d: {  	v53 =	vor.u32 $0x5, v3;
	[tilespmem:s28+$0x0] =	vst v18;
	v8 =	vld.idx.msk [tilespmem:v8+s2+$0x0], $0xffff  }
0x44e: {  	v54 =	vor.u32 $0x5, v2;
	v17 =	vld.idx.msk [tilespmem:v50+s2+$0x0], $0xffff;
	[tilespmem:s28+$0xFFFFFFD0] =	vst v10  }
0x44f: {  	v12 =	vld.idx.msk [tilespmem:v51+s2+$0x0], $0xffff;
	v10 =	vor.u32 $0x6, v7;
	[tilespmem:s28+$0xFFFFFFE0] =	vst v9  }
0x450: {  	v56 =	vor.u32 $0x6, v5;
	v52 =	vld.idx.msk [tilespmem:v48+s2+$0x0], $0xffff;
	[tilespmem:s28+$0x20] =	vst v16  }
0x451: {  	v9 =	vor.u32 $0x5, v4;
	v15 =	vld.idx.msk [tilespmem:v49+s2+$0x0], $0xffff;
	[tilespmem:s28+$0x30] =	vst v11  }
0x452: {  	[tilespmem:s28+$0x40] =	vst v19;
	v11 =	vor.u32 $0x6, v6;
	v14 =	vld.idx.msk [tilespmem:v53+s2+$0x0], $0xffff  }
0x453: {  	v55 =	vor.u32 $0x5, v1;
	v16 =	vld.idx.msk [tilespmem:v54+s2+$0x0], $0xffff;
	[tilespmem:s28+$0xF0] =	vst v8  }
0x454: {  	v8 =	vor.u32 $0x5, v0;
	[tilespmem:s28+$0x90] =	vst v17;
	v10 =	vld.idx.msk [tilespmem:v10+s2+$0x0], $0xffff  }
0x455: {  	v58 =	vor.u32 $0x6, v3;
	[tilespmem:s28+$0x80] =	vst v12;
	v13 =	vld.idx.msk [tilespmem:v56+s2+$0x0], $0xffff  }
0x456: {  	v7 =	vor.u32 $0x7, v7;
	v9 =	vld.idx.msk [tilespmem:v9+s2+$0x0], $0xffff;
	[tilespmem:s28+$0x50] =	vst v52  }
0x457: {  	v57 =	vor.u32 $0x6, v4;
	[tilespmem:s28+$0x60] =	vst v15;
	v11 =	vld.idx.msk [tilespmem:v11+s2+$0x0], $0xffff  }
0x458: {  	v6 =	vor.u32 $0x7, v6;
	v18 =	vld.idx.msk [tilespmem:v55+s2+$0x0], $0xffff;
	[tilespmem:s28+$0xB0] =	vst v14  }
0x459: {  	v8 =	vld.idx.msk [tilespmem:v8+s2+$0x0], $0xffff;
	[tilespmem:s28+$0x170] =	vst v10;
	v10 =	vor.u32 $0x6, v2  }
0x45a: {  	v59 =	vor.u32 $0x6, v0;
	[tilespmem:s28+$0xC0] =	vst v16;
	v61 =	vld.idx.msk [tilespmem:v58+s2+$0x0], $0xffff  }
0x45b: {  	v7 =	vld.idx.msk [tilespmem:v7+s2+$0x0], $0xffff;
	[tilespmem:s28+$0xA0] =	vst v9;
	v9 =	vor.u32 $0x6, v1  }
0x45c: {  	v5 =	vor.u32 $0x7, v5;
	v60 =	vld.idx.msk [tilespmem:v57+s2+$0x0], $0xffff;
	[tilespmem:s28+$0x100] =	vst v11  }
0x45d: {  	v62 =	vor.u32 $0x7, v3;
	v4 =	vor.u32 $0x7, v4;
	[tilespmem:s28+$0x110] =	vst v13;
	v3 =	vld.idx.msk [tilespmem:v6+s2+$0x0], $0xffff  }
0x45e: {  	[tilespmem:s28+$0xD0] =	vst v8;
	v10 =	vld.idx.msk [tilespmem:v10+s2+$0x0], $0xffff  }
0x45f: {  	v63 =	vor.u32 $0x7, v2;
	[tilespmem:s28+$0xE0] =	vst v18;
	v12 =	vld.idx.msk [tilespmem:v59+s2+$0x0], $0xffff  }
0x460: {  	[tilespmem:s28+$0x1F0] =	vst v7;
	v8 =	vld.idx.msk [tilespmem:v9+s2+$0x0], $0xffff  }
0x461: {  	v7 =	vld.idx.msk [tilespmem:v5+s2+$0x0], $0xffff;
	[tilespmem:s28+$0x120] =	vst v60  }
0x462: {  	[tilespmem:s28+$0x130] =	vst v61;
	v5 =	vld.idx.msk [tilespmem:v4+s2+$0x0], $0xffff  }
0x463: {  	v4 =	vld.idx.msk [tilespmem:v62+s2+$0x0], $0xffff;
	[tilespmem:s28+$0x140] =	vst v10  }
0x464: {  	s29 =	simm.s32 $0x0;
	s30 =	simm.s32 $0x240;
	v2 =	vor.u32 $0x7, v0;
	v1 =	vor.u32 $0x7, v1;
	[tilespmem:s28+$0x150] =	vst v12;
	v6 =	vld.idx.msk [tilespmem:v63+s2+$0x0], $0xffff  }
.LBB2_31:
0x465: {  	v0 =	vld [tilespmem:s30+$0x30];
	s29 =	sadd.s32 $0x80, s29;
	[tilespmem:s28+$0x160] =	vst v8  }
0x466: {  	v8 =	vld [tilespmem:s30+$0xFFFFFFD0];
	p1 =	slt.u32 s29, $0xF80;
	[tilespmem:s28+$0x180] =	vst v3  }
0x467: {  	v3 =	vld [tilespmem:s30+$0xFFFFFFE0];
	[tilespmem:s28+$0x190] =	vst v7  }
0x468: {  	v7 =	vld [tilespmem:s30+$0xFFFFFFF0];
	[tilespmem:s28+$0x1A0] =	vst v5  }
0x469: {  	v5 =	vld [tilespmem:s30+$0x0];
	[tilespmem:s28+$0x1B0] =	vst v4  }
0x46a: {  	v4 =	vld [tilespmem:s30+$0x10];
	v0 =	vshll.u32 v0, $0x3;
	[tilespmem:s28+$0x1C0] =	vst v6  }
0x46b: {  	v6 =	vshll.u32 v8, $0x3;
	v8 =	vld [tilespmem:s30+$0x20]  }
0x46c: {  	v9 =	vld [tilespmem:s30+$0xFFFFFFC0];
	v10 =	vor.u32 $0x1, v6;
	v17 =	vor.u32 $0x2, v6;
	v18 =	vshll.u32 v3, $0x3  }
0x46d: {  	v3 =	vor.u32 $0x1, v18;
	v19 =	vor.u32 $0x2, v18;
	v20 =	vshll.u32 v7, $0x3;
	v2 =	vld.idx.msk [tilespmem:v2+s2+$0x0], $0xffff  }
0x46e: {  	v7 =	vor.u32 $0x1, v20;
	v21 =	vor.u32 $0x2, v20;
	v22 =	vshll.u32 v5, $0x3;
	v1 =	vld.idx.msk [tilespmem:v1+s2+$0x0], $0xffff  }
0x46f: {  	v5 =	vor.u32 $0x1, v22;
	v23 =	vor.u32 $0x2, v22;
	v24 =	vshll.u32 v4, $0x3;
	v4 =	vld.idx.msk [tilespmem:v0+s2+$0x0], $0xffff  }
0x470: {  	v11 =	vld.idx.msk [tilespmem:v6+s2+$0x0], $0xffff;
	v12 =	vor.u32 $0x1, v24;
	v25 =	vor.u32 $0x2, v24;
	v26 =	vshll.u32 v8, $0x3  }
0x471: {  	v13 =	vor.u32 $0x1, v0;
	v8 =	vshll.u32 v9, $0x3;
	v9 =	vld.idx.msk [tilespmem:v18+s2+$0x0], $0xffff;
	v27 =	vor.u32 $0x1, v26  }
0x472: {  	v30 =	vor.u32 $0x2, v26;
	v28 =	vor.u32 $0x1, v8;
	v29 =	vor.u32 $0x2, v8;
	v14 =	vld.idx.msk [tilespmem:v20+s2+$0x0], $0xffff  }
0x473: {  	v32 =	vor.u32 $0x3, v6;
	v33 =	vor.u32 $0x3, v18;
	v31 =	vor.u32 $0x3, v8;
	v16 =	vld.idx.msk [tilespmem:v22+s2+$0x0], $0xffff;
	[tilespmem:s28+$0x1D0] =	vst v2  }
0x474: {  	v34 =	vor.u32 $0x3, v20;
	v35 =	vor.u32 $0x3, v22;
	v36 =	vor.u32 $0x3, v24;
	v2 =	vld.idx.msk [tilespmem:v24+s2+$0x0], $0xffff;
	[tilespmem:s28+$0x1E0] =	vst v1;
	s28 =	sadd.s32 $0x400, s28  }
0x475: {  	v38 =	vor.u32 $0x4, v6;
	v39 =	vor.u32 $0x3, v26;
	v37 =	vor.u32 $0x4, v8;
	v1 =	vld.idx.msk [tilespmem:v26+s2+$0x0], $0xffff;
	[tilespmem:s28+$0xFFFFFE70] =	vst v4  }
0x476: {  	v40 =	vor.u32 $0x4, v18;
	v41 =	vor.u32 $0x4, v20;
	v42 =	vor.u32 $0x4, v22;
	[tilespmem:s28+$0xFFFFFE10] =	vst v11;
	v4 =	vld.idx.msk [tilespmem:v13+s2+$0x0], $0xffff  }
0x477: {  	v44 =	vor.u32 $0x4, v24;
	v45 =	vor.u32 $0x4, v26;
	v15 =	vor.u32 $0x5, v8;
	v43 =	vld.idx.msk [tilespmem:v8+s2+$0x0], $0xffff;
	[tilespmem:s28+$0xFFFFFE20] =	vst v9  }
0x478: {  	v49 =	vor.u32 $0x2, v0;
	v47 =	vor.u32 $0x5, v6;
	v48 =	vor.u32 $0x5, v18;
	v46 =	vld.idx.msk [tilespmem:v10+s2+$0x0], $0xffff;
	[tilespmem:s28+$0xFFFFFE30] =	vst v14  }
0x479: {  	v51 =	vor.u32 $0x5, v20;
	v52 =	vor.u32 $0x5, v22;
	v50 =	vld.idx.msk [tilespmem:v3+s2+$0x0], $0xffff;
	[tilespmem:s28+$0xFFFFFE40] =	vst v16;
	v16 =	vor.u32 $0x5, v24  }
0x47a: {  	v54 =	vor.u32 $0x5, v26;
	v13 =	vor.u32 $0x6, v8;
	v10 =	vor.u32 $0x6, v6;
	v53 =	vld.idx.msk [tilespmem:v7+s2+$0x0], $0xffff;
	[tilespmem:s28+$0xFFFFFE50] =	vst v2  }
0x47b: {  	v11 =	vor.u32 $0x6, v20;
	v9 =	vor.u32 $0x6, v22;
	v14 =	vor.u32 $0x6, v18;
	v55 =	vld.idx.msk [tilespmem:v5+s2+$0x0], $0xffff;
	[tilespmem:s28+$0xFFFFFE60] =	vst v1  }
0x47c: {  	v3 =	vor.u32 $0x7, v8;
	v8 =	vor.u32 $0x6, v26;
	v56 =	vld.idx.msk [tilespmem:v12+s2+$0x0], $0xffff;
	v12 =	vor.u32 $0x6, v24;
	[tilespmem:s28+$0xFFFFFEF0] =	vst v4  }
0x47d: {  	v7 =	vor.u32 $0x7, v6;
	v5 =	vor.u32 $0x7, v18;
	v4 =	vor.u32 $0x7, v20;
	[tilespmem:s28+$0xFFFFFE00] =	vst v43;
	v18 =	vld.idx.msk [tilespmem:v49+s2+$0x0], $0xffff  }
0x47e: {  	v6 =	vor.u32 $0x7, v22;
	v2 =	vor.u32 $0x7, v24;
	v1 =	vor.u32 $0x7, v26;
	v20 =	vld.idx.msk [tilespmem:v28+s2+$0x0], $0xffff;
	[tilespmem:s28+$0xFFFFFE90] =	vst v46  }
0x47f: {  	v24 =	vor.u32 $0x3, v0;
	[tilespmem:s28+$0xFFFFFEA0] =	vst v50;
	v22 =	vld.idx.msk [tilespmem:v27+s2+$0x0], $0xffff  }
0x480: {  	v17 =	vld.idx.msk [tilespmem:v17+s2+$0x0], $0xffff;
	[tilespmem:s28+$0xFFFFFEB0] =	vst v53  }
0x481: {  	v19 =	vld.idx.msk [tilespmem:v19+s2+$0x0], $0xffff;
	[tilespmem:s28+$0xFFFFFEC0] =	vst v55  }
0x482: {  	v21 =	vld.idx.msk [tilespmem:v21+s2+$0x0], $0xffff;
	[tilespmem:s28+$0xFFFFFED0] =	vst v56  }
0x483: {  	v23 =	vld.idx.msk [tilespmem:v23+s2+$0x0], $0xffff;
	[tilespmem:s28+$0xFFFFFF70] =	vst v18  }
0x484: {  	[tilespmem:s28+$0xFFFFFE80] =	vst v20;
	v18 =	vld.idx.msk [tilespmem:v24+s2+$0x0], $0xffff  }
0x485: {  	v20 =	vld.idx.msk [tilespmem:v29+s2+$0x0], $0xffff;
	[tilespmem:s28+$0xFFFFFEE0] =	vst v22  }
0x486: {  	v22 =	vor.u32 $0x4, v0;
	[tilespmem:s28+$0xFFFFFF10] =	vst v17;
	v17 =	vld.idx.msk [tilespmem:v25+s2+$0x0], $0xffff  }
0x487: {  	[tilespmem:s28+$0xFFFFFF20] =	vst v19;
	v19 =	vld.idx.msk [tilespmem:v30+s2+$0x0], $0xffff  }
0x488: {  	v24 =	vld.idx.msk [tilespmem:v32+s2+$0x0], $0xffff;
	[tilespmem:s28+$0xFFFFFF30] =	vst v21  }
0x489: {  	v21 =	vld.idx.msk [tilespmem:v33+s2+$0x0], $0xffff;
	[tilespmem:s28+$0xFFFFFF40] =	vst v23  }
0x48a: {  	v23 =	vld.idx.msk [tilespmem:v34+s2+$0x0], $0xffff;
	[tilespmem:s28+$0xFFFFFFF0] =	vst v18  }
0x48b: {  	[tilespmem:s28+$0xFFFFFF00] =	vst v20;
	v18 =	vld.idx.msk [tilespmem:v22+s2+$0x0], $0xffff  }
0x48c: {  	v20 =	vld.idx.msk [tilespmem:v31+s2+$0x0], $0xffff;
	[tilespmem:s28+$0xFFFFFF50] =	vst v17  }
0x48d: {  	v17 =	vld.idx.msk [tilespmem:v35+s2+$0x0], $0xffff;
	[tilespmem:s28+$0xFFFFFF60] =	vst v19;
	v19 =	vor.u32 $0x5, v0  }
0x48e: {  	[tilespmem:s28+$0xFFFFFF90] =	vst v24;
	v22 =	vld.idx.msk [tilespmem:v36+s2+$0x0], $0xffff  }
0x48f: {  	[tilespmem:s28+$0xFFFFFFA0] =	vst v21;
	v21 =	vld.idx.msk [tilespmem:v39+s2+$0x0], $0xffff  }
0x490: {  	v24 =	vld.idx.msk [tilespmem:v38+s2+$0x0], $0xffff;
	[tilespmem:s28+$0xFFFFFFB0] =	vst v23  }
0x491: {  	v23 =	vld.idx.msk [tilespmem:v40+s2+$0x0], $0xffff;
	[tilespmem:s28+$0x70] =	vst v18  }
0x492: {  	[tilespmem:s28+$0xFFFFFF80] =	vst v20;
	v18 =	vld.idx.msk [tilespmem:v19+s2+$0x0], $0xffff  }
0x493: {  	v19 =	vld.idx.msk [tilespmem:v37+s2+$0x0], $0xffff;
	[tilespmem:s28+$0xFFFFFFC0] =	vst v17  }
0x494: {  	v20 =	vor.u32 $0x6, v0;
	v17 =	vld.idx.msk [tilespmem:v41+s2+$0x0], $0xffff;
	[tilespmem:s28+$0xFFFFFFD0] =	vst v22  }
0x495: {  	v22 =	vld.idx.msk [tilespmem:v42+s2+$0x0], $0xffff;
	[tilespmem:s28+$0xFFFFFFE0] =	vst v21  }
0x496: {  	[tilespmem:s28+$0x10] =	vst v24;
	v21 =	vld.idx.msk [tilespmem:v44+s2+$0x0], $0xffff  }
0x497: {  	[tilespmem:s28+$0x20] =	vst v23;
	v23 =	vld.idx.msk [tilespmem:v45+s2+$0x0], $0xffff  }
0x498: {  	v24 =	vld.idx.msk [tilespmem:v47+s2+$0x0], $0xffff;
	[tilespmem:s28+$0xF0] =	vst v18  }
0x499: {  	[tilespmem:s28+$0x0] =	vst v19;
	v18 =	vld.idx.msk [tilespmem:v20+s2+$0x0], $0xffff  }
0x49a: {  	v15 =	vld.idx.msk [tilespmem:v15+s2+$0x0], $0xffff;
	[tilespmem:s28+$0x30] =	vst v17  }
0x49b: {  	v0 =	vor.u32 $0x7, v0;
	v17 =	vld.idx.msk [tilespmem:v48+s2+$0x0], $0xffff;
	[tilespmem:s28+$0x40] =	vst v22  }
0x49c: {  	v19 =	vld.idx.msk [tilespmem:v51+s2+$0x0], $0xffff;
	[tilespmem:s28+$0x50] =	vst v21  }
0x49d: {  	v20 =	vld.idx.msk [tilespmem:v52+s2+$0x0], $0xffff;
	[tilespmem:s28+$0x60] =	vst v23  }
0x49e: {  	[tilespmem:s28+$0x90] =	vst v24;
	v16 =	vld.idx.msk [tilespmem:v16+s2+$0x0], $0xffff  }
0x49f: {  	v21 =	vld.idx.msk [tilespmem:v54+s2+$0x0], $0xffff;
	[tilespmem:s28+$0x170] =	vst v18  }
0x4a0: {  	[tilespmem:s28+$0x80] =	vst v15;
	v0 =	vld.idx.msk [tilespmem:v0+s2+$0x0], $0xffff  }
0x4a1: {  	v13 =	vld.idx.msk [tilespmem:v13+s2+$0x0], $0xffff;
	[tilespmem:s28+$0xA0] =	vst v17  }
0x4a2: {  	v10 =	vld.idx.msk [tilespmem:v10+s2+$0x0], $0xffff;
	[tilespmem:s28+$0xB0] =	vst v19  }
0x4a3: {  	v14 =	vld.idx.msk [tilespmem:v14+s2+$0x0], $0xffff;
	[tilespmem:s28+$0xC0] =	vst v20  }
0x4a4: {  	v11 =	vld.idx.msk [tilespmem:v11+s2+$0x0], $0xffff;
	[tilespmem:s28+$0xD0] =	vst v16  }
0x4a5: {  	v9 =	vld.idx.msk [tilespmem:v9+s2+$0x0], $0xffff;
	[tilespmem:s28+$0xE0] =	vst v21  }
0x4a6: {  	v12 =	vld.idx.msk [tilespmem:v12+s2+$0x0], $0xffff;
	[tilespmem:s28+$0x1F0] =	vst v0  }
0x4a7: {  	[tilespmem:s28+$0x100] =	vst v13;
	v8 =	vld.idx.msk [tilespmem:v8+s2+$0x0], $0xffff  }
.Ltmp17:
0x4a8: {  	v3 =	vld.idx.msk [tilespmem:v3+s2+$0x0], $0xffff;
	[tilespmem:s28+$0x110] =	vst v10;
	(pc) =	sbr.rel @p1 .LBB2_31-.Ltmp17, $4  }
0x4a9: {  	v7 =	vld.idx.msk [tilespmem:v7+s2+$0x0], $0xffff;
	[tilespmem:s28+$0x120] =	vst v14  }
0x4aa: {  	v5 =	vld.idx.msk [tilespmem:v5+s2+$0x0], $0xffff;
	[tilespmem:s28+$0x130] =	vst v11  }
0x4ab: {  	v4 =	vld.idx.msk [tilespmem:v4+s2+$0x0], $0xffff;
	[tilespmem:s28+$0x140] =	vst v9  }
0x4ac: {  	s30 =	sadd.s32 $0x100, s30;
	v6 =	vld.idx.msk [tilespmem:v6+s2+$0x0], $0xffff;
	[tilespmem:s28+$0x150] =	vst v12  }
.Ltmp18:
0x4ad: {  	_ = 	snop;
	(pc) =	sbr.rel .LBB2_32-.Ltmp18, $1  }
0x4ae: {  	_ =	sdelay $0x3  }
.LBB2_34:
0x4af: {  	_ =	sfence.sel $0x180000  }
0x4b0: {  	[bflag:$0x0] =	sbarrier.arrive $0xFFFF  }
0x4b1: {  	p0 =	sne.s32 s0, $0x0;
	_ =	strace $0x90000047  }
0x4b2: {  	s0 =	sadd.s32 @!p0 $0x100000, s1;
	[bflag:$0x2] =	sbarrier.arrive $0xFFFF  }
0x4b3: {  	[sflag:s0] =	ssyncadd.tile.s32 @!p0 $0x1;
	_ =	shalt  }
.Lfunc_end2:
_tile_overlayer_lowered:
.L_overlay_start_2:
0x4b4: {  	(tag) =	ssettag $0x2  }
0x4b5: {  	s0 =	rddreg [dreg:$0x0];
	s2 =	stileid.u32  }
0x4b6: {  	s1 =	rddreg [dreg:$0x1];
	p0 =	sne.s32 s2, $0x0  }
0x4b7: {  	s3 =	rddreg [dreg:$0x2];
	[bflag:$0x3] =	sbarrier.arrive $0xFFFF;
	s2 =	simm.s32 @!p0 $0x1C05  }
0x4b8: {  	[timem:s3], [sflag:s2] =	dma.local @!p0 [hbm:s0], s1  }
0x4b9: {  	s0 =	simm.s32 @!p0 $0x5  }
0x4ba: {  	_ =	swait.ge @!p0 [sflag:s0], s1  }
0x4bb: {  	s1 =	ssub.s32 @!p0 $0x0, s1;
	[sflag:s0] =	ssyncset.done @!p0 $0x0  }
0x4bc: {  	[sflag:s0] =	ssyncadd.s32 @!p0 s1  }
0x4bd: {  	[bflag:$0x3] =	sbarrier.arrive $0xFFFF  }
0x4be: {  	_ =	shalt  }

</sc_bundles>
